<compile_context>
chip_gen: v7x
topology: tpu7x:2x2x1
jax: 0.10.2.dev20260603
libtpu: 0.0.44.dev20260713+nightly
codegen_flags: <defaults>
</compile_context>

<pallas_src>
import functools

import jax
import jax.numpy as jnp
from jax import lax
from jax.experimental import pallas as pl
from jax.experimental.pallas import tpu as pltpu
from jax.experimental.pallas import tpu_sc as plsc

N = 10000
E = 320000
D = 128
HD = D // 2

NC = 2
NS = 16
C = 64
G = 16
NG = 20
NB = 8
NBH = NB // 2
NCH = NG * G
EPAD = NS * NCH * C
PADR = 112
NP = N + PADR
RPT = NP // NS
RPT_F = 632
RPT_LAST = N - (NS - 1) * RPT_F


def _sc_agg(hT, srcp, dstp):
    mesh = plsc.VectorSubcoreMesh(core_axis_name="c", subcore_axis_name="s")

    @functools.partial(
        pl.kernel,
        mesh=mesh,
        compiler_params=pltpu.CompilerParams(use_tc_tiling_on_sc=False),
        out_type=jax.ShapeDtypeStruct((NC, N, HD), jnp.float32),
        scratch_types=[
            pltpu.VMEM((3, G, C), jnp.int32),
            pltpu.VMEM((3, G, C), jnp.int32),
            pltpu.VMEM((NB, C, HD), jnp.float32),
            pltpu.VMEM_SHARED((NP, HD), jnp.float32),
            pltpu.VMEM_SHARED((NP, HD), jnp.float32),
        ] + [pltpu.SemaphoreType.DMA] * (2 * NB + 1),
    )
    def k(hT_hbm, src_hbm, dst_hbm, out_hbm,
          src_v, dst_v, rows_v, hs_s, agg_s, *allsems):
        cid = lax.axis_index("c")
        sid = lax.axis_index("s")
        sems = allsems[:NB]
        ssems = allsems[NB:2 * NB]
        semi = allsems[2 * NB]

        pltpu.sync_copy(hT_hbm.at[cid, pl.ds(sid * RPT, RPT)],
                        hs_s.at[pl.ds(sid * RPT, RPT)])
        pltpu.sync_copy(hT_hbm.at[cid, pl.ds(sid * RPT, RPT)],
                        agg_s.at[pl.ds(sid * RPT, RPT)])

        pltpu.sync_copy(src_hbm.at[sid, 0], src_v.at[0])
        pltpu.sync_copy(dst_hbm.at[sid, 0], dst_v.at[0])
        pltpu.async_copy(src_hbm.at[sid, 1], src_v.at[1], semi)
        pltpu.async_copy(dst_hbm.at[sid, 1], dst_v.at[1], semi)

        plsc.subcore_barrier()

        for b in range(NBH):
            pltpu.async_copy(hs_s.at[src_v.at[0, b]], rows_v.at[b],
                             sems[b])

        def outer(g, carry):
            @pl.when(g + 1 < NG)
            def _():
                pltpu.make_async_copy(src_hbm.at[sid, 0], src_v.at[0],
                                      semi).wait()
                pltpu.make_async_copy(dst_hbm.at[sid, 0], dst_v.at[0],
                                      semi).wait()

            def inner(jj2, c2):
                for b in range(NB):
                    jj = NB * jj2 + b
                    j = g * G + jj
                    rows = rows_v.at[b]
                    pltpu.make_async_copy(hs_s.at[src_v.at[0, 0]],
                                          rows, sems[b]).wait()
                    pltpu.async_copy(rows,
                                     agg_s.at[dst_v.at[g % 3, jj]],
                                     ssems[b], add=True)
                    bo = (b - NBH) % NB

                    @pl.when(j - NBH >= 0)
                    def _():
                        pltpu.make_async_copy(
                            rows_v.at[bo],
                            agg_s.at[dst_v.at[0, 0]],
                            ssems[bo]).wait()

                    jn = j + NBH
                    bn = (b + NBH) % NB

                    @pl.when(jn < NCH)
                    def _():
                        gslot = (jn // G) % 3
                        jjn = jn % G
                        pltpu.async_copy(
                            hs_s.at[src_v.at[gslot, jjn]],
                            rows_v.at[bn], sems[bn])
                return c2

            lax.fori_loop(0, G // NB, inner, 0)

            @pl.when(g + 2 < NG)
            def _():
                pltpu.async_copy(src_hbm.at[sid, g + 2],
                                 src_v.at[(g + 2) % 3], semi)
                pltpu.async_copy(dst_hbm.at[sid, g + 2],
                                 dst_v.at[(g + 2) % 3], semi)
            return carry

        lax.fori_loop(0, NG, outer, 0)

        for jtail in range(NCH - NBH, NCH):
            pltpu.make_async_copy(rows_v.at[jtail % NB],
                                  agg_s.at[dst_v.at[0, 0]],
                                  ssems[jtail % NB]).wait()

        plsc.subcore_barrier()

        @pl.when(sid < NS - 1)
        def _():
            pltpu.sync_copy(
                agg_s.at[pl.ds(sid * RPT_F, RPT_F)],
                out_hbm.at[cid, pl.ds(sid * RPT_F, RPT_F)])

        @pl.when(sid == NS - 1)
        def _():
            pltpu.sync_copy(
                agg_s.at[pl.ds((NS - 1) * RPT_F, RPT_LAST)],
                out_hbm.at[cid, pl.ds((NS - 1) * RPT_F, RPT_LAST)])

    return k(hT, srcp, dstp)


def _mlp_compute(a_ref, w1_ref, b1_ref, w2_ref, b2_ref):
    a = a_ref[...]
    z = jnp.concatenate([a[0], a[1]], axis=-1)
    z = jnp.maximum(
        jnp.dot(z, w1_ref[...], preferred_element_type=jnp.float32)
        + b1_ref[...], 0.0)
    return (jnp.dot(z, w2_ref[...], preferred_element_type=jnp.float32)
            + b2_ref[...])


def _mlp_body(a_ref, w1_ref, b1_ref, w2_ref, b2_ref, o_ref):
    o_ref[...] = _mlp_compute(a_ref, w1_ref, b1_ref, w2_ref, b2_ref)


def _mlp2_body(a_ref, w1_ref, b1_ref, w2_ref, b2_ref, o2_ref):
    hn = _mlp_compute(a_ref, w1_ref, b1_ref, w2_ref, b2_ref)
    o2_ref[0] = hn[:, :HD]
    o2_ref[1] = hn[:, HD:]


def _tc_mlp(parts, W1, b1, W2, b2, want_ht):
    R = 1000
    in_specs = [
        pl.BlockSpec((NC, R, HD), lambda i: (0, i, 0)),
        pl.BlockSpec((D, D), lambda i: (0, 0)),
        pl.BlockSpec((1, D), lambda i: (0, 0)),
        pl.BlockSpec((D, D), lambda i: (0, 0)),
        pl.BlockSpec((1, D), lambda i: (0, 0)),
    ]
    if want_ht:
        return pl.pallas_call(
            _mlp2_body,
            grid=(N // R,),
            in_specs=in_specs,
            out_specs=pl.BlockSpec((2, R, HD), lambda i: (0, i, 0)),
            out_shape=jax.ShapeDtypeStruct((2, NP, HD), jnp.float32),
        )(parts, W1, b1, W2, b2)
    return pl.pallas_call(
        _mlp_body,
        grid=(N // R,),
        in_specs=in_specs,
        out_specs=pl.BlockSpec((R, D), lambda i: (i, 0)),
        out_shape=jax.ShapeDtypeStruct((N, D), jnp.float32),
    )(parts, W1, b1, W2, b2)


def kernel(x, edge_index, batch,
           W1_0, b1_0, W2_0, b2_0,
           W1_1, b1_1, W2_1, b2_1,
           W1_2, b1_2, W2_2, b2_2):
    params = [(W1_0, b1_0, W2_0, b2_0),
              (W1_1, b1_1, W2_1, b2_1),
              (W1_2, b1_2, W2_2, b2_2)]
    src = edge_index[0]
    dst = edge_index[1]
    pad = EPAD - E
    srcp = jnp.concatenate(
        [src, jnp.zeros((pad,), jnp.int32)]).reshape(NS, NG, G, C)
    dstp = jnp.concatenate(
        [dst, jnp.full((pad,), N, jnp.int32)]).reshape(NS, NG, G, C)

    hT = jnp.pad(
        jnp.transpose(x.reshape(N, 2, HD), (1, 0, 2)),
        ((0, 0), (0, PADR), (0, 0)))
    for l, (W1, b1, W2, b2) in enumerate(params):
        parts = _sc_agg(hT, srcp, dstp)
        res = _tc_mlp(parts, W1, b1.reshape(1, D), W2, b2.reshape(1, D),
                      want_ht=(l < 2))
        if l < 2:
            hT = res
        else:
            h = res
    return h

# --- scband reference (transcript-rebuilt; emitter-appended) ---
"""Pipeline reference for scband-gin-58171037057258 (READ-ONLY COPY).

The authoritative reference and input builder live on the scoring server;
editing this copy changes nothing except your own understanding.
"""

import jax, jax.numpy as jnp
import numpy as np

N = 10000
E = 320000
D = 128
L = 3


def setup_inputs(seed: int = 0) -> dict:
    key = jax.random.key(seed)
    ks = jax.random.split(key, 3 + 4 * L)
    inp = {}
    inp["x"] = jax.random.normal(ks[0], (N, D), dtype=jnp.float32)
    inp["edge_index"] = jax.random.randint(ks[1], (2, E), 0, N, dtype=jnp.int32)
    inp["batch"] = jnp.zeros((N,), dtype=jnp.int32)
    scale = 1.0 / np.sqrt(D)
    for l in range(L):
        k0, k1, k2, k3 = ks[3 + 4 * l], ks[3 + 4 * l + 1], ks[3 + 4 * l + 2], ks[3 + 4 * l + 3]
        inp[f"W1_{l}"] = jax.random.uniform(k0, (D, D), dtype=jnp.float32, minval=-scale, maxval=scale)
        inp[f"b1_{l}"] = jax.random.uniform(k1, (D,), dtype=jnp.float32, minval=-scale, maxval=scale)
        inp[f"W2_{l}"] = jax.random.uniform(k2, (D, D), dtype=jnp.float32, minval=-scale, maxval=scale)
        inp[f"b2_{l}"] = jax.random.uniform(k3, (D,), dtype=jnp.float32, minval=-scale, maxval=scale)
    return inp


def reference(x, edge_index, batch,
              W1_0, b1_0, W2_0, b2_0,
              W1_1, b1_1, W2_1, b2_1,
              W1_2, b1_2, W2_2, b2_2):
    params = [(W1_0, b1_0, W2_0, b2_0),
              (W1_1, b1_1, W2_1, b2_1),
              (W1_2, b1_2, W2_2, b2_2)]
    src = edge_index[0]
    dst = edge_index[1]
    h = x
    for (W1, b1, W2, b2) in params:
        # GINConv: out = MLP((1 + eps) * x + sum_{j in N(i)} x_j), eps = 0
        msgs = jnp.take(h, src, axis=0)
        agg = jax.ops.segment_sum(msgs, dst, num_segments=N)
        z = h + agg
        z = jnp.maximum(z @ W1 + b1, 0.0)
        h = z @ W2 + b2
    return h

if __name__ == "__main__":
    import jax
    _d = setup_inputs()
    print(jax.jit(kernel)(*tuple(_d.values())))

</pallas_src>

<mosaic_0001>
#map = affine_map<(d0, d1) -> (0, 0, 0)>
#map1 = affine_map<(d0, d1) -> (0, 0, 0, 0)>
module attributes {stable_mosaic.version = 14 : i64} {
  func.func @k(%arg0: i32, %arg1: i32, %arg2: memref<2x10112x64xf32, #tpu.memory_space<hbm>>, %arg3: memref<16x20x16x64xi32, #tpu.memory_space<hbm>>, %arg4: memref<16x20x16x64xi32, #tpu.memory_space<hbm>>, %arg5: memref<2x10000x64xf32, #tpu.memory_space<hbm>>, %arg6: memref<3x16x64xi32, #tpu.memory_space<vmem>>, %arg7: memref<3x16x64xi32, #tpu.memory_space<vmem>>, %arg8: memref<8x64x64xf32, #tpu.memory_space<vmem>>, %arg9: memref<10112x64xf32, #tpu.memory_space<vmem_shared>>, %arg10: memref<10112x64xf32, #tpu.memory_space<vmem_shared>>, %arg11: memref<!tpu.dma_semaphore, #tpu.memory_space<semaphore_mem>>, %arg12: memref<!tpu.dma_semaphore, #tpu.memory_space<semaphore_mem>>, %arg13: memref<!tpu.dma_semaphore, #tpu.memory_space<semaphore_mem>>, %arg14: memref<!tpu.dma_semaphore, #tpu.memory_space<semaphore_mem>>, %arg15: memref<!tpu.dma_semaphore, #tpu.memory_space<semaphore_mem>>, %arg16: memref<!tpu.dma_semaphore, #tpu.memory_space<semaphore_mem>>, %arg17: memref<!tpu.dma_semaphore, #tpu.memory_space<semaphore_mem>>, %arg18: memref<!tpu.dma_semaphore, #tpu.memory_space<semaphore_mem>>, %arg19: memref<!tpu.dma_semaphore, #tpu.memory_space<semaphore_mem>>, %arg20: memref<!tpu.dma_semaphore, #tpu.memory_space<semaphore_mem>>, %arg21: memref<!tpu.dma_semaphore, #tpu.memory_space<semaphore_mem>>, %arg22: memref<!tpu.dma_semaphore, #tpu.memory_space<semaphore_mem>>, %arg23: memref<!tpu.dma_semaphore, #tpu.memory_space<semaphore_mem>>, %arg24: memref<!tpu.dma_semaphore, #tpu.memory_space<semaphore_mem>>, %arg25: memref<!tpu.dma_semaphore, #tpu.memory_space<semaphore_mem>>, %arg26: memref<!tpu.dma_semaphore, #tpu.memory_space<semaphore_mem>>, %arg27: memref<!tpu.dma_semaphore, #tpu.memory_space<semaphore_mem>>) attributes {dimension_semantics = [#tpu.dimension_semantics<core_parallel>, #tpu.dimension_semantics<subcore_parallel>], iteration_bounds = array<i64: 2, 16>, scalar_prefetch = 0 : i64, scratch_operands = 22 : i64, tpu.core_type = #tpu.core_type<sc_vector_subcore>, window_params = [{transform_indices = #map}, {transform_indices = #map1}, {transform_indices = #map1}, {transform_indices = #map}]} {
    %mul3A = arith.constant 632 : i32
    %mul3A_0 = arith.muli %arg1, %mul3A : i32
    %mul3A_1 = arith.constant 632 : i32
    %mul3A_2 = arith.muli %arg1, %mul3A_1 : i32
    "tpu.region"() ({
      %run_scoped3A_160 = tpu.sem_alloc : memref<!tpu.dma_semaphore, #tpu.memory_space<semaphore_mem>>
      %dma_start3A_161 = arith.constant 0 : i32
      %dma_start3A_162 = tpu.memref_slice %arg9[%mul3A_2, %dma_start3A_161] : memref<10112x64xf32, #tpu.memory_space<vmem_shared>> -> memref<632x64xf32, #tpu.memory_space<vmem_shared>>
      %dma_start3A_163 = arith.constant 0 : i32
      %dma_start3A_164 = tpu.memref_slice %arg2[%arg0, %mul3A_0, %dma_start3A_163] : memref<2x10112x64xf32, #tpu.memory_space<hbm>> -> memref<1x632x64xf32, #tpu.memory_space<hbm>>
      %dma_start3A_165 = tpu.memref_squeeze %dma_start3A_164 : memref<1x632x64xf32, #tpu.memory_space<hbm>> -> memref<632x64xf32, #tpu.memory_space<hbm>>
      tpu.enqueue_dma source(%dma_start3A_165 : memref<632x64xf32, #tpu.memory_space<hbm>>) target(%dma_start3A_162 : memref<632x64xf32, #tpu.memory_space<vmem_shared>>) target_semaphore(%run_scoped3A_160 : memref<!tpu.dma_semaphore, #tpu.memory_space<semaphore_mem>>)
      %dma_wait3A_166 = arith.constant 0 : i32
      %dma_wait3A_167 = tpu.memref_slice %arg9[%mul3A_2, %dma_wait3A_166] : memref<10112x64xf32, #tpu.memory_space<vmem_shared>> -> memref<632x64xf32, #tpu.memory_space<vmem_shared>>
      %dma_wait3A_168 = arith.constant 0 : i32
      %dma_wait3A_169 = tpu.memref_slice %arg2[%arg0, %mul3A_0, %dma_wait3A_168] : memref<2x10112x64xf32, #tpu.memory_space<hbm>> -> memref<1x632x64xf32, #tpu.memory_space<hbm>>
      %dma_wait3A_170 = tpu.memref_squeeze %dma_wait3A_169 : memref<1x632x64xf32, #tpu.memory_space<hbm>> -> memref<632x64xf32, #tpu.memory_space<hbm>>
      tpu.wait_dma2 semaphore(%run_scoped3A_160 : memref<!tpu.dma_semaphore, #tpu.memory_space<semaphore_mem>>) src(%dma_wait3A_170 : memref<632x64xf32, #tpu.memory_space<hbm>>) dst(%dma_wait3A_167 : memref<632x64xf32, #tpu.memory_space<vmem_shared>>)
      tpu.yield
    }) : () -> ()
    %mul3A_3 = arith.constant 632 : i32
    %mul3A_4 = arith.muli %arg1, %mul3A_3 : i32
    %mul3A_5 = arith.constant 632 : i32
    %mul3A_6 = arith.muli %arg1, %mul3A_5 : i32
    "tpu.region"() ({
      %run_scoped3A_160 = tpu.sem_alloc : memref<!tpu.dma_semaphore, #tpu.memory_space<semaphore_mem>>
      %dma_start3A_161 = arith.constant 0 : i32
      %dma_start3A_162 = tpu.memref_slice %arg10[%mul3A_6, %dma_start3A_161] : memref<10112x64xf32, #tpu.memory_space<vmem_shared>> -> memref<632x64xf32, #tpu.memory_space<vmem_shared>>
      %dma_start3A_163 = arith.constant 0 : i32
      %dma_start3A_164 = tpu.memref_slice %arg2[%arg0, %mul3A_4, %dma_start3A_163] : memref<2x10112x64xf32, #tpu.memory_space<hbm>> -> memref<1x632x64xf32, #tpu.memory_space<hbm>>
      %dma_start3A_165 = tpu.memref_squeeze %dma_start3A_164 : memref<1x632x64xf32, #tpu.memory_space<hbm>> -> memref<632x64xf32, #tpu.memory_space<hbm>>
      tpu.enqueue_dma source(%dma_start3A_165 : memref<632x64xf32, #tpu.memory_space<hbm>>) target(%dma_start3A_162 : memref<632x64xf32, #tpu.memory_space<vmem_shared>>) target_semaphore(%run_scoped3A_160 : memref<!tpu.dma_semaphore, #tpu.memory_space<semaphore_mem>>)
      %dma_wait3A_166 = arith.constant 0 : i32
      %dma_wait3A_167 = tpu.memref_slice %arg10[%mul3A_6, %dma_wait3A_166] : memref<10112x64xf32, #tpu.memory_space<vmem_shared>> -> memref<632x64xf32, #tpu.memory_space<vmem_shared>>
      %dma_wait3A_168 = arith.constant 0 : i32
      %dma_wait3A_169 = tpu.memref_slice %arg2[%arg0, %mul3A_4, %dma_wait3A_168] : memref<2x10112x64xf32, #tpu.memory_space<hbm>> -> memref<1x632x64xf32, #tpu.memory_space<hbm>>
      %dma_wait3A_170 = tpu.memref_squeeze %dma_wait3A_169 : memref<1x632x64xf32, #tpu.memory_space<hbm>> -> memref<632x64xf32, #tpu.memory_space<hbm>>
      tpu.wait_dma2 semaphore(%run_scoped3A_160 : memref<!tpu.dma_semaphore, #tpu.memory_space<semaphore_mem>>) src(%dma_wait3A_170 : memref<632x64xf32, #tpu.memory_space<hbm>>) dst(%dma_wait3A_167 : memref<632x64xf32, #tpu.memory_space<vmem_shared>>)
      tpu.yield
    }) : () -> ()
    %run_scoped3A = arith.constant 0 : i32
    %run_scoped3A_7 = arith.constant 0 : i32
    "tpu.region"() ({
      %run_scoped3A_160 = tpu.sem_alloc : memref<!tpu.dma_semaphore, #tpu.memory_space<semaphore_mem>>
      %dma_start3A_161 = arith.constant 0 : i32
      %dma_start3A_162 = arith.constant 0 : i32
      %dma_start3A_163 = tpu.memref_slice %arg6[%run_scoped3A_7, %dma_start3A_161, %dma_start3A_162] : memref<3x16x64xi32, #tpu.memory_space<vmem>> -> memref<1x16x64xi32, #tpu.memory_space<vmem>>
      %dma_start3A_164 = tpu.memref_squeeze %dma_start3A_163 : memref<1x16x64xi32, #tpu.memory_space<vmem>> -> memref<16x64xi32, #tpu.memory_space<vmem>>
      %dma_start3A_165 = arith.constant 0 : i32
      %dma_start3A_166 = arith.constant 0 : i32
      %dma_start3A_167 = tpu.memref_slice %arg3[%arg1, %run_scoped3A, %dma_start3A_165, %dma_start3A_166] : memref<16x20x16x64xi32, #tpu.memory_space<hbm>> -> memref<1x1x16x64xi32, #tpu.memory_space<hbm>>
      %dma_start3A_168 = tpu.memref_squeeze %dma_start3A_167 : memref<1x1x16x64xi32, #tpu.memory_space<hbm>> -> memref<16x64xi32, #tpu.memory_space<hbm>>
      %dma_start3A_169 = arith.constant 0 : i32
      %dma_start3A_170 = arith.constant 0 : i32
      %dma_start3A_171 = tpu.memref_slice %arg6[%run_scoped3A_7, %dma_start3A_169, %dma_start3A_170] : memref<3x16x64xi32, #tpu.memory_space<vmem>> -> memref<1x16x64xi32, #tpu.memory_space<vmem>>
      %dma_start3A_172 = tpu.memref_squeeze %dma_start3A_171 : memref<1x16x64xi32, #tpu.memory_space<vmem>> -> memref<16x64xi32, #tpu.memory_space<vmem>>
      %dma_start3A_173 = arith.constant 0 : i32
      %dma_start3A_174 = arith.constant 0 : i32
      %dma_start3A_175 = tpu.memref_slice %arg3[%arg1, %run_scoped3A, %dma_start3A_173, %dma_start3A_174] : memref<16x20x16x64xi32, #tpu.memory_space<hbm>> -> memref<1x1x16x64xi32, #tpu.memory_space<hbm>>
      %dma_start3A_176 = tpu.memref_squeeze %dma_start3A_175 : memref<1x1x16x64xi32, #tpu.memory_space<hbm>> -> memref<16x64xi32, #tpu.memory_space<hbm>>
      tpu.enqueue_dma source(%dma_start3A_176 : memref<16x64xi32, #tpu.memory_space<hbm>>) target(%dma_start3A_172 : memref<16x64xi32, #tpu.memory_space<vmem>>) target_semaphore(%run_scoped3A_160 : memref<!tpu.dma_semaphore, #tpu.memory_space<semaphore_mem>>)
      %dma_wait3A_177 = arith.constant 0 : i32
      %dma_wait3A_178 = arith.constant 0 : i32
      %dma_wait3A_179 = tpu.memref_slice %arg6[%run_scoped3A_7, %dma_wait3A_177, %dma_wait3A_178] : memref<3x16x64xi32, #tpu.memory_space<vmem>> -> memref<1x16x64xi32, #tpu.memory_space<vmem>>
      %dma_wait3A_180 = tpu.memref_squeeze %dma_wait3A_179 : memref<1x16x64xi32, #tpu.memory_space<vmem>> -> memref<16x64xi32, #tpu.memory_space<vmem>>
      %dma_wait3A_181 = arith.constant 0 : i32
      %dma_wait3A_182 = arith.constant 0 : i32
      %dma_wait3A_183 = tpu.memref_slice %arg3[%arg1, %run_scoped3A, %dma_wait3A_181, %dma_wait3A_182] : memref<16x20x16x64xi32, #tpu.memory_space<hbm>> -> memref<1x1x16x64xi32, #tpu.memory_space<hbm>>
      %dma_wait3A_184 = tpu.memref_squeeze %dma_wait3A_183 : memref<1x1x16x64xi32, #tpu.memory_space<hbm>> -> memref<16x64xi32, #tpu.memory_space<hbm>>
      %dma_wait3A_185 = arith.constant 0 : i32
      %dma_wait3A_186 = arith.constant 0 : i32
      %dma_wait3A_187 = tpu.memref_slice %arg6[%run_scoped3A_7, %dma_wait3A_185, %dma_wait3A_186] : memref<3x16x64xi32, #tpu.memory_space<vmem>> -> memref<1x16x64xi32, #tpu.memory_space<vmem>>
      %dma_wait3A_188 = tpu.memref_squeeze %dma_wait3A_187 : memref<1x16x64xi32, #tpu.memory_space<vmem>> -> memref<16x64xi32, #tpu.memory_space<vmem>>
      %dma_wait3A_189 = arith.constant 0 : i32
      %dma_wait3A_190 = arith.constant 0 : i32
      %dma_wait3A_191 = tpu.memref_slice %arg3[%arg1, %run_scoped3A, %dma_wait3A_189, %dma_wait3A_190] : memref<16x20x16x64xi32, #tpu.memory_space<hbm>> -> memref<1x1x16x64xi32, #tpu.memory_space<hbm>>
      %dma_wait3A_192 = tpu.memref_squeeze %dma_wait3A_191 : memref<1x1x16x64xi32, #tpu.memory_space<hbm>> -> memref<16x64xi32, #tpu.memory_space<hbm>>
      tpu.wait_dma2 semaphore(%run_scoped3A_160 : memref<!tpu.dma_semaphore, #tpu.memory_space<semaphore_mem>>) src(%dma_wait3A_192 : memref<16x64xi32, #tpu.memory_space<hbm>>) dst(%dma_wait3A_188 : memref<16x64xi32, #tpu.memory_space<vmem>>)
      tpu.yield
    }) : () -> ()
    %run_scoped3A_8 = arith.constant 0 : i32
    %run_scoped3A_9 = arith.constant 0 : i32
    "tpu.region"() ({
      %run_scoped3A_160 = tpu.sem_alloc : memref<!tpu.dma_semaphore, #tpu.memory_space<semaphore_mem>>
      %dma_start3A_161 = arith.constant 0 : i32
      %dma_start3A_162 = arith.constant 0 : i32
      %dma_start3A_163 = tpu.memref_slice %arg7[%run_scoped3A_9, %dma_start3A_161, %dma_start3A_162] : memref<3x16x64xi32, #tpu.memory_space<vmem>> -> memref<1x16x64xi32, #tpu.memory_space<vmem>>
      %dma_start3A_164 = tpu.memref_squeeze %dma_start3A_163 : memref<1x16x64xi32, #tpu.memory_space<vmem>> -> memref<16x64xi32, #tpu.memory_space<vmem>>
      %dma_start3A_165 = arith.constant 0 : i32
      %dma_start3A_166 = arith.constant 0 : i32
      %dma_start3A_167 = tpu.memref_slice %arg4[%arg1, %run_scoped3A_8, %dma_start3A_165, %dma_start3A_166] : memref<16x20x16x64xi32, #tpu.memory_space<hbm>> -> memref<1x1x16x64xi32, #tpu.memory_space<hbm>>
      %dma_start3A_168 = tpu.memref_squeeze %dma_start3A_167 : memref<1x1x16x64xi32, #tpu.memory_space<hbm>> -> memref<16x64xi32, #tpu.memory_space<hbm>>
      %dma_start3A_169 = arith.constant 0 : i32
      %dma_start3A_170 = arith.constant 0 : i32
      %dma_start3A_171 = tpu.memref_slice %arg7[%run_scoped3A_9, %dma_start3A_169, %dma_start3A_170] : memref<3x16x64xi32, #tpu.memory_space<vmem>> -> memref<1x16x64xi32, #tpu.memory_space<vmem>>
      %dma_start3A_172 = tpu.memref_squeeze %dma_start3A_171 : memref<1x16x64xi32, #tpu.memory_space<vmem>> -> memref<16x64xi32, #tpu.memory_space<vmem>>
      %dma_start3A_173 = arith.constant 0 : i32
      %dma_start3A_174 = arith.constant 0 : i32
      %dma_start3A_175 = tpu.memref_slice %arg4[%arg1, %run_scoped3A_8, %dma_start3A_173, %dma_start3A_174] : memref<16x20x16x64xi32, #tpu.memory_space<hbm>> -> memref<1x1x16x64xi32, #tpu.memory_space<hbm>>
      %dma_start3A_176 = tpu.memref_squeeze %dma_start3A_175 : memref<1x1x16x64xi32, #tpu.memory_space<hbm>> -> memref<16x64xi32, #tpu.memory_space<hbm>>
      tpu.enqueue_dma source(%dma_start3A_176 : memref<16x64xi32, #tpu.memory_space<hbm>>) target(%dma_start3A_172 : memref<16x64xi32, #tpu.memory_space<vmem>>) target_semaphore(%run_scoped3A_160 : memref<!tpu.dma_semaphore, #tpu.memory_space<semaphore_mem>>)
      %dma_wait3A_177 = arith.constant 0 : i32
      %dma_wait3A_178 = arith.constant 0 : i32
      %dma_wait3A_179 = tpu.memref_slice %arg7[%run_scoped3A_9, %dma_wait3A_177, %dma_wait3A_178] : memref<3x16x64xi32, #tpu.memory_space<vmem>> -> memref<1x16x64xi32, #tpu.memory_space<vmem>>
      %dma_wait3A_180 = tpu.memref_squeeze %dma_wait3A_179 : memref<1x16x64xi32, #tpu.memory_space<vmem>> -> memref<16x64xi32, #tpu.memory_space<vmem>>
      %dma_wait3A_181 = arith.constant 0 : i32
      %dma_wait3A_182 = arith.constant 0 : i32
      %dma_wait3A_183 = tpu.memref_slice %arg4[%arg1, %run_scoped3A_8, %dma_wait3A_181, %dma_wait3A_182] : memref<16x20x16x64xi32, #tpu.memory_space<hbm>> -> memref<1x1x16x64xi32, #tpu.memory_space<hbm>>
      %dma_wait3A_184 = tpu.memref_squeeze %dma_wait3A_183 : memref<1x1x16x64xi32, #tpu.memory_space<hbm>> -> memref<16x64xi32, #tpu.memory_space<hbm>>
      %dma_wait3A_185 = arith.constant 0 : i32
      %dma_wait3A_186 = arith.constant 0 : i32
      %dma_wait3A_187 = tpu.memref_slice %arg7[%run_scoped3A_9, %dma_wait3A_185, %dma_wait3A_186] : memref<3x16x64xi32, #tpu.memory_space<vmem>> -> memref<1x16x64xi32, #tpu.memory_space<vmem>>
      %dma_wait3A_188 = tpu.memref_squeeze %dma_wait3A_187 : memref<1x16x64xi32, #tpu.memory_space<vmem>> -> memref<16x64xi32, #tpu.memory_space<vmem>>
      %dma_wait3A_189 = arith.constant 0 : i32
      %dma_wait3A_190 = arith.constant 0 : i32
      %dma_wait3A_191 = tpu.memref_slice %arg4[%arg1, %run_scoped3A_8, %dma_wait3A_189, %dma_wait3A_190] : memref<16x20x16x64xi32, #tpu.memory_space<hbm>> -> memref<1x1x16x64xi32, #tpu.memory_space<hbm>>
      %dma_wait3A_192 = tpu.memref_squeeze %dma_wait3A_191 : memref<1x1x16x64xi32, #tpu.memory_space<hbm>> -> memref<16x64xi32, #tpu.memory_space<hbm>>
      tpu.wait_dma2 semaphore(%run_scoped3A_160 : memref<!tpu.dma_semaphore, #tpu.memory_space<semaphore_mem>>) src(%dma_wait3A_192 : memref<16x64xi32, #tpu.memory_space<hbm>>) dst(%dma_wait3A_188 : memref<16x64xi32, #tpu.memory_space<vmem>>)
      tpu.yield
    }) : () -> ()
    %dma_start3A = arith.constant 1 : i32
    %dma_start3A_10 = arith.constant 1 : i32
    %dma_start3A_11 = arith.constant 0 : i32
    %dma_start3A_12 = arith.constant 0 : i32
    %dma_start3A_13 = tpu.memref_slice %arg6[%dma_start3A_10, %dma_start3A_11, %dma_start3A_12] : memref<3x16x64xi32, #tpu.memory_space<vmem>> -> memref<1x16x64xi32, #tpu.memory_space<vmem>>
    %dma_start3A_14 = tpu.memref_squeeze %dma_start3A_13 : memref<1x16x64xi32, #tpu.memory_space<vmem>> -> memref<16x64xi32, #tpu.memory_space<vmem>>
    %dma_start3A_15 = arith.constant 0 : i32
    %dma_start3A_16 = arith.constant 0 : i32
    %dma_start3A_17 = tpu.memref_slice %arg3[%arg1, %dma_start3A, %dma_start3A_15, %dma_start3A_16] : memref<16x20x16x64xi32, #tpu.memory_space<hbm>> -> memref<1x1x16x64xi32, #tpu.memory_space<hbm>>
    %dma_start3A_18 = tpu.memref_squeeze %dma_start3A_17 : memref<1x1x16x64xi32, #tpu.memory_space<hbm>> -> memref<16x64xi32, #tpu.memory_space<hbm>>
    %dma_start3A_19 = arith.constant 0 : i32
    %dma_start3A_20 = arith.constant 0 : i32
    %dma_start3A_21 = tpu.memref_slice %arg6[%dma_start3A_10, %dma_start3A_19, %dma_start3A_20] : memref<3x16x64xi32, #tpu.memory_space<vmem>> -> memref<1x16x64xi32, #tpu.memory_space<vmem>>
    %dma_start3A_22 = tpu.memref_squeeze %dma_start3A_21 : memref<1x16x64xi32, #tpu.memory_space<vmem>> -> memref<16x64xi32, #tpu.memory_space<vmem>>
    %dma_start3A_23 = arith.constant 0 : i32
    %dma_start3A_24 = arith.constant 0 : i32
    %dma_start3A_25 = tpu.memref_slice %arg3[%arg1, %dma_start3A, %dma_start3A_23, %dma_start3A_24] : memref<16x20x16x64xi32, #tpu.memory_space<hbm>> -> memref<1x1x16x64xi32, #tpu.memory_space<hbm>>
    %dma_start3A_26 = tpu.memref_squeeze %dma_start3A_25 : memref<1x1x16x64xi32, #tpu.memory_space<hbm>> -> memref<16x64xi32, #tpu.memory_space<hbm>>
    tpu.enqueue_dma source(%dma_start3A_26 : memref<16x64xi32, #tpu.memory_space<hbm>>) target(%dma_start3A_22 : memref<16x64xi32, #tpu.memory_space<vmem>>) target_semaphore(%arg27 : memref<!tpu.dma_semaphore, #tpu.memory_space<semaphore_mem>>)
    %dma_start3A_27 = arith.constant 1 : i32
    %dma_start3A_28 = arith.constant 1 : i32
    %dma_start3A_29 = arith.constant 0 : i32
    %dma_start3A_30 = arith.constant 0 : i32
    %dma_start3A_31 = tpu.memref_slice %arg7[%dma_start3A_28, %dma_start3A_29, %dma_start3A_30] : memref<3x16x64xi32, #tpu.memory_space<vmem>> -> memref<1x16x64xi32, #tpu.memory_space<vmem>>
    %dma_start3A_32 = tpu.memref_squeeze %dma_start3A_31 : memref<1x16x64xi32, #tpu.memory_space<vmem>> -> memref<16x64xi32, #tpu.memory_space<vmem>>
    %dma_start3A_33 = arith.constant 0 : i32
    %dma_start3A_34 = arith.constant 0 : i32
    %dma_start3A_35 = tpu.memref_slice %arg4[%arg1, %dma_start3A_27, %dma_start3A_33, %dma_start3A_34] : memref<16x20x16x64xi32, #tpu.memory_space<hbm>> -> memref<1x1x16x64xi32, #tpu.memory_space<hbm>>
    %dma_start3A_36 = tpu.memref_squeeze %dma_start3A_35 : memref<1x1x16x64xi32, #tpu.memory_space<hbm>> -> memref<16x64xi32, #tpu.memory_space<hbm>>
    %dma_start3A_37 = arith.constant 0 : i32
    %dma_start3A_38 = arith.constant 0 : i32
    %dma_start3A_39 = tpu.memref_slice %arg7[%dma_start3A_28, %dma_start3A_37, %dma_start3A_38] : memref<3x16x64xi32, #tpu.memory_space<vmem>> -> memref<1x16x64xi32, #tpu.memory_space<vmem>>
    %dma_start3A_40 = tpu.memref_squeeze %dma_start3A_39 : memref<1x16x64xi32, #tpu.memory_space<vmem>> -> memref<16x64xi32, #tpu.memory_space<vmem>>
    %dma_start3A_41 = arith.constant 0 : i32
    %dma_start3A_42 = arith.constant 0 : i32
    %dma_start3A_43 = tpu.memref_slice %arg4[%arg1, %dma_start3A_27, %dma_start3A_41, %dma_start3A_42] : memref<16x20x16x64xi32, #tpu.memory_space<hbm>> -> memref<1x1x16x64xi32, #tpu.memory_space<hbm>>
    %dma_start3A_44 = tpu.memref_squeeze %dma_start3A_43 : memref<1x1x16x64xi32, #tpu.memory_space<hbm>> -> memref<16x64xi32, #tpu.memory_space<hbm>>
    tpu.enqueue_dma source(%dma_start3A_44 : memref<16x64xi32, #tpu.memory_space<hbm>>) target(%dma_start3A_40 : memref<16x64xi32, #tpu.memory_space<vmem>>) target_semaphore(%arg27 : memref<!tpu.dma_semaphore, #tpu.memory_space<semaphore_mem>>)
    %barrier3A = arith.constant 0 : index
    tpu.barrier barrier_id(%barrier3A)
    %dma_start3A_45 = arith.constant 0 : i32
    %dma_start3A_46 = arith.constant 0 : i32
    %dma_start3A_47 = arith.constant 0 : i32
    %dma_start3A_48 = arith.constant 0 : i32
    %dma_start3A_49 = arith.constant 0 : i32
    %dma_start3A_50 = tpu.memref_slice %arg8[%dma_start3A_47, %dma_start3A_48, %dma_start3A_49] : memref<8x64x64xf32, #tpu.memory_space<vmem>> -> memref<1x64x64xf32, #tpu.memory_space<vmem>>
    %dma_start3A_51 = tpu.memref_squeeze %dma_start3A_50 : memref<1x64x64xf32, #tpu.memory_space<vmem>> -> memref<64x64xf32, #tpu.memory_space<vmem>>
    %dma_start3A_52 = arith.constant 0 : i32
    %dma_start3A_53 = tpu.memref_slice %arg6[%dma_start3A_45, %dma_start3A_46, %dma_start3A_52] : memref<3x16x64xi32, #tpu.memory_space<vmem>> -> memref<1x1x64xi32, #tpu.memory_space<vmem>>
    %dma_start3A_54 = tpu.memref_squeeze %dma_start3A_53 : memref<1x1x64xi32, #tpu.memory_space<vmem>> -> memref<64xi32, #tpu.memory_space<vmem>>
    %dma_start3A_55 = arith.constant 0 : i32
    %dma_start3A_56 = arith.constant 0 : i32
    %dma_start3A_57 = tpu.memref_slice %arg9[%dma_start3A_55, %dma_start3A_56] : memref<10112x64xf32, #tpu.memory_space<vmem_shared>> -> memref<10112x64xf32, #tpu.memory_space<vmem_shared>>
    tpu.enqueue_indirect_dma source(%dma_start3A_57 : memref<10112x64xf32, #tpu.memory_space<vmem_shared>>) target(%dma_start3A_51 : memref<64x64xf32, #tpu.memory_space<vmem>>) offsets(%dma_start3A_54 : memref<64xi32, #tpu.memory_space<vmem>>) semaphore(%arg11 : memref<!tpu.dma_semaphore, #tpu.memory_space<semaphore_mem>>)
    %dma_start3A_58 = arith.constant 0 : i32
    %dma_start3A_59 = arith.constant 1 : i32
    %dma_start3A_60 = arith.constant 1 : i32
    %dma_start3A_61 = arith.constant 0 : i32
    %dma_start3A_62 = arith.constant 0 : i32
    %dma_start3A_63 = tpu.memref_slice %arg8[%dma_start3A_60, %dma_start3A_61, %dma_start3A_62] : memref<8x64x64xf32, #tpu.memory_space<vmem>> -> memref<1x64x64xf32, #tpu.memory_space<vmem>>
    %dma_start3A_64 = tpu.memref_squeeze %dma_start3A_63 : memref<1x64x64xf32, #tpu.memory_space<vmem>> -> memref<64x64xf32, #tpu.memory_space<vmem>>
    %dma_start3A_65 = arith.constant 0 : i32
    %dma_start3A_66 = tpu.memref_slice %arg6[%dma_start3A_58, %dma_start3A_59, %dma_start3A_65] : memref<3x16x64xi32, #tpu.memory_space<vmem>> -> memref<1x1x64xi32, #tpu.memory_space<vmem>>
    %dma_start3A_67 = tpu.memref_squeeze %dma_start3A_66 : memref<1x1x64xi32, #tpu.memory_space<vmem>> -> memref<64xi32, #tpu.memory_space<vmem>>
    %dma_start3A_68 = arith.constant 0 : i32
    %dma_start3A_69 = arith.constant 0 : i32
    %dma_start3A_70 = tpu.memref_slice %arg9[%dma_start3A_68, %dma_start3A_69] : memref<10112x64xf32, #tpu.memory_space<vmem_shared>> -> memref<10112x64xf32, #tpu.memory_space<vmem_shared>>
    tpu.enqueue_indirect_dma source(%dma_start3A_70 : memref<10112x64xf32, #tpu.memory_space<vmem_shared>>) target(%dma_start3A_64 : memref<64x64xf32, #tpu.memory_space<vmem>>) offsets(%dma_start3A_67 : memref<64xi32, #tpu.memory_space<vmem>>) semaphore(%arg12 : memref<!tpu.dma_semaphore, #tpu.memory_space<semaphore_mem>>)
    %dma_start3A_71 = arith.constant 0 : i32
    %dma_start3A_72 = arith.constant 2 : i32
    %dma_start3A_73 = arith.constant 2 : i32
    %dma_start3A_74 = arith.constant 0 : i32
    %dma_start3A_75 = arith.constant 0 : i32
    %dma_start3A_76 = tpu.memref_slice %arg8[%dma_start3A_73, %dma_start3A_74, %dma_start3A_75] : memref<8x64x64xf32, #tpu.memory_space<vmem>> -> memref<1x64x64xf32, #tpu.memory_space<vmem>>
    %dma_start3A_77 = tpu.memref_squeeze %dma_start3A_76 : memref<1x64x64xf32, #tpu.memory_space<vmem>> -> memref<64x64xf32, #tpu.memory_space<vmem>>
    %dma_start3A_78 = arith.constant 0 : i32
    %dma_start3A_79 = tpu.memref_slice %arg6[%dma_start3A_71, %dma_start3A_72, %dma_start3A_78] : memref<3x16x64xi32, #tpu.memory_space<vmem>> -> memref<1x1x64xi32, #tpu.memory_space<vmem>>
    %dma_start3A_80 = tpu.memref_squeeze %dma_start3A_79 : memref<1x1x64xi32, #tpu.memory_space<vmem>> -> memref<64xi32, #tpu.memory_space<vmem>>
    %dma_start3A_81 = arith.constant 0 : i32
    %dma_start3A_82 = arith.constant 0 : i32
    %dma_start3A_83 = tpu.memref_slice %arg9[%dma_start3A_81, %dma_start3A_82] : memref<10112x64xf32, #tpu.memory_space<vmem_shared>> -> memref<10112x64xf32, #tpu.memory_space<vmem_shared>>
    tpu.enqueue_indirect_dma source(%dma_start3A_83 : memref<10112x64xf32, #tpu.memory_space<vmem_shared>>) target(%dma_start3A_77 : memref<64x64xf32, #tpu.memory_space<vmem>>) offsets(%dma_start3A_80 : memref<64xi32, #tpu.memory_space<vmem>>) semaphore(%arg13 : memref<!tpu.dma_semaphore, #tpu.memory_space<semaphore_mem>>)
    %dma_start3A_84 = arith.constant 0 : i32
    %dma_start3A_85 = arith.constant 3 : i32
    %dma_start3A_86 = arith.constant 3 : i32
    %dma_start3A_87 = arith.constant 0 : i32
    %dma_start3A_88 = arith.constant 0 : i32
    %dma_start3A_89 = tpu.memref_slice %arg8[%dma_start3A_86, %dma_start3A_87, %dma_start3A_88] : memref<8x64x64xf32, #tpu.memory_space<vmem>> -> memref<1x64x64xf32, #tpu.memory_space<vmem>>
    %dma_start3A_90 = tpu.memref_squeeze %dma_start3A_89 : memref<1x64x64xf32, #tpu.memory_space<vmem>> -> memref<64x64xf32, #tpu.memory_space<vmem>>
    %dma_start3A_91 = arith.constant 0 : i32
    %dma_start3A_92 = tpu.memref_slice %arg6[%dma_start3A_84, %dma_start3A_85, %dma_start3A_91] : memref<3x16x64xi32, #tpu.memory_space<vmem>> -> memref<1x1x64xi32, #tpu.memory_space<vmem>>
    %dma_start3A_93 = tpu.memref_squeeze %dma_start3A_92 : memref<1x1x64xi32, #tpu.memory_space<vmem>> -> memref<64xi32, #tpu.memory_space<vmem>>
    %dma_start3A_94 = arith.constant 0 : i32
    %dma_start3A_95 = arith.constant 0 : i32
    %dma_start3A_96 = tpu.memref_slice %arg9[%dma_start3A_94, %dma_start3A_95] : memref<10112x64xf32, #tpu.memory_space<vmem_shared>> -> memref<10112x64xf32, #tpu.memory_space<vmem_shared>>
    tpu.enqueue_indirect_dma source(%dma_start3A_96 : memref<10112x64xf32, #tpu.memory_space<vmem_shared>>) target(%dma_start3A_90 : memref<64x64xf32, #tpu.memory_space<vmem>>) offsets(%dma_start3A_93 : memref<64xi32, #tpu.memory_space<vmem>>) semaphore(%arg14 : memref<!tpu.dma_semaphore, #tpu.memory_space<semaphore_mem>>)
    %scan3A = arith.constant 0 : i32
    %scan3A_97 = arith.constant 0 : i32
    %scan3A_98 = arith.constant 20 : i32
    %scan3A_99 = arith.addi %scan3A_97, %scan3A_98 : i32
    %scan3A_100 = arith.constant 1 : i32
    scf.for %scan3A_160 = %scan3A_97 to %scan3A_99 step %scan3A_100  : i32 {
      %add3A = arith.constant 1 : i32
      %add3A_161 = arith.addi %scan3A_160, %add3A : i32
      %lt3A_162 = arith.constant 20 : i32
      %lt3A_163 = arith.cmpi slt, %add3A_161, %lt3A_162 : i32
      %convert_element_type3A_164 = arith.extui %lt3A_163 : i1 to i32
      %cond3A_165 = arith.constant 0 : i32
      %cond3A_166 = arith.cmpi ne, %convert_element_type3A_164, %cond3A_165 : i32
      scf.if %cond3A_166 {
        %dma_wait3A_180 = arith.constant 0 : i32
        %dma_wait3A_181 = arith.constant 0 : i32
        %dma_wait3A_182 = arith.constant 0 : i32
        %dma_wait3A_183 = arith.constant 0 : i32
        %dma_wait3A_184 = tpu.memref_slice %arg6[%dma_wait3A_181, %dma_wait3A_182, %dma_wait3A_183] : memref<3x16x64xi32, #tpu.memory_space<vmem>> -> memref<1x16x64xi32, #tpu.memory_space<vmem>>
        %dma_wait3A_185 = tpu.memref_squeeze %dma_wait3A_184 : memref<1x16x64xi32, #tpu.memory_space<vmem>> -> memref<16x64xi32, #tpu.memory_space<vmem>>
        %dma_wait3A_186 = arith.constant 0 : i32
        %dma_wait3A_187 = arith.constant 0 : i32
        %dma_wait3A_188 = tpu.memref_slice %arg3[%arg1, %dma_wait3A_180, %dma_wait3A_186, %dma_wait3A_187] : memref<16x20x16x64xi32, #tpu.memory_space<hbm>> -> memref<1x1x16x64xi32, #tpu.memory_space<hbm>>
        %dma_wait3A_189 = tpu.memref_squeeze %dma_wait3A_188 : memref<1x1x16x64xi32, #tpu.memory_space<hbm>> -> memref<16x64xi32, #tpu.memory_space<hbm>>
        %dma_wait3A_190 = arith.constant 0 : i32
        %dma_wait3A_191 = arith.constant 0 : i32
        %dma_wait3A_192 = tpu.memref_slice %arg6[%dma_wait3A_181, %dma_wait3A_190, %dma_wait3A_191] : memref<3x16x64xi32, #tpu.memory_space<vmem>> -> memref<1x16x64xi32, #tpu.memory_space<vmem>>
        %dma_wait3A_193 = tpu.memref_squeeze %dma_wait3A_192 : memref<1x16x64xi32, #tpu.memory_space<vmem>> -> memref<16x64xi32, #tpu.memory_space<vmem>>
        %dma_wait3A_194 = arith.constant 0 : i32
        %dma_wait3A_195 = arith.constant 0 : i32
        %dma_wait3A_196 = tpu.memref_slice %arg3[%arg1, %dma_wait3A_180, %dma_wait3A_194, %dma_wait3A_195] : memref<16x20x16x64xi32, #tpu.memory_space<hbm>> -> memref<1x1x16x64xi32, #tpu.memory_space<hbm>>
        %dma_wait3A_197 = tpu.memref_squeeze %dma_wait3A_196 : memref<1x1x16x64xi32, #tpu.memory_space<hbm>> -> memref<16x64xi32, #tpu.memory_space<hbm>>
        tpu.wait_dma2 semaphore(%arg27 : memref<!tpu.dma_semaphore, #tpu.memory_space<semaphore_mem>>) src(%dma_wait3A_197 : memref<16x64xi32, #tpu.memory_space<hbm>>) dst(%dma_wait3A_193 : memref<16x64xi32, #tpu.memory_space<vmem>>)
        %dma_wait3A_198 = arith.constant 0 : i32
        %dma_wait3A_199 = arith.constant 0 : i32
        %dma_wait3A_200 = arith.constant 0 : i32
        %dma_wait3A_201 = arith.constant 0 : i32
        %dma_wait3A_202 = tpu.memref_slice %arg7[%dma_wait3A_199, %dma_wait3A_200, %dma_wait3A_201] : memref<3x16x64xi32, #tpu.memory_space<vmem>> -> memref<1x16x64xi32, #tpu.memory_space<vmem>>
        %dma_wait3A_203 = tpu.memref_squeeze %dma_wait3A_202 : memref<1x16x64xi32, #tpu.memory_space<vmem>> -> memref<16x64xi32, #tpu.memory_space<vmem>>
        %dma_wait3A_204 = arith.constant 0 : i32
        %dma_wait3A_205 = arith.constant 0 : i32
        %dma_wait3A_206 = tpu.memref_slice %arg4[%arg1, %dma_wait3A_198, %dma_wait3A_204, %dma_wait3A_205] : memref<16x20x16x64xi32, #tpu.memory_space<hbm>> -> memref<1x1x16x64xi32, #tpu.memory_space<hbm>>
        %dma_wait3A_207 = tpu.memref_squeeze %dma_wait3A_206 : memref<1x1x16x64xi32, #tpu.memory_space<hbm>> -> memref<16x64xi32, #tpu.memory_space<hbm>>
        %dma_wait3A_208 = arith.constant 0 : i32
        %dma_wait3A_209 = arith.constant 0 : i32
        %dma_wait3A_210 = tpu.memref_slice %arg7[%dma_wait3A_199, %dma_wait3A_208, %dma_wait3A_209] : memref<3x16x64xi32, #tpu.memory_space<vmem>> -> memref<1x16x64xi32, #tpu.memory_space<vmem>>
        %dma_wait3A_211 = tpu.memref_squeeze %dma_wait3A_210 : memref<1x16x64xi32, #tpu.memory_space<vmem>> -> memref<16x64xi32, #tpu.memory_space<vmem>>
        %dma_wait3A_212 = arith.constant 0 : i32
        %dma_wait3A_213 = arith.constant 0 : i32
        %dma_wait3A_214 = tpu.memref_slice %arg4[%arg1, %dma_wait3A_198, %dma_wait3A_212, %dma_wait3A_213] : memref<16x20x16x64xi32, #tpu.memory_space<hbm>> -> memref<1x1x16x64xi32, #tpu.memory_space<hbm>>
        %dma_wait3A_215 = tpu.memref_squeeze %dma_wait3A_214 : memref<1x1x16x64xi32, #tpu.memory_space<hbm>> -> memref<16x64xi32, #tpu.memory_space<hbm>>
        tpu.wait_dma2 semaphore(%arg27 : memref<!tpu.dma_semaphore, #tpu.memory_space<semaphore_mem>>) src(%dma_wait3A_215 : memref<16x64xi32, #tpu.memory_space<hbm>>) dst(%dma_wait3A_211 : memref<16x64xi32, #tpu.memory_space<vmem>>)
      } else {
      }
      %scan3A_167 = arith.constant 0 : i32
      %scan3A_168 = arith.constant 0 : i32
      %scan3A_169 = arith.constant 2 : i32
      %scan3A_170 = arith.addi %scan3A_168, %scan3A_169 : i32
      %scan3A_171 = arith.constant 1 : i32
      scf.for %scan3A_180 = %scan3A_168 to %scan3A_170 step %scan3A_171  : i32 {
        %mul3A_181 = arith.constant 8 : i32
        %mul3A_182 = arith.muli %mul3A_181, %scan3A_180 : i32
        %add3A_183 = arith.constant 0 : i32
        %add3A_184 = arith.addi %mul3A_182, %add3A_183 : i32
        %mul3A_185 = arith.constant 16 : i32
        %mul3A_186 = arith.muli %scan3A_160, %mul3A_185 : i32
        %add3A_187 = arith.addi %mul3A_186, %add3A_184 : i32
        %dma_wait3A_188 = arith.constant 0 : i32
        %dma_wait3A_189 = arith.constant 0 : i32
        %dma_wait3A_190 = arith.constant 0 : i32
        %dma_wait3A_191 = arith.constant 0 : i32
        %dma_wait3A_192 = arith.constant 0 : i32
        %dma_wait3A_193 = tpu.memref_slice %arg8[%dma_wait3A_190, %dma_wait3A_191, %dma_wait3A_192] : memref<8x64x64xf32, #tpu.memory_space<vmem>> -> memref<1x64x64xf32, #tpu.memory_space<vmem>>
        %dma_wait3A_194 = tpu.memref_squeeze %dma_wait3A_193 : memref<1x64x64xf32, #tpu.memory_space<vmem>> -> memref<64x64xf32, #tpu.memory_space<vmem>>
        %dma_wait3A_195 = arith.constant 0 : i32
        %dma_wait3A_196 = tpu.memref_slice %arg6[%dma_wait3A_188, %dma_wait3A_189, %dma_wait3A_195] : memref<3x16x64xi32, #tpu.memory_space<vmem>> -> memref<1x1x64xi32, #tpu.memory_space<vmem>>
        %dma_wait3A_197 = tpu.memref_squeeze %dma_wait3A_196 : memref<1x1x64xi32, #tpu.memory_space<vmem>> -> memref<64xi32, #tpu.memory_space<vmem>>
        %dma_wait3A_198 = arith.constant 0 : i32
        %dma_wait3A_199 = arith.constant 0 : i32
        %dma_wait3A_200 = tpu.memref_slice %arg9[%dma_wait3A_198, %dma_wait3A_199] : memref<10112x64xf32, #tpu.memory_space<vmem_shared>> -> memref<10112x64xf32, #tpu.memory_space<vmem_shared>>
        tpu.wait_indirect_dma semaphore(%arg11 : memref<!tpu.dma_semaphore, #tpu.memory_space<semaphore_mem>>) src(%dma_wait3A_200 : memref<10112x64xf32, #tpu.memory_space<vmem_shared>>) dst(%dma_wait3A_194 : memref<64x64xf32, #tpu.memory_space<vmem>>)
        %jit3A = arith.constant 3 : i32
        %eq3A_201 = arith.constant 0 : i32
        %eq3A_202 = arith.cmpi eq, %jit3A, %eq3A_201 : i32
        %jit3A_203 = arith.constant 1 : i32
        %select_n3A = arith.select %eq3A_202, %jit3A_203, %jit3A : i32
        %rem3A = arith.remsi %scan3A_160, %select_n3A : i32
        %ne3A = arith.constant 0 : i32
        %ne3A_204 = arith.cmpi ne, %rem3A, %ne3A : i32
        %lt3A_205 = arith.constant 0 : i32
        %lt3A_206 = arith.cmpi slt, %rem3A, %lt3A_205 : i32
        %lt3A_207 = arith.constant 0 : i32
        %lt3A_208 = arith.cmpi slt, %select_n3A, %lt3A_207 : i32
        %ne3A_209 = arith.xori %lt3A_206, %lt3A_208 : i1
        %and3A = arith.andi %ne3A_209, %ne3A_204 : i1
        %add3A_210 = arith.addi %rem3A, %select_n3A : i32
        %select_n3A_211 = arith.select %and3A, %add3A_210, %rem3A : i32
        %dma_start3A_212 = arith.constant 0 : i32
        %dma_start3A_213 = arith.constant 0 : i32
        %dma_start3A_214 = arith.constant 0 : i32
        %dma_start3A_215 = tpu.memref_slice %arg8[%dma_start3A_212, %dma_start3A_213, %dma_start3A_214] : memref<8x64x64xf32, #tpu.memory_space<vmem>> -> memref<1x64x64xf32, #tpu.memory_space<vmem>>
        %dma_start3A_216 = tpu.memref_squeeze %dma_start3A_215 : memref<1x64x64xf32, #tpu.memory_space<vmem>> -> memref<64x64xf32, #tpu.memory_space<vmem>>
        %dma_start3A_217 = arith.constant 0 : i32
        %dma_start3A_218 = tpu.memref_slice %arg7[%select_n3A_211, %add3A_184, %dma_start3A_217] : memref<3x16x64xi32, #tpu.memory_space<vmem>> -> memref<1x1x64xi32, #tpu.memory_space<vmem>>
        %dma_start3A_219 = tpu.memref_squeeze %dma_start3A_218 : memref<1x1x64xi32, #tpu.memory_space<vmem>> -> memref<64xi32, #tpu.memory_space<vmem>>
        %dma_start3A_220 = arith.constant 0 : i32
        %dma_start3A_221 = arith.constant 0 : i32
        %dma_start3A_222 = tpu.memref_slice %arg10[%dma_start3A_220, %dma_start3A_221] : memref<10112x64xf32, #tpu.memory_space<vmem_shared>> -> memref<10112x64xf32, #tpu.memory_space<vmem_shared>>
        tpu.enqueue_indirect_dma source(%dma_start3A_216 : memref<64x64xf32, #tpu.memory_space<vmem>>) target(%dma_start3A_222 : memref<10112x64xf32, #tpu.memory_space<vmem_shared>>) offsets(%dma_start3A_219 : memref<64xi32, #tpu.memory_space<vmem>>) semaphore(%arg19 : memref<!tpu.dma_semaphore, #tpu.memory_space<semaphore_mem>>) {add = true}
        %sub3A = arith.constant 4 : i32
        %sub3A_223 = arith.subi %add3A_187, %sub3A : i32
        %ge3A = arith.constant 0 : i32
        %ge3A_224 = arith.cmpi sge, %sub3A_223, %ge3A : i32
        %convert_element_type3A_225 = arith.extui %ge3A_224 : i1 to i32
        %cond3A_226 = arith.constant 0 : i32
        %cond3A_227 = arith.cmpi ne, %convert_element_type3A_225, %cond3A_226 : i32
        scf.if %cond3A_227 {
          %dma_wait3A_662 = arith.constant 4 : i32
          %dma_wait3A_663 = arith.constant 0 : i32
          %dma_wait3A_664 = arith.constant 0 : i32
          %dma_wait3A_665 = arith.constant 0 : i32
          %dma_wait3A_666 = arith.constant 0 : i32
          %dma_wait3A_667 = tpu.memref_slice %arg8[%dma_wait3A_662, %dma_wait3A_665, %dma_wait3A_666] : memref<8x64x64xf32, #tpu.memory_space<vmem>> -> memref<1x64x64xf32, #tpu.memory_space<vmem>>
          %dma_wait3A_668 = tpu.memref_squeeze %dma_wait3A_667 : memref<1x64x64xf32, #tpu.memory_space<vmem>> -> memref<64x64xf32, #tpu.memory_space<vmem>>
          %dma_wait3A_669 = arith.constant 0 : i32
          %dma_wait3A_670 = tpu.memref_slice %arg7[%dma_wait3A_663, %dma_wait3A_664, %dma_wait3A_669] : memref<3x16x64xi32, #tpu.memory_space<vmem>> -> memref<1x1x64xi32, #tpu.memory_space<vmem>>
          %dma_wait3A_671 = tpu.memref_squeeze %dma_wait3A_670 : memref<1x1x64xi32, #tpu.memory_space<vmem>> -> memref<64xi32, #tpu.memory_space<vmem>>
          %dma_wait3A_672 = arith.constant 0 : i32
          %dma_wait3A_673 = arith.constant 0 : i32
          %dma_wait3A_674 = tpu.memref_slice %arg10[%dma_wait3A_672, %dma_wait3A_673] : memref<10112x64xf32, #tpu.memory_space<vmem_shared>> -> memref<10112x64xf32, #tpu.memory_space<vmem_shared>>
          tpu.wait_indirect_dma semaphore(%arg23 : memref<!tpu.dma_semaphore, #tpu.memory_space<semaphore_mem>>) src(%dma_wait3A_668 : memref<64x64xf32, #tpu.memory_space<vmem>>) dst(%dma_wait3A_674 : memref<10112x64xf32, #tpu.memory_space<vmem_shared>>)
        } else {
        }
        %add3A_228 = arith.constant 4 : i32
        %add3A_229 = arith.addi %add3A_187, %add3A_228 : i32
        %lt3A_230 = arith.constant 320 : i32
        %lt3A_231 = arith.cmpi slt, %add3A_229, %lt3A_230 : i32
        %convert_element_type3A_232 = arith.extui %lt3A_231 : i1 to i32
        %cond3A_233 = arith.constant 0 : i32
        %cond3A_234 = arith.cmpi ne, %convert_element_type3A_232, %cond3A_233 : i32
        scf.if %cond3A_234 {
          %jit3A_662 = arith.constant 16 : i32
          %div3A = arith.divsi %add3A_229, %jit3A_662 : i32
          %sign3A = arith.constant 0 : i32
          %sign3A_663 = arith.cmpi sgt, %add3A_229, %sign3A : i32
          %sign3A_664 = arith.extui %sign3A_663 : i1 to i32
          %sign3A_665 = arith.constant 0 : i32
          %sign3A_666 = arith.cmpi slt, %add3A_229, %sign3A_665 : i32
          %sign3A_667 = arith.extui %sign3A_666 : i1 to i32
          %sign3A_668 = arith.subi %sign3A_664, %sign3A_667 : i32
          %sign3A_669 = arith.constant 0 : i32
          %sign3A_670 = arith.cmpi sgt, %jit3A_662, %sign3A_669 : i32
          %sign3A_671 = arith.extui %sign3A_670 : i1 to i32
          %sign3A_672 = arith.constant 0 : i32
          %sign3A_673 = arith.cmpi slt, %jit3A_662, %sign3A_672 : i32
          %sign3A_674 = arith.extui %sign3A_673 : i1 to i32
          %sign3A_675 = arith.subi %sign3A_671, %sign3A_674 : i32
          %ne3A_676 = arith.cmpi ne, %sign3A_668, %sign3A_675 : i32
          %rem3A_677 = arith.remsi %add3A_229, %jit3A_662 : i32
          %ne3A_678 = arith.constant 0 : i32
          %ne3A_679 = arith.cmpi ne, %rem3A_677, %ne3A_678 : i32
          %and3A_680 = arith.andi %ne3A_676, %ne3A_679 : i1
          %sub3A_681 = arith.constant 1 : i32
          %sub3A_682 = arith.subi %div3A, %sub3A_681 : i32
          %select_n3A_683 = arith.select %and3A_680, %sub3A_682, %div3A : i32
          %jit3A_684 = arith.constant 3 : i32
          %eq3A_685 = arith.constant 0 : i32
          %eq3A_686 = arith.cmpi eq, %jit3A_684, %eq3A_685 : i32
          %jit3A_687 = arith.constant 1 : i32
          %select_n3A_688 = arith.select %eq3A_686, %jit3A_687, %jit3A_684 : i32
          %rem3A_689 = arith.remsi %select_n3A_683, %select_n3A_688 : i32
          %ne3A_690 = arith.constant 0 : i32
          %ne3A_691 = arith.cmpi ne, %rem3A_689, %ne3A_690 : i32
          %lt3A_692 = arith.constant 0 : i32
          %lt3A_693 = arith.cmpi slt, %rem3A_689, %lt3A_692 : i32
          %lt3A_694 = arith.constant 0 : i32
          %lt3A_695 = arith.cmpi slt, %select_n3A_688, %lt3A_694 : i32
          %ne3A_696 = arith.xori %lt3A_693, %lt3A_695 : i1
          %and3A_697 = arith.andi %ne3A_696, %ne3A_691 : i1
          %add3A_698 = arith.addi %rem3A_689, %select_n3A_688 : i32
          %select_n3A_699 = arith.select %and3A_697, %add3A_698, %rem3A_689 : i32
          %jit3A_700 = arith.constant 16 : i32
          %eq3A_701 = arith.constant 0 : i32
          %eq3A_702 = arith.cmpi eq, %jit3A_700, %eq3A_701 : i32
          %jit3A_703 = arith.constant 1 : i32
          %select_n3A_704 = arith.select %eq3A_702, %jit3A_703, %jit3A_700 : i32
          %rem3A_705 = arith.remsi %add3A_229, %select_n3A_704 : i32
          %ne3A_706 = arith.constant 0 : i32
          %ne3A_707 = arith.cmpi ne, %rem3A_705, %ne3A_706 : i32
          %lt3A_708 = arith.constant 0 : i32
          %lt3A_709 = arith.cmpi slt, %rem3A_705, %lt3A_708 : i32
          %lt3A_710 = arith.constant 0 : i32
          %lt3A_711 = arith.cmpi slt, %select_n3A_704, %lt3A_710 : i32
          %ne3A_712 = arith.xori %lt3A_709, %lt3A_711 : i1
          %and3A_713 = arith.andi %ne3A_712, %ne3A_707 : i1
          %add3A_714 = arith.addi %rem3A_705, %select_n3A_704 : i32
          %select_n3A_715 = arith.select %and3A_713, %add3A_714, %rem3A_705 : i32
          %dma_start3A_716 = arith.constant 4 : i32
          %dma_start3A_717 = arith.constant 0 : i32
          %dma_start3A_718 = arith.constant 0 : i32
          %dma_start3A_719 = tpu.memref_slice %arg8[%dma_start3A_716, %dma_start3A_717, %dma_start3A_718] : memref<8x64x64xf32, #tpu.memory_space<vmem>> -> memref<1x64x64xf32, #tpu.memory_space<vmem>>
          %dma_start3A_720 = tpu.memref_squeeze %dma_start3A_719 : memref<1x64x64xf32, #tpu.memory_space<vmem>> -> memref<64x64xf32, #tpu.memory_space<vmem>>
          %dma_start3A_721 = arith.constant 0 : i32
          %dma_start3A_722 = tpu.memref_slice %arg6[%select_n3A_699, %select_n3A_715, %dma_start3A_721] : memref<3x16x64xi32, #tpu.memory_space<vmem>> -> memref<1x1x64xi32, #tpu.memory_space<vmem>>
          %dma_start3A_723 = tpu.memref_squeeze %dma_start3A_722 : memref<1x1x64xi32, #tpu.memory_space<vmem>> -> memref<64xi32, #tpu.memory_space<vmem>>
          %dma_start3A_724 = arith.constant 0 : i32
          %dma_start3A_725 = arith.constant 0 : i32
          %dma_start3A_726 = tpu.memref_slice %arg9[%dma_start3A_724, %dma_start3A_725] : memref<10112x64xf32, #tpu.memory_space<vmem_shared>> -> memref<10112x64xf32, #tpu.memory_space<vmem_shared>>
          tpu.enqueue_indirect_dma source(%dma_start3A_726 : memref<10112x64xf32, #tpu.memory_space<vmem_shared>>) target(%dma_start3A_720 : memref<64x64xf32, #tpu.memory_space<vmem>>) offsets(%dma_start3A_723 : memref<64xi32, #tpu.memory_space<vmem>>) semaphore(%arg15 : memref<!tpu.dma_semaphore, #tpu.memory_space<semaphore_mem>>)
        } else {
        }
        %mul3A_235 = arith.constant 8 : i32
        %mul3A_236 = arith.muli %mul3A_235, %scan3A_180 : i32
        %add3A_237 = arith.constant 1 : i32
        %add3A_238 = arith.addi %mul3A_236, %add3A_237 : i32
        %mul3A_239 = arith.constant 16 : i32
        %mul3A_240 = arith.muli %scan3A_160, %mul3A_239 : i32
        %add3A_241 = arith.addi %mul3A_240, %add3A_238 : i32
        %dma_wait3A_242 = arith.constant 0 : i32
        %dma_wait3A_243 = arith.constant 0 : i32
        %dma_wait3A_244 = arith.constant 1 : i32
        %dma_wait3A_245 = arith.constant 0 : i32
        %dma_wait3A_246 = arith.constant 0 : i32
        %dma_wait3A_247 = tpu.memref_slice %arg8[%dma_wait3A_244, %dma_wait3A_245, %dma_wait3A_246] : memref<8x64x64xf32, #tpu.memory_space<vmem>> -> memref<1x64x64xf32, #tpu.memory_space<vmem>>
        %dma_wait3A_248 = tpu.memref_squeeze %dma_wait3A_247 : memref<1x64x64xf32, #tpu.memory_space<vmem>> -> memref<64x64xf32, #tpu.memory_space<vmem>>
        %dma_wait3A_249 = arith.constant 0 : i32
        %dma_wait3A_250 = tpu.memref_slice %arg6[%dma_wait3A_242, %dma_wait3A_243, %dma_wait3A_249] : memref<3x16x64xi32, #tpu.memory_space<vmem>> -> memref<1x1x64xi32, #tpu.memory_space<vmem>>
        %dma_wait3A_251 = tpu.memref_squeeze %dma_wait3A_250 : memref<1x1x64xi32, #tpu.memory_space<vmem>> -> memref<64xi32, #tpu.memory_space<vmem>>
        %dma_wait3A_252 = arith.constant 0 : i32
        %dma_wait3A_253 = arith.constant 0 : i32
        %dma_wait3A_254 = tpu.memref_slice %arg9[%dma_wait3A_252, %dma_wait3A_253] : memref<10112x64xf32, #tpu.memory_space<vmem_shared>> -> memref<10112x64xf32, #tpu.memory_space<vmem_shared>>
        tpu.wait_indirect_dma semaphore(%arg12 : memref<!tpu.dma_semaphore, #tpu.memory_space<semaphore_mem>>) src(%dma_wait3A_254 : memref<10112x64xf32, #tpu.memory_space<vmem_shared>>) dst(%dma_wait3A_248 : memref<64x64xf32, #tpu.memory_space<vmem>>)
        %jit3A_255 = arith.constant 3 : i32
        %eq3A_256 = arith.constant 0 : i32
        %eq3A_257 = arith.cmpi eq, %jit3A_255, %eq3A_256 : i32
        %jit3A_258 = arith.constant 1 : i32
        %select_n3A_259 = arith.select %eq3A_257, %jit3A_258, %jit3A_255 : i32
        %rem3A_260 = arith.remsi %scan3A_160, %select_n3A_259 : i32
        %ne3A_261 = arith.constant 0 : i32
        %ne3A_262 = arith.cmpi ne, %rem3A_260, %ne3A_261 : i32
        %lt3A_263 = arith.constant 0 : i32
        %lt3A_264 = arith.cmpi slt, %rem3A_260, %lt3A_263 : i32
        %lt3A_265 = arith.constant 0 : i32
        %lt3A_266 = arith.cmpi slt, %select_n3A_259, %lt3A_265 : i32
        %ne3A_267 = arith.xori %lt3A_264, %lt3A_266 : i1
        %and3A_268 = arith.andi %ne3A_267, %ne3A_262 : i1
        %add3A_269 = arith.addi %rem3A_260, %select_n3A_259 : i32
        %select_n3A_270 = arith.select %and3A_268, %add3A_269, %rem3A_260 : i32
        %dma_start3A_271 = arith.constant 1 : i32
        %dma_start3A_272 = arith.constant 0 : i32
        %dma_start3A_273 = arith.constant 0 : i32
        %dma_start3A_274 = tpu.memref_slice %arg8[%dma_start3A_271, %dma_start3A_272, %dma_start3A_273] : memref<8x64x64xf32, #tpu.memory_space<vmem>> -> memref<1x64x64xf32, #tpu.memory_space<vmem>>
        %dma_start3A_275 = tpu.memref_squeeze %dma_start3A_274 : memref<1x64x64xf32, #tpu.memory_space<vmem>> -> memref<64x64xf32, #tpu.memory_space<vmem>>
        %dma_start3A_276 = arith.constant 0 : i32
        %dma_start3A_277 = tpu.memref_slice %arg7[%select_n3A_270, %add3A_238, %dma_start3A_276] : memref<3x16x64xi32, #tpu.memory_space<vmem>> -> memref<1x1x64xi32, #tpu.memory_space<vmem>>
        %dma_start3A_278 = tpu.memref_squeeze %dma_start3A_277 : memref<1x1x64xi32, #tpu.memory_space<vmem>> -> memref<64xi32, #tpu.memory_space<vmem>>
        %dma_start3A_279 = arith.constant 0 : i32
        %dma_start3A_280 = arith.constant 0 : i32
        %dma_start3A_281 = tpu.memref_slice %arg10[%dma_start3A_279, %dma_start3A_280] : memref<10112x64xf32, #tpu.memory_space<vmem_shared>> -> memref<10112x64xf32, #tpu.memory_space<vmem_shared>>
        tpu.enqueue_indirect_dma source(%dma_start3A_275 : memref<64x64xf32, #tpu.memory_space<vmem>>) target(%dma_start3A_281 : memref<10112x64xf32, #tpu.memory_space<vmem_shared>>) offsets(%dma_start3A_278 : memref<64xi32, #tpu.memory_space<vmem>>) semaphore(%arg20 : memref<!tpu.dma_semaphore, #tpu.memory_space<semaphore_mem>>) {add = true}
        %sub3A_282 = arith.constant 4 : i32
        %sub3A_283 = arith.subi %add3A_241, %sub3A_282 : i32
        %ge3A_284 = arith.constant 0 : i32
        %ge3A_285 = arith.cmpi sge, %sub3A_283, %ge3A_284 : i32
        %convert_element_type3A_286 = arith.extui %ge3A_285 : i1 to i32
        %cond3A_287 = arith.constant 0 : i32
        %cond3A_288 = arith.cmpi ne, %convert_element_type3A_286, %cond3A_287 : i32
        scf.if %cond3A_288 {
          %dma_wait3A_662 = arith.constant 5 : i32
          %dma_wait3A_663 = arith.constant 0 : i32
          %dma_wait3A_664 = arith.constant 0 : i32
          %dma_wait3A_665 = arith.constant 0 : i32
          %dma_wait3A_666 = arith.constant 0 : i32
          %dma_wait3A_667 = tpu.memref_slice %arg8[%dma_wait3A_662, %dma_wait3A_665, %dma_wait3A_666] : memref<8x64x64xf32, #tpu.memory_space<vmem>> -> memref<1x64x64xf32, #tpu.memory_space<vmem>>
          %dma_wait3A_668 = tpu.memref_squeeze %dma_wait3A_667 : memref<1x64x64xf32, #tpu.memory_space<vmem>> -> memref<64x64xf32, #tpu.memory_space<vmem>>
          %dma_wait3A_669 = arith.constant 0 : i32
          %dma_wait3A_670 = tpu.memref_slice %arg7[%dma_wait3A_663, %dma_wait3A_664, %dma_wait3A_669] : memref<3x16x64xi32, #tpu.memory_space<vmem>> -> memref<1x1x64xi32, #tpu.memory_space<vmem>>
          %dma_wait3A_671 = tpu.memref_squeeze %dma_wait3A_670 : memref<1x1x64xi32, #tpu.memory_space<vmem>> -> memref<64xi32, #tpu.memory_space<vmem>>
          %dma_wait3A_672 = arith.constant 0 : i32
          %dma_wait3A_673 = arith.constant 0 : i32
          %dma_wait3A_674 = tpu.memref_slice %arg10[%dma_wait3A_672, %dma_wait3A_673] : memref<10112x64xf32, #tpu.memory_space<vmem_shared>> -> memref<10112x64xf32, #tpu.memory_space<vmem_shared>>
          tpu.wait_indirect_dma semaphore(%arg24 : memref<!tpu.dma_semaphore, #tpu.memory_space<semaphore_mem>>) src(%dma_wait3A_668 : memref<64x64xf32, #tpu.memory_space<vmem>>) dst(%dma_wait3A_674 : memref<10112x64xf32, #tpu.memory_space<vmem_shared>>)
        } else {
        }
        %add3A_289 = arith.constant 4 : i32
        %add3A_290 = arith.addi %add3A_241, %add3A_289 : i32
        %lt3A_291 = arith.constant 320 : i32
        %lt3A_292 = arith.cmpi slt, %add3A_290, %lt3A_291 : i32
        %convert_element_type3A_293 = arith.extui %lt3A_292 : i1 to i32
        %cond3A_294 = arith.constant 0 : i32
        %cond3A_295 = arith.cmpi ne, %convert_element_type3A_293, %cond3A_294 : i32
        scf.if %cond3A_295 {
          %jit3A_662 = arith.constant 16 : i32
          %div3A = arith.divsi %add3A_290, %jit3A_662 : i32
          %sign3A = arith.constant 0 : i32
          %sign3A_663 = arith.cmpi sgt, %add3A_290, %sign3A : i32
          %sign3A_664 = arith.extui %sign3A_663 : i1 to i32
          %sign3A_665 = arith.constant 0 : i32
          %sign3A_666 = arith.cmpi slt, %add3A_290, %sign3A_665 : i32
          %sign3A_667 = arith.extui %sign3A_666 : i1 to i32
          %sign3A_668 = arith.subi %sign3A_664, %sign3A_667 : i32
          %sign3A_669 = arith.constant 0 : i32
          %sign3A_670 = arith.cmpi sgt, %jit3A_662, %sign3A_669 : i32
          %sign3A_671 = arith.extui %sign3A_670 : i1 to i32
          %sign3A_672 = arith.constant 0 : i32
          %sign3A_673 = arith.cmpi slt, %jit3A_662, %sign3A_672 : i32
          %sign3A_674 = arith.extui %sign3A_673 : i1 to i32
          %sign3A_675 = arith.subi %sign3A_671, %sign3A_674 : i32
          %ne3A_676 = arith.cmpi ne, %sign3A_668, %sign3A_675 : i32
          %rem3A_677 = arith.remsi %add3A_290, %jit3A_662 : i32
          %ne3A_678 = arith.constant 0 : i32
          %ne3A_679 = arith.cmpi ne, %rem3A_677, %ne3A_678 : i32
          %and3A_680 = arith.andi %ne3A_676, %ne3A_679 : i1
          %sub3A_681 = arith.constant 1 : i32
          %sub3A_682 = arith.subi %div3A, %sub3A_681 : i32
          %select_n3A_683 = arith.select %and3A_680, %sub3A_682, %div3A : i32
          %jit3A_684 = arith.constant 3 : i32
          %eq3A_685 = arith.constant 0 : i32
          %eq3A_686 = arith.cmpi eq, %jit3A_684, %eq3A_685 : i32
          %jit3A_687 = arith.constant 1 : i32
          %select_n3A_688 = arith.select %eq3A_686, %jit3A_687, %jit3A_684 : i32
          %rem3A_689 = arith.remsi %select_n3A_683, %select_n3A_688 : i32
          %ne3A_690 = arith.constant 0 : i32
          %ne3A_691 = arith.cmpi ne, %rem3A_689, %ne3A_690 : i32
          %lt3A_692 = arith.constant 0 : i32
          %lt3A_693 = arith.cmpi slt, %rem3A_689, %lt3A_692 : i32
          %lt3A_694 = arith.constant 0 : i32
          %lt3A_695 = arith.cmpi slt, %select_n3A_688, %lt3A_694 : i32
          %ne3A_696 = arith.xori %lt3A_693, %lt3A_695 : i1
          %and3A_697 = arith.andi %ne3A_696, %ne3A_691 : i1
          %add3A_698 = arith.addi %rem3A_689, %select_n3A_688 : i32
          %select_n3A_699 = arith.select %and3A_697, %add3A_698, %rem3A_689 : i32
          %jit3A_700 = arith.constant 16 : i32
          %eq3A_701 = arith.constant 0 : i32
          %eq3A_702 = arith.cmpi eq, %jit3A_700, %eq3A_701 : i32
          %jit3A_703 = arith.constant 1 : i32
          %select_n3A_704 = arith.select %eq3A_702, %jit3A_703, %jit3A_700 : i32
          %rem3A_705 = arith.remsi %add3A_290, %select_n3A_704 : i32
          %ne3A_706 = arith.constant 0 : i32
          %ne3A_707 = arith.cmpi ne, %rem3A_705, %ne3A_706 : i32
          %lt3A_708 = arith.constant 0 : i32
          %lt3A_709 = arith.cmpi slt, %rem3A_705, %lt3A_708 : i32
          %lt3A_710 = arith.constant 0 : i32
          %lt3A_711 = arith.cmpi slt, %select_n3A_704, %lt3A_710 : i32
          %ne3A_712 = arith.xori %lt3A_709, %lt3A_711 : i1
          %and3A_713 = arith.andi %ne3A_712, %ne3A_707 : i1
          %add3A_714 = arith.addi %rem3A_705, %select_n3A_704 : i32
          %select_n3A_715 = arith.select %and3A_713, %add3A_714, %rem3A_705 : i32
          %dma_start3A_716 = arith.constant 5 : i32
          %dma_start3A_717 = arith.constant 0 : i32
          %dma_start3A_718 = arith.constant 0 : i32
          %dma_start3A_719 = tpu.memref_slice %arg8[%dma_start3A_716, %dma_start3A_717, %dma_start3A_718] : memref<8x64x64xf32, #tpu.memory_space<vmem>> -> memref<1x64x64xf32, #tpu.memory_space<vmem>>
          %dma_start3A_720 = tpu.memref_squeeze %dma_start3A_719 : memref<1x64x64xf32, #tpu.memory_space<vmem>> -> memref<64x64xf32, #tpu.memory_space<vmem>>
          %dma_start3A_721 = arith.constant 0 : i32
          %dma_start3A_722 = tpu.memref_slice %arg6[%select_n3A_699, %select_n3A_715, %dma_start3A_721] : memref<3x16x64xi32, #tpu.memory_space<vmem>> -> memref<1x1x64xi32, #tpu.memory_space<vmem>>
          %dma_start3A_723 = tpu.memref_squeeze %dma_start3A_722 : memref<1x1x64xi32, #tpu.memory_space<vmem>> -> memref<64xi32, #tpu.memory_space<vmem>>
          %dma_start3A_724 = arith.constant 0 : i32
          %dma_start3A_725 = arith.constant 0 : i32
          %dma_start3A_726 = tpu.memref_slice %arg9[%dma_start3A_724, %dma_start3A_725] : memref<10112x64xf32, #tpu.memory_space<vmem_shared>> -> memref<10112x64xf32, #tpu.memory_space<vmem_shared>>
          tpu.enqueue_indirect_dma source(%dma_start3A_726 : memref<10112x64xf32, #tpu.memory_space<vmem_shared>>) target(%dma_start3A_720 : memref<64x64xf32, #tpu.memory_space<vmem>>) offsets(%dma_start3A_723 : memref<64xi32, #tpu.memory_space<vmem>>) semaphore(%arg16 : memref<!tpu.dma_semaphore, #tpu.memory_space<semaphore_mem>>)
        } else {
        }
        %mul3A_296 = arith.constant 8 : i32
        %mul3A_297 = arith.muli %mul3A_296, %scan3A_180 : i32
        %add3A_298 = arith.constant 2 : i32
        %add3A_299 = arith.addi %mul3A_297, %add3A_298 : i32
        %mul3A_300 = arith.constant 16 : i32
        %mul3A_301 = arith.muli %scan3A_160, %mul3A_300 : i32
        %add3A_302 = arith.addi %mul3A_301, %add3A_299 : i32
        %dma_wait3A_303 = arith.constant 0 : i32
        %dma_wait3A_304 = arith.constant 0 : i32
        %dma_wait3A_305 = arith.constant 2 : i32
        %dma_wait3A_306 = arith.constant 0 : i32
        %dma_wait3A_307 = arith.constant 0 : i32
        %dma_wait3A_308 = tpu.memref_slice %arg8[%dma_wait3A_305, %dma_wait3A_306, %dma_wait3A_307] : memref<8x64x64xf32, #tpu.memory_space<vmem>> -> memref<1x64x64xf32, #tpu.memory_space<vmem>>
        %dma_wait3A_309 = tpu.memref_squeeze %dma_wait3A_308 : memref<1x64x64xf32, #tpu.memory_space<vmem>> -> memref<64x64xf32, #tpu.memory_space<vmem>>
        %dma_wait3A_310 = arith.constant 0 : i32
        %dma_wait3A_311 = tpu.memref_slice %arg6[%dma_wait3A_303, %dma_wait3A_304, %dma_wait3A_310] : memref<3x16x64xi32, #tpu.memory_space<vmem>> -> memref<1x1x64xi32, #tpu.memory_space<vmem>>
        %dma_wait3A_312 = tpu.memref_squeeze %dma_wait3A_311 : memref<1x1x64xi32, #tpu.memory_space<vmem>> -> memref<64xi32, #tpu.memory_space<vmem>>
        %dma_wait3A_313 = arith.constant 0 : i32
        %dma_wait3A_314 = arith.constant 0 : i32
        %dma_wait3A_315 = tpu.memref_slice %arg9[%dma_wait3A_313, %dma_wait3A_314] : memref<10112x64xf32, #tpu.memory_space<vmem_shared>> -> memref<10112x64xf32, #tpu.memory_space<vmem_shared>>
        tpu.wait_indirect_dma semaphore(%arg13 : memref<!tpu.dma_semaphore, #tpu.memory_space<semaphore_mem>>) src(%dma_wait3A_315 : memref<10112x64xf32, #tpu.memory_space<vmem_shared>>) dst(%dma_wait3A_309 : memref<64x64xf32, #tpu.memory_space<vmem>>)
        %jit3A_316 = arith.constant 3 : i32
        %eq3A_317 = arith.constant 0 : i32
        %eq3A_318 = arith.cmpi eq, %jit3A_316, %eq3A_317 : i32
        %jit3A_319 = arith.constant 1 : i32
        %select_n3A_320 = arith.select %eq3A_318, %jit3A_319, %jit3A_316 : i32
        %rem3A_321 = arith.remsi %scan3A_160, %select_n3A_320 : i32
        %ne3A_322 = arith.constant 0 : i32
        %ne3A_323 = arith.cmpi ne, %rem3A_321, %ne3A_322 : i32
        %lt3A_324 = arith.constant 0 : i32
        %lt3A_325 = arith.cmpi slt, %rem3A_321, %lt3A_324 : i32
        %lt3A_326 = arith.constant 0 : i32
        %lt3A_327 = arith.cmpi slt, %select_n3A_320, %lt3A_326 : i32
        %ne3A_328 = arith.xori %lt3A_325, %lt3A_327 : i1
        %and3A_329 = arith.andi %ne3A_328, %ne3A_323 : i1
        %add3A_330 = arith.addi %rem3A_321, %select_n3A_320 : i32
        %select_n3A_331 = arith.select %and3A_329, %add3A_330, %rem3A_321 : i32
        %dma_start3A_332 = arith.constant 2 : i32
        %dma_start3A_333 = arith.constant 0 : i32
        %dma_start3A_334 = arith.constant 0 : i32
        %dma_start3A_335 = tpu.memref_slice %arg8[%dma_start3A_332, %dma_start3A_333, %dma_start3A_334] : memref<8x64x64xf32, #tpu.memory_space<vmem>> -> memref<1x64x64xf32, #tpu.memory_space<vmem>>
        %dma_start3A_336 = tpu.memref_squeeze %dma_start3A_335 : memref<1x64x64xf32, #tpu.memory_space<vmem>> -> memref<64x64xf32, #tpu.memory_space<vmem>>
        %dma_start3A_337 = arith.constant 0 : i32
        %dma_start3A_338 = tpu.memref_slice %arg7[%select_n3A_331, %add3A_299, %dma_start3A_337] : memref<3x16x64xi32, #tpu.memory_space<vmem>> -> memref<1x1x64xi32, #tpu.memory_space<vmem>>
        %dma_start3A_339 = tpu.memref_squeeze %dma_start3A_338 : memref<1x1x64xi32, #tpu.memory_space<vmem>> -> memref<64xi32, #tpu.memory_space<vmem>>
        %dma_start3A_340 = arith.constant 0 : i32
        %dma_start3A_341 = arith.constant 0 : i32
        %dma_start3A_342 = tpu.memref_slice %arg10[%dma_start3A_340, %dma_start3A_341] : memref<10112x64xf32, #tpu.memory_space<vmem_shared>> -> memref<10112x64xf32, #tpu.memory_space<vmem_shared>>
        tpu.enqueue_indirect_dma source(%dma_start3A_336 : memref<64x64xf32, #tpu.memory_space<vmem>>) target(%dma_start3A_342 : memref<10112x64xf32, #tpu.memory_space<vmem_shared>>) offsets(%dma_start3A_339 : memref<64xi32, #tpu.memory_space<vmem>>) semaphore(%arg21 : memref<!tpu.dma_semaphore, #tpu.memory_space<semaphore_mem>>) {add = true}
        %sub3A_343 = arith.constant 4 : i32
        %sub3A_344 = arith.subi %add3A_302, %sub3A_343 : i32
        %ge3A_345 = arith.constant 0 : i32
        %ge3A_346 = arith.cmpi sge, %sub3A_344, %ge3A_345 : i32
        %convert_element_type3A_347 = arith.extui %ge3A_346 : i1 to i32
        %cond3A_348 = arith.constant 0 : i32
        %cond3A_349 = arith.cmpi ne, %convert_element_type3A_347, %cond3A_348 : i32
        scf.if %cond3A_349 {
          %dma_wait3A_662 = arith.constant 6 : i32
          %dma_wait3A_663 = arith.constant 0 : i32
          %dma_wait3A_664 = arith.constant 0 : i32
          %dma_wait3A_665 = arith.constant 0 : i32
          %dma_wait3A_666 = arith.constant 0 : i32
          %dma_wait3A_667 = tpu.memref_slice %arg8[%dma_wait3A_662, %dma_wait3A_665, %dma_wait3A_666] : memref<8x64x64xf32, #tpu.memory_space<vmem>> -> memref<1x64x64xf32, #tpu.memory_space<vmem>>
          %dma_wait3A_668 = tpu.memref_squeeze %dma_wait3A_667 : memref<1x64x64xf32, #tpu.memory_space<vmem>> -> memref<64x64xf32, #tpu.memory_space<vmem>>
          %dma_wait3A_669 = arith.constant 0 : i32
          %dma_wait3A_670 = tpu.memref_slice %arg7[%dma_wait3A_663, %dma_wait3A_664, %dma_wait3A_669] : memref<3x16x64xi32, #tpu.memory_space<vmem>> -> memref<1x1x64xi32, #tpu.memory_space<vmem>>
          %dma_wait3A_671 = tpu.memref_squeeze %dma_wait3A_670 : memref<1x1x64xi32, #tpu.memory_space<vmem>> -> memref<64xi32, #tpu.memory_space<vmem>>
          %dma_wait3A_672 = arith.constant 0 : i32
          %dma_wait3A_673 = arith.constant 0 : i32
          %dma_wait3A_674 = tpu.memref_slice %arg10[%dma_wait3A_672, %dma_wait3A_673] : memref<10112x64xf32, #tpu.memory_space<vmem_shared>> -> memref<10112x64xf32, #tpu.memory_space<vmem_shared>>
          tpu.wait_indirect_dma semaphore(%arg25 : memref<!tpu.dma_semaphore, #tpu.memory_space<semaphore_mem>>) src(%dma_wait3A_668 : memref<64x64xf32, #tpu.memory_space<vmem>>) dst(%dma_wait3A_674 : memref<10112x64xf32, #tpu.memory_space<vmem_shared>>)
        } else {
        }
        %add3A_350 = arith.constant 4 : i32
        %add3A_351 = arith.addi %add3A_302, %add3A_350 : i32
        %lt3A_352 = arith.constant 320 : i32
        %lt3A_353 = arith.cmpi slt, %add3A_351, %lt3A_352 : i32
        %convert_element_type3A_354 = arith.extui %lt3A_353 : i1 to i32
        %cond3A_355 = arith.constant 0 : i32
        %cond3A_356 = arith.cmpi ne, %convert_element_type3A_354, %cond3A_355 : i32
        scf.if %cond3A_356 {
          %jit3A_662 = arith.constant 16 : i32
          %div3A = arith.divsi %add3A_351, %jit3A_662 : i32
          %sign3A = arith.constant 0 : i32
          %sign3A_663 = arith.cmpi sgt, %add3A_351, %sign3A : i32
          %sign3A_664 = arith.extui %sign3A_663 : i1 to i32
          %sign3A_665 = arith.constant 0 : i32
          %sign3A_666 = arith.cmpi slt, %add3A_351, %sign3A_665 : i32
          %sign3A_667 = arith.extui %sign3A_666 : i1 to i32
          %sign3A_668 = arith.subi %sign3A_664, %sign3A_667 : i32
          %sign3A_669 = arith.constant 0 : i32
          %sign3A_670 = arith.cmpi sgt, %jit3A_662, %sign3A_669 : i32
          %sign3A_671 = arith.extui %sign3A_670 : i1 to i32
          %sign3A_672 = arith.constant 0 : i32
          %sign3A_673 = arith.cmpi slt, %jit3A_662, %sign3A_672 : i32
          %sign3A_674 = arith.extui %sign3A_673 : i1 to i32
          %sign3A_675 = arith.subi %sign3A_671, %sign3A_674 : i32
          %ne3A_676 = arith.cmpi ne, %sign3A_668, %sign3A_675 : i32
          %rem3A_677 = arith.remsi %add3A_351, %jit3A_662 : i32
          %ne3A_678 = arith.constant 0 : i32
          %ne3A_679 = arith.cmpi ne, %rem3A_677, %ne3A_678 : i32
          %and3A_680 = arith.andi %ne3A_676, %ne3A_679 : i1
          %sub3A_681 = arith.constant 1 : i32
          %sub3A_682 = arith.subi %div3A, %sub3A_681 : i32
          %select_n3A_683 = arith.select %and3A_680, %sub3A_682, %div3A : i32
          %jit3A_684 = arith.constant 3 : i32
          %eq3A_685 = arith.constant 0 : i32
          %eq3A_686 = arith.cmpi eq, %jit3A_684, %eq3A_685 : i32
          %jit3A_687 = arith.constant 1 : i32
          %select_n3A_688 = arith.select %eq3A_686, %jit3A_687, %jit3A_684 : i32
          %rem3A_689 = arith.remsi %select_n3A_683, %select_n3A_688 : i32
          %ne3A_690 = arith.constant 0 : i32
          %ne3A_691 = arith.cmpi ne, %rem3A_689, %ne3A_690 : i32
          %lt3A_692 = arith.constant 0 : i32
          %lt3A_693 = arith.cmpi slt, %rem3A_689, %lt3A_692 : i32
          %lt3A_694 = arith.constant 0 : i32
          %lt3A_695 = arith.cmpi slt, %select_n3A_688, %lt3A_694 : i32
          %ne3A_696 = arith.xori %lt3A_693, %lt3A_695 : i1
          %and3A_697 = arith.andi %ne3A_696, %ne3A_691 : i1
          %add3A_698 = arith.addi %rem3A_689, %select_n3A_688 : i32
          %select_n3A_699 = arith.select %and3A_697, %add3A_698, %rem3A_689 : i32
          %jit3A_700 = arith.constant 16 : i32
          %eq3A_701 = arith.constant 0 : i32
          %eq3A_702 = arith.cmpi eq, %jit3A_700, %eq3A_701 : i32
          %jit3A_703 = arith.constant 1 : i32
          %select_n3A_704 = arith.select %eq3A_702, %jit3A_703, %jit3A_700 : i32
          %rem3A_705 = arith.remsi %add3A_351, %select_n3A_704 : i32
          %ne3A_706 = arith.constant 0 : i32
          %ne3A_707 = arith.cmpi ne, %rem3A_705, %ne3A_706 : i32
          %lt3A_708 = arith.constant 0 : i32
          %lt3A_709 = arith.cmpi slt, %rem3A_705, %lt3A_708 : i32
          %lt3A_710 = arith.constant 0 : i32
          %lt3A_711 = arith.cmpi slt, %select_n3A_704, %lt3A_710 : i32
          %ne3A_712 = arith.xori %lt3A_709, %lt3A_711 : i1
          %and3A_713 = arith.andi %ne3A_712, %ne3A_707 : i1
          %add3A_714 = arith.addi %rem3A_705, %select_n3A_704 : i32
          %select_n3A_715 = arith.select %and3A_713, %add3A_714, %rem3A_705 : i32
          %dma_start3A_716 = arith.constant 6 : i32
          %dma_start3A_717 = arith.constant 0 : i32
          %dma_start3A_718 = arith.constant 0 : i32
          %dma_start3A_719 = tpu.memref_slice %arg8[%dma_start3A_716, %dma_start3A_717, %dma_start3A_718] : memref<8x64x64xf32, #tpu.memory_space<vmem>> -> memref<1x64x64xf32, #tpu.memory_space<vmem>>
          %dma_start3A_720 = tpu.memref_squeeze %dma_start3A_719 : memref<1x64x64xf32, #tpu.memory_space<vmem>> -> memref<64x64xf32, #tpu.memory_space<vmem>>
          %dma_start3A_721 = arith.constant 0 : i32
          %dma_start3A_722 = tpu.memref_slice %arg6[%select_n3A_699, %select_n3A_715, %dma_start3A_721] : memref<3x16x64xi32, #tpu.memory_space<vmem>> -> memref<1x1x64xi32, #tpu.memory_space<vmem>>
          %dma_start3A_723 = tpu.memref_squeeze %dma_start3A_722 : memref<1x1x64xi32, #tpu.memory_space<vmem>> -> memref<64xi32, #tpu.memory_space<vmem>>
          %dma_start3A_724 = arith.constant 0 : i32
          %dma_start3A_725 = arith.constant 0 : i32
          %dma_start3A_726 = tpu.memref_slice %arg9[%dma_start3A_724, %dma_start3A_725] : memref<10112x64xf32, #tpu.memory_space<vmem_shared>> -> memref<10112x64xf32, #tpu.memory_space<vmem_shared>>
          tpu.enqueue_indirect_dma source(%dma_start3A_726 : memref<10112x64xf32, #tpu.memory_space<vmem_shared>>) target(%dma_start3A_720 : memref<64x64xf32, #tpu.memory_space<vmem>>) offsets(%dma_start3A_723 : memref<64xi32, #tpu.memory_space<vmem>>) semaphore(%arg17 : memref<!tpu.dma_semaphore, #tpu.memory_space<semaphore_mem>>)
        } else {
        }
        %mul3A_357 = arith.constant 8 : i32
        %mul3A_358 = arith.muli %mul3A_357, %scan3A_180 : i32
        %add3A_359 = arith.constant 3 : i32
        %add3A_360 = arith.addi %mul3A_358, %add3A_359 : i32
        %mul3A_361 = arith.constant 16 : i32
        %mul3A_362 = arith.muli %scan3A_160, %mul3A_361 : i32
        %add3A_363 = arith.addi %mul3A_362, %add3A_360 : i32
        %dma_wait3A_364 = arith.constant 0 : i32
        %dma_wait3A_365 = arith.constant 0 : i32
        %dma_wait3A_366 = arith.constant 3 : i32
        %dma_wait3A_367 = arith.constant 0 : i32
        %dma_wait3A_368 = arith.constant 0 : i32
        %dma_wait3A_369 = tpu.memref_slice %arg8[%dma_wait3A_366, %dma_wait3A_367, %dma_wait3A_368] : memref<8x64x64xf32, #tpu.memory_space<vmem>> -> memref<1x64x64xf32, #tpu.memory_space<vmem>>
        %dma_wait3A_370 = tpu.memref_squeeze %dma_wait3A_369 : memref<1x64x64xf32, #tpu.memory_space<vmem>> -> memref<64x64xf32, #tpu.memory_space<vmem>>
        %dma_wait3A_371 = arith.constant 0 : i32
        %dma_wait3A_372 = tpu.memref_slice %arg6[%dma_wait3A_364, %dma_wait3A_365, %dma_wait3A_371] : memref<3x16x64xi32, #tpu.memory_space<vmem>> -> memref<1x1x64xi32, #tpu.memory_space<vmem>>
        %dma_wait3A_373 = tpu.memref_squeeze %dma_wait3A_372 : memref<1x1x64xi32, #tpu.memory_space<vmem>> -> memref<64xi32, #tpu.memory_space<vmem>>
        %dma_wait3A_374 = arith.constant 0 : i32
        %dma_wait3A_375 = arith.constant 0 : i32
        %dma_wait3A_376 = tpu.memref_slice %arg9[%dma_wait3A_374, %dma_wait3A_375] : memref<10112x64xf32, #tpu.memory_space<vmem_shared>> -> memref<10112x64xf32, #tpu.memory_space<vmem_shared>>
        tpu.wait_indirect_dma semaphore(%arg14 : memref<!tpu.dma_semaphore, #tpu.memory_space<semaphore_mem>>) src(%dma_wait3A_376 : memref<10112x64xf32, #tpu.memory_space<vmem_shared>>) dst(%dma_wait3A_370 : memref<64x64xf32, #tpu.memory_space<vmem>>)
        %jit3A_377 = arith.constant 3 : i32
        %eq3A_378 = arith.constant 0 : i32
        %eq3A_379 = arith.cmpi eq, %jit3A_377, %eq3A_378 : i32
        %jit3A_380 = arith.constant 1 : i32
        %select_n3A_381 = arith.select %eq3A_379, %jit3A_380, %jit3A_377 : i32
        %rem3A_382 = arith.remsi %scan3A_160, %select_n3A_381 : i32
        %ne3A_383 = arith.constant 0 : i32
        %ne3A_384 = arith.cmpi ne, %rem3A_382, %ne3A_383 : i32
        %lt3A_385 = arith.constant 0 : i32
        %lt3A_386 = arith.cmpi slt, %rem3A_382, %lt3A_385 : i32
        %lt3A_387 = arith.constant 0 : i32
        %lt3A_388 = arith.cmpi slt, %select_n3A_381, %lt3A_387 : i32
        %ne3A_389 = arith.xori %lt3A_386, %lt3A_388 : i1
        %and3A_390 = arith.andi %ne3A_389, %ne3A_384 : i1
        %add3A_391 = arith.addi %rem3A_382, %select_n3A_381 : i32
        %select_n3A_392 = arith.select %and3A_390, %add3A_391, %rem3A_382 : i32
        %dma_start3A_393 = arith.constant 3 : i32
        %dma_start3A_394 = arith.constant 0 : i32
        %dma_start3A_395 = arith.constant 0 : i32
        %dma_start3A_396 = tpu.memref_slice %arg8[%dma_start3A_393, %dma_start3A_394, %dma_start3A_395] : memref<8x64x64xf32, #tpu.memory_space<vmem>> -> memref<1x64x64xf32, #tpu.memory_space<vmem>>
        %dma_start3A_397 = tpu.memref_squeeze %dma_start3A_396 : memref<1x64x64xf32, #tpu.memory_space<vmem>> -> memref<64x64xf32, #tpu.memory_space<vmem>>
        %dma_start3A_398 = arith.constant 0 : i32
        %dma_start3A_399 = tpu.memref_slice %arg7[%select_n3A_392, %add3A_360, %dma_start3A_398] : memref<3x16x64xi32, #tpu.memory_space<vmem>> -> memref<1x1x64xi32, #tpu.memory_space<vmem>>
        %dma_start3A_400 = tpu.memref_squeeze %dma_start3A_399 : memref<1x1x64xi32, #tpu.memory_space<vmem>> -> memref<64xi32, #tpu.memory_space<vmem>>
        %dma_start3A_401 = arith.constant 0 : i32
        %dma_start3A_402 = arith.constant 0 : i32
        %dma_start3A_403 = tpu.memref_slice %arg10[%dma_start3A_401, %dma_start3A_402] : memref<10112x64xf32, #tpu.memory_space<vmem_shared>> -> memref<10112x64xf32, #tpu.memory_space<vmem_shared>>
        tpu.enqueue_indirect_dma source(%dma_start3A_397 : memref<64x64xf32, #tpu.memory_space<vmem>>) target(%dma_start3A_403 : memref<10112x64xf32, #tpu.memory_space<vmem_shared>>) offsets(%dma_start3A_400 : memref<64xi32, #tpu.memory_space<vmem>>) semaphore(%arg22 : memref<!tpu.dma_semaphore, #tpu.memory_space<semaphore_mem>>) {add = true}
        %sub3A_404 = arith.constant 4 : i32
        %sub3A_405 = arith.subi %add3A_363, %sub3A_404 : i32
        %ge3A_406 = arith.constant 0 : i32
        %ge3A_407 = arith.cmpi sge, %sub3A_405, %ge3A_406 : i32
        %convert_element_type3A_408 = arith.extui %ge3A_407 : i1 to i32
        %cond3A_409 = arith.constant 0 : i32
        %cond3A_410 = arith.cmpi ne, %convert_element_type3A_408, %cond3A_409 : i32
        scf.if %cond3A_410 {
          %dma_wait3A_662 = arith.constant 7 : i32
          %dma_wait3A_663 = arith.constant 0 : i32
          %dma_wait3A_664 = arith.constant 0 : i32
          %dma_wait3A_665 = arith.constant 0 : i32
          %dma_wait3A_666 = arith.constant 0 : i32
          %dma_wait3A_667 = tpu.memref_slice %arg8[%dma_wait3A_662, %dma_wait3A_665, %dma_wait3A_666] : memref<8x64x64xf32, #tpu.memory_space<vmem>> -> memref<1x64x64xf32, #tpu.memory_space<vmem>>
          %dma_wait3A_668 = tpu.memref_squeeze %dma_wait3A_667 : memref<1x64x64xf32, #tpu.memory_space<vmem>> -> memref<64x64xf32, #tpu.memory_space<vmem>>
          %dma_wait3A_669 = arith.constant 0 : i32
          %dma_wait3A_670 = tpu.memref_slice %arg7[%dma_wait3A_663, %dma_wait3A_664, %dma_wait3A_669] : memref<3x16x64xi32, #tpu.memory_space<vmem>> -> memref<1x1x64xi32, #tpu.memory_space<vmem>>
          %dma_wait3A_671 = tpu.memref_squeeze %dma_wait3A_670 : memref<1x1x64xi32, #tpu.memory_space<vmem>> -> memref<64xi32, #tpu.memory_space<vmem>>
          %dma_wait3A_672 = arith.constant 0 : i32
          %dma_wait3A_673 = arith.constant 0 : i32
          %dma_wait3A_674 = tpu.memref_slice %arg10[%dma_wait3A_672, %dma_wait3A_673] : memref<10112x64xf32, #tpu.memory_space<vmem_shared>> -> memref<10112x64xf32, #tpu.memory_space<vmem_shared>>
          tpu.wait_indirect_dma semaphore(%arg26 : memref<!tpu.dma_semaphore, #tpu.memory_space<semaphore_mem>>) src(%dma_wait3A_668 : memref<64x64xf32, #tpu.memory_space<vmem>>) dst(%dma_wait3A_674 : memref<10112x64xf32, #tpu.memory_space<vmem_shared>>)
        } else {
        }
        %add3A_411 = arith.constant 4 : i32
        %add3A_412 = arith.addi %add3A_363, %add3A_411 : i32
        %lt3A_413 = arith.constant 320 : i32
        %lt3A_414 = arith.cmpi slt, %add3A_412, %lt3A_413 : i32
        %convert_element_type3A_415 = arith.extui %lt3A_414 : i1 to i32
        %cond3A_416 = arith.constant 0 : i32
        %cond3A_417 = arith.cmpi ne, %convert_element_type3A_415, %cond3A_416 : i32
        scf.if %cond3A_417 {
          %jit3A_662 = arith.constant 16 : i32
          %div3A = arith.divsi %add3A_412, %jit3A_662 : i32
          %sign3A = arith.constant 0 : i32
          %sign3A_663 = arith.cmpi sgt, %add3A_412, %sign3A : i32
          %sign3A_664 = arith.extui %sign3A_663 : i1 to i32
          %sign3A_665 = arith.constant 0 : i32
          %sign3A_666 = arith.cmpi slt, %add3A_412, %sign3A_665 : i32
          %sign3A_667 = arith.extui %sign3A_666 : i1 to i32
          %sign3A_668 = arith.subi %sign3A_664, %sign3A_667 : i32
          %sign3A_669 = arith.constant 0 : i32
          %sign3A_670 = arith.cmpi sgt, %jit3A_662, %sign3A_669 : i32
          %sign3A_671 = arith.extui %sign3A_670 : i1 to i32
          %sign3A_672 = arith.constant 0 : i32
          %sign3A_673 = arith.cmpi slt, %jit3A_662, %sign3A_672 : i32
          %sign3A_674 = arith.extui %sign3A_673 : i1 to i32
          %sign3A_675 = arith.subi %sign3A_671, %sign3A_674 : i32
          %ne3A_676 = arith.cmpi ne, %sign3A_668, %sign3A_675 : i32
          %rem3A_677 = arith.remsi %add3A_412, %jit3A_662 : i32
          %ne3A_678 = arith.constant 0 : i32
          %ne3A_679 = arith.cmpi ne, %rem3A_677, %ne3A_678 : i32
          %and3A_680 = arith.andi %ne3A_676, %ne3A_679 : i1
          %sub3A_681 = arith.constant 1 : i32
          %sub3A_682 = arith.subi %div3A, %sub3A_681 : i32
          %select_n3A_683 = arith.select %and3A_680, %sub3A_682, %div3A : i32
          %jit3A_684 = arith.constant 3 : i32
          %eq3A_685 = arith.constant 0 : i32
          %eq3A_686 = arith.cmpi eq, %jit3A_684, %eq3A_685 : i32
          %jit3A_687 = arith.constant 1 : i32
          %select_n3A_688 = arith.select %eq3A_686, %jit3A_687, %jit3A_684 : i32
          %rem3A_689 = arith.remsi %select_n3A_683, %select_n3A_688 : i32
          %ne3A_690 = arith.constant 0 : i32
          %ne3A_691 = arith.cmpi ne, %rem3A_689, %ne3A_690 : i32
          %lt3A_692 = arith.constant 0 : i32
          %lt3A_693 = arith.cmpi slt, %rem3A_689, %lt3A_692 : i32
          %lt3A_694 = arith.constant 0 : i32
          %lt3A_695 = arith.cmpi slt, %select_n3A_688, %lt3A_694 : i32
          %ne3A_696 = arith.xori %lt3A_693, %lt3A_695 : i1
          %and3A_697 = arith.andi %ne3A_696, %ne3A_691 : i1
          %add3A_698 = arith.addi %rem3A_689, %select_n3A_688 : i32
          %select_n3A_699 = arith.select %and3A_697, %add3A_698, %rem3A_689 : i32
          %jit3A_700 = arith.constant 16 : i32
          %eq3A_701 = arith.constant 0 : i32
          %eq3A_702 = arith.cmpi eq, %jit3A_700, %eq3A_701 : i32
          %jit3A_703 = arith.constant 1 : i32
          %select_n3A_704 = arith.select %eq3A_702, %jit3A_703, %jit3A_700 : i32
          %rem3A_705 = arith.remsi %add3A_412, %select_n3A_704 : i32
          %ne3A_706 = arith.constant 0 : i32
          %ne3A_707 = arith.cmpi ne, %rem3A_705, %ne3A_706 : i32
          %lt3A_708 = arith.constant 0 : i32
          %lt3A_709 = arith.cmpi slt, %rem3A_705, %lt3A_708 : i32
          %lt3A_710 = arith.constant 0 : i32
          %lt3A_711 = arith.cmpi slt, %select_n3A_704, %lt3A_710 : i32
          %ne3A_712 = arith.xori %lt3A_709, %lt3A_711 : i1
          %and3A_713 = arith.andi %ne3A_712, %ne3A_707 : i1
          %add3A_714 = arith.addi %rem3A_705, %select_n3A_704 : i32
          %select_n3A_715 = arith.select %and3A_713, %add3A_714, %rem3A_705 : i32
          %dma_start3A_716 = arith.constant 7 : i32
          %dma_start3A_717 = arith.constant 0 : i32
          %dma_start3A_718 = arith.constant 0 : i32
          %dma_start3A_719 = tpu.memref_slice %arg8[%dma_start3A_716, %dma_start3A_717, %dma_start3A_718] : memref<8x64x64xf32, #tpu.memory_space<vmem>> -> memref<1x64x64xf32, #tpu.memory_space<vmem>>
          %dma_start3A_720 = tpu.memref_squeeze %dma_start3A_719 : memref<1x64x64xf32, #tpu.memory_space<vmem>> -> memref<64x64xf32, #tpu.memory_space<vmem>>
          %dma_start3A_721 = arith.constant 0 : i32
          %dma_start3A_722 = tpu.memref_slice %arg6[%select_n3A_699, %select_n3A_715, %dma_start3A_721] : memref<3x16x64xi32, #tpu.memory_space<vmem>> -> memref<1x1x64xi32, #tpu.memory_space<vmem>>
          %dma_start3A_723 = tpu.memref_squeeze %dma_start3A_722 : memref<1x1x64xi32, #tpu.memory_space<vmem>> -> memref<64xi32, #tpu.memory_space<vmem>>
          %dma_start3A_724 = arith.constant 0 : i32
          %dma_start3A_725 = arith.constant 0 : i32
          %dma_start3A_726 = tpu.memref_slice %arg9[%dma_start3A_724, %dma_start3A_725] : memref<10112x64xf32, #tpu.memory_space<vmem_shared>> -> memref<10112x64xf32, #tpu.memory_space<vmem_shared>>
          tpu.enqueue_indirect_dma source(%dma_start3A_726 : memref<10112x64xf32, #tpu.memory_space<vmem_shared>>) target(%dma_start3A_720 : memref<64x64xf32, #tpu.memory_space<vmem>>) offsets(%dma_start3A_723 : memref<64xi32, #tpu.memory_space<vmem>>) semaphore(%arg18 : memref<!tpu.dma_semaphore, #tpu.memory_space<semaphore_mem>>)
        } else {
        }
        %mul3A_418 = arith.constant 8 : i32
        %mul3A_419 = arith.muli %mul3A_418, %scan3A_180 : i32
        %add3A_420 = arith.constant 4 : i32
        %add3A_421 = arith.addi %mul3A_419, %add3A_420 : i32
        %mul3A_422 = arith.constant 16 : i32
        %mul3A_423 = arith.muli %scan3A_160, %mul3A_422 : i32
        %add3A_424 = arith.addi %mul3A_423, %add3A_421 : i32
        %dma_wait3A_425 = arith.constant 0 : i32
        %dma_wait3A_426 = arith.constant 0 : i32
        %dma_wait3A_427 = arith.constant 4 : i32
        %dma_wait3A_428 = arith.constant 0 : i32
        %dma_wait3A_429 = arith.constant 0 : i32
        %dma_wait3A_430 = tpu.memref_slice %arg8[%dma_wait3A_427, %dma_wait3A_428, %dma_wait3A_429] : memref<8x64x64xf32, #tpu.memory_space<vmem>> -> memref<1x64x64xf32, #tpu.memory_space<vmem>>
        %dma_wait3A_431 = tpu.memref_squeeze %dma_wait3A_430 : memref<1x64x64xf32, #tpu.memory_space<vmem>> -> memref<64x64xf32, #tpu.memory_space<vmem>>
        %dma_wait3A_432 = arith.constant 0 : i32
        %dma_wait3A_433 = tpu.memref_slice %arg6[%dma_wait3A_425, %dma_wait3A_426, %dma_wait3A_432] : memref<3x16x64xi32, #tpu.memory_space<vmem>> -> memref<1x1x64xi32, #tpu.memory_space<vmem>>
        %dma_wait3A_434 = tpu.memref_squeeze %dma_wait3A_433 : memref<1x1x64xi32, #tpu.memory_space<vmem>> -> memref<64xi32, #tpu.memory_space<vmem>>
        %dma_wait3A_435 = arith.constant 0 : i32
        %dma_wait3A_436 = arith.constant 0 : i32
        %dma_wait3A_437 = tpu.memref_slice %arg9[%dma_wait3A_435, %dma_wait3A_436] : memref<10112x64xf32, #tpu.memory_space<vmem_shared>> -> memref<10112x64xf32, #tpu.memory_space<vmem_shared>>
        tpu.wait_indirect_dma semaphore(%arg15 : memref<!tpu.dma_semaphore, #tpu.memory_space<semaphore_mem>>) src(%dma_wait3A_437 : memref<10112x64xf32, #tpu.memory_space<vmem_shared>>) dst(%dma_wait3A_431 : memref<64x64xf32, #tpu.memory_space<vmem>>)
        %jit3A_438 = arith.constant 3 : i32
        %eq3A_439 = arith.constant 0 : i32
        %eq3A_440 = arith.cmpi eq, %jit3A_438, %eq3A_439 : i32
        %jit3A_441 = arith.constant 1 : i32
        %select_n3A_442 = arith.select %eq3A_440, %jit3A_441, %jit3A_438 : i32
        %rem3A_443 = arith.remsi %scan3A_160, %select_n3A_442 : i32
        %ne3A_444 = arith.constant 0 : i32
        %ne3A_445 = arith.cmpi ne, %rem3A_443, %ne3A_444 : i32
        %lt3A_446 = arith.constant 0 : i32
        %lt3A_447 = arith.cmpi slt, %rem3A_443, %lt3A_446 : i32
        %lt3A_448 = arith.constant 0 : i32
        %lt3A_449 = arith.cmpi slt, %select_n3A_442, %lt3A_448 : i32
        %ne3A_450 = arith.xori %lt3A_447, %lt3A_449 : i1
        %and3A_451 = arith.andi %ne3A_450, %ne3A_445 : i1
        %add3A_452 = arith.addi %rem3A_443, %select_n3A_442 : i32
        %select_n3A_453 = arith.select %and3A_451, %add3A_452, %rem3A_443 : i32
        %dma_start3A_454 = arith.constant 4 : i32
        %dma_start3A_455 = arith.constant 0 : i32
        %dma_start3A_456 = arith.constant 0 : i32
        %dma_start3A_457 = tpu.memref_slice %arg8[%dma_start3A_454, %dma_start3A_455, %dma_start3A_456] : memref<8x64x64xf32, #tpu.memory_space<vmem>> -> memref<1x64x64xf32, #tpu.memory_space<vmem>>
        %dma_start3A_458 = tpu.memref_squeeze %dma_start3A_457 : memref<1x64x64xf32, #tpu.memory_space<vmem>> -> memref<64x64xf32, #tpu.memory_space<vmem>>
        %dma_start3A_459 = arith.constant 0 : i32
        %dma_start3A_460 = tpu.memref_slice %arg7[%select_n3A_453, %add3A_421, %dma_start3A_459] : memref<3x16x64xi32, #tpu.memory_space<vmem>> -> memref<1x1x64xi32, #tpu.memory_space<vmem>>
        %dma_start3A_461 = tpu.memref_squeeze %dma_start3A_460 : memref<1x1x64xi32, #tpu.memory_space<vmem>> -> memref<64xi32, #tpu.memory_space<vmem>>
        %dma_start3A_462 = arith.constant 0 : i32
        %dma_start3A_463 = arith.constant 0 : i32
        %dma_start3A_464 = tpu.memref_slice %arg10[%dma_start3A_462, %dma_start3A_463] : memref<10112x64xf32, #tpu.memory_space<vmem_shared>> -> memref<10112x64xf32, #tpu.memory_space<vmem_shared>>
        tpu.enqueue_indirect_dma source(%dma_start3A_458 : memref<64x64xf32, #tpu.memory_space<vmem>>) target(%dma_start3A_464 : memref<10112x64xf32, #tpu.memory_space<vmem_shared>>) offsets(%dma_start3A_461 : memref<64xi32, #tpu.memory_space<vmem>>) semaphore(%arg23 : memref<!tpu.dma_semaphore, #tpu.memory_space<semaphore_mem>>) {add = true}
        %sub3A_465 = arith.constant 4 : i32
        %sub3A_466 = arith.subi %add3A_424, %sub3A_465 : i32
        %ge3A_467 = arith.constant 0 : i32
        %ge3A_468 = arith.cmpi sge, %sub3A_466, %ge3A_467 : i32
        %convert_element_type3A_469 = arith.extui %ge3A_468 : i1 to i32
        %cond3A_470 = arith.constant 0 : i32
        %cond3A_471 = arith.cmpi ne, %convert_element_type3A_469, %cond3A_470 : i32
        scf.if %cond3A_471 {
          %dma_wait3A_662 = arith.constant 0 : i32
          %dma_wait3A_663 = arith.constant 0 : i32
          %dma_wait3A_664 = arith.constant 0 : i32
          %dma_wait3A_665 = arith.constant 0 : i32
          %dma_wait3A_666 = arith.constant 0 : i32
          %dma_wait3A_667 = tpu.memref_slice %arg8[%dma_wait3A_662, %dma_wait3A_665, %dma_wait3A_666] : memref<8x64x64xf32, #tpu.memory_space<vmem>> -> memref<1x64x64xf32, #tpu.memory_space<vmem>>
          %dma_wait3A_668 = tpu.memref_squeeze %dma_wait3A_667 : memref<1x64x64xf32, #tpu.memory_space<vmem>> -> memref<64x64xf32, #tpu.memory_space<vmem>>
          %dma_wait3A_669 = arith.constant 0 : i32
          %dma_wait3A_670 = tpu.memref_slice %arg7[%dma_wait3A_663, %dma_wait3A_664, %dma_wait3A_669] : memref<3x16x64xi32, #tpu.memory_space<vmem>> -> memref<1x1x64xi32, #tpu.memory_space<vmem>>
          %dma_wait3A_671 = tpu.memref_squeeze %dma_wait3A_670 : memref<1x1x64xi32, #tpu.memory_space<vmem>> -> memref<64xi32, #tpu.memory_space<vmem>>
          %dma_wait3A_672 = arith.constant 0 : i32
          %dma_wait3A_673 = arith.constant 0 : i32
          %dma_wait3A_674 = tpu.memref_slice %arg10[%dma_wait3A_672, %dma_wait3A_673] : memref<10112x64xf32, #tpu.memory_space<vmem_shared>> -> memref<10112x64xf32, #tpu.memory_space<vmem_shared>>
          tpu.wait_indirect_dma semaphore(%arg19 : memref<!tpu.dma_semaphore, #tpu.memory_space<semaphore_mem>>) src(%dma_wait3A_668 : memref<64x64xf32, #tpu.memory_space<vmem>>) dst(%dma_wait3A_674 : memref<10112x64xf32, #tpu.memory_space<vmem_shared>>)
        } else {
        }
        %add3A_472 = arith.constant 4 : i32
        %add3A_473 = arith.addi %add3A_424, %add3A_472 : i32
        %lt3A_474 = arith.constant 320 : i32
        %lt3A_475 = arith.cmpi slt, %add3A_473, %lt3A_474 : i32
        %convert_element_type3A_476 = arith.extui %lt3A_475 : i1 to i32
        %cond3A_477 = arith.constant 0 : i32
        %cond3A_478 = arith.cmpi ne, %convert_element_type3A_476, %cond3A_477 : i32
        scf.if %cond3A_478 {
          %jit3A_662 = arith.constant 16 : i32
          %div3A = arith.divsi %add3A_473, %jit3A_662 : i32
          %sign3A = arith.constant 0 : i32
          %sign3A_663 = arith.cmpi sgt, %add3A_473, %sign3A : i32
          %sign3A_664 = arith.extui %sign3A_663 : i1 to i32
          %sign3A_665 = arith.constant 0 : i32
          %sign3A_666 = arith.cmpi slt, %add3A_473, %sign3A_665 : i32
          %sign3A_667 = arith.extui %sign3A_666 : i1 to i32
          %sign3A_668 = arith.subi %sign3A_664, %sign3A_667 : i32
          %sign3A_669 = arith.constant 0 : i32
          %sign3A_670 = arith.cmpi sgt, %jit3A_662, %sign3A_669 : i32
          %sign3A_671 = arith.extui %sign3A_670 : i1 to i32
          %sign3A_672 = arith.constant 0 : i32
          %sign3A_673 = arith.cmpi slt, %jit3A_662, %sign3A_672 : i32
          %sign3A_674 = arith.extui %sign3A_673 : i1 to i32
          %sign3A_675 = arith.subi %sign3A_671, %sign3A_674 : i32
          %ne3A_676 = arith.cmpi ne, %sign3A_668, %sign3A_675 : i32
          %rem3A_677 = arith.remsi %add3A_473, %jit3A_662 : i32
          %ne3A_678 = arith.constant 0 : i32
          %ne3A_679 = arith.cmpi ne, %rem3A_677, %ne3A_678 : i32
          %and3A_680 = arith.andi %ne3A_676, %ne3A_679 : i1
          %sub3A_681 = arith.constant 1 : i32
          %sub3A_682 = arith.subi %div3A, %sub3A_681 : i32
          %select_n3A_683 = arith.select %and3A_680, %sub3A_682, %div3A : i32
          %jit3A_684 = arith.constant 3 : i32
          %eq3A_685 = arith.constant 0 : i32
          %eq3A_686 = arith.cmpi eq, %jit3A_684, %eq3A_685 : i32
          %jit3A_687 = arith.constant 1 : i32
          %select_n3A_688 = arith.select %eq3A_686, %jit3A_687, %jit3A_684 : i32
          %rem3A_689 = arith.remsi %select_n3A_683, %select_n3A_688 : i32
          %ne3A_690 = arith.constant 0 : i32
          %ne3A_691 = arith.cmpi ne, %rem3A_689, %ne3A_690 : i32
          %lt3A_692 = arith.constant 0 : i32
          %lt3A_693 = arith.cmpi slt, %rem3A_689, %lt3A_692 : i32
          %lt3A_694 = arith.constant 0 : i32
          %lt3A_695 = arith.cmpi slt, %select_n3A_688, %lt3A_694 : i32
          %ne3A_696 = arith.xori %lt3A_693, %lt3A_695 : i1
          %and3A_697 = arith.andi %ne3A_696, %ne3A_691 : i1
          %add3A_698 = arith.addi %rem3A_689, %select_n3A_688 : i32
          %select_n3A_699 = arith.select %and3A_697, %add3A_698, %rem3A_689 : i32
          %jit3A_700 = arith.constant 16 : i32
          %eq3A_701 = arith.constant 0 : i32
          %eq3A_702 = arith.cmpi eq, %jit3A_700, %eq3A_701 : i32
          %jit3A_703 = arith.constant 1 : i32
          %select_n3A_704 = arith.select %eq3A_702, %jit3A_703, %jit3A_700 : i32
          %rem3A_705 = arith.remsi %add3A_473, %select_n3A_704 : i32
          %ne3A_706 = arith.constant 0 : i32
          %ne3A_707 = arith.cmpi ne, %rem3A_705, %ne3A_706 : i32
          %lt3A_708 = arith.constant 0 : i32
          %lt3A_709 = arith.cmpi slt, %rem3A_705, %lt3A_708 : i32
          %lt3A_710 = arith.constant 0 : i32
          %lt3A_711 = arith.cmpi slt, %select_n3A_704, %lt3A_710 : i32
          %ne3A_712 = arith.xori %lt3A_709, %lt3A_711 : i1
          %and3A_713 = arith.andi %ne3A_712, %ne3A_707 : i1
          %add3A_714 = arith.addi %rem3A_705, %select_n3A_704 : i32
          %select_n3A_715 = arith.select %and3A_713, %add3A_714, %rem3A_705 : i32
          %dma_start3A_716 = arith.constant 0 : i32
          %dma_start3A_717 = arith.constant 0 : i32
          %dma_start3A_718 = arith.constant 0 : i32
          %dma_start3A_719 = tpu.memref_slice %arg8[%dma_start3A_716, %dma_start3A_717, %dma_start3A_718] : memref<8x64x64xf32, #tpu.memory_space<vmem>> -> memref<1x64x64xf32, #tpu.memory_space<vmem>>
          %dma_start3A_720 = tpu.memref_squeeze %dma_start3A_719 : memref<1x64x64xf32, #tpu.memory_space<vmem>> -> memref<64x64xf32, #tpu.memory_space<vmem>>
          %dma_start3A_721 = arith.constant 0 : i32
          %dma_start3A_722 = tpu.memref_slice %arg6[%select_n3A_699, %select_n3A_715, %dma_start3A_721] : memref<3x16x64xi32, #tpu.memory_space<vmem>> -> memref<1x1x64xi32, #tpu.memory_space<vmem>>
          %dma_start3A_723 = tpu.memref_squeeze %dma_start3A_722 : memref<1x1x64xi32, #tpu.memory_space<vmem>> -> memref<64xi32, #tpu.memory_space<vmem>>
          %dma_start3A_724 = arith.constant 0 : i32
          %dma_start3A_725 = arith.constant 0 : i32
          %dma_start3A_726 = tpu.memref_slice %arg9[%dma_start3A_724, %dma_start3A_725] : memref<10112x64xf32, #tpu.memory_space<vmem_shared>> -> memref<10112x64xf32, #tpu.memory_space<vmem_shared>>
          tpu.enqueue_indirect_dma source(%dma_start3A_726 : memref<10112x64xf32, #tpu.memory_space<vmem_shared>>) target(%dma_start3A_720 : memref<64x64xf32, #tpu.memory_space<vmem>>) offsets(%dma_start3A_723 : memref<64xi32, #tpu.memory_space<vmem>>) semaphore(%arg11 : memref<!tpu.dma_semaphore, #tpu.memory_space<semaphore_mem>>)
        } else {
        }
        %mul3A_479 = arith.constant 8 : i32
        %mul3A_480 = arith.muli %mul3A_479, %scan3A_180 : i32
        %add3A_481 = arith.constant 5 : i32
        %add3A_482 = arith.addi %mul3A_480, %add3A_481 : i32
        %mul3A_483 = arith.constant 16 : i32
        %mul3A_484 = arith.muli %scan3A_160, %mul3A_483 : i32
        %add3A_485 = arith.addi %mul3A_484, %add3A_482 : i32
        %dma_wait3A_486 = arith.constant 0 : i32
        %dma_wait3A_487 = arith.constant 0 : i32
        %dma_wait3A_488 = arith.constant 5 : i32
        %dma_wait3A_489 = arith.constant 0 : i32
        %dma_wait3A_490 = arith.constant 0 : i32
        %dma_wait3A_491 = tpu.memref_slice %arg8[%dma_wait3A_488, %dma_wait3A_489, %dma_wait3A_490] : memref<8x64x64xf32, #tpu.memory_space<vmem>> -> memref<1x64x64xf32, #tpu.memory_space<vmem>>
        %dma_wait3A_492 = tpu.memref_squeeze %dma_wait3A_491 : memref<1x64x64xf32, #tpu.memory_space<vmem>> -> memref<64x64xf32, #tpu.memory_space<vmem>>
        %dma_wait3A_493 = arith.constant 0 : i32
        %dma_wait3A_494 = tpu.memref_slice %arg6[%dma_wait3A_486, %dma_wait3A_487, %dma_wait3A_493] : memref<3x16x64xi32, #tpu.memory_space<vmem>> -> memref<1x1x64xi32, #tpu.memory_space<vmem>>
        %dma_wait3A_495 = tpu.memref_squeeze %dma_wait3A_494 : memref<1x1x64xi32, #tpu.memory_space<vmem>> -> memref<64xi32, #tpu.memory_space<vmem>>
        %dma_wait3A_496 = arith.constant 0 : i32
        %dma_wait3A_497 = arith.constant 0 : i32
        %dma_wait3A_498 = tpu.memref_slice %arg9[%dma_wait3A_496, %dma_wait3A_497] : memref<10112x64xf32, #tpu.memory_space<vmem_shared>> -> memref<10112x64xf32, #tpu.memory_space<vmem_shared>>
        tpu.wait_indirect_dma semaphore(%arg16 : memref<!tpu.dma_semaphore, #tpu.memory_space<semaphore_mem>>) src(%dma_wait3A_498 : memref<10112x64xf32, #tpu.memory_space<vmem_shared>>) dst(%dma_wait3A_492 : memref<64x64xf32, #tpu.memory_space<vmem>>)
        %jit3A_499 = arith.constant 3 : i32
        %eq3A_500 = arith.constant 0 : i32
        %eq3A_501 = arith.cmpi eq, %jit3A_499, %eq3A_500 : i32
        %jit3A_502 = arith.constant 1 : i32
        %select_n3A_503 = arith.select %eq3A_501, %jit3A_502, %jit3A_499 : i32
        %rem3A_504 = arith.remsi %scan3A_160, %select_n3A_503 : i32
        %ne3A_505 = arith.constant 0 : i32
        %ne3A_506 = arith.cmpi ne, %rem3A_504, %ne3A_505 : i32
        %lt3A_507 = arith.constant 0 : i32
        %lt3A_508 = arith.cmpi slt, %rem3A_504, %lt3A_507 : i32
        %lt3A_509 = arith.constant 0 : i32
        %lt3A_510 = arith.cmpi slt, %select_n3A_503, %lt3A_509 : i32
        %ne3A_511 = arith.xori %lt3A_508, %lt3A_510 : i1
        %and3A_512 = arith.andi %ne3A_511, %ne3A_506 : i1
        %add3A_513 = arith.addi %rem3A_504, %select_n3A_503 : i32
        %select_n3A_514 = arith.select %and3A_512, %add3A_513, %rem3A_504 : i32
        %dma_start3A_515 = arith.constant 5 : i32
        %dma_start3A_516 = arith.constant 0 : i32
        %dma_start3A_517 = arith.constant 0 : i32
        %dma_start3A_518 = tpu.memref_slice %arg8[%dma_start3A_515, %dma_start3A_516, %dma_start3A_517] : memref<8x64x64xf32, #tpu.memory_space<vmem>> -> memref<1x64x64xf32, #tpu.memory_space<vmem>>
        %dma_start3A_519 = tpu.memref_squeeze %dma_start3A_518 : memref<1x64x64xf32, #tpu.memory_space<vmem>> -> memref<64x64xf32, #tpu.memory_space<vmem>>
        %dma_start3A_520 = arith.constant 0 : i32
        %dma_start3A_521 = tpu.memref_slice %arg7[%select_n3A_514, %add3A_482, %dma_start3A_520] : memref<3x16x64xi32, #tpu.memory_space<vmem>> -> memref<1x1x64xi32, #tpu.memory_space<vmem>>
        %dma_start3A_522 = tpu.memref_squeeze %dma_start3A_521 : memref<1x1x64xi32, #tpu.memory_space<vmem>> -> memref<64xi32, #tpu.memory_space<vmem>>
        %dma_start3A_523 = arith.constant 0 : i32
        %dma_start3A_524 = arith.constant 0 : i32
        %dma_start3A_525 = tpu.memref_slice %arg10[%dma_start3A_523, %dma_start3A_524] : memref<10112x64xf32, #tpu.memory_space<vmem_shared>> -> memref<10112x64xf32, #tpu.memory_space<vmem_shared>>
        tpu.enqueue_indirect_dma source(%dma_start3A_519 : memref<64x64xf32, #tpu.memory_space<vmem>>) target(%dma_start3A_525 : memref<10112x64xf32, #tpu.memory_space<vmem_shared>>) offsets(%dma_start3A_522 : memref<64xi32, #tpu.memory_space<vmem>>) semaphore(%arg24 : memref<!tpu.dma_semaphore, #tpu.memory_space<semaphore_mem>>) {add = true}
        %sub3A_526 = arith.constant 4 : i32
        %sub3A_527 = arith.subi %add3A_485, %sub3A_526 : i32
        %ge3A_528 = arith.constant 0 : i32
        %ge3A_529 = arith.cmpi sge, %sub3A_527, %ge3A_528 : i32
        %convert_element_type3A_530 = arith.extui %ge3A_529 : i1 to i32
        %cond3A_531 = arith.constant 0 : i32
        %cond3A_532 = arith.cmpi ne, %convert_element_type3A_530, %cond3A_531 : i32
        scf.if %cond3A_532 {
          %dma_wait3A_662 = arith.constant 1 : i32
          %dma_wait3A_663 = arith.constant 0 : i32
          %dma_wait3A_664 = arith.constant 0 : i32
          %dma_wait3A_665 = arith.constant 0 : i32
          %dma_wait3A_666 = arith.constant 0 : i32
          %dma_wait3A_667 = tpu.memref_slice %arg8[%dma_wait3A_662, %dma_wait3A_665, %dma_wait3A_666] : memref<8x64x64xf32, #tpu.memory_space<vmem>> -> memref<1x64x64xf32, #tpu.memory_space<vmem>>
          %dma_wait3A_668 = tpu.memref_squeeze %dma_wait3A_667 : memref<1x64x64xf32, #tpu.memory_space<vmem>> -> memref<64x64xf32, #tpu.memory_space<vmem>>
          %dma_wait3A_669 = arith.constant 0 : i32
          %dma_wait3A_670 = tpu.memref_slice %arg7[%dma_wait3A_663, %dma_wait3A_664, %dma_wait3A_669] : memref<3x16x64xi32, #tpu.memory_space<vmem>> -> memref<1x1x64xi32, #tpu.memory_space<vmem>>
          %dma_wait3A_671 = tpu.memref_squeeze %dma_wait3A_670 : memref<1x1x64xi32, #tpu.memory_space<vmem>> -> memref<64xi32, #tpu.memory_space<vmem>>
          %dma_wait3A_672 = arith.constant 0 : i32
          %dma_wait3A_673 = arith.constant 0 : i32
          %dma_wait3A_674 = tpu.memref_slice %arg10[%dma_wait3A_672, %dma_wait3A_673] : memref<10112x64xf32, #tpu.memory_space<vmem_shared>> -> memref<10112x64xf32, #tpu.memory_space<vmem_shared>>
          tpu.wait_indirect_dma semaphore(%arg20 : memref<!tpu.dma_semaphore, #tpu.memory_space<semaphore_mem>>) src(%dma_wait3A_668 : memref<64x64xf32, #tpu.memory_space<vmem>>) dst(%dma_wait3A_674 : memref<10112x64xf32, #tpu.memory_space<vmem_shared>>)
        } else {
        }
        %add3A_533 = arith.constant 4 : i32
        %add3A_534 = arith.addi %add3A_485, %add3A_533 : i32
        %lt3A_535 = arith.constant 320 : i32
        %lt3A_536 = arith.cmpi slt, %add3A_534, %lt3A_535 : i32
        %convert_element_type3A_537 = arith.extui %lt3A_536 : i1 to i32
        %cond3A_538 = arith.constant 0 : i32
        %cond3A_539 = arith.cmpi ne, %convert_element_type3A_537, %cond3A_538 : i32
        scf.if %cond3A_539 {
          %jit3A_662 = arith.constant 16 : i32
          %div3A = arith.divsi %add3A_534, %jit3A_662 : i32
          %sign3A = arith.constant 0 : i32
          %sign3A_663 = arith.cmpi sgt, %add3A_534, %sign3A : i32
          %sign3A_664 = arith.extui %sign3A_663 : i1 to i32
          %sign3A_665 = arith.constant 0 : i32
          %sign3A_666 = arith.cmpi slt, %add3A_534, %sign3A_665 : i32
          %sign3A_667 = arith.extui %sign3A_666 : i1 to i32
          %sign3A_668 = arith.subi %sign3A_664, %sign3A_667 : i32
          %sign3A_669 = arith.constant 0 : i32
          %sign3A_670 = arith.cmpi sgt, %jit3A_662, %sign3A_669 : i32
          %sign3A_671 = arith.extui %sign3A_670 : i1 to i32
          %sign3A_672 = arith.constant 0 : i32
          %sign3A_673 = arith.cmpi slt, %jit3A_662, %sign3A_672 : i32
          %sign3A_674 = arith.extui %sign3A_673 : i1 to i32
          %sign3A_675 = arith.subi %sign3A_671, %sign3A_674 : i32
          %ne3A_676 = arith.cmpi ne, %sign3A_668, %sign3A_675 : i32
          %rem3A_677 = arith.remsi %add3A_534, %jit3A_662 : i32
          %ne3A_678 = arith.constant 0 : i32
          %ne3A_679 = arith.cmpi ne, %rem3A_677, %ne3A_678 : i32
          %and3A_680 = arith.andi %ne3A_676, %ne3A_679 : i1
          %sub3A_681 = arith.constant 1 : i32
          %sub3A_682 = arith.subi %div3A, %sub3A_681 : i32
          %select_n3A_683 = arith.select %and3A_680, %sub3A_682, %div3A : i32
          %jit3A_684 = arith.constant 3 : i32
          %eq3A_685 = arith.constant 0 : i32
          %eq3A_686 = arith.cmpi eq, %jit3A_684, %eq3A_685 : i32
          %jit3A_687 = arith.constant 1 : i32
          %select_n3A_688 = arith.select %eq3A_686, %jit3A_687, %jit3A_684 : i32
          %rem3A_689 = arith.remsi %select_n3A_683, %select_n3A_688 : i32
          %ne3A_690 = arith.constant 0 : i32
          %ne3A_691 = arith.cmpi ne, %rem3A_689, %ne3A_690 : i32
          %lt3A_692 = arith.constant 0 : i32
          %lt3A_693 = arith.cmpi slt, %rem3A_689, %lt3A_692 : i32
          %lt3A_694 = arith.constant 0 : i32
          %lt3A_695 = arith.cmpi slt, %select_n3A_688, %lt3A_694 : i32
          %ne3A_696 = arith.xori %lt3A_693, %lt3A_695 : i1
          %and3A_697 = arith.andi %ne3A_696, %ne3A_691 : i1
          %add3A_698 = arith.addi %rem3A_689, %select_n3A_688 : i32
          %select_n3A_699 = arith.select %and3A_697, %add3A_698, %rem3A_689 : i32
          %jit3A_700 = arith.constant 16 : i32
          %eq3A_701 = arith.constant 0 : i32
          %eq3A_702 = arith.cmpi eq, %jit3A_700, %eq3A_701 : i32
          %jit3A_703 = arith.constant 1 : i32
          %select_n3A_704 = arith.select %eq3A_702, %jit3A_703, %jit3A_700 : i32
          %rem3A_705 = arith.remsi %add3A_534, %select_n3A_704 : i32
          %ne3A_706 = arith.constant 0 : i32
          %ne3A_707 = arith.cmpi ne, %rem3A_705, %ne3A_706 : i32
          %lt3A_708 = arith.constant 0 : i32
          %lt3A_709 = arith.cmpi slt, %rem3A_705, %lt3A_708 : i32
          %lt3A_710 = arith.constant 0 : i32
          %lt3A_711 = arith.cmpi slt, %select_n3A_704, %lt3A_710 : i32
          %ne3A_712 = arith.xori %lt3A_709, %lt3A_711 : i1
          %and3A_713 = arith.andi %ne3A_712, %ne3A_707 : i1
          %add3A_714 = arith.addi %rem3A_705, %select_n3A_704 : i32
          %select_n3A_715 = arith.select %and3A_713, %add3A_714, %rem3A_705 : i32
          %dma_start3A_716 = arith.constant 1 : i32
          %dma_start3A_717 = arith.constant 0 : i32
          %dma_start3A_718 = arith.constant 0 : i32
          %dma_start3A_719 = tpu.memref_slice %arg8[%dma_start3A_716, %dma_start3A_717, %dma_start3A_718] : memref<8x64x64xf32, #tpu.memory_space<vmem>> -> memref<1x64x64xf32, #tpu.memory_space<vmem>>
          %dma_start3A_720 = tpu.memref_squeeze %dma_start3A_719 : memref<1x64x64xf32, #tpu.memory_space<vmem>> -> memref<64x64xf32, #tpu.memory_space<vmem>>
          %dma_start3A_721 = arith.constant 0 : i32
          %dma_start3A_722 = tpu.memref_slice %arg6[%select_n3A_699, %select_n3A_715, %dma_start3A_721] : memref<3x16x64xi32, #tpu.memory_space<vmem>> -> memref<1x1x64xi32, #tpu.memory_space<vmem>>
          %dma_start3A_723 = tpu.memref_squeeze %dma_start3A_722 : memref<1x1x64xi32, #tpu.memory_space<vmem>> -> memref<64xi32, #tpu.memory_space<vmem>>
          %dma_start3A_724 = arith.constant 0 : i32
          %dma_start3A_725 = arith.constant 0 : i32
          %dma_start3A_726 = tpu.memref_slice %arg9[%dma_start3A_724, %dma_start3A_725] : memref<10112x64xf32, #tpu.memory_space<vmem_shared>> -> memref<10112x64xf32, #tpu.memory_space<vmem_shared>>
          tpu.enqueue_indirect_dma source(%dma_start3A_726 : memref<10112x64xf32, #tpu.memory_space<vmem_shared>>) target(%dma_start3A_720 : memref<64x64xf32, #tpu.memory_space<vmem>>) offsets(%dma_start3A_723 : memref<64xi32, #tpu.memory_space<vmem>>) semaphore(%arg12 : memref<!tpu.dma_semaphore, #tpu.memory_space<semaphore_mem>>)
        } else {
        }
        %mul3A_540 = arith.constant 8 : i32
        %mul3A_541 = arith.muli %mul3A_540, %scan3A_180 : i32
        %add3A_542 = arith.constant 6 : i32
        %add3A_543 = arith.addi %mul3A_541, %add3A_542 : i32
        %mul3A_544 = arith.constant 16 : i32
        %mul3A_545 = arith.muli %scan3A_160, %mul3A_544 : i32
        %add3A_546 = arith.addi %mul3A_545, %add3A_543 : i32
        %dma_wait3A_547 = arith.constant 0 : i32
        %dma_wait3A_548 = arith.constant 0 : i32
        %dma_wait3A_549 = arith.constant 6 : i32
        %dma_wait3A_550 = arith.constant 0 : i32
        %dma_wait3A_551 = arith.constant 0 : i32
        %dma_wait3A_552 = tpu.memref_slice %arg8[%dma_wait3A_549, %dma_wait3A_550, %dma_wait3A_551] : memref<8x64x64xf32, #tpu.memory_space<vmem>> -> memref<1x64x64xf32, #tpu.memory_space<vmem>>
        %dma_wait3A_553 = tpu.memref_squeeze %dma_wait3A_552 : memref<1x64x64xf32, #tpu.memory_space<vmem>> -> memref<64x64xf32, #tpu.memory_space<vmem>>
        %dma_wait3A_554 = arith.constant 0 : i32
        %dma_wait3A_555 = tpu.memref_slice %arg6[%dma_wait3A_547, %dma_wait3A_548, %dma_wait3A_554] : memref<3x16x64xi32, #tpu.memory_space<vmem>> -> memref<1x1x64xi32, #tpu.memory_space<vmem>>
        %dma_wait3A_556 = tpu.memref_squeeze %dma_wait3A_555 : memref<1x1x64xi32, #tpu.memory_space<vmem>> -> memref<64xi32, #tpu.memory_space<vmem>>
        %dma_wait3A_557 = arith.constant 0 : i32
        %dma_wait3A_558 = arith.constant 0 : i32
        %dma_wait3A_559 = tpu.memref_slice %arg9[%dma_wait3A_557, %dma_wait3A_558] : memref<10112x64xf32, #tpu.memory_space<vmem_shared>> -> memref<10112x64xf32, #tpu.memory_space<vmem_shared>>
        tpu.wait_indirect_dma semaphore(%arg17 : memref<!tpu.dma_semaphore, #tpu.memory_space<semaphore_mem>>) src(%dma_wait3A_559 : memref<10112x64xf32, #tpu.memory_space<vmem_shared>>) dst(%dma_wait3A_553 : memref<64x64xf32, #tpu.memory_space<vmem>>)
        %jit3A_560 = arith.constant 3 : i32
        %eq3A_561 = arith.constant 0 : i32
        %eq3A_562 = arith.cmpi eq, %jit3A_560, %eq3A_561 : i32
        %jit3A_563 = arith.constant 1 : i32
        %select_n3A_564 = arith.select %eq3A_562, %jit3A_563, %jit3A_560 : i32
        %rem3A_565 = arith.remsi %scan3A_160, %select_n3A_564 : i32
        %ne3A_566 = arith.constant 0 : i32
        %ne3A_567 = arith.cmpi ne, %rem3A_565, %ne3A_566 : i32
        %lt3A_568 = arith.constant 0 : i32
        %lt3A_569 = arith.cmpi slt, %rem3A_565, %lt3A_568 : i32
        %lt3A_570 = arith.constant 0 : i32
        %lt3A_571 = arith.cmpi slt, %select_n3A_564, %lt3A_570 : i32
        %ne3A_572 = arith.xori %lt3A_569, %lt3A_571 : i1
        %and3A_573 = arith.andi %ne3A_572, %ne3A_567 : i1
        %add3A_574 = arith.addi %rem3A_565, %select_n3A_564 : i32
        %select_n3A_575 = arith.select %and3A_573, %add3A_574, %rem3A_565 : i32
        %dma_start3A_576 = arith.constant 6 : i32
        %dma_start3A_577 = arith.constant 0 : i32
        %dma_start3A_578 = arith.constant 0 : i32
        %dma_start3A_579 = tpu.memref_slice %arg8[%dma_start3A_576, %dma_start3A_577, %dma_start3A_578] : memref<8x64x64xf32, #tpu.memory_space<vmem>> -> memref<1x64x64xf32, #tpu.memory_space<vmem>>
        %dma_start3A_580 = tpu.memref_squeeze %dma_start3A_579 : memref<1x64x64xf32, #tpu.memory_space<vmem>> -> memref<64x64xf32, #tpu.memory_space<vmem>>
        %dma_start3A_581 = arith.constant 0 : i32
        %dma_start3A_582 = tpu.memref_slice %arg7[%select_n3A_575, %add3A_543, %dma_start3A_581] : memref<3x16x64xi32, #tpu.memory_space<vmem>> -> memref<1x1x64xi32, #tpu.memory_space<vmem>>
        %dma_start3A_583 = tpu.memref_squeeze %dma_start3A_582 : memref<1x1x64xi32, #tpu.memory_space<vmem>> -> memref<64xi32, #tpu.memory_space<vmem>>
        %dma_start3A_584 = arith.constant 0 : i32
        %dma_start3A_585 = arith.constant 0 : i32
        %dma_start3A_586 = tpu.memref_slice %arg10[%dma_start3A_584, %dma_start3A_585] : memref<10112x64xf32, #tpu.memory_space<vmem_shared>> -> memref<10112x64xf32, #tpu.memory_space<vmem_shared>>
        tpu.enqueue_indirect_dma source(%dma_start3A_580 : memref<64x64xf32, #tpu.memory_space<vmem>>) target(%dma_start3A_586 : memref<10112x64xf32, #tpu.memory_space<vmem_shared>>) offsets(%dma_start3A_583 : memref<64xi32, #tpu.memory_space<vmem>>) semaphore(%arg25 : memref<!tpu.dma_semaphore, #tpu.memory_space<semaphore_mem>>) {add = true}
        %sub3A_587 = arith.constant 4 : i32
        %sub3A_588 = arith.subi %add3A_546, %sub3A_587 : i32
        %ge3A_589 = arith.constant 0 : i32
        %ge3A_590 = arith.cmpi sge, %sub3A_588, %ge3A_589 : i32
        %convert_element_type3A_591 = arith.extui %ge3A_590 : i1 to i32
        %cond3A_592 = arith.constant 0 : i32
        %cond3A_593 = arith.cmpi ne, %convert_element_type3A_591, %cond3A_592 : i32
        scf.if %cond3A_593 {
          %dma_wait3A_662 = arith.constant 2 : i32
          %dma_wait3A_663 = arith.constant 0 : i32
          %dma_wait3A_664 = arith.constant 0 : i32
          %dma_wait3A_665 = arith.constant 0 : i32
          %dma_wait3A_666 = arith.constant 0 : i32
          %dma_wait3A_667 = tpu.memref_slice %arg8[%dma_wait3A_662, %dma_wait3A_665, %dma_wait3A_666] : memref<8x64x64xf32, #tpu.memory_space<vmem>> -> memref<1x64x64xf32, #tpu.memory_space<vmem>>
          %dma_wait3A_668 = tpu.memref_squeeze %dma_wait3A_667 : memref<1x64x64xf32, #tpu.memory_space<vmem>> -> memref<64x64xf32, #tpu.memory_space<vmem>>
          %dma_wait3A_669 = arith.constant 0 : i32
          %dma_wait3A_670 = tpu.memref_slice %arg7[%dma_wait3A_663, %dma_wait3A_664, %dma_wait3A_669] : memref<3x16x64xi32, #tpu.memory_space<vmem>> -> memref<1x1x64xi32, #tpu.memory_space<vmem>>
          %dma_wait3A_671 = tpu.memref_squeeze %dma_wait3A_670 : memref<1x1x64xi32, #tpu.memory_space<vmem>> -> memref<64xi32, #tpu.memory_space<vmem>>
          %dma_wait3A_672 = arith.constant 0 : i32
          %dma_wait3A_673 = arith.constant 0 : i32
          %dma_wait3A_674 = tpu.memref_slice %arg10[%dma_wait3A_672, %dma_wait3A_673] : memref<10112x64xf32, #tpu.memory_space<vmem_shared>> -> memref<10112x64xf32, #tpu.memory_space<vmem_shared>>
          tpu.wait_indirect_dma semaphore(%arg21 : memref<!tpu.dma_semaphore, #tpu.memory_space<semaphore_mem>>) src(%dma_wait3A_668 : memref<64x64xf32, #tpu.memory_space<vmem>>) dst(%dma_wait3A_674 : memref<10112x64xf32, #tpu.memory_space<vmem_shared>>)
        } else {
        }
        %add3A_594 = arith.constant 4 : i32
        %add3A_595 = arith.addi %add3A_546, %add3A_594 : i32
        %lt3A_596 = arith.constant 320 : i32
        %lt3A_597 = arith.cmpi slt, %add3A_595, %lt3A_596 : i32
        %convert_element_type3A_598 = arith.extui %lt3A_597 : i1 to i32
        %cond3A_599 = arith.constant 0 : i32
        %cond3A_600 = arith.cmpi ne, %convert_element_type3A_598, %cond3A_599 : i32
        scf.if %cond3A_600 {
          %jit3A_662 = arith.constant 16 : i32
          %div3A = arith.divsi %add3A_595, %jit3A_662 : i32
          %sign3A = arith.constant 0 : i32
          %sign3A_663 = arith.cmpi sgt, %add3A_595, %sign3A : i32
          %sign3A_664 = arith.extui %sign3A_663 : i1 to i32
          %sign3A_665 = arith.constant 0 : i32
          %sign3A_666 = arith.cmpi slt, %add3A_595, %sign3A_665 : i32
          %sign3A_667 = arith.extui %sign3A_666 : i1 to i32
          %sign3A_668 = arith.subi %sign3A_664, %sign3A_667 : i32
          %sign3A_669 = arith.constant 0 : i32
          %sign3A_670 = arith.cmpi sgt, %jit3A_662, %sign3A_669 : i32
          %sign3A_671 = arith.extui %sign3A_670 : i1 to i32
          %sign3A_672 = arith.constant 0 : i32
          %sign3A_673 = arith.cmpi slt, %jit3A_662, %sign3A_672 : i32
          %sign3A_674 = arith.extui %sign3A_673 : i1 to i32
          %sign3A_675 = arith.subi %sign3A_671, %sign3A_674 : i32
          %ne3A_676 = arith.cmpi ne, %sign3A_668, %sign3A_675 : i32
          %rem3A_677 = arith.remsi %add3A_595, %jit3A_662 : i32
          %ne3A_678 = arith.constant 0 : i32
          %ne3A_679 = arith.cmpi ne, %rem3A_677, %ne3A_678 : i32
          %and3A_680 = arith.andi %ne3A_676, %ne3A_679 : i1
          %sub3A_681 = arith.constant 1 : i32
          %sub3A_682 = arith.subi %div3A, %sub3A_681 : i32
          %select_n3A_683 = arith.select %and3A_680, %sub3A_682, %div3A : i32
          %jit3A_684 = arith.constant 3 : i32
          %eq3A_685 = arith.constant 0 : i32
          %eq3A_686 = arith.cmpi eq, %jit3A_684, %eq3A_685 : i32
          %jit3A_687 = arith.constant 1 : i32
          %select_n3A_688 = arith.select %eq3A_686, %jit3A_687, %jit3A_684 : i32
          %rem3A_689 = arith.remsi %select_n3A_683, %select_n3A_688 : i32
          %ne3A_690 = arith.constant 0 : i32
          %ne3A_691 = arith.cmpi ne, %rem3A_689, %ne3A_690 : i32
          %lt3A_692 = arith.constant 0 : i32
          %lt3A_693 = arith.cmpi slt, %rem3A_689, %lt3A_692 : i32
          %lt3A_694 = arith.constant 0 : i32
          %lt3A_695 = arith.cmpi slt, %select_n3A_688, %lt3A_694 : i32
          %ne3A_696 = arith.xori %lt3A_693, %lt3A_695 : i1
          %and3A_697 = arith.andi %ne3A_696, %ne3A_691 : i1
          %add3A_698 = arith.addi %rem3A_689, %select_n3A_688 : i32
          %select_n3A_699 = arith.select %and3A_697, %add3A_698, %rem3A_689 : i32
          %jit3A_700 = arith.constant 16 : i32
          %eq3A_701 = arith.constant 0 : i32
          %eq3A_702 = arith.cmpi eq, %jit3A_700, %eq3A_701 : i32
          %jit3A_703 = arith.constant 1 : i32
          %select_n3A_704 = arith.select %eq3A_702, %jit3A_703, %jit3A_700 : i32
          %rem3A_705 = arith.remsi %add3A_595, %select_n3A_704 : i32
          %ne3A_706 = arith.constant 0 : i32
          %ne3A_707 = arith.cmpi ne, %rem3A_705, %ne3A_706 : i32
          %lt3A_708 = arith.constant 0 : i32
          %lt3A_709 = arith.cmpi slt, %rem3A_705, %lt3A_708 : i32
          %lt3A_710 = arith.constant 0 : i32
          %lt3A_711 = arith.cmpi slt, %select_n3A_704, %lt3A_710 : i32
          %ne3A_712 = arith.xori %lt3A_709, %lt3A_711 : i1
          %and3A_713 = arith.andi %ne3A_712, %ne3A_707 : i1
          %add3A_714 = arith.addi %rem3A_705, %select_n3A_704 : i32
          %select_n3A_715 = arith.select %and3A_713, %add3A_714, %rem3A_705 : i32
          %dma_start3A_716 = arith.constant 2 : i32
          %dma_start3A_717 = arith.constant 0 : i32
          %dma_start3A_718 = arith.constant 0 : i32
          %dma_start3A_719 = tpu.memref_slice %arg8[%dma_start3A_716, %dma_start3A_717, %dma_start3A_718] : memref<8x64x64xf32, #tpu.memory_space<vmem>> -> memref<1x64x64xf32, #tpu.memory_space<vmem>>
          %dma_start3A_720 = tpu.memref_squeeze %dma_start3A_719 : memref<1x64x64xf32, #tpu.memory_space<vmem>> -> memref<64x64xf32, #tpu.memory_space<vmem>>
          %dma_start3A_721 = arith.constant 0 : i32
          %dma_start3A_722 = tpu.memref_slice %arg6[%select_n3A_699, %select_n3A_715, %dma_start3A_721] : memref<3x16x64xi32, #tpu.memory_space<vmem>> -> memref<1x1x64xi32, #tpu.memory_space<vmem>>
          %dma_start3A_723 = tpu.memref_squeeze %dma_start3A_722 : memref<1x1x64xi32, #tpu.memory_space<vmem>> -> memref<64xi32, #tpu.memory_space<vmem>>
          %dma_start3A_724 = arith.constant 0 : i32
          %dma_start3A_725 = arith.constant 0 : i32
          %dma_start3A_726 = tpu.memref_slice %arg9[%dma_start3A_724, %dma_start3A_725] : memref<10112x64xf32, #tpu.memory_space<vmem_shared>> -> memref<10112x64xf32, #tpu.memory_space<vmem_shared>>
          tpu.enqueue_indirect_dma source(%dma_start3A_726 : memref<10112x64xf32, #tpu.memory_space<vmem_shared>>) target(%dma_start3A_720 : memref<64x64xf32, #tpu.memory_space<vmem>>) offsets(%dma_start3A_723 : memref<64xi32, #tpu.memory_space<vmem>>) semaphore(%arg13 : memref<!tpu.dma_semaphore, #tpu.memory_space<semaphore_mem>>)
        } else {
        }
        %mul3A_601 = arith.constant 8 : i32
        %mul3A_602 = arith.muli %mul3A_601, %scan3A_180 : i32
        %add3A_603 = arith.constant 7 : i32
        %add3A_604 = arith.addi %mul3A_602, %add3A_603 : i32
        %mul3A_605 = arith.constant 16 : i32
        %mul3A_606 = arith.muli %scan3A_160, %mul3A_605 : i32
        %add3A_607 = arith.addi %mul3A_606, %add3A_604 : i32
        %dma_wait3A_608 = arith.constant 0 : i32
        %dma_wait3A_609 = arith.constant 0 : i32
        %dma_wait3A_610 = arith.constant 7 : i32
        %dma_wait3A_611 = arith.constant 0 : i32
        %dma_wait3A_612 = arith.constant 0 : i32
        %dma_wait3A_613 = tpu.memref_slice %arg8[%dma_wait3A_610, %dma_wait3A_611, %dma_wait3A_612] : memref<8x64x64xf32, #tpu.memory_space<vmem>> -> memref<1x64x64xf32, #tpu.memory_space<vmem>>
        %dma_wait3A_614 = tpu.memref_squeeze %dma_wait3A_613 : memref<1x64x64xf32, #tpu.memory_space<vmem>> -> memref<64x64xf32, #tpu.memory_space<vmem>>
        %dma_wait3A_615 = arith.constant 0 : i32
        %dma_wait3A_616 = tpu.memref_slice %arg6[%dma_wait3A_608, %dma_wait3A_609, %dma_wait3A_615] : memref<3x16x64xi32, #tpu.memory_space<vmem>> -> memref<1x1x64xi32, #tpu.memory_space<vmem>>
        %dma_wait3A_617 = tpu.memref_squeeze %dma_wait3A_616 : memref<1x1x64xi32, #tpu.memory_space<vmem>> -> memref<64xi32, #tpu.memory_space<vmem>>
        %dma_wait3A_618 = arith.constant 0 : i32
        %dma_wait3A_619 = arith.constant 0 : i32
        %dma_wait3A_620 = tpu.memref_slice %arg9[%dma_wait3A_618, %dma_wait3A_619] : memref<10112x64xf32, #tpu.memory_space<vmem_shared>> -> memref<10112x64xf32, #tpu.memory_space<vmem_shared>>
        tpu.wait_indirect_dma semaphore(%arg18 : memref<!tpu.dma_semaphore, #tpu.memory_space<semaphore_mem>>) src(%dma_wait3A_620 : memref<10112x64xf32, #tpu.memory_space<vmem_shared>>) dst(%dma_wait3A_614 : memref<64x64xf32, #tpu.memory_space<vmem>>)
        %jit3A_621 = arith.constant 3 : i32
        %eq3A_622 = arith.constant 0 : i32
        %eq3A_623 = arith.cmpi eq, %jit3A_621, %eq3A_622 : i32
        %jit3A_624 = arith.constant 1 : i32
        %select_n3A_625 = arith.select %eq3A_623, %jit3A_624, %jit3A_621 : i32
        %rem3A_626 = arith.remsi %scan3A_160, %select_n3A_625 : i32
        %ne3A_627 = arith.constant 0 : i32
        %ne3A_628 = arith.cmpi ne, %rem3A_626, %ne3A_627 : i32
        %lt3A_629 = arith.constant 0 : i32
        %lt3A_630 = arith.cmpi slt, %rem3A_626, %lt3A_629 : i32
        %lt3A_631 = arith.constant 0 : i32
        %lt3A_632 = arith.cmpi slt, %select_n3A_625, %lt3A_631 : i32
        %ne3A_633 = arith.xori %lt3A_630, %lt3A_632 : i1
        %and3A_634 = arith.andi %ne3A_633, %ne3A_628 : i1
        %add3A_635 = arith.addi %rem3A_626, %select_n3A_625 : i32
        %select_n3A_636 = arith.select %and3A_634, %add3A_635, %rem3A_626 : i32
        %dma_start3A_637 = arith.constant 7 : i32
        %dma_start3A_638 = arith.constant 0 : i32
        %dma_start3A_639 = arith.constant 0 : i32
        %dma_start3A_640 = tpu.memref_slice %arg8[%dma_start3A_637, %dma_start3A_638, %dma_start3A_639] : memref<8x64x64xf32, #tpu.memory_space<vmem>> -> memref<1x64x64xf32, #tpu.memory_space<vmem>>
        %dma_start3A_641 = tpu.memref_squeeze %dma_start3A_640 : memref<1x64x64xf32, #tpu.memory_space<vmem>> -> memref<64x64xf32, #tpu.memory_space<vmem>>
        %dma_start3A_642 = arith.constant 0 : i32
        %dma_start3A_643 = tpu.memref_slice %arg7[%select_n3A_636, %add3A_604, %dma_start3A_642] : memref<3x16x64xi32, #tpu.memory_space<vmem>> -> memref<1x1x64xi32, #tpu.memory_space<vmem>>
        %dma_start3A_644 = tpu.memref_squeeze %dma_start3A_643 : memref<1x1x64xi32, #tpu.memory_space<vmem>> -> memref<64xi32, #tpu.memory_space<vmem>>
        %dma_start3A_645 = arith.constant 0 : i32
        %dma_start3A_646 = arith.constant 0 : i32
        %dma_start3A_647 = tpu.memref_slice %arg10[%dma_start3A_645, %dma_start3A_646] : memref<10112x64xf32, #tpu.memory_space<vmem_shared>> -> memref<10112x64xf32, #tpu.memory_space<vmem_shared>>
        tpu.enqueue_indirect_dma source(%dma_start3A_641 : memref<64x64xf32, #tpu.memory_space<vmem>>) target(%dma_start3A_647 : memref<10112x64xf32, #tpu.memory_space<vmem_shared>>) offsets(%dma_start3A_644 : memref<64xi32, #tpu.memory_space<vmem>>) semaphore(%arg26 : memref<!tpu.dma_semaphore, #tpu.memory_space<semaphore_mem>>) {add = true}
        %sub3A_648 = arith.constant 4 : i32
        %sub3A_649 = arith.subi %add3A_607, %sub3A_648 : i32
        %ge3A_650 = arith.constant 0 : i32
        %ge3A_651 = arith.cmpi sge, %sub3A_649, %ge3A_650 : i32
        %convert_element_type3A_652 = arith.extui %ge3A_651 : i1 to i32
        %cond3A_653 = arith.constant 0 : i32
        %cond3A_654 = arith.cmpi ne, %convert_element_type3A_652, %cond3A_653 : i32
        scf.if %cond3A_654 {
          %dma_wait3A_662 = arith.constant 3 : i32
          %dma_wait3A_663 = arith.constant 0 : i32
          %dma_wait3A_664 = arith.constant 0 : i32
          %dma_wait3A_665 = arith.constant 0 : i32
          %dma_wait3A_666 = arith.constant 0 : i32
          %dma_wait3A_667 = tpu.memref_slice %arg8[%dma_wait3A_662, %dma_wait3A_665, %dma_wait3A_666] : memref<8x64x64xf32, #tpu.memory_space<vmem>> -> memref<1x64x64xf32, #tpu.memory_space<vmem>>
          %dma_wait3A_668 = tpu.memref_squeeze %dma_wait3A_667 : memref<1x64x64xf32, #tpu.memory_space<vmem>> -> memref<64x64xf32, #tpu.memory_space<vmem>>
          %dma_wait3A_669 = arith.constant 0 : i32
          %dma_wait3A_670 = tpu.memref_slice %arg7[%dma_wait3A_663, %dma_wait3A_664, %dma_wait3A_669] : memref<3x16x64xi32, #tpu.memory_space<vmem>> -> memref<1x1x64xi32, #tpu.memory_space<vmem>>
          %dma_wait3A_671 = tpu.memref_squeeze %dma_wait3A_670 : memref<1x1x64xi32, #tpu.memory_space<vmem>> -> memref<64xi32, #tpu.memory_space<vmem>>
          %dma_wait3A_672 = arith.constant 0 : i32
          %dma_wait3A_673 = arith.constant 0 : i32
          %dma_wait3A_674 = tpu.memref_slice %arg10[%dma_wait3A_672, %dma_wait3A_673] : memref<10112x64xf32, #tpu.memory_space<vmem_shared>> -> memref<10112x64xf32, #tpu.memory_space<vmem_shared>>
          tpu.wait_indirect_dma semaphore(%arg22 : memref<!tpu.dma_semaphore, #tpu.memory_space<semaphore_mem>>) src(%dma_wait3A_668 : memref<64x64xf32, #tpu.memory_space<vmem>>) dst(%dma_wait3A_674 : memref<10112x64xf32, #tpu.memory_space<vmem_shared>>)
        } else {
        }
        %add3A_655 = arith.constant 4 : i32
        %add3A_656 = arith.addi %add3A_607, %add3A_655 : i32
        %lt3A_657 = arith.constant 320 : i32
        %lt3A_658 = arith.cmpi slt, %add3A_656, %lt3A_657 : i32
        %convert_element_type3A_659 = arith.extui %lt3A_658 : i1 to i32
        %cond3A_660 = arith.constant 0 : i32
        %cond3A_661 = arith.cmpi ne, %convert_element_type3A_659, %cond3A_660 : i32
        scf.if %cond3A_661 {
          %jit3A_662 = arith.constant 16 : i32
          %div3A = arith.divsi %add3A_656, %jit3A_662 : i32
          %sign3A = arith.constant 0 : i32
          %sign3A_663 = arith.cmpi sgt, %add3A_656, %sign3A : i32
          %sign3A_664 = arith.extui %sign3A_663 : i1 to i32
          %sign3A_665 = arith.constant 0 : i32
          %sign3A_666 = arith.cmpi slt, %add3A_656, %sign3A_665 : i32
          %sign3A_667 = arith.extui %sign3A_666 : i1 to i32
          %sign3A_668 = arith.subi %sign3A_664, %sign3A_667 : i32
          %sign3A_669 = arith.constant 0 : i32
          %sign3A_670 = arith.cmpi sgt, %jit3A_662, %sign3A_669 : i32
          %sign3A_671 = arith.extui %sign3A_670 : i1 to i32
          %sign3A_672 = arith.constant 0 : i32
          %sign3A_673 = arith.cmpi slt, %jit3A_662, %sign3A_672 : i32
          %sign3A_674 = arith.extui %sign3A_673 : i1 to i32
          %sign3A_675 = arith.subi %sign3A_671, %sign3A_674 : i32
          %ne3A_676 = arith.cmpi ne, %sign3A_668, %sign3A_675 : i32
          %rem3A_677 = arith.remsi %add3A_656, %jit3A_662 : i32
          %ne3A_678 = arith.constant 0 : i32
          %ne3A_679 = arith.cmpi ne, %rem3A_677, %ne3A_678 : i32
          %and3A_680 = arith.andi %ne3A_676, %ne3A_679 : i1
          %sub3A_681 = arith.constant 1 : i32
          %sub3A_682 = arith.subi %div3A, %sub3A_681 : i32
          %select_n3A_683 = arith.select %and3A_680, %sub3A_682, %div3A : i32
          %jit3A_684 = arith.constant 3 : i32
          %eq3A_685 = arith.constant 0 : i32
          %eq3A_686 = arith.cmpi eq, %jit3A_684, %eq3A_685 : i32
          %jit3A_687 = arith.constant 1 : i32
          %select_n3A_688 = arith.select %eq3A_686, %jit3A_687, %jit3A_684 : i32
          %rem3A_689 = arith.remsi %select_n3A_683, %select_n3A_688 : i32
          %ne3A_690 = arith.constant 0 : i32
          %ne3A_691 = arith.cmpi ne, %rem3A_689, %ne3A_690 : i32
          %lt3A_692 = arith.constant 0 : i32
          %lt3A_693 = arith.cmpi slt, %rem3A_689, %lt3A_692 : i32
          %lt3A_694 = arith.constant 0 : i32
          %lt3A_695 = arith.cmpi slt, %select_n3A_688, %lt3A_694 : i32
          %ne3A_696 = arith.xori %lt3A_693, %lt3A_695 : i1
          %and3A_697 = arith.andi %ne3A_696, %ne3A_691 : i1
          %add3A_698 = arith.addi %rem3A_689, %select_n3A_688 : i32
          %select_n3A_699 = arith.select %and3A_697, %add3A_698, %rem3A_689 : i32
          %jit3A_700 = arith.constant 16 : i32
          %eq3A_701 = arith.constant 0 : i32
          %eq3A_702 = arith.cmpi eq, %jit3A_700, %eq3A_701 : i32
          %jit3A_703 = arith.constant 1 : i32
          %select_n3A_704 = arith.select %eq3A_702, %jit3A_703, %jit3A_700 : i32
          %rem3A_705 = arith.remsi %add3A_656, %select_n3A_704 : i32
          %ne3A_706 = arith.constant 0 : i32
          %ne3A_707 = arith.cmpi ne, %rem3A_705, %ne3A_706 : i32
          %lt3A_708 = arith.constant 0 : i32
          %lt3A_709 = arith.cmpi slt, %rem3A_705, %lt3A_708 : i32
          %lt3A_710 = arith.constant 0 : i32
          %lt3A_711 = arith.cmpi slt, %select_n3A_704, %lt3A_710 : i32
          %ne3A_712 = arith.xori %lt3A_709, %lt3A_711 : i1
          %and3A_713 = arith.andi %ne3A_712, %ne3A_707 : i1
          %add3A_714 = arith.addi %rem3A_705, %select_n3A_704 : i32
          %select_n3A_715 = arith.select %and3A_713, %add3A_714, %rem3A_705 : i32
          %dma_start3A_716 = arith.constant 3 : i32
          %dma_start3A_717 = arith.constant 0 : i32
          %dma_start3A_718 = arith.constant 0 : i32
          %dma_start3A_719 = tpu.memref_slice %arg8[%dma_start3A_716, %dma_start3A_717, %dma_start3A_718] : memref<8x64x64xf32, #tpu.memory_space<vmem>> -> memref<1x64x64xf32, #tpu.memory_space<vmem>>
          %dma_start3A_720 = tpu.memref_squeeze %dma_start3A_719 : memref<1x64x64xf32, #tpu.memory_space<vmem>> -> memref<64x64xf32, #tpu.memory_space<vmem>>
          %dma_start3A_721 = arith.constant 0 : i32
          %dma_start3A_722 = tpu.memref_slice %arg6[%select_n3A_699, %select_n3A_715, %dma_start3A_721] : memref<3x16x64xi32, #tpu.memory_space<vmem>> -> memref<1x1x64xi32, #tpu.memory_space<vmem>>
          %dma_start3A_723 = tpu.memref_squeeze %dma_start3A_722 : memref<1x1x64xi32, #tpu.memory_space<vmem>> -> memref<64xi32, #tpu.memory_space<vmem>>
          %dma_start3A_724 = arith.constant 0 : i32
          %dma_start3A_725 = arith.constant 0 : i32
          %dma_start3A_726 = tpu.memref_slice %arg9[%dma_start3A_724, %dma_start3A_725] : memref<10112x64xf32, #tpu.memory_space<vmem_shared>> -> memref<10112x64xf32, #tpu.memory_space<vmem_shared>>
          tpu.enqueue_indirect_dma source(%dma_start3A_726 : memref<10112x64xf32, #tpu.memory_space<vmem_shared>>) target(%dma_start3A_720 : memref<64x64xf32, #tpu.memory_space<vmem>>) offsets(%dma_start3A_723 : memref<64xi32, #tpu.memory_space<vmem>>) semaphore(%arg14 : memref<!tpu.dma_semaphore, #tpu.memory_space<semaphore_mem>>)
        } else {
        }
      }
      %scan3A_172 = arith.constant 2 : i32
      %add3A_173 = arith.constant 2 : i32
      %add3A_174 = arith.addi %scan3A_160, %add3A_173 : i32
      %lt3A_175 = arith.constant 20 : i32
      %lt3A_176 = arith.cmpi slt, %add3A_174, %lt3A_175 : i32
      %convert_element_type3A_177 = arith.extui %lt3A_176 : i1 to i32
      %cond3A_178 = arith.constant 0 : i32
      %cond3A_179 = arith.cmpi ne, %convert_element_type3A_177, %cond3A_178 : i32
      scf.if %cond3A_179 {
        %add3A_180 = arith.constant 2 : i32
        %add3A_181 = arith.addi %scan3A_160, %add3A_180 : i32
        %add3A_182 = arith.constant 2 : i32
        %add3A_183 = arith.addi %scan3A_160, %add3A_182 : i32
        %jit3A = arith.constant 3 : i32
        %eq3A_184 = arith.constant 0 : i32
        %eq3A_185 = arith.cmpi eq, %jit3A, %eq3A_184 : i32
        %jit3A_186 = arith.constant 1 : i32
        %select_n3A = arith.select %eq3A_185, %jit3A_186, %jit3A : i32
        %rem3A = arith.remsi %add3A_183, %select_n3A : i32
        %ne3A = arith.constant 0 : i32
        %ne3A_187 = arith.cmpi ne, %rem3A, %ne3A : i32
        %lt3A_188 = arith.constant 0 : i32
        %lt3A_189 = arith.cmpi slt, %rem3A, %lt3A_188 : i32
        %lt3A_190 = arith.constant 0 : i32
        %lt3A_191 = arith.cmpi slt, %select_n3A, %lt3A_190 : i32
        %ne3A_192 = arith.xori %lt3A_189, %lt3A_191 : i1
        %and3A = arith.andi %ne3A_192, %ne3A_187 : i1
        %add3A_193 = arith.addi %rem3A, %select_n3A : i32
        %select_n3A_194 = arith.select %and3A, %add3A_193, %rem3A : i32
        %dma_start3A_195 = arith.constant 0 : i32
        %dma_start3A_196 = arith.constant 0 : i32
        %dma_start3A_197 = tpu.memref_slice %arg6[%select_n3A_194, %dma_start3A_195, %dma_start3A_196] : memref<3x16x64xi32, #tpu.memory_space<vmem>> -> memref<1x16x64xi32, #tpu.memory_space<vmem>>
        %dma_start3A_198 = tpu.memref_squeeze %dma_start3A_197 : memref<1x16x64xi32, #tpu.memory_space<vmem>> -> memref<16x64xi32, #tpu.memory_space<vmem>>
        %dma_start3A_199 = arith.constant 0 : i32
        %dma_start3A_200 = arith.constant 0 : i32
        %dma_start3A_201 = tpu.memref_slice %arg3[%arg1, %add3A_181, %dma_start3A_199, %dma_start3A_200] : memref<16x20x16x64xi32, #tpu.memory_space<hbm>> -> memref<1x1x16x64xi32, #tpu.memory_space<hbm>>
        %dma_start3A_202 = tpu.memref_squeeze %dma_start3A_201 : memref<1x1x16x64xi32, #tpu.memory_space<hbm>> -> memref<16x64xi32, #tpu.memory_space<hbm>>
        %dma_start3A_203 = arith.constant 0 : i32
        %dma_start3A_204 = arith.constant 0 : i32
        %dma_start3A_205 = tpu.memref_slice %arg6[%select_n3A_194, %dma_start3A_203, %dma_start3A_204] : memref<3x16x64xi32, #tpu.memory_space<vmem>> -> memref<1x16x64xi32, #tpu.memory_space<vmem>>
        %dma_start3A_206 = tpu.memref_squeeze %dma_start3A_205 : memref<1x16x64xi32, #tpu.memory_space<vmem>> -> memref<16x64xi32, #tpu.memory_space<vmem>>
        %dma_start3A_207 = arith.constant 0 : i32
        %dma_start3A_208 = arith.constant 0 : i32
        %dma_start3A_209 = tpu.memref_slice %arg3[%arg1, %add3A_181, %dma_start3A_207, %dma_start3A_208] : memref<16x20x16x64xi32, #tpu.memory_space<hbm>> -> memref<1x1x16x64xi32, #tpu.memory_space<hbm>>
        %dma_start3A_210 = tpu.memref_squeeze %dma_start3A_209 : memref<1x1x16x64xi32, #tpu.memory_space<hbm>> -> memref<16x64xi32, #tpu.memory_space<hbm>>
        tpu.enqueue_dma source(%dma_start3A_210 : memref<16x64xi32, #tpu.memory_space<hbm>>) target(%dma_start3A_206 : memref<16x64xi32, #tpu.memory_space<vmem>>) target_semaphore(%arg27 : memref<!tpu.dma_semaphore, #tpu.memory_space<semaphore_mem>>)
        %add3A_211 = arith.constant 2 : i32
        %add3A_212 = arith.addi %scan3A_160, %add3A_211 : i32
        %add3A_213 = arith.constant 2 : i32
        %add3A_214 = arith.addi %scan3A_160, %add3A_213 : i32
        %jit3A_215 = arith.constant 3 : i32
        %eq3A_216 = arith.constant 0 : i32
        %eq3A_217 = arith.cmpi eq, %jit3A_215, %eq3A_216 : i32
        %jit3A_218 = arith.constant 1 : i32
        %select_n3A_219 = arith.select %eq3A_217, %jit3A_218, %jit3A_215 : i32
        %rem3A_220 = arith.remsi %add3A_214, %select_n3A_219 : i32
        %ne3A_221 = arith.constant 0 : i32
        %ne3A_222 = arith.cmpi ne, %rem3A_220, %ne3A_221 : i32
        %lt3A_223 = arith.constant 0 : i32
        %lt3A_224 = arith.cmpi slt, %rem3A_220, %lt3A_223 : i32
        %lt3A_225 = arith.constant 0 : i32
        %lt3A_226 = arith.cmpi slt, %select_n3A_219, %lt3A_225 : i32
        %ne3A_227 = arith.xori %lt3A_224, %lt3A_226 : i1
        %and3A_228 = arith.andi %ne3A_227, %ne3A_222 : i1
        %add3A_229 = arith.addi %rem3A_220, %select_n3A_219 : i32
        %select_n3A_230 = arith.select %and3A_228, %add3A_229, %rem3A_220 : i32
        %dma_start3A_231 = arith.constant 0 : i32
        %dma_start3A_232 = arith.constant 0 : i32
        %dma_start3A_233 = tpu.memref_slice %arg7[%select_n3A_230, %dma_start3A_231, %dma_start3A_232] : memref<3x16x64xi32, #tpu.memory_space<vmem>> -> memref<1x16x64xi32, #tpu.memory_space<vmem>>
        %dma_start3A_234 = tpu.memref_squeeze %dma_start3A_233 : memref<1x16x64xi32, #tpu.memory_space<vmem>> -> memref<16x64xi32, #tpu.memory_space<vmem>>
        %dma_start3A_235 = arith.constant 0 : i32
        %dma_start3A_236 = arith.constant 0 : i32
        %dma_start3A_237 = tpu.memref_slice %arg4[%arg1, %add3A_212, %dma_start3A_235, %dma_start3A_236] : memref<16x20x16x64xi32, #tpu.memory_space<hbm>> -> memref<1x1x16x64xi32, #tpu.memory_space<hbm>>
        %dma_start3A_238 = tpu.memref_squeeze %dma_start3A_237 : memref<1x1x16x64xi32, #tpu.memory_space<hbm>> -> memref<16x64xi32, #tpu.memory_space<hbm>>
        %dma_start3A_239 = arith.constant 0 : i32
        %dma_start3A_240 = arith.constant 0 : i32
        %dma_start3A_241 = tpu.memref_slice %arg7[%select_n3A_230, %dma_start3A_239, %dma_start3A_240] : memref<3x16x64xi32, #tpu.memory_space<vmem>> -> memref<1x16x64xi32, #tpu.memory_space<vmem>>
        %dma_start3A_242 = tpu.memref_squeeze %dma_start3A_241 : memref<1x16x64xi32, #tpu.memory_space<vmem>> -> memref<16x64xi32, #tpu.memory_space<vmem>>
        %dma_start3A_243 = arith.constant 0 : i32
        %dma_start3A_244 = arith.constant 0 : i32
        %dma_start3A_245 = tpu.memref_slice %arg4[%arg1, %add3A_212, %dma_start3A_243, %dma_start3A_244] : memref<16x20x16x64xi32, #tpu.memory_space<hbm>> -> memref<1x1x16x64xi32, #tpu.memory_space<hbm>>
        %dma_start3A_246 = tpu.memref_squeeze %dma_start3A_245 : memref<1x1x16x64xi32, #tpu.memory_space<hbm>> -> memref<16x64xi32, #tpu.memory_space<hbm>>
        tpu.enqueue_dma source(%dma_start3A_246 : memref<16x64xi32, #tpu.memory_space<hbm>>) target(%dma_start3A_242 : memref<16x64xi32, #tpu.memory_space<vmem>>) target_semaphore(%arg27 : memref<!tpu.dma_semaphore, #tpu.memory_space<semaphore_mem>>)
      } else {
      }
    }
    %scan3A_101 = arith.constant 20 : i32
    %dma_wait3A = arith.constant 4 : i32
    %dma_wait3A_102 = arith.constant 0 : i32
    %dma_wait3A_103 = arith.constant 0 : i32
    %dma_wait3A_104 = arith.constant 0 : i32
    %dma_wait3A_105 = arith.constant 0 : i32
    %dma_wait3A_106 = tpu.memref_slice %arg8[%dma_wait3A, %dma_wait3A_104, %dma_wait3A_105] : memref<8x64x64xf32, #tpu.memory_space<vmem>> -> memref<1x64x64xf32, #tpu.memory_space<vmem>>
    %dma_wait3A_107 = tpu.memref_squeeze %dma_wait3A_106 : memref<1x64x64xf32, #tpu.memory_space<vmem>> -> memref<64x64xf32, #tpu.memory_space<vmem>>
    %dma_wait3A_108 = arith.constant 0 : i32
    %dma_wait3A_109 = tpu.memref_slice %arg7[%dma_wait3A_102, %dma_wait3A_103, %dma_wait3A_108] : memref<3x16x64xi32, #tpu.memory_space<vmem>> -> memref<1x1x64xi32, #tpu.memory_space<vmem>>
    %dma_wait3A_110 = tpu.memref_squeeze %dma_wait3A_109 : memref<1x1x64xi32, #tpu.memory_space<vmem>> -> memref<64xi32, #tpu.memory_space<vmem>>
    %dma_wait3A_111 = arith.constant 0 : i32
    %dma_wait3A_112 = arith.constant 0 : i32
    %dma_wait3A_113 = tpu.memref_slice %arg10[%dma_wait3A_111, %dma_wait3A_112] : memref<10112x64xf32, #tpu.memory_space<vmem_shared>> -> memref<10112x64xf32, #tpu.memory_space<vmem_shared>>
    tpu.wait_indirect_dma semaphore(%arg23 : memref<!tpu.dma_semaphore, #tpu.memory_space<semaphore_mem>>) src(%dma_wait3A_107 : memref<64x64xf32, #tpu.memory_space<vmem>>) dst(%dma_wait3A_113 : memref<10112x64xf32, #tpu.memory_space<vmem_shared>>)
    %dma_wait3A_114 = arith.constant 5 : i32
    %dma_wait3A_115 = arith.constant 0 : i32
    %dma_wait3A_116 = arith.constant 0 : i32
    %dma_wait3A_117 = arith.constant 0 : i32
    %dma_wait3A_118 = arith.constant 0 : i32
    %dma_wait3A_119 = tpu.memref_slice %arg8[%dma_wait3A_114, %dma_wait3A_117, %dma_wait3A_118] : memref<8x64x64xf32, #tpu.memory_space<vmem>> -> memref<1x64x64xf32, #tpu.memory_space<vmem>>
    %dma_wait3A_120 = tpu.memref_squeeze %dma_wait3A_119 : memref<1x64x64xf32, #tpu.memory_space<vmem>> -> memref<64x64xf32, #tpu.memory_space<vmem>>
    %dma_wait3A_121 = arith.constant 0 : i32
    %dma_wait3A_122 = tpu.memref_slice %arg7[%dma_wait3A_115, %dma_wait3A_116, %dma_wait3A_121] : memref<3x16x64xi32, #tpu.memory_space<vmem>> -> memref<1x1x64xi32, #tpu.memory_space<vmem>>
    %dma_wait3A_123 = tpu.memref_squeeze %dma_wait3A_122 : memref<1x1x64xi32, #tpu.memory_space<vmem>> -> memref<64xi32, #tpu.memory_space<vmem>>
    %dma_wait3A_124 = arith.constant 0 : i32
    %dma_wait3A_125 = arith.constant 0 : i32
    %dma_wait3A_126 = tpu.memref_slice %arg10[%dma_wait3A_124, %dma_wait3A_125] : memref<10112x64xf32, #tpu.memory_space<vmem_shared>> -> memref<10112x64xf32, #tpu.memory_space<vmem_shared>>
    tpu.wait_indirect_dma semaphore(%arg24 : memref<!tpu.dma_semaphore, #tpu.memory_space<semaphore_mem>>) src(%dma_wait3A_120 : memref<64x64xf32, #tpu.memory_space<vmem>>) dst(%dma_wait3A_126 : memref<10112x64xf32, #tpu.memory_space<vmem_shared>>)
    %dma_wait3A_127 = arith.constant 6 : i32
    %dma_wait3A_128 = arith.constant 0 : i32
    %dma_wait3A_129 = arith.constant 0 : i32
    %dma_wait3A_130 = arith.constant 0 : i32
    %dma_wait3A_131 = arith.constant 0 : i32
    %dma_wait3A_132 = tpu.memref_slice %arg8[%dma_wait3A_127, %dma_wait3A_130, %dma_wait3A_131] : memref<8x64x64xf32, #tpu.memory_space<vmem>> -> memref<1x64x64xf32, #tpu.memory_space<vmem>>
    %dma_wait3A_133 = tpu.memref_squeeze %dma_wait3A_132 : memref<1x64x64xf32, #tpu.memory_space<vmem>> -> memref<64x64xf32, #tpu.memory_space<vmem>>
    %dma_wait3A_134 = arith.constant 0 : i32
    %dma_wait3A_135 = tpu.memref_slice %arg7[%dma_wait3A_128, %dma_wait3A_129, %dma_wait3A_134] : memref<3x16x64xi32, #tpu.memory_space<vmem>> -> memref<1x1x64xi32, #tpu.memory_space<vmem>>
    %dma_wait3A_136 = tpu.memref_squeeze %dma_wait3A_135 : memref<1x1x64xi32, #tpu.memory_space<vmem>> -> memref<64xi32, #tpu.memory_space<vmem>>
    %dma_wait3A_137 = arith.constant 0 : i32
    %dma_wait3A_138 = arith.constant 0 : i32
    %dma_wait3A_139 = tpu.memref_slice %arg10[%dma_wait3A_137, %dma_wait3A_138] : memref<10112x64xf32, #tpu.memory_space<vmem_shared>> -> memref<10112x64xf32, #tpu.memory_space<vmem_shared>>
    tpu.wait_indirect_dma semaphore(%arg25 : memref<!tpu.dma_semaphore, #tpu.memory_space<semaphore_mem>>) src(%dma_wait3A_133 : memref<64x64xf32, #tpu.memory_space<vmem>>) dst(%dma_wait3A_139 : memref<10112x64xf32, #tpu.memory_space<vmem_shared>>)
    %dma_wait3A_140 = arith.constant 7 : i32
    %dma_wait3A_141 = arith.constant 0 : i32
    %dma_wait3A_142 = arith.constant 0 : i32
    %dma_wait3A_143 = arith.constant 0 : i32
    %dma_wait3A_144 = arith.constant 0 : i32
    %dma_wait3A_145 = tpu.memref_slice %arg8[%dma_wait3A_140, %dma_wait3A_143, %dma_wait3A_144] : memref<8x64x64xf32, #tpu.memory_space<vmem>> -> memref<1x64x64xf32, #tpu.memory_space<vmem>>
    %dma_wait3A_146 = tpu.memref_squeeze %dma_wait3A_145 : memref<1x64x64xf32, #tpu.memory_space<vmem>> -> memref<64x64xf32, #tpu.memory_space<vmem>>
    %dma_wait3A_147 = arith.constant 0 : i32
    %dma_wait3A_148 = tpu.memref_slice %arg7[%dma_wait3A_141, %dma_wait3A_142, %dma_wait3A_147] : memref<3x16x64xi32, #tpu.memory_space<vmem>> -> memref<1x1x64xi32, #tpu.memory_space<vmem>>
    %dma_wait3A_149 = tpu.memref_squeeze %dma_wait3A_148 : memref<1x1x64xi32, #tpu.memory_space<vmem>> -> memref<64xi32, #tpu.memory_space<vmem>>
    %dma_wait3A_150 = arith.constant 0 : i32
    %dma_wait3A_151 = arith.constant 0 : i32
    %dma_wait3A_152 = tpu.memref_slice %arg10[%dma_wait3A_150, %dma_wait3A_151] : memref<10112x64xf32, #tpu.memory_space<vmem_shared>> -> memref<10112x64xf32, #tpu.memory_space<vmem_shared>>
    tpu.wait_indirect_dma semaphore(%arg26 : memref<!tpu.dma_semaphore, #tpu.memory_space<semaphore_mem>>) src(%dma_wait3A_146 : memref<64x64xf32, #tpu.memory_space<vmem>>) dst(%dma_wait3A_152 : memref<10112x64xf32, #tpu.memory_space<vmem_shared>>)
    %barrier3A_153 = arith.constant 0 : index
    tpu.barrier barrier_id(%barrier3A_153)
    %lt3A = arith.constant 15 : i32
    %lt3A_154 = arith.cmpi slt, %arg1, %lt3A : i32
    %convert_element_type3A = arith.extui %lt3A_154 : i1 to i32
    %cond3A = arith.constant 0 : i32
    %cond3A_155 = arith.cmpi ne, %convert_element_type3A, %cond3A : i32
    scf.if %cond3A_155 {
      %mul3A_160 = arith.constant 632 : i32
      %mul3A_161 = arith.muli %arg1, %mul3A_160 : i32
      %mul3A_162 = arith.constant 632 : i32
      %mul3A_163 = arith.muli %arg1, %mul3A_162 : i32
      "tpu.region"() ({
        %run_scoped3A_164 = tpu.sem_alloc : memref<!tpu.dma_semaphore, #tpu.memory_space<semaphore_mem>>
        %dma_start3A_165 = arith.constant 0 : i32
        %dma_start3A_166 = tpu.memref_slice %arg5[%arg0, %mul3A_163, %dma_start3A_165] : memref<2x10000x64xf32, #tpu.memory_space<hbm>> -> memref<1x632x64xf32, #tpu.memory_space<hbm>>
        %dma_start3A_167 = tpu.memref_squeeze %dma_start3A_166 : memref<1x632x64xf32, #tpu.memory_space<hbm>> -> memref<632x64xf32, #tpu.memory_space<hbm>>
        %dma_start3A_168 = arith.constant 0 : i32
        %dma_start3A_169 = tpu.memref_slice %arg10[%mul3A_161, %dma_start3A_168] : memref<10112x64xf32, #tpu.memory_space<vmem_shared>> -> memref<632x64xf32, #tpu.memory_space<vmem_shared>>
        tpu.enqueue_dma source(%dma_start3A_169 : memref<632x64xf32, #tpu.memory_space<vmem_shared>>) target(%dma_start3A_167 : memref<632x64xf32, #tpu.memory_space<hbm>>) target_semaphore(%run_scoped3A_164 : memref<!tpu.dma_semaphore, #tpu.memory_space<semaphore_mem>>)
        %dma_wait3A_170 = arith.constant 0 : i32
        %dma_wait3A_171 = tpu.memref_slice %arg5[%arg0, %mul3A_163, %dma_wait3A_170] : memref<2x10000x64xf32, #tpu.memory_space<hbm>> -> memref<1x632x64xf32, #tpu.memory_space<hbm>>
        %dma_wait3A_172 = tpu.memref_squeeze %dma_wait3A_171 : memref<1x632x64xf32, #tpu.memory_space<hbm>> -> memref<632x64xf32, #tpu.memory_space<hbm>>
        %dma_wait3A_173 = arith.constant 0 : i32
        %dma_wait3A_174 = tpu.memref_slice %arg10[%mul3A_161, %dma_wait3A_173] : memref<10112x64xf32, #tpu.memory_space<vmem_shared>> -> memref<632x64xf32, #tpu.memory_space<vmem_shared>>
        tpu.wait_dma2 semaphore(%run_scoped3A_164 : memref<!tpu.dma_semaphore, #tpu.memory_space<semaphore_mem>>) src(%dma_wait3A_174 : memref<632x64xf32, #tpu.memory_space<vmem_shared>>) dst(%dma_wait3A_172 : memref<632x64xf32, #tpu.memory_space<hbm>>)
        tpu.yield
      }) : () -> ()
    } else {
    }
    %eq3A = arith.constant 15 : i32
    %eq3A_156 = arith.cmpi eq, %arg1, %eq3A : i32
    %convert_element_type3A_157 = arith.extui %eq3A_156 : i1 to i32
    %cond3A_158 = arith.constant 0 : i32
    %cond3A_159 = arith.cmpi ne, %convert_element_type3A_157, %cond3A_158 : i32
    scf.if %cond3A_159 {
      "tpu.region"() ({
        %run_scoped3A_160 = tpu.sem_alloc : memref<!tpu.dma_semaphore, #tpu.memory_space<semaphore_mem>>
        %dma_start3A_161 = arith.constant 9480 : i32
        %dma_start3A_162 = arith.constant 0 : i32
        %dma_start3A_163 = tpu.memref_slice %arg5[%arg0, %dma_start3A_161, %dma_start3A_162] : memref<2x10000x64xf32, #tpu.memory_space<hbm>> -> memref<1x520x64xf32, #tpu.memory_space<hbm>>
        %dma_start3A_164 = tpu.memref_squeeze %dma_start3A_163 : memref<1x520x64xf32, #tpu.memory_space<hbm>> -> memref<520x64xf32, #tpu.memory_space<hbm>>
        %dma_start3A_165 = arith.constant 9480 : i32
        %dma_start3A_166 = arith.constant 0 : i32
        %dma_start3A_167 = tpu.memref_slice %arg10[%dma_start3A_165, %dma_start3A_166] : memref<10112x64xf32, #tpu.memory_space<vmem_shared>> -> memref<520x64xf32, #tpu.memory_space<vmem_shared>>
        tpu.enqueue_dma source(%dma_start3A_167 : memref<520x64xf32, #tpu.memory_space<vmem_shared>>) target(%dma_start3A_164 : memref<520x64xf32, #tpu.memory_space<hbm>>) target_semaphore(%run_scoped3A_160 : memref<!tpu.dma_semaphore, #tpu.memory_space<semaphore_mem>>)
        %dma_wait3A_168 = arith.constant 9480 : i32
        %dma_wait3A_169 = arith.constant 0 : i32
        %dma_wait3A_170 = tpu.memref_slice %arg5[%arg0, %dma_wait3A_168, %dma_wait3A_169] : memref<2x10000x64xf32, #tpu.memory_space<hbm>> -> memref<1x520x64xf32, #tpu.memory_space<hbm>>
        %dma_wait3A_171 = tpu.memref_squeeze %dma_wait3A_170 : memref<1x520x64xf32, #tpu.memory_space<hbm>> -> memref<520x64xf32, #tpu.memory_space<hbm>>
        %dma_wait3A_172 = arith.constant 9480 : i32
        %dma_wait3A_173 = arith.constant 0 : i32
        %dma_wait3A_174 = tpu.memref_slice %arg10[%dma_wait3A_172, %dma_wait3A_173] : memref<10112x64xf32, #tpu.memory_space<vmem_shared>> -> memref<520x64xf32, #tpu.memory_space<vmem_shared>>
        tpu.wait_dma2 semaphore(%run_scoped3A_160 : memref<!tpu.dma_semaphore, #tpu.memory_space<semaphore_mem>>) src(%dma_wait3A_174 : memref<520x64xf32, #tpu.memory_space<vmem_shared>>) dst(%dma_wait3A_171 : memref<520x64xf32, #tpu.memory_space<hbm>>)
        tpu.yield
      }) : () -> ()
    } else {
    }
    return
  }
}

#map = affine_map<(d0, d1) -> (0, 0, 0)>
#map1 = affine_map<(d0, d1) -> (0, 0, 0, 0)>
module attributes {stable_mosaic.version = 14 : i64} {
  func.func @k(%arg0: i32, %arg1: i32, %arg2: memref<2x10112x64xf32, #tpu.memory_space<hbm>>, %arg3: memref<16x20x16x64xi32, #tpu.memory_space<hbm>>, %arg4: memref<16x20x16x64xi32, #tpu.memory_space<hbm>>, %arg5: memref<2x10000x64xf32, #tpu.memory_space<hbm>>, %arg6: memref<3x16x64xi32, #tpu.memory_space<vmem>>, %arg7: memref<3x16x64xi32, #tpu.memory_space<vmem>>, %arg8: memref<8x64x64xf32, #tpu.memory_space<vmem>>, %arg9: memref<10112x64xf32, #tpu.memory_space<vmem_shared>>, %arg10: memref<10112x64xf32, #tpu.memory_space<vmem_shared>>, %arg11: memref<!tpu.dma_semaphore, #tpu.memory_space<semaphore_mem>>, %arg12: memref<!tpu.dma_semaphore, #tpu.memory_space<semaphore_mem>>, %arg13: memref<!tpu.dma_semaphore, #tpu.memory_space<semaphore_mem>>, %arg14: memref<!tpu.dma_semaphore, #tpu.memory_space<semaphore_mem>>, %arg15: memref<!tpu.dma_semaphore, #tpu.memory_space<semaphore_mem>>, %arg16: memref<!tpu.dma_semaphore, #tpu.memory_space<semaphore_mem>>, %arg17: memref<!tpu.dma_semaphore, #tpu.memory_space<semaphore_mem>>, %arg18: memref<!tpu.dma_semaphore, #tpu.memory_space<semaphore_mem>>, %arg19: memref<!tpu.dma_semaphore, #tpu.memory_space<semaphore_mem>>, %arg20: memref<!tpu.dma_semaphore, #tpu.memory_space<semaphore_mem>>, %arg21: memref<!tpu.dma_semaphore, #tpu.memory_space<semaphore_mem>>, %arg22: memref<!tpu.dma_semaphore, #tpu.memory_space<semaphore_mem>>, %arg23: memref<!tpu.dma_semaphore, #tpu.memory_space<semaphore_mem>>, %arg24: memref<!tpu.dma_semaphore, #tpu.memory_space<semaphore_mem>>, %arg25: memref<!tpu.dma_semaphore, #tpu.memory_space<semaphore_mem>>, %arg26: memref<!tpu.dma_semaphore, #tpu.memory_space<semaphore_mem>>, %arg27: memref<!tpu.dma_semaphore, #tpu.memory_space<semaphore_mem>>) attributes {dimension_semantics = [#tpu.dimension_semantics<core_parallel>, #tpu.dimension_semantics<subcore_parallel>], iteration_bounds = array<i64: 2, 16>, scalar_prefetch = 0 : i64, scratch_operands = 22 : i64, tpu.core_type = #tpu.core_type<sc_vector_subcore>, window_params = [{transform_indices = #map}, {transform_indices = #map1}, {transform_indices = #map1}, {transform_indices = #map}]} {
    %mul3A = arith.constant 632 : i32
    %mul3A_0 = arith.muli %arg1, %mul3A : i32
    %mul3A_1 = arith.constant 632 : i32
    %mul3A_2 = arith.muli %arg1, %mul3A_1 : i32
    "tpu.region"() ({
      %run_scoped3A_160 = tpu.sem_alloc : memref<!tpu.dma_semaphore, #tpu.memory_space<semaphore_mem>>
      %dma_start3A_161 = arith.constant 0 : i32
      %dma_start3A_162 = tpu.memref_slice %arg9[%mul3A_2, %dma_start3A_161] : memref<10112x64xf32, #tpu.memory_space<vmem_shared>> -> memref<632x64xf32, #tpu.memory_space<vmem_shared>>
      %dma_start3A_163 = arith.constant 0 : i32
      %dma_start3A_164 = tpu.memref_slice %arg2[%arg0, %mul3A_0, %dma_start3A_163] : memref<2x10112x64xf32, #tpu.memory_space<hbm>> -> memref<1x632x64xf32, #tpu.memory_space<hbm>>
      %dma_start3A_165 = tpu.memref_squeeze %dma_start3A_164 : memref<1x632x64xf32, #tpu.memory_space<hbm>> -> memref<632x64xf32, #tpu.memory_space<hbm>>
      tpu.enqueue_dma source(%dma_start3A_165 : memref<632x64xf32, #tpu.memory_space<hbm>>) target(%dma_start3A_162 : memref<632x64xf32, #tpu.memory_space<vmem_shared>>) target_semaphore(%run_scoped3A_160 : memref<!tpu.dma_semaphore, #tpu.memory_space<semaphore_mem>>)
      %dma_wait3A_166 = arith.constant 0 : i32
      %dma_wait3A_167 = tpu.memref_slice %arg9[%mul3A_2, %dma_wait3A_166] : memref<10112x64xf32, #tpu.memory_space<vmem_shared>> -> memref<632x64xf32, #tpu.memory_space<vmem_shared>>
      %dma_wait3A_168 = arith.constant 0 : i32
      %dma_wait3A_169 = tpu.memref_slice %arg2[%arg0, %mul3A_0, %dma_wait3A_168] : memref<2x10112x64xf32, #tpu.memory_space<hbm>> -> memref<1x632x64xf32, #tpu.memory_space<hbm>>
      %dma_wait3A_170 = tpu.memref_squeeze %dma_wait3A_169 : memref<1x632x64xf32, #tpu.memory_space<hbm>> -> memref<632x64xf32, #tpu.memory_space<hbm>>
      tpu.wait_dma2 semaphore(%run_scoped3A_160 : memref<!tpu.dma_semaphore, #tpu.memory_space<semaphore_mem>>) src(%dma_wait3A_170 : memref<632x64xf32, #tpu.memory_space<hbm>>) dst(%dma_wait3A_167 : memref<632x64xf32, #tpu.memory_space<vmem_shared>>)
      tpu.yield
    }) : () -> ()
    %mul3A_3 = arith.constant 632 : i32
    %mul3A_4 = arith.muli %arg1, %mul3A_3 : i32
    %mul3A_5 = arith.constant 632 : i32
    %mul3A_6 = arith.muli %arg1, %mul3A_5 : i32
    "tpu.region"() ({
      %run_scoped3A_160 = tpu.sem_alloc : memref<!tpu.dma_semaphore, #tpu.memory_space<semaphore_mem>>
      %dma_start3A_161 = arith.constant 0 : i32
      %dma_start3A_162 = tpu.memref_slice %arg10[%mul3A_6, %dma_start3A_161] : memref<10112x64xf32, #tpu.memory_space<vmem_shared>> -> memref<632x64xf32, #tpu.memory_space<vmem_shared>>
      %dma_start3A_163 = arith.constant 0 : i32
      %dma_start3A_164 = tpu.memref_slice %arg2[%arg0, %mul3A_4, %dma_start3A_163] : memref<2x10112x64xf32, #tpu.memory_space<hbm>> -> memref<1x632x64xf32, #tpu.memory_space<hbm>>
      %dma_start3A_165 = tpu.memref_squeeze %dma_start3A_164 : memref<1x632x64xf32, #tpu.memory_space<hbm>> -> memref<632x64xf32, #tpu.memory_space<hbm>>
      tpu.enqueue_dma source(%dma_start3A_165 : memref<632x64xf32, #tpu.memory_space<hbm>>) target(%dma_start3A_162 : memref<632x64xf32, #tpu.memory_space<vmem_shared>>) target_semaphore(%run_scoped3A_160 : memref<!tpu.dma_semaphore, #tpu.memory_space<semaphore_mem>>)
      %dma_wait3A_166 = arith.constant 0 : i32
      %dma_wait3A_167 = tpu.memref_slice %arg10[%mul3A_6, %dma_wait3A_166] : memref<10112x64xf32, #tpu.memory_space<vmem_shared>> -> memref<632x64xf32, #tpu.memory_space<vmem_shared>>
      %dma_wait3A_168 = arith.constant 0 : i32
      %dma_wait3A_169 = tpu.memref_slice %arg2[%arg0, %mul3A_4, %dma_wait3A_168] : memref<2x10112x64xf32, #tpu.memory_space<hbm>> -> memref<1x632x64xf32, #tpu.memory_space<hbm>>
      %dma_wait3A_170 = tpu.memref_squeeze %dma_wait3A_169 : memref<1x632x64xf32, #tpu.memory_space<hbm>> -> memref<632x64xf32, #tpu.memory_space<hbm>>
      tpu.wait_dma2 semaphore(%run_scoped3A_160 : memref<!tpu.dma_semaphore, #tpu.memory_space<semaphore_mem>>) src(%dma_wait3A_170 : memref<632x64xf32, #tpu.memory_space<hbm>>) dst(%dma_wait3A_167 : memref<632x64xf32, #tpu.memory_space<vmem_shared>>)
      tpu.yield
    }) : () -> ()
    %run_scoped3A = arith.constant 0 : i32
    %run_scoped3A_7 = arith.constant 0 : i32
    "tpu.region"() ({
      %run_scoped3A_160 = tpu.sem_alloc : memref<!tpu.dma_semaphore, #tpu.memory_space<semaphore_mem>>
      %dma_start3A_161 = arith.constant 0 : i32
      %dma_start3A_162 = arith.constant 0 : i32
      %dma_start3A_163 = tpu.memref_slice %arg6[%run_scoped3A_7, %dma_start3A_161, %dma_start3A_162] : memref<3x16x64xi32, #tpu.memory_space<vmem>> -> memref<1x16x64xi32, #tpu.memory_space<vmem>>
      %dma_start3A_164 = tpu.memref_squeeze %dma_start3A_163 : memref<1x16x64xi32, #tpu.memory_space<vmem>> -> memref<16x64xi32, #tpu.memory_space<vmem>>
      %dma_start3A_165 = arith.constant 0 : i32
      %dma_start3A_166 = arith.constant 0 : i32
      %dma_start3A_167 = tpu.memref_slice %arg3[%arg1, %run_scoped3A, %dma_start3A_165, %dma_start3A_166] : memref<16x20x16x64xi32, #tpu.memory_space<hbm>> -> memref<1x1x16x64xi32, #tpu.memory_space<hbm>>
      %dma_start3A_168 = tpu.memref_squeeze %dma_start3A_167 : memref<1x1x16x64xi32, #tpu.memory_space<hbm>> -> memref<16x64xi32, #tpu.memory_space<hbm>>
      %dma_start3A_169 = arith.constant 0 : i32
      %dma_start3A_170 = arith.constant 0 : i32
      %dma_start3A_171 = tpu.memref_slice %arg6[%run_scoped3A_7, %dma_start3A_169, %dma_start3A_170] : memref<3x16x64xi32, #tpu.memory_space<vmem>> -> memref<1x16x64xi32, #tpu.memory_space<vmem>>
      %dma_start3A_172 = tpu.memref_squeeze %dma_start3A_171 : memref<1x16x64xi32, #tpu.memory_space<vmem>> -> memref<16x64xi32, #tpu.memory_space<vmem>>
      %dma_start3A_173 = arith.constant 0 : i32
      %dma_start3A_174 = arith.constant 0 : i32
      %dma_start3A_175 = tpu.memref_slice %arg3[%arg1, %run_scoped3A, %dma_start3A_173, %dma_start3A_174] : memref<16x20x16x64xi32, #tpu.memory_space<hbm>> -> memref<1x1x16x64xi32, #tpu.memory_space<hbm>>
      %dma_start3A_176 = tpu.memref_squeeze %dma_start3A_175 : memref<1x1x16x64xi32, #tpu.memory_space<hbm>> -> memref<16x64xi32, #tpu.memory_space<hbm>>
      tpu.enqueue_dma source(%dma_start3A_176 : memref<16x64xi32, #tpu.memory_space<hbm>>) target(%dma_start3A_172 : memref<16x64xi32, #tpu.memory_space<vmem>>) target_semaphore(%run_scoped3A_160 : memref<!tpu.dma_semaphore, #tpu.memory_space<semaphore_mem>>)
      %dma_wait3A_177 = arith.constant 0 : i32
      %dma_wait3A_178 = arith.constant 0 : i32
      %dma_wait3A_179 = tpu.memref_slice %arg6[%run_scoped3A_7, %dma_wait3A_177, %dma_wait3A_178] : memref<3x16x64xi32, #tpu.memory_space<vmem>> -> memref<1x16x64xi32, #tpu.memory_space<vmem>>
      %dma_wait3A_180 = tpu.memref_squeeze %dma_wait3A_179 : memref<1x16x64xi32, #tpu.memory_space<vmem>> -> memref<16x64xi32, #tpu.memory_space<vmem>>
      %dma_wait3A_181 = arith.constant 0 : i32
      %dma_wait3A_182 = arith.constant 0 : i32
      %dma_wait3A_183 = tpu.memref_slice %arg3[%arg1, %run_scoped3A, %dma_wait3A_181, %dma_wait3A_182] : memref<16x20x16x64xi32, #tpu.memory_space<hbm>> -> memref<1x1x16x64xi32, #tpu.memory_space<hbm>>
      %dma_wait3A_184 = tpu.memref_squeeze %dma_wait3A_183 : memref<1x1x16x64xi32, #tpu.memory_space<hbm>> -> memref<16x64xi32, #tpu.memory_space<hbm>>
      %dma_wait3A_185 = arith.constant 0 : i32
      %dma_wait3A_186 = arith.constant 0 : i32
      %dma_wait3A_187 = tpu.memref_slice %arg6[%run_scoped3A_7, %dma_wait3A_185, %dma_wait3A_186] : memref<3x16x64xi32, #tpu.memory_space<vmem>> -> memref<1x16x64xi32, #tpu.memory_space<vmem>>
      %dma_wait3A_188 = tpu.memref_squeeze %dma_wait3A_187 : memref<1x16x64xi32, #tpu.memory_space<vmem>> -> memref<16x64xi32, #tpu.memory_space<vmem>>
      %dma_wait3A_189 = arith.constant 0 : i32
      %dma_wait3A_190 = arith.constant 0 : i32
      %dma_wait3A_191 = tpu.memref_slice %arg3[%arg1, %run_scoped3A, %dma_wait3A_189, %dma_wait3A_190] : memref<16x20x16x64xi32, #tpu.memory_space<hbm>> -> memref<1x1x16x64xi32, #tpu.memory_space<hbm>>
      %dma_wait3A_192 = tpu.memref_squeeze %dma_wait3A_191 : memref<1x1x16x64xi32, #tpu.memory_space<hbm>> -> memref<16x64xi32, #tpu.memory_space<hbm>>
      tpu.wait_dma2 semaphore(%run_scoped3A_160 : memref<!tpu.dma_semaphore, #tpu.memory_space<semaphore_mem>>) src(%dma_wait3A_192 : memref<16x64xi32, #tpu.memory_space<hbm>>) dst(%dma_wait3A_188 : memref<16x64xi32, #tpu.memory_space<vmem>>)
      tpu.yield
    }) : () -> ()
    %run_scoped3A_8 = arith.constant 0 : i32
    %run_scoped3A_9 = arith.constant 0 : i32
    "tpu.region"() ({
      %run_scoped3A_160 = tpu.sem_alloc : memref<!tpu.dma_semaphore, #tpu.memory_space<semaphore_mem>>
      %dma_start3A_161 = arith.constant 0 : i32
      %dma_start3A_162 = arith.constant 0 : i32
      %dma_start3A_163 = tpu.memref_slice %arg7[%run_scoped3A_9, %dma_start3A_161, %dma_start3A_162] : memref<3x16x64xi32, #tpu.memory_space<vmem>> -> memref<1x16x64xi32, #tpu.memory_space<vmem>>
      %dma_start3A_164 = tpu.memref_squeeze %dma_start3A_163 : memref<1x16x64xi32, #tpu.memory_space<vmem>> -> memref<16x64xi32, #tpu.memory_space<vmem>>
      %dma_start3A_165 = arith.constant 0 : i32
      %dma_start3A_166 = arith.constant 0 : i32
      %dma_start3A_167 = tpu.memref_slice %arg4[%arg1, %run_scoped3A_8, %dma_start3A_165, %dma_start3A_166] : memref<16x20x16x64xi32, #tpu.memory_space<hbm>> -> memref<1x1x16x64xi32, #tpu.memory_space<hbm>>
      %dma_start3A_168 = tpu.memref_squeeze %dma_start3A_167 : memref<1x1x16x64xi32, #tpu.memory_space<hbm>> -> memref<16x64xi32, #tpu.memory_space<hbm>>
      %dma_start3A_169 = arith.constant 0 : i32
      %dma_start3A_170 = arith.constant 0 : i32
      %dma_start3A_171 = tpu.memref_slice %arg7[%run_scoped3A_9, %dma_start3A_169, %dma_start3A_170] : memref<3x16x64xi32, #tpu.memory_space<vmem>> -> memref<1x16x64xi32, #tpu.memory_space<vmem>>
      %dma_start3A_172 = tpu.memref_squeeze %dma_start3A_171 : memref<1x16x64xi32, #tpu.memory_space<vmem>> -> memref<16x64xi32, #tpu.memory_space<vmem>>
      %dma_start3A_173 = arith.constant 0 : i32
      %dma_start3A_174 = arith.constant 0 : i32
      %dma_start3A_175 = tpu.memref_slice %arg4[%arg1, %run_scoped3A_8, %dma_start3A_173, %dma_start3A_174] : memref<16x20x16x64xi32, #tpu.memory_space<hbm>> -> memref<1x1x16x64xi32, #tpu.memory_space<hbm>>
      %dma_start3A_176 = tpu.memref_squeeze %dma_start3A_175 : memref<1x1x16x64xi32, #tpu.memory_space<hbm>> -> memref<16x64xi32, #tpu.memory_space<hbm>>
      tpu.enqueue_dma source(%dma_start3A_176 : memref<16x64xi32, #tpu.memory_space<hbm>>) target(%dma_start3A_172 : memref<16x64xi32, #tpu.memory_space<vmem>>) target_semaphore(%run_scoped3A_160 : memref<!tpu.dma_semaphore, #tpu.memory_space<semaphore_mem>>)
      %dma_wait3A_177 = arith.constant 0 : i32
      %dma_wait3A_178 = arith.constant 0 : i32
      %dma_wait3A_179 = tpu.memref_slice %arg7[%run_scoped3A_9, %dma_wait3A_177, %dma_wait3A_178] : memref<3x16x64xi32, #tpu.memory_space<vmem>> -> memref<1x16x64xi32, #tpu.memory_space<vmem>>
      %dma_wait3A_180 = tpu.memref_squeeze %dma_wait3A_179 : memref<1x16x64xi32, #tpu.memory_space<vmem>> -> memref<16x64xi32, #tpu.memory_space<vmem>>
      %dma_wait3A_181 = arith.constant 0 : i32
      %dma_wait3A_182 = arith.constant 0 : i32
      %dma_wait3A_183 = tpu.memref_slice %arg4[%arg1, %run_scoped3A_8, %dma_wait3A_181, %dma_wait3A_182] : memref<16x20x16x64xi32, #tpu.memory_space<hbm>> -> memref<1x1x16x64xi32, #tpu.memory_space<hbm>>
      %dma_wait3A_184 = tpu.memref_squeeze %dma_wait3A_183 : memref<1x1x16x64xi32, #tpu.memory_space<hbm>> -> memref<16x64xi32, #tpu.memory_space<hbm>>
      %dma_wait3A_185 = arith.constant 0 : i32
      %dma_wait3A_186 = arith.constant 0 : i32
      %dma_wait3A_187 = tpu.memref_slice %arg7[%run_scoped3A_9, %dma_wait3A_185, %dma_wait3A_186] : memref<3x16x64xi32, #tpu.memory_space<vmem>> -> memref<1x16x64xi32, #tpu.memory_space<vmem>>
      %dma_wait3A_188 = tpu.memref_squeeze %dma_wait3A_187 : memref<1x16x64xi32, #tpu.memory_space<vmem>> -> memref<16x64xi32, #tpu.memory_space<vmem>>
      %dma_wait3A_189 = arith.constant 0 : i32
      %dma_wait3A_190 = arith.constant 0 : i32
      %dma_wait3A_191 = tpu.memref_slice %arg4[%arg1, %run_scoped3A_8, %dma_wait3A_189, %dma_wait3A_190] : memref<16x20x16x64xi32, #tpu.memory_space<hbm>> -> memref<1x1x16x64xi32, #tpu.memory_space<hbm>>
      %dma_wait3A_192 = tpu.memref_squeeze %dma_wait3A_191 : memref<1x1x16x64xi32, #tpu.memory_space<hbm>> -> memref<16x64xi32, #tpu.memory_space<hbm>>
      tpu.wait_dma2 semaphore(%run_scoped3A_160 : memref<!tpu.dma_semaphore, #tpu.memory_space<semaphore_mem>>) src(%dma_wait3A_192 : memref<16x64xi32, #tpu.memory_space<hbm>>) dst(%dma_wait3A_188 : memref<16x64xi32, #tpu.memory_space<vmem>>)
      tpu.yield
    }) : () -> ()
    %dma_start3A = arith.constant 1 : i32
    %dma_start3A_10 = arith.constant 1 : i32
    %dma_start3A_11 = arith.constant 0 : i32
    %dma_start3A_12 = arith.constant 0 : i32
    %dma_start3A_13 = tpu.memref_slice %arg6[%dma_start3A_10, %dma_start3A_11, %dma_start3A_12] : memref<3x16x64xi32, #tpu.memory_space<vmem>> -> memref<1x16x64xi32, #tpu.memory_space<vmem>>
    %dma_start3A_14 = tpu.memref_squeeze %dma_start3A_13 : memref<1x16x64xi32, #tpu.memory_space<vmem>> -> memref<16x64xi32, #tpu.memory_space<vmem>>
    %dma_start3A_15 = arith.constant 0 : i32
    %dma_start3A_16 = arith.constant 0 : i32
    %dma_start3A_17 = tpu.memref_slice %arg3[%arg1, %dma_start3A, %dma_start3A_15, %dma_start3A_16] : memref<16x20x16x64xi32, #tpu.memory_space<hbm>> -> memref<1x1x16x64xi32, #tpu.memory_space<hbm>>
    %dma_start3A_18 = tpu.memref_squeeze %dma_start3A_17 : memref<1x1x16x64xi32, #tpu.memory_space<hbm>> -> memref<16x64xi32, #tpu.memory_space<hbm>>
    %dma_start3A_19 = arith.constant 0 : i32
    %dma_start3A_20 = arith.constant 0 : i32
    %dma_start3A_21 = tpu.memref_slice %arg6[%dma_start3A_10, %dma_start3A_19, %dma_start3A_20] : memref<3x16x64xi32, #tpu.memory_space<vmem>> -> memref<1x16x64xi32, #tpu.memory_space<vmem>>
    %dma_start3A_22 = tpu.memref_squeeze %dma_start3A_21 : memref<1x16x64xi32, #tpu.memory_space<vmem>> -> memref<16x64xi32, #tpu.memory_space<vmem>>
    %dma_start3A_23 = arith.constant 0 : i32
    %dma_start3A_24 = arith.constant 0 : i32
    %dma_start3A_25 = tpu.memref_slice %arg3[%arg1, %dma_start3A, %dma_start3A_23, %dma_start3A_24] : memref<16x20x16x64xi32, #tpu.memory_space<hbm>> -> memref<1x1x16x64xi32, #tpu.memory_space<hbm>>
    %dma_start3A_26 = tpu.memref_squeeze %dma_start3A_25 : memref<1x1x16x64xi32, #tpu.memory_space<hbm>> -> memref<16x64xi32, #tpu.memory_space<hbm>>
    tpu.enqueue_dma source(%dma_start3A_26 : memref<16x64xi32, #tpu.memory_space<hbm>>) target(%dma_start3A_22 : memref<16x64xi32, #tpu.memory_space<vmem>>) target_semaphore(%arg27 : memref<!tpu.dma_semaphore, #tpu.memory_space<semaphore_mem>>)
    %dma_start3A_27 = arith.constant 1 : i32
    %dma_start3A_28 = arith.constant 1 : i32
    %dma_start3A_29 = arith.constant 0 : i32
    %dma_start3A_30 = arith.constant 0 : i32
    %dma_start3A_31 = tpu.memref_slice %arg7[%dma_start3A_28, %dma_start3A_29, %dma_start3A_30] : memref<3x16x64xi32, #tpu.memory_space<vmem>> -> memref<1x16x64xi32, #tpu.memory_space<vmem>>
    %dma_start3A_32 = tpu.memref_squeeze %dma_start3A_31 : memref<1x16x64xi32, #tpu.memory_space<vmem>> -> memref<16x64xi32, #tpu.memory_space<vmem>>
    %dma_start3A_33 = arith.constant 0 : i32
    %dma_start3A_34 = arith.constant 0 : i32
    %dma_start3A_35 = tpu.memref_slice %arg4[%arg1, %dma_start3A_27, %dma_start3A_33, %dma_start3A_34] : memref<16x20x16x64xi32, #tpu.memory_space<hbm>> -> memref<1x1x16x64xi32, #tpu.memory_space<hbm>>
    %dma_start3A_36 = tpu.memref_squeeze %dma_start3A_35 : memref<1x1x16x64xi32, #tpu.memory_space<hbm>> -> memref<16x64xi32, #tpu.memory_space<hbm>>
    %dma_start3A_37 = arith.constant 0 : i32
    %dma_start3A_38 = arith.constant 0 : i32
    %dma_start3A_39 = tpu.memref_slice %arg7[%dma_start3A_28, %dma_start3A_37, %dma_start3A_38] : memref<3x16x64xi32, #tpu.memory_space<vmem>> -> memref<1x16x64xi32, #tpu.memory_space<vmem>>
    %dma_start3A_40 = tpu.memref_squeeze %dma_start3A_39 : memref<1x16x64xi32, #tpu.memory_space<vmem>> -> memref<16x64xi32, #tpu.memory_space<vmem>>
    %dma_start3A_41 = arith.constant 0 : i32
    %dma_start3A_42 = arith.constant 0 : i32
    %dma_start3A_43 = tpu.memref_slice %arg4[%arg1, %dma_start3A_27, %dma_start3A_41, %dma_start3A_42] : memref<16x20x16x64xi32, #tpu.memory_space<hbm>> -> memref<1x1x16x64xi32, #tpu.memory_space<hbm>>
    %dma_start3A_44 = tpu.memref_squeeze %dma_start3A_43 : memref<1x1x16x64xi32, #tpu.memory_space<hbm>> -> memref<16x64xi32, #tpu.memory_space<hbm>>
    tpu.enqueue_dma source(%dma_start3A_44 : memref<16x64xi32, #tpu.memory_space<hbm>>) target(%dma_start3A_40 : memref<16x64xi32, #tpu.memory_space<vmem>>) target_semaphore(%arg27 : memref<!tpu.dma_semaphore, #tpu.memory_space<semaphore_mem>>)
    %barrier3A = arith.constant 0 : index
    tpu.barrier barrier_id(%barrier3A)
    %dma_start3A_45 = arith.constant 0 : i32
    %dma_start3A_46 = arith.constant 0 : i32
    %dma_start3A_47 = arith.constant 0 : i32
    %dma_start3A_48 = arith.constant 0 : i32
    %dma_start3A_49 = arith.constant 0 : i32
    %dma_start3A_50 = tpu.memref_slice %arg8[%dma_start3A_47, %dma_start3A_48, %dma_start3A_49] : memref<8x64x64xf32, #tpu.memory_space<vmem>> -> memref<1x64x64xf32, #tpu.memory_space<vmem>>
    %dma_start3A_51 = tpu.memref_squeeze %dma_start3A_50 : memref<1x64x64xf32, #tpu.memory_space<vmem>> -> memref<64x64xf32, #tpu.memory_space<vmem>>
    %dma_start3A_52 = arith.constant 0 : i32
    %dma_start3A_53 = tpu.memref_slice %arg6[%dma_start3A_45, %dma_start3A_46, %dma_start3A_52] : memref<3x16x64xi32, #tpu.memory_space<vmem>> -> memref<1x1x64xi32, #tpu.memory_space<vmem>>
    %dma_start3A_54 = tpu.memref_squeeze %dma_start3A_53 : memref<1x1x64xi32, #tpu.memory_space<vmem>> -> memref<64xi32, #tpu.memory_space<vmem>>
    %dma_start3A_55 = arith.constant 0 : i32
    %dma_start3A_56 = arith.constant 0 : i32
    %dma_start3A_57 = tpu.memref_slice %arg9[%dma_start3A_55, %dma_start3A_56] : memref<10112x64xf32, #tpu.memory_space<vmem_shared>> -> memref<10112x64xf32, #tpu.memory_space<vmem_shared>>
    tpu.enqueue_indirect_dma source(%dma_start3A_57 : memref<10112x64xf32, #tpu.memory_space<vmem_shared>>) target(%dma_start3A_51 : memref<64x64xf32, #tpu.memory_space<vmem>>) offsets(%dma_start3A_54 : memref<64xi32, #tpu.memory_space<vmem>>) semaphore(%arg11 : memref<!tpu.dma_semaphore, #tpu.memory_space<semaphore_mem>>)
    %dma_start3A_58 = arith.constant 0 : i32
    %dma_start3A_59 = arith.constant 1 : i32
    %dma_start3A_60 = arith.constant 1 : i32
    %dma_start3A_61 = arith.constant 0 : i32
    %dma_start3A_62 = arith.constant 0 : i32
    %dma_start3A_63 = tpu.memref_slice %arg8[%dma_start3A_60, %dma_start3A_61, %dma_start3A_62] : memref<8x64x64xf32, #tpu.memory_space<vmem>> -> memref<1x64x64xf32, #tpu.memory_space<vmem>>
    %dma_start3A_64 = tpu.memref_squeeze %dma_start3A_63 : memref<1x64x64xf32, #tpu.memory_space<vmem>> -> memref<64x64xf32, #tpu.memory_space<vmem>>
    %dma_start3A_65 = arith.constant 0 : i32
    %dma_start3A_66 = tpu.memref_slice %arg6[%dma_start3A_58, %dma_start3A_59, %dma_start3A_65] : memref<3x16x64xi32, #tpu.memory_space<vmem>> -> memref<1x1x64xi32, #tpu.memory_space<vmem>>
    %dma_start3A_67 = tpu.memref_squeeze %dma_start3A_66 : memref<1x1x64xi32, #tpu.memory_space<vmem>> -> memref<64xi32, #tpu.memory_space<vmem>>
    %dma_start3A_68 = arith.constant 0 : i32
    %dma_start3A_69 = arith.constant 0 : i32
    %dma_start3A_70 = tpu.memref_slice %arg9[%dma_start3A_68, %dma_start3A_69] : memref<10112x64xf32, #tpu.memory_space<vmem_shared>> -> memref<10112x64xf32, #tpu.memory_space<vmem_shared>>
    tpu.enqueue_indirect_dma source(%dma_start3A_70 : memref<10112x64xf32, #tpu.memory_space<vmem_shared>>) target(%dma_start3A_64 : memref<64x64xf32, #tpu.memory_space<vmem>>) offsets(%dma_start3A_67 : memref<64xi32, #tpu.memory_space<vmem>>) semaphore(%arg12 : memref<!tpu.dma_semaphore, #tpu.memory_space<semaphore_mem>>)
    %dma_start3A_71 = arith.constant 0 : i32
    %dma_start3A_72 = arith.constant 2 : i32
    %dma_start3A_73 = arith.constant 2 : i32
    %dma_start3A_74 = arith.constant 0 : i32
    %dma_start3A_75 = arith.constant 0 : i32
    %dma_start3A_76 = tpu.memref_slice %arg8[%dma_start3A_73, %dma_start3A_74, %dma_start3A_75] : memref<8x64x64xf32, #tpu.memory_space<vmem>> -> memref<1x64x64xf32, #tpu.memory_space<vmem>>
    %dma_start3A_77 = tpu.memref_squeeze %dma_start3A_76 : memref<1x64x64xf32, #tpu.memory_space<vmem>> -> memref<64x64xf32, #tpu.memory_space<vmem>>
    %dma_start3A_78 = arith.constant 0 : i32
    %dma_start3A_79 = tpu.memref_slice %arg6[%dma_start3A_71, %dma_start3A_72, %dma_start3A_78] : memref<3x16x64xi32, #tpu.memory_space<vmem>> -> memref<1x1x64xi32, #tpu.memory_space<vmem>>
    %dma_start3A_80 = tpu.memref_squeeze %dma_start3A_79 : memref<1x1x64xi32, #tpu.memory_space<vmem>> -> memref<64xi32, #tpu.memory_space<vmem>>
    %dma_start3A_81 = arith.constant 0 : i32
    %dma_start3A_82 = arith.constant 0 : i32
    %dma_start3A_83 = tpu.memref_slice %arg9[%dma_start3A_81, %dma_start3A_82] : memref<10112x64xf32, #tpu.memory_space<vmem_shared>> -> memref<10112x64xf32, #tpu.memory_space<vmem_shared>>
    tpu.enqueue_indirect_dma source(%dma_start3A_83 : memref<10112x64xf32, #tpu.memory_space<vmem_shared>>) target(%dma_start3A_77 : memref<64x64xf32, #tpu.memory_space<vmem>>) offsets(%dma_start3A_80 : memref<64xi32, #tpu.memory_space<vmem>>) semaphore(%arg13 : memref<!tpu.dma_semaphore, #tpu.memory_space<semaphore_mem>>)
    %dma_start3A_84 = arith.constant 0 : i32
    %dma_start3A_85 = arith.constant 3 : i32
    %dma_start3A_86 = arith.constant 3 : i32
    %dma_start3A_87 = arith.constant 0 : i32
    %dma_start3A_88 = arith.constant 0 : i32
    %dma_start3A_89 = tpu.memref_slice %arg8[%dma_start3A_86, %dma_start3A_87, %dma_start3A_88] : memref<8x64x64xf32, #tpu.memory_space<vmem>> -> memref<1x64x64xf32, #tpu.memory_space<vmem>>
    %dma_start3A_90 = tpu.memref_squeeze %dma_start3A_89 : memref<1x64x64xf32, #tpu.memory_space<vmem>> -> memref<64x64xf32, #tpu.memory_space<vmem>>
    %dma_start3A_91 = arith.constant 0 : i32
    %dma_start3A_92 = tpu.memref_slice %arg6[%dma_start3A_84, %dma_start3A_85, %dma_start3A_91] : memref<3x16x64xi32, #tpu.memory_space<vmem>> -> memref<1x1x64xi32, #tpu.memory_space<vmem>>
    %dma_start3A_93 = tpu.memref_squeeze %dma_start3A_92 : memref<1x1x64xi32, #tpu.memory_space<vmem>> -> memref<64xi32, #tpu.memory_space<vmem>>
    %dma_start3A_94 = arith.constant 0 : i32
    %dma_start3A_95 = arith.constant 0 : i32
    %dma_start3A_96 = tpu.memref_slice %arg9[%dma_start3A_94, %dma_start3A_95] : memref<10112x64xf32, #tpu.memory_space<vmem_shared>> -> memref<10112x64xf32, #tpu.memory_space<vmem_shared>>
    tpu.enqueue_indirect_dma source(%dma_start3A_96 : memref<10112x64xf32, #tpu.memory_space<vmem_shared>>) target(%dma_start3A_90 : memref<64x64xf32, #tpu.memory_space<vmem>>) offsets(%dma_start3A_93 : memref<64xi32, #tpu.memory_space<vmem>>) semaphore(%arg14 : memref<!tpu.dma_semaphore, #tpu.memory_space<semaphore_mem>>)
    %scan3A = arith.constant 0 : i32
    %scan3A_97 = arith.constant 0 : i32
    %scan3A_98 = arith.constant 20 : i32
    %scan3A_99 = arith.addi %scan3A_97, %scan3A_98 : i32
    %scan3A_100 = arith.constant 1 : i32
    scf.for %scan3A_160 = %scan3A_97 to %scan3A_99 step %scan3A_100  : i32 {
      %add3A = arith.constant 1 : i32
      %add3A_161 = arith.addi %scan3A_160, %add3A : i32
      %lt3A_162 = arith.constant 20 : i32
      %lt3A_163 = arith.cmpi slt, %add3A_161, %lt3A_162 : i32
      %convert_element_type3A_164 = arith.extui %lt3A_163 : i1 to i32
      %cond3A_165 = arith.constant 0 : i32
      %cond3A_166 = arith.cmpi ne, %convert_element_type3A_164, %cond3A_165 : i32
      scf.if %cond3A_166 {
        %dma_wait3A_180 = arith.constant 0 : i32
        %dma_wait3A_181 = arith.constant 0 : i32
        %dma_wait3A_182 = arith.constant 0 : i32
        %dma_wait3A_183 = arith.constant 0 : i32
        %dma_wait3A_184 = tpu.memref_slice %arg6[%dma_wait3A_181, %dma_wait3A_182, %dma_wait3A_183] : memref<3x16x64xi32, #tpu.memory_space<vmem>> -> memref<1x16x64xi32, #tpu.memory_space<vmem>>
        %dma_wait3A_185 = tpu.memref_squeeze %dma_wait3A_184 : memref<1x16x64xi32, #tpu.memory_space<vmem>> -> memref<16x64xi32, #tpu.memory_space<vmem>>
        %dma_wait3A_186 = arith.constant 0 : i32
        %dma_wait3A_187 = arith.constant 0 : i32
        %dma_wait3A_188 = tpu.memref_slice %arg3[%arg1, %dma_wait3A_180, %dma_wait3A_186, %dma_wait3A_187] : memref<16x20x16x64xi32, #tpu.memory_space<hbm>> -> memref<1x1x16x64xi32, #tpu.memory_space<hbm>>
        %dma_wait3A_189 = tpu.memref_squeeze %dma_wait3A_188 : memref<1x1x16x64xi32, #tpu.memory_space<hbm>> -> memref<16x64xi32, #tpu.memory_space<hbm>>
        %dma_wait3A_190 = arith.constant 0 : i32
        %dma_wait3A_191 = arith.constant 0 : i32
        %dma_wait3A_192 = tpu.memref_slice %arg6[%dma_wait3A_181, %dma_wait3A_190, %dma_wait3A_191] : memref<3x16x64xi32, #tpu.memory_space<vmem>> -> memref<1x16x64xi32, #tpu.memory_space<vmem>>
        %dma_wait3A_193 = tpu.memref_squeeze %dma_wait3A_192 : memref<1x16x64xi32, #tpu.memory_space<vmem>> -> memref<16x64xi32, #tpu.memory_space<vmem>>
        %dma_wait3A_194 = arith.constant 0 : i32
        %dma_wait3A_195 = arith.constant 0 : i32
        %dma_wait3A_196 = tpu.memref_slice %arg3[%arg1, %dma_wait3A_180, %dma_wait3A_194, %dma_wait3A_195] : memref<16x20x16x64xi32, #tpu.memory_space<hbm>> -> memref<1x1x16x64xi32, #tpu.memory_space<hbm>>
        %dma_wait3A_197 = tpu.memref_squeeze %dma_wait3A_196 : memref<1x1x16x64xi32, #tpu.memory_space<hbm>> -> memref<16x64xi32, #tpu.memory_space<hbm>>
        tpu.wait_dma2 semaphore(%arg27 : memref<!tpu.dma_semaphore, #tpu.memory_space<semaphore_mem>>) src(%dma_wait3A_197 : memref<16x64xi32, #tpu.memory_space<hbm>>) dst(%dma_wait3A_193 : memref<16x64xi32, #tpu.memory_space<vmem>>)
        %dma_wait3A_198 = arith.constant 0 : i32
        %dma_wait3A_199 = arith.constant 0 : i32
        %dma_wait3A_200 = arith.constant 0 : i32
        %dma_wait3A_201 = arith.constant 0 : i32
        %dma_wait3A_202 = tpu.memref_slice %arg7[%dma_wait3A_199, %dma_wait3A_200, %dma_wait3A_201] : memref<3x16x64xi32, #tpu.memory_space<vmem>> -> memref<1x16x64xi32, #tpu.memory_space<vmem>>
        %dma_wait3A_203 = tpu.memref_squeeze %dma_wait3A_202 : memref<1x16x64xi32, #tpu.memory_space<vmem>> -> memref<16x64xi32, #tpu.memory_space<vmem>>
        %dma_wait3A_204 = arith.constant 0 : i32
        %dma_wait3A_205 = arith.constant 0 : i32
        %dma_wait3A_206 = tpu.memref_slice %arg4[%arg1, %dma_wait3A_198, %dma_wait3A_204, %dma_wait3A_205] : memref<16x20x16x64xi32, #tpu.memory_space<hbm>> -> memref<1x1x16x64xi32, #tpu.memory_space<hbm>>
        %dma_wait3A_207 = tpu.memref_squeeze %dma_wait3A_206 : memref<1x1x16x64xi32, #tpu.memory_space<hbm>> -> memref<16x64xi32, #tpu.memory_space<hbm>>
        %dma_wait3A_208 = arith.constant 0 : i32
        %dma_wait3A_209 = arith.constant 0 : i32
        %dma_wait3A_210 = tpu.memref_slice %arg7[%dma_wait3A_199, %dma_wait3A_208, %dma_wait3A_209] : memref<3x16x64xi32, #tpu.memory_space<vmem>> -> memref<1x16x64xi32, #tpu.memory_space<vmem>>
        %dma_wait3A_211 = tpu.memref_squeeze %dma_wait3A_210 : memref<1x16x64xi32, #tpu.memory_space<vmem>> -> memref<16x64xi32, #tpu.memory_space<vmem>>
        %dma_wait3A_212 = arith.constant 0 : i32
        %dma_wait3A_213 = arith.constant 0 : i32
        %dma_wait3A_214 = tpu.memref_slice %arg4[%arg1, %dma_wait3A_198, %dma_wait3A_212, %dma_wait3A_213] : memref<16x20x16x64xi32, #tpu.memory_space<hbm>> -> memref<1x1x16x64xi32, #tpu.memory_space<hbm>>
        %dma_wait3A_215 = tpu.memref_squeeze %dma_wait3A_214 : memref<1x1x16x64xi32, #tpu.memory_space<hbm>> -> memref<16x64xi32, #tpu.memory_space<hbm>>
        tpu.wait_dma2 semaphore(%arg27 : memref<!tpu.dma_semaphore, #tpu.memory_space<semaphore_mem>>) src(%dma_wait3A_215 : memref<16x64xi32, #tpu.memory_space<hbm>>) dst(%dma_wait3A_211 : memref<16x64xi32, #tpu.memory_space<vmem>>)
      } else {
      }
      %scan3A_167 = arith.constant 0 : i32
      %scan3A_168 = arith.constant 0 : i32
      %scan3A_169 = arith.constant 2 : i32
      %scan3A_170 = arith.addi %scan3A_168, %scan3A_169 : i32
      %scan3A_171 = arith.constant 1 : i32
      scf.for %scan3A_180 = %scan3A_168 to %scan3A_170 step %scan3A_171  : i32 {
        %mul3A_181 = arith.constant 8 : i32
        %mul3A_182 = arith.muli %mul3A_181, %scan3A_180 : i32
        %add3A_183 = arith.constant 0 : i32
        %add3A_184 = arith.addi %mul3A_182, %add3A_183 : i32
        %mul3A_185 = arith.constant 16 : i32
        %mul3A_186 = arith.muli %scan3A_160, %mul3A_185 : i32
        %add3A_187 = arith.addi %mul3A_186, %add3A_184 : i32
        %dma_wait3A_188 = arith.constant 0 : i32
        %dma_wait3A_189 = arith.constant 0 : i32
        %dma_wait3A_190 = arith.constant 0 : i32
        %dma_wait3A_191 = arith.constant 0 : i32
        %dma_wait3A_192 = arith.constant 0 : i32
        %dma_wait3A_193 = tpu.memref_slice %arg8[%dma_wait3A_190, %dma_wait3A_191, %dma_wait3A_192] : memref<8x64x64xf32, #tpu.memory_space<vmem>> -> memref<1x64x64xf32, #tpu.memory_space<vmem>>
        %dma_wait3A_194 = tpu.memref_squeeze %dma_wait3A_193 : memref<1x64x64xf32, #tpu.memory_space<vmem>> -> memref<64x64xf32, #tpu.memory_space<vmem>>
        %dma_wait3A_195 = arith.constant 0 : i32
        %dma_wait3A_196 = tpu.memref_slice %arg6[%dma_wait3A_188, %dma_wait3A_189, %dma_wait3A_195] : memref<3x16x64xi32, #tpu.memory_space<vmem>> -> memref<1x1x64xi32, #tpu.memory_space<vmem>>
        %dma_wait3A_197 = tpu.memref_squeeze %dma_wait3A_196 : memref<1x1x64xi32, #tpu.memory_space<vmem>> -> memref<64xi32, #tpu.memory_space<vmem>>
        %dma_wait3A_198 = arith.constant 0 : i32
        %dma_wait3A_199 = arith.constant 0 : i32
        %dma_wait3A_200 = tpu.memref_slice %arg9[%dma_wait3A_198, %dma_wait3A_199] : memref<10112x64xf32, #tpu.memory_space<vmem_shared>> -> memref<10112x64xf32, #tpu.memory_space<vmem_shared>>
        tpu.wait_indirect_dma semaphore(%arg11 : memref<!tpu.dma_semaphore, #tpu.memory_space<semaphore_mem>>) src(%dma_wait3A_200 : memref<10112x64xf32, #tpu.memory_space<vmem_shared>>) dst(%dma_wait3A_194 : memref<64x64xf32, #tpu.memory_space<vmem>>)
        %jit3A = arith.constant 3 : i32
        %eq3A_201 = arith.constant 0 : i32
        %eq3A_202 = arith.cmpi eq, %jit3A, %eq3A_201 : i32
        %jit3A_203 = arith.constant 1 : i32
        %select_n3A = arith.select %eq3A_202, %jit3A_203, %jit3A : i32
        %rem3A = arith.remsi %scan3A_160, %select_n3A : i32
        %ne3A = arith.constant 0 : i32
        %ne3A_204 = arith.cmpi ne, %rem3A, %ne3A : i32
        %lt3A_205 = arith.constant 0 : i32
        %lt3A_206 = arith.cmpi slt, %rem3A, %lt3A_205 : i32
        %lt3A_207 = arith.constant 0 : i32
        %lt3A_208 = arith.cmpi slt, %select_n3A, %lt3A_207 : i32
        %ne3A_209 = arith.xori %lt3A_206, %lt3A_208 : i1
        %and3A = arith.andi %ne3A_209, %ne3A_204 : i1
        %add3A_210 = arith.addi %rem3A, %select_n3A : i32
        %select_n3A_211 = arith.select %and3A, %add3A_210, %rem3A : i32
        %dma_start3A_212 = arith.constant 0 : i32
        %dma_start3A_213 = arith.constant 0 : i32
        %dma_start3A_214 = arith.constant 0 : i32
        %dma_start3A_215 = tpu.memref_slice %arg8[%dma_start3A_212, %dma_start3A_213, %dma_start3A_214] : memref<8x64x64xf32, #tpu.memory_space<vmem>> -> memref<1x64x64xf32, #tpu.memory_space<vmem>>
        %dma_start3A_216 = tpu.memref_squeeze %dma_start3A_215 : memref<1x64x64xf32, #tpu.memory_space<vmem>> -> memref<64x64xf32, #tpu.memory_space<vmem>>
        %dma_start3A_217 = arith.constant 0 : i32
        %dma_start3A_218 = tpu.memref_slice %arg7[%select_n3A_211, %add3A_184, %dma_start3A_217] : memref<3x16x64xi32, #tpu.memory_space<vmem>> -> memref<1x1x64xi32, #tpu.memory_space<vmem>>
        %dma_start3A_219 = tpu.memref_squeeze %dma_start3A_218 : memref<1x1x64xi32, #tpu.memory_space<vmem>> -> memref<64xi32, #tpu.memory_space<vmem>>
        %dma_start3A_220 = arith.constant 0 : i32
        %dma_start3A_221 = arith.constant 0 : i32
        %dma_start3A_222 = tpu.memref_slice %arg10[%dma_start3A_220, %dma_start3A_221] : memref<10112x64xf32, #tpu.memory_space<vmem_shared>> -> memref<10112x64xf32, #tpu.memory_space<vmem_shared>>
        tpu.enqueue_indirect_dma source(%dma_start3A_216 : memref<64x64xf32, #tpu.memory_space<vmem>>) target(%dma_start3A_222 : memref<10112x64xf32, #tpu.memory_space<vmem_shared>>) offsets(%dma_start3A_219 : memref<64xi32, #tpu.memory_space<vmem>>) semaphore(%arg19 : memref<!tpu.dma_semaphore, #tpu.memory_space<semaphore_mem>>) {add = true}
        %sub3A = arith.constant 4 : i32
        %sub3A_223 = arith.subi %add3A_187, %sub3A : i32
        %ge3A = arith.constant 0 : i32
        %ge3A_224 = arith.cmpi sge, %sub3A_223, %ge3A : i32
        %convert_element_type3A_225 = arith.extui %ge3A_224 : i1 to i32
        %cond3A_226 = arith.constant 0 : i32
        %cond3A_227 = arith.cmpi ne, %convert_element_type3A_225, %cond3A_226 : i32
        scf.if %cond3A_227 {
          %dma_wait3A_662 = arith.constant 4 : i32
          %dma_wait3A_663 = arith.constant 0 : i32
          %dma_wait3A_664 = arith.constant 0 : i32
          %dma_wait3A_665 = arith.constant 0 : i32
          %dma_wait3A_666 = arith.constant 0 : i32
          %dma_wait3A_667 = tpu.memref_slice %arg8[%dma_wait3A_662, %dma_wait3A_665, %dma_wait3A_666] : memref<8x64x64xf32, #tpu.memory_space<vmem>> -> memref<1x64x64xf32, #tpu.memory_space<vmem>>
          %dma_wait3A_668 = tpu.memref_squeeze %dma_wait3A_667 : memref<1x64x64xf32, #tpu.memory_space<vmem>> -> memref<64x64xf32, #tpu.memory_space<vmem>>
          %dma_wait3A_669 = arith.constant 0 : i32
          %dma_wait3A_670 = tpu.memref_slice %arg7[%dma_wait3A_663, %dma_wait3A_664, %dma_wait3A_669] : memref<3x16x64xi32, #tpu.memory_space<vmem>> -> memref<1x1x64xi32, #tpu.memory_space<vmem>>
          %dma_wait3A_671 = tpu.memref_squeeze %dma_wait3A_670 : memref<1x1x64xi32, #tpu.memory_space<vmem>> -> memref<64xi32, #tpu.memory_space<vmem>>
          %dma_wait3A_672 = arith.constant 0 : i32
          %dma_wait3A_673 = arith.constant 0 : i32
          %dma_wait3A_674 = tpu.memref_slice %arg10[%dma_wait3A_672, %dma_wait3A_673] : memref<10112x64xf32, #tpu.memory_space<vmem_shared>> -> memref<10112x64xf32, #tpu.memory_space<vmem_shared>>
          tpu.wait_indirect_dma semaphore(%arg23 : memref<!tpu.dma_semaphore, #tpu.memory_space<semaphore_mem>>) src(%dma_wait3A_668 : memref<64x64xf32, #tpu.memory_space<vmem>>) dst(%dma_wait3A_674 : memref<10112x64xf32, #tpu.memory_space<vmem_shared>>)
        } else {
        }
        %add3A_228 = arith.constant 4 : i32
        %add3A_229 = arith.addi %add3A_187, %add3A_228 : i32
        %lt3A_230 = arith.constant 320 : i32
        %lt3A_231 = arith.cmpi slt, %add3A_229, %lt3A_230 : i32
        %convert_element_type3A_232 = arith.extui %lt3A_231 : i1 to i32
        %cond3A_233 = arith.constant 0 : i32
        %cond3A_234 = arith.cmpi ne, %convert_element_type3A_232, %cond3A_233 : i32
        scf.if %cond3A_234 {
          %jit3A_662 = arith.constant 16 : i32
          %div3A = arith.divsi %add3A_229, %jit3A_662 : i32
          %sign3A = arith.constant 0 : i32
          %sign3A_663 = arith.cmpi sgt, %add3A_229, %sign3A : i32
          %sign3A_664 = arith.extui %sign3A_663 : i1 to i32
          %sign3A_665 = arith.constant 0 : i32
          %sign3A_666 = arith.cmpi slt, %add3A_229, %sign3A_665 : i32
          %sign3A_667 = arith.extui %sign3A_666 : i1 to i32
          %sign3A_668 = arith.subi %sign3A_664, %sign3A_667 : i32
          %sign3A_669 = arith.constant 0 : i32
          %sign3A_670 = arith.cmpi sgt, %jit3A_662, %sign3A_669 : i32
          %sign3A_671 = arith.extui %sign3A_670 : i1 to i32
          %sign3A_672 = arith.constant 0 : i32
          %sign3A_673 = arith.cmpi slt, %jit3A_662, %sign3A_672 : i32
          %sign3A_674 = arith.extui %sign3A_673 : i1 to i32
          %sign3A_675 = arith.subi %sign3A_671, %sign3A_674 : i32
          %ne3A_676 = arith.cmpi ne, %sign3A_668, %sign3A_675 : i32
          %rem3A_677 = arith.remsi %add3A_229, %jit3A_662 : i32
          %ne3A_678 = arith.constant 0 : i32
          %ne3A_679 = arith.cmpi ne, %rem3A_677, %ne3A_678 : i32
          %and3A_680 = arith.andi %ne3A_676, %ne3A_679 : i1
          %sub3A_681 = arith.constant 1 : i32
          %sub3A_682 = arith.subi %div3A, %sub3A_681 : i32
          %select_n3A_683 = arith.select %and3A_680, %sub3A_682, %div3A : i32
          %jit3A_684 = arith.constant 3 : i32
          %eq3A_685 = arith.constant 0 : i32
          %eq3A_686 = arith.cmpi eq, %jit3A_684, %eq3A_685 : i32
          %jit3A_687 = arith.constant 1 : i32
          %select_n3A_688 = arith.select %eq3A_686, %jit3A_687, %jit3A_684 : i32
          %rem3A_689 = arith.remsi %select_n3A_683, %select_n3A_688 : i32
          %ne3A_690 = arith.constant 0 : i32
          %ne3A_691 = arith.cmpi ne, %rem3A_689, %ne3A_690 : i32
          %lt3A_692 = arith.constant 0 : i32
          %lt3A_693 = arith.cmpi slt, %rem3A_689, %lt3A_692 : i32
          %lt3A_694 = arith.constant 0 : i32
          %lt3A_695 = arith.cmpi slt, %select_n3A_688, %lt3A_694 : i32
          %ne3A_696 = arith.xori %lt3A_693, %lt3A_695 : i1
          %and3A_697 = arith.andi %ne3A_696, %ne3A_691 : i1
          %add3A_698 = arith.addi %rem3A_689, %select_n3A_688 : i32
          %select_n3A_699 = arith.select %and3A_697, %add3A_698, %rem3A_689 : i32
          %jit3A_700 = arith.constant 16 : i32
          %eq3A_701 = arith.constant 0 : i32
          %eq3A_702 = arith.cmpi eq, %jit3A_700, %eq3A_701 : i32
          %jit3A_703 = arith.constant 1 : i32
          %select_n3A_704 = arith.select %eq3A_702, %jit3A_703, %jit3A_700 : i32
          %rem3A_705 = arith.remsi %add3A_229, %select_n3A_704 : i32
          %ne3A_706 = arith.constant 0 : i32
          %ne3A_707 = arith.cmpi ne, %rem3A_705, %ne3A_706 : i32
          %lt3A_708 = arith.constant 0 : i32
          %lt3A_709 = arith.cmpi slt, %rem3A_705, %lt3A_708 : i32
          %lt3A_710 = arith.constant 0 : i32
          %lt3A_711 = arith.cmpi slt, %select_n3A_704, %lt3A_710 : i32
          %ne3A_712 = arith.xori %lt3A_709, %lt3A_711 : i1
          %and3A_713 = arith.andi %ne3A_712, %ne3A_707 : i1
          %add3A_714 = arith.addi %rem3A_705, %select_n3A_704 : i32
          %select_n3A_715 = arith.select %and3A_713, %add3A_714, %rem3A_705 : i32
          %dma_start3A_716 = arith.constant 4 : i32
          %dma_start3A_717 = arith.constant 0 : i32
          %dma_start3A_718 = arith.constant 0 : i32
          %dma_start3A_719 = tpu.memref_slice %arg8[%dma_start3A_716, %dma_start3A_717, %dma_start3A_718] : memref<8x64x64xf32, #tpu.memory_space<vmem>> -> memref<1x64x64xf32, #tpu.memory_space<vmem>>
          %dma_start3A_720 = tpu.memref_squeeze %dma_start3A_719 : memref<1x64x64xf32, #tpu.memory_space<vmem>> -> memref<64x64xf32, #tpu.memory_space<vmem>>
          %dma_start3A_721 = arith.constant 0 : i32
          %dma_start3A_722 = tpu.memref_slice %arg6[%select_n3A_699, %select_n3A_715, %dma_start3A_721] : memref<3x16x64xi32, #tpu.memory_space<vmem>> -> memref<1x1x64xi32, #tpu.memory_space<vmem>>
          %dma_start3A_723 = tpu.memref_squeeze %dma_start3A_722 : memref<1x1x64xi32, #tpu.memory_space<vmem>> -> memref<64xi32, #tpu.memory_space<vmem>>
          %dma_start3A_724 = arith.constant 0 : i32
          %dma_start3A_725 = arith.constant 0 : i32
          %dma_start3A_726 = tpu.memref_slice %arg9[%dma_start3A_724, %dma_start3A_725] : memref<10112x64xf32, #tpu.memory_space<vmem_shared>> -> memref<10112x64xf32, #tpu.memory_space<vmem_shared>>
          tpu.enqueue_indirect_dma source(%dma_start3A_726 : memref<10112x64xf32, #tpu.memory_space<vmem_shared>>) target(%dma_start3A_720 : memref<64x64xf32, #tpu.memory_space<vmem>>) offsets(%dma_start3A_723 : memref<64xi32, #tpu.memory_space<vmem>>) semaphore(%arg15 : memref<!tpu.dma_semaphore, #tpu.memory_space<semaphore_mem>>)
        } else {
        }
        %mul3A_235 = arith.constant 8 : i32
        %mul3A_236 = arith.muli %mul3A_235, %scan3A_180 : i32
        %add3A_237 = arith.constant 1 : i32
        %add3A_238 = arith.addi %mul3A_236, %add3A_237 : i32
        %mul3A_239 = arith.constant 16 : i32
        %mul3A_240 = arith.muli %scan3A_160, %mul3A_239 : i32
        %add3A_241 = arith.addi %mul3A_240, %add3A_238 : i32
        %dma_wait3A_242 = arith.constant 0 : i32
        %dma_wait3A_243 = arith.constant 0 : i32
        %dma_wait3A_244 = arith.constant 1 : i32
        %dma_wait3A_245 = arith.constant 0 : i32
        %dma_wait3A_246 = arith.constant 0 : i32
        %dma_wait3A_247 = tpu.memref_slice %arg8[%dma_wait3A_244, %dma_wait3A_245, %dma_wait3A_246] : memref<8x64x64xf32, #tpu.memory_space<vmem>> -> memref<1x64x64xf32, #tpu.memory_space<vmem>>
        %dma_wait3A_248 = tpu.memref_squeeze %dma_wait3A_247 : memref<1x64x64xf32, #tpu.memory_space<vmem>> -> memref<64x64xf32, #tpu.memory_space<vmem>>
        %dma_wait3A_249 = arith.constant 0 : i32
        %dma_wait3A_250 = tpu.memref_slice %arg6[%dma_wait3A_242, %dma_wait3A_243, %dma_wait3A_249] : memref<3x16x64xi32, #tpu.memory_space<vmem>> -> memref<1x1x64xi32, #tpu.memory_space<vmem>>
        %dma_wait3A_251 = tpu.memref_squeeze %dma_wait3A_250 : memref<1x1x64xi32, #tpu.memory_space<vmem>> -> memref<64xi32, #tpu.memory_space<vmem>>
        %dma_wait3A_252 = arith.constant 0 : i32
        %dma_wait3A_253 = arith.constant 0 : i32
        %dma_wait3A_254 = tpu.memref_slice %arg9[%dma_wait3A_252, %dma_wait3A_253] : memref<10112x64xf32, #tpu.memory_space<vmem_shared>> -> memref<10112x64xf32, #tpu.memory_space<vmem_shared>>
        tpu.wait_indirect_dma semaphore(%arg12 : memref<!tpu.dma_semaphore, #tpu.memory_space<semaphore_mem>>) src(%dma_wait3A_254 : memref<10112x64xf32, #tpu.memory_space<vmem_shared>>) dst(%dma_wait3A_248 : memref<64x64xf32, #tpu.memory_space<vmem>>)
        %jit3A_255 = arith.constant 3 : i32
        %eq3A_256 = arith.constant 0 : i32
        %eq3A_257 = arith.cmpi eq, %jit3A_255, %eq3A_256 : i32
        %jit3A_258 = arith.constant 1 : i32
        %select_n3A_259 = arith.select %eq3A_257, %jit3A_258, %jit3A_255 : i32
        %rem3A_260 = arith.remsi %scan3A_160, %select_n3A_259 : i32
        %ne3A_261 = arith.constant 0 : i32
        %ne3A_262 = arith.cmpi ne, %rem3A_260, %ne3A_261 : i32
        %lt3A_263 = arith.constant 0 : i32
        %lt3A_264 = arith.cmpi slt, %rem3A_260, %lt3A_263 : i32
        %lt3A_265 = arith.constant 0 : i32
        %lt3A_266 = arith.cmpi slt, %select_n3A_259, %lt3A_265 : i32
        %ne3A_267 = arith.xori %lt3A_264, %lt3A_266 : i1
        %and3A_268 = arith.andi %ne3A_267, %ne3A_262 : i1
        %add3A_269 = arith.addi %rem3A_260, %select_n3A_259 : i32
        %select_n3A_270 = arith.select %and3A_268, %add3A_269, %rem3A_260 : i32
        %dma_start3A_271 = arith.constant 1 : i32
        %dma_start3A_272 = arith.constant 0 : i32
        %dma_start3A_273 = arith.constant 0 : i32
        %dma_start3A_274 = tpu.memref_slice %arg8[%dma_start3A_271, %dma_start3A_272, %dma_start3A_273] : memref<8x64x64xf32, #tpu.memory_space<vmem>> -> memref<1x64x64xf32, #tpu.memory_space<vmem>>
        %dma_start3A_275 = tpu.memref_squeeze %dma_start3A_274 : memref<1x64x64xf32, #tpu.memory_space<vmem>> -> memref<64x64xf32, #tpu.memory_space<vmem>>
        %dma_start3A_276 = arith.constant 0 : i32
        %dma_start3A_277 = tpu.memref_slice %arg7[%select_n3A_270, %add3A_238, %dma_start3A_276] : memref<3x16x64xi32, #tpu.memory_space<vmem>> -> memref<1x1x64xi32, #tpu.memory_space<vmem>>
        %dma_start3A_278 = tpu.memref_squeeze %dma_start3A_277 : memref<1x1x64xi32, #tpu.memory_space<vmem>> -> memref<64xi32, #tpu.memory_space<vmem>>
        %dma_start3A_279 = arith.constant 0 : i32
        %dma_start3A_280 = arith.constant 0 : i32
        %dma_start3A_281 = tpu.memref_slice %arg10[%dma_start3A_279, %dma_start3A_280] : memref<10112x64xf32, #tpu.memory_space<vmem_shared>> -> memref<10112x64xf32, #tpu.memory_space<vmem_shared>>
        tpu.enqueue_indirect_dma source(%dma_start3A_275 : memref<64x64xf32, #tpu.memory_space<vmem>>) target(%dma_start3A_281 : memref<10112x64xf32, #tpu.memory_space<vmem_shared>>) offsets(%dma_start3A_278 : memref<64xi32, #tpu.memory_space<vmem>>) semaphore(%arg20 : memref<!tpu.dma_semaphore, #tpu.memory_space<semaphore_mem>>) {add = true}
        %sub3A_282 = arith.constant 4 : i32
        %sub3A_283 = arith.subi %add3A_241, %sub3A_282 : i32
        %ge3A_284 = arith.constant 0 : i32
        %ge3A_285 = arith.cmpi sge, %sub3A_283, %ge3A_284 : i32
        %convert_element_type3A_286 = arith.extui %ge3A_285 : i1 to i32
        %cond3A_287 = arith.constant 0 : i32
        %cond3A_288 = arith.cmpi ne, %convert_element_type3A_286, %cond3A_287 : i32
        scf.if %cond3A_288 {
          %dma_wait3A_662 = arith.constant 5 : i32
          %dma_wait3A_663 = arith.constant 0 : i32
          %dma_wait3A_664 = arith.constant 0 : i32
          %dma_wait3A_665 = arith.constant 0 : i32
          %dma_wait3A_666 = arith.constant 0 : i32
          %dma_wait3A_667 = tpu.memref_slice %arg8[%dma_wait3A_662, %dma_wait3A_665, %dma_wait3A_666] : memref<8x64x64xf32, #tpu.memory_space<vmem>> -> memref<1x64x64xf32, #tpu.memory_space<vmem>>
          %dma_wait3A_668 = tpu.memref_squeeze %dma_wait3A_667 : memref<1x64x64xf32, #tpu.memory_space<vmem>> -> memref<64x64xf32, #tpu.memory_space<vmem>>
          %dma_wait3A_669 = arith.constant 0 : i32
          %dma_wait3A_670 = tpu.memref_slice %arg7[%dma_wait3A_663, %dma_wait3A_664, %dma_wait3A_669] : memref<3x16x64xi32, #tpu.memory_space<vmem>> -> memref<1x1x64xi32, #tpu.memory_space<vmem>>
          %dma_wait3A_671 = tpu.memref_squeeze %dma_wait3A_670 : memref<1x1x64xi32, #tpu.memory_space<vmem>> -> memref<64xi32, #tpu.memory_space<vmem>>
          %dma_wait3A_672 = arith.constant 0 : i32
          %dma_wait3A_673 = arith.constant 0 : i32
          %dma_wait3A_674 = tpu.memref_slice %arg10[%dma_wait3A_672, %dma_wait3A_673] : memref<10112x64xf32, #tpu.memory_space<vmem_shared>> -> memref<10112x64xf32, #tpu.memory_space<vmem_shared>>
          tpu.wait_indirect_dma semaphore(%arg24 : memref<!tpu.dma_semaphore, #tpu.memory_space<semaphore_mem>>) src(%dma_wait3A_668 : memref<64x64xf32, #tpu.memory_space<vmem>>) dst(%dma_wait3A_674 : memref<10112x64xf32, #tpu.memory_space<vmem_shared>>)
        } else {
        }
        %add3A_289 = arith.constant 4 : i32
        %add3A_290 = arith.addi %add3A_241, %add3A_289 : i32
        %lt3A_291 = arith.constant 320 : i32
        %lt3A_292 = arith.cmpi slt, %add3A_290, %lt3A_291 : i32
        %convert_element_type3A_293 = arith.extui %lt3A_292 : i1 to i32
        %cond3A_294 = arith.constant 0 : i32
        %cond3A_295 = arith.cmpi ne, %convert_element_type3A_293, %cond3A_294 : i32
        scf.if %cond3A_295 {
          %jit3A_662 = arith.constant 16 : i32
          %div3A = arith.divsi %add3A_290, %jit3A_662 : i32
          %sign3A = arith.constant 0 : i32
          %sign3A_663 = arith.cmpi sgt, %add3A_290, %sign3A : i32
          %sign3A_664 = arith.extui %sign3A_663 : i1 to i32
          %sign3A_665 = arith.constant 0 : i32
          %sign3A_666 = arith.cmpi slt, %add3A_290, %sign3A_665 : i32
          %sign3A_667 = arith.extui %sign3A_666 : i1 to i32
          %sign3A_668 = arith.subi %sign3A_664, %sign3A_667 : i32
          %sign3A_669 = arith.constant 0 : i32
          %sign3A_670 = arith.cmpi sgt, %jit3A_662, %sign3A_669 : i32
          %sign3A_671 = arith.extui %sign3A_670 : i1 to i32
          %sign3A_672 = arith.constant 0 : i32
          %sign3A_673 = arith.cmpi slt, %jit3A_662, %sign3A_672 : i32
          %sign3A_674 = arith.extui %sign3A_673 : i1 to i32
          %sign3A_675 = arith.subi %sign3A_671, %sign3A_674 : i32
          %ne3A_676 = arith.cmpi ne, %sign3A_668, %sign3A_675 : i32
          %rem3A_677 = arith.remsi %add3A_290, %jit3A_662 : i32
          %ne3A_678 = arith.constant 0 : i32
          %ne3A_679 = arith.cmpi ne, %rem3A_677, %ne3A_678 : i32
          %and3A_680 = arith.andi %ne3A_676, %ne3A_679 : i1
          %sub3A_681 = arith.constant 1 : i32
          %sub3A_682 = arith.subi %div3A, %sub3A_681 : i32
          %select_n3A_683 = arith.select %and3A_680, %sub3A_682, %div3A : i32
          %jit3A_684 = arith.constant 3 : i32
          %eq3A_685 = arith.constant 0 : i32
          %eq3A_686 = arith.cmpi eq, %jit3A_684, %eq3A_685 : i32
          %jit3A_687 = arith.constant 1 : i32
          %select_n3A_688 = arith.select %eq3A_686, %jit3A_687, %jit3A_684 : i32
          %rem3A_689 = arith.remsi %select_n3A_683, %select_n3A_688 : i32
          %ne3A_690 = arith.constant 0 : i32
          %ne3A_691 = arith.cmpi ne, %rem3A_689, %ne3A_690 : i32
          %lt3A_692 = arith.constant 0 : i32
          %lt3A_693 = arith.cmpi slt, %rem3A_689, %lt3A_692 : i32
          %lt3A_694 = arith.constant 0 : i32
          %lt3A_695 = arith.cmpi slt, %select_n3A_688, %lt3A_694 : i32
          %ne3A_696 = arith.xori %lt3A_693, %lt3A_695 : i1
          %and3A_697 = arith.andi %ne3A_696, %ne3A_691 : i1
          %add3A_698 = arith.addi %rem3A_689, %select_n3A_688 : i32
          %select_n3A_699 = arith.select %and3A_697, %add3A_698, %rem3A_689 : i32
          %jit3A_700 = arith.constant 16 : i32
          %eq3A_701 = arith.constant 0 : i32
          %eq3A_702 = arith.cmpi eq, %jit3A_700, %eq3A_701 : i32
          %jit3A_703 = arith.constant 1 : i32
          %select_n3A_704 = arith.select %eq3A_702, %jit3A_703, %jit3A_700 : i32
          %rem3A_705 = arith.remsi %add3A_290, %select_n3A_704 : i32
          %ne3A_706 = arith.constant 0 : i32
          %ne3A_707 = arith.cmpi ne, %rem3A_705, %ne3A_706 : i32
          %lt3A_708 = arith.constant 0 : i32
          %lt3A_709 = arith.cmpi slt, %rem3A_705, %lt3A_708 : i32
          %lt3A_710 = arith.constant 0 : i32
          %lt3A_711 = arith.cmpi slt, %select_n3A_704, %lt3A_710 : i32
          %ne3A_712 = arith.xori %lt3A_709, %lt3A_711 : i1
          %and3A_713 = arith.andi %ne3A_712, %ne3A_707 : i1
          %add3A_714 = arith.addi %rem3A_705, %select_n3A_704 : i32
          %select_n3A_715 = arith.select %and3A_713, %add3A_714, %rem3A_705 : i32
          %dma_start3A_716 = arith.constant 5 : i32
          %dma_start3A_717 = arith.constant 0 : i32
          %dma_start3A_718 = arith.constant 0 : i32
          %dma_start3A_719 = tpu.memref_slice %arg8[%dma_start3A_716, %dma_start3A_717, %dma_start3A_718] : memref<8x64x64xf32, #tpu.memory_space<vmem>> -> memref<1x64x64xf32, #tpu.memory_space<vmem>>
          %dma_start3A_720 = tpu.memref_squeeze %dma_start3A_719 : memref<1x64x64xf32, #tpu.memory_space<vmem>> -> memref<64x64xf32, #tpu.memory_space<vmem>>
          %dma_start3A_721 = arith.constant 0 : i32
          %dma_start3A_722 = tpu.memref_slice %arg6[%select_n3A_699, %select_n3A_715, %dma_start3A_721] : memref<3x16x64xi32, #tpu.memory_space<vmem>> -> memref<1x1x64xi32, #tpu.memory_space<vmem>>
          %dma_start3A_723 = tpu.memref_squeeze %dma_start3A_722 : memref<1x1x64xi32, #tpu.memory_space<vmem>> -> memref<64xi32, #tpu.memory_space<vmem>>
          %dma_start3A_724 = arith.constant 0 : i32
          %dma_start3A_725 = arith.constant 0 : i32
          %dma_start3A_726 = tpu.memref_slice %arg9[%dma_start3A_724, %dma_start3A_725] : memref<10112x64xf32, #tpu.memory_space<vmem_shared>> -> memref<10112x64xf32, #tpu.memory_space<vmem_shared>>
          tpu.enqueue_indirect_dma source(%dma_start3A_726 : memref<10112x64xf32, #tpu.memory_space<vmem_shared>>) target(%dma_start3A_720 : memref<64x64xf32, #tpu.memory_space<vmem>>) offsets(%dma_start3A_723 : memref<64xi32, #tpu.memory_space<vmem>>) semaphore(%arg16 : memref<!tpu.dma_semaphore, #tpu.memory_space<semaphore_mem>>)
        } else {
        }
        %mul3A_296 = arith.constant 8 : i32
        %mul3A_297 = arith.muli %mul3A_296, %scan3A_180 : i32
        %add3A_298 = arith.constant 2 : i32
        %add3A_299 = arith.addi %mul3A_297, %add3A_298 : i32
        %mul3A_300 = arith.constant 16 : i32
        %mul3A_301 = arith.muli %scan3A_160, %mul3A_300 : i32
        %add3A_302 = arith.addi %mul3A_301, %add3A_299 : i32
        %dma_wait3A_303 = arith.constant 0 : i32
        %dma_wait3A_304 = arith.constant 0 : i32
        %dma_wait3A_305 = arith.constant 2 : i32
        %dma_wait3A_306 = arith.constant 0 : i32
        %dma_wait3A_307 = arith.constant 0 : i32
        %dma_wait3A_308 = tpu.memref_slice %arg8[%dma_wait3A_305, %dma_wait3A_306, %dma_wait3A_307] : memref<8x64x64xf32, #tpu.memory_space<vmem>> -> memref<1x64x64xf32, #tpu.memory_space<vmem>>
        %dma_wait3A_309 = tpu.memref_squeeze %dma_wait3A_308 : memref<1x64x64xf32, #tpu.memory_space<vmem>> -> memref<64x64xf32, #tpu.memory_space<vmem>>
        %dma_wait3A_310 = arith.constant 0 : i32
        %dma_wait3A_311 = tpu.memref_slice %arg6[%dma_wait3A_303, %dma_wait3A_304, %dma_wait3A_310] : memref<3x16x64xi32, #tpu.memory_space<vmem>> -> memref<1x1x64xi32, #tpu.memory_space<vmem>>
        %dma_wait3A_312 = tpu.memref_squeeze %dma_wait3A_311 : memref<1x1x64xi32, #tpu.memory_space<vmem>> -> memref<64xi32, #tpu.memory_space<vmem>>
        %dma_wait3A_313 = arith.constant 0 : i32
        %dma_wait3A_314 = arith.constant 0 : i32
        %dma_wait3A_315 = tpu.memref_slice %arg9[%dma_wait3A_313, %dma_wait3A_314] : memref<10112x64xf32, #tpu.memory_space<vmem_shared>> -> memref<10112x64xf32, #tpu.memory_space<vmem_shared>>
        tpu.wait_indirect_dma semaphore(%arg13 : memref<!tpu.dma_semaphore, #tpu.memory_space<semaphore_mem>>) src(%dma_wait3A_315 : memref<10112x64xf32, #tpu.memory_space<vmem_shared>>) dst(%dma_wait3A_309 : memref<64x64xf32, #tpu.memory_space<vmem>>)
        %jit3A_316 = arith.constant 3 : i32
        %eq3A_317 = arith.constant 0 : i32
        %eq3A_318 = arith.cmpi eq, %jit3A_316, %eq3A_317 : i32
        %jit3A_319 = arith.constant 1 : i32
        %select_n3A_320 = arith.select %eq3A_318, %jit3A_319, %jit3A_316 : i32
        %rem3A_321 = arith.remsi %scan3A_160, %select_n3A_320 : i32
        %ne3A_322 = arith.constant 0 : i32
        %ne3A_323 = arith.cmpi ne, %rem3A_321, %ne3A_322 : i32
        %lt3A_324 = arith.constant 0 : i32
        %lt3A_325 = arith.cmpi slt, %rem3A_321, %lt3A_324 : i32
        %lt3A_326 = arith.constant 0 : i32
        %lt3A_327 = arith.cmpi slt, %select_n3A_320, %lt3A_326 : i32
        %ne3A_328 = arith.xori %lt3A_325, %lt3A_327 : i1
        %and3A_329 = arith.andi %ne3A_328, %ne3A_323 : i1
        %add3A_330 = arith.addi %rem3A_321, %select_n3A_320 : i32
        %select_n3A_331 = arith.select %and3A_329, %add3A_330, %rem3A_321 : i32
        %dma_start3A_332 = arith.constant 2 : i32
        %dma_start3A_333 = arith.constant 0 : i32
        %dma_start3A_334 = arith.constant 0 : i32
        %dma_start3A_335 = tpu.memref_slice %arg8[%dma_start3A_332, %dma_start3A_333, %dma_start3A_334] : memref<8x64x64xf32, #tpu.memory_space<vmem>> -> memref<1x64x64xf32, #tpu.memory_space<vmem>>
        %dma_start3A_336 = tpu.memref_squeeze %dma_start3A_335 : memref<1x64x64xf32, #tpu.memory_space<vmem>> -> memref<64x64xf32, #tpu.memory_space<vmem>>
        %dma_start3A_337 = arith.constant 0 : i32
        %dma_start3A_338 = tpu.memref_slice %arg7[%select_n3A_331, %add3A_299, %dma_start3A_337] : memref<3x16x64xi32, #tpu.memory_space<vmem>> -> memref<1x1x64xi32, #tpu.memory_space<vmem>>
        %dma_start3A_339 = tpu.memref_squeeze %dma_start3A_338 : memref<1x1x64xi32, #tpu.memory_space<vmem>> -> memref<64xi32, #tpu.memory_space<vmem>>
        %dma_start3A_340 = arith.constant 0 : i32
        %dma_start3A_341 = arith.constant 0 : i32
        %dma_start3A_342 = tpu.memref_slice %arg10[%dma_start3A_340, %dma_start3A_341] : memref<10112x64xf32, #tpu.memory_space<vmem_shared>> -> memref<10112x64xf32, #tpu.memory_space<vmem_shared>>
        tpu.enqueue_indirect_dma source(%dma_start3A_336 : memref<64x64xf32, #tpu.memory_space<vmem>>) target(%dma_start3A_342 : memref<10112x64xf32, #tpu.memory_space<vmem_shared>>) offsets(%dma_start3A_339 : memref<64xi32, #tpu.memory_space<vmem>>) semaphore(%arg21 : memref<!tpu.dma_semaphore, #tpu.memory_space<semaphore_mem>>) {add = true}
        %sub3A_343 = arith.constant 4 : i32
        %sub3A_344 = arith.subi %add3A_302, %sub3A_343 : i32
        %ge3A_345 = arith.constant 0 : i32
        %ge3A_346 = arith.cmpi sge, %sub3A_344, %ge3A_345 : i32
        %convert_element_type3A_347 = arith.extui %ge3A_346 : i1 to i32
        %cond3A_348 = arith.constant 0 : i32
        %cond3A_349 = arith.cmpi ne, %convert_element_type3A_347, %cond3A_348 : i32
        scf.if %cond3A_349 {
          %dma_wait3A_662 = arith.constant 6 : i32
          %dma_wait3A_663 = arith.constant 0 : i32
          %dma_wait3A_664 = arith.constant 0 : i32
          %dma_wait3A_665 = arith.constant 0 : i32
          %dma_wait3A_666 = arith.constant 0 : i32
          %dma_wait3A_667 = tpu.memref_slice %arg8[%dma_wait3A_662, %dma_wait3A_665, %dma_wait3A_666] : memref<8x64x64xf32, #tpu.memory_space<vmem>> -> memref<1x64x64xf32, #tpu.memory_space<vmem>>
          %dma_wait3A_668 = tpu.memref_squeeze %dma_wait3A_667 : memref<1x64x64xf32, #tpu.memory_space<vmem>> -> memref<64x64xf32, #tpu.memory_space<vmem>>
          %dma_wait3A_669 = arith.constant 0 : i32
          %dma_wait3A_670 = tpu.memref_slice %arg7[%dma_wait3A_663, %dma_wait3A_664, %dma_wait3A_669] : memref<3x16x64xi32, #tpu.memory_space<vmem>> -> memref<1x1x64xi32, #tpu.memory_space<vmem>>
          %dma_wait3A_671 = tpu.memref_squeeze %dma_wait3A_670 : memref<1x1x64xi32, #tpu.memory_space<vmem>> -> memref<64xi32, #tpu.memory_space<vmem>>
          %dma_wait3A_672 = arith.constant 0 : i32
          %dma_wait3A_673 = arith.constant 0 : i32
          %dma_wait3A_674 = tpu.memref_slice %arg10[%dma_wait3A_672, %dma_wait3A_673] : memref<10112x64xf32, #tpu.memory_space<vmem_shared>> -> memref<10112x64xf32, #tpu.memory_space<vmem_shared>>
          tpu.wait_indirect_dma semaphore(%arg25 : memref<!tpu.dma_semaphore, #tpu.memory_space<semaphore_mem>>) src(%dma_wait3A_668 : memref<64x64xf32, #tpu.memory_space<vmem>>) dst(%dma_wait3A_674 : memref<10112x64xf32, #tpu.memory_space<vmem_shared>>)
        } else {
        }
        %add3A_350 = arith.constant 4 : i32
        %add3A_351 = arith.addi %add3A_302, %add3A_350 : i32
        %lt3A_352 = arith.constant 320 : i32
        %lt3A_353 = arith.cmpi slt, %add3A_351, %lt3A_352 : i32
        %convert_element_type3A_354 = arith.extui %lt3A_353 : i1 to i32
        %cond3A_355 = arith.constant 0 : i32
        %cond3A_356 = arith.cmpi ne, %convert_element_type3A_354, %cond3A_355 : i32
        scf.if %cond3A_356 {
          %jit3A_662 = arith.constant 16 : i32
          %div3A = arith.divsi %add3A_351, %jit3A_662 : i32
          %sign3A = arith.constant 0 : i32
          %sign3A_663 = arith.cmpi sgt, %add3A_351, %sign3A : i32
          %sign3A_664 = arith.extui %sign3A_663 : i1 to i32
          %sign3A_665 = arith.constant 0 : i32
          %sign3A_666 = arith.cmpi slt, %add3A_351, %sign3A_665 : i32
          %sign3A_667 = arith.extui %sign3A_666 : i1 to i32
          %sign3A_668 = arith.subi %sign3A_664, %sign3A_667 : i32
          %sign3A_669 = arith.constant 0 : i32
          %sign3A_670 = arith.cmpi sgt, %jit3A_662, %sign3A_669 : i32
          %sign3A_671 = arith.extui %sign3A_670 : i1 to i32
          %sign3A_672 = arith.constant 0 : i32
          %sign3A_673 = arith.cmpi slt, %jit3A_662, %sign3A_672 : i32
          %sign3A_674 = arith.extui %sign3A_673 : i1 to i32
          %sign3A_675 = arith.subi %sign3A_671, %sign3A_674 : i32
          %ne3A_676 = arith.cmpi ne, %sign3A_668, %sign3A_675 : i32
          %rem3A_677 = arith.remsi %add3A_351, %jit3A_662 : i32
          %ne3A_678 = arith.constant 0 : i32
          %ne3A_679 = arith.cmpi ne, %rem3A_677, %ne3A_678 : i32
          %and3A_680 = arith.andi %ne3A_676, %ne3A_679 : i1
          %sub3A_681 = arith.constant 1 : i32
          %sub3A_682 = arith.subi %div3A, %sub3A_681 : i32
          %select_n3A_683 = arith.select %and3A_680, %sub3A_682, %div3A : i32
          %jit3A_684 = arith.constant 3 : i32
          %eq3A_685 = arith.constant 0 : i32
          %eq3A_686 = arith.cmpi eq, %jit3A_684, %eq3A_685 : i32
          %jit3A_687 = arith.constant 1 : i32
          %select_n3A_688 = arith.select %eq3A_686, %jit3A_687, %jit3A_684 : i32
          %rem3A_689 = arith.remsi %select_n3A_683, %select_n3A_688 : i32
          %ne3A_690 = arith.constant 0 : i32
          %ne3A_691 = arith.cmpi ne, %rem3A_689, %ne3A_690 : i32
          %lt3A_692 = arith.constant 0 : i32
          %lt3A_693 = arith.cmpi slt, %rem3A_689, %lt3A_692 : i32
          %lt3A_694 = arith.constant 0 : i32
          %lt3A_695 = arith.cmpi slt, %select_n3A_688, %lt3A_694 : i32
          %ne3A_696 = arith.xori %lt3A_693, %lt3A_695 : i1
          %and3A_697 = arith.andi %ne3A_696, %ne3A_691 : i1
          %add3A_698 = arith.addi %rem3A_689, %select_n3A_688 : i32
          %select_n3A_699 = arith.select %and3A_697, %add3A_698, %rem3A_689 : i32
          %jit3A_700 = arith.constant 16 : i32
          %eq3A_701 = arith.constant 0 : i32
          %eq3A_702 = arith.cmpi eq, %jit3A_700, %eq3A_701 : i32
          %jit3A_703 = arith.constant 1 : i32
          %select_n3A_704 = arith.select %eq3A_702, %jit3A_703, %jit3A_700 : i32
          %rem3A_705 = arith.remsi %add3A_351, %select_n3A_704 : i32
          %ne3A_706 = arith.constant 0 : i32
          %ne3A_707 = arith.cmpi ne, %rem3A_705, %ne3A_706 : i32
          %lt3A_708 = arith.constant 0 : i32
          %lt3A_709 = arith.cmpi slt, %rem3A_705, %lt3A_708 : i32
          %lt3A_710 = arith.constant 0 : i32
          %lt3A_711 = arith.cmpi slt, %select_n3A_704, %lt3A_710 : i32
          %ne3A_712 = arith.xori %lt3A_709, %lt3A_711 : i1
          %and3A_713 = arith.andi %ne3A_712, %ne3A_707 : i1
          %add3A_714 = arith.addi %rem3A_705, %select_n3A_704 : i32
          %select_n3A_715 = arith.select %and3A_713, %add3A_714, %rem3A_705 : i32
          %dma_start3A_716 = arith.constant 6 : i32
          %dma_start3A_717 = arith.constant 0 : i32
          %dma_start3A_718 = arith.constant 0 : i32
          %dma_start3A_719 = tpu.memref_slice %arg8[%dma_start3A_716, %dma_start3A_717, %dma_start3A_718] : memref<8x64x64xf32, #tpu.memory_space<vmem>> -> memref<1x64x64xf32, #tpu.memory_space<vmem>>
          %dma_start3A_720 = tpu.memref_squeeze %dma_start3A_719 : memref<1x64x64xf32, #tpu.memory_space<vmem>> -> memref<64x64xf32, #tpu.memory_space<vmem>>
          %dma_start3A_721 = arith.constant 0 : i32
          %dma_start3A_722 = tpu.memref_slice %arg6[%select_n3A_699, %select_n3A_715, %dma_start3A_721] : memref<3x16x64xi32, #tpu.memory_space<vmem>> -> memref<1x1x64xi32, #tpu.memory_space<vmem>>
          %dma_start3A_723 = tpu.memref_squeeze %dma_start3A_722 : memref<1x1x64xi32, #tpu.memory_space<vmem>> -> memref<64xi32, #tpu.memory_space<vmem>>
          %dma_start3A_724 = arith.constant 0 : i32
          %dma_start3A_725 = arith.constant 0 : i32
          %dma_start3A_726 = tpu.memref_slice %arg9[%dma_start3A_724, %dma_start3A_725] : memref<10112x64xf32, #tpu.memory_space<vmem_shared>> -> memref<10112x64xf32, #tpu.memory_space<vmem_shared>>
          tpu.enqueue_indirect_dma source(%dma_start3A_726 : memref<10112x64xf32, #tpu.memory_space<vmem_shared>>) target(%dma_start3A_720 : memref<64x64xf32, #tpu.memory_space<vmem>>) offsets(%dma_start3A_723 : memref<64xi32, #tpu.memory_space<vmem>>) semaphore(%arg17 : memref<!tpu.dma_semaphore, #tpu.memory_space<semaphore_mem>>)
        } else {
        }
        %mul3A_357 = arith.constant 8 : i32
        %mul3A_358 = arith.muli %mul3A_357, %scan3A_180 : i32
        %add3A_359 = arith.constant 3 : i32
        %add3A_360 = arith.addi %mul3A_358, %add3A_359 : i32
        %mul3A_361 = arith.constant 16 : i32
        %mul3A_362 = arith.muli %scan3A_160, %mul3A_361 : i32
        %add3A_363 = arith.addi %mul3A_362, %add3A_360 : i32
        %dma_wait3A_364 = arith.constant 0 : i32
        %dma_wait3A_365 = arith.constant 0 : i32
        %dma_wait3A_366 = arith.constant 3 : i32
        %dma_wait3A_367 = arith.constant 0 : i32
        %dma_wait3A_368 = arith.constant 0 : i32
        %dma_wait3A_369 = tpu.memref_slice %arg8[%dma_wait3A_366, %dma_wait3A_367, %dma_wait3A_368] : memref<8x64x64xf32, #tpu.memory_space<vmem>> -> memref<1x64x64xf32, #tpu.memory_space<vmem>>
        %dma_wait3A_370 = tpu.memref_squeeze %dma_wait3A_369 : memref<1x64x64xf32, #tpu.memory_space<vmem>> -> memref<64x64xf32, #tpu.memory_space<vmem>>
        %dma_wait3A_371 = arith.constant 0 : i32
        %dma_wait3A_372 = tpu.memref_slice %arg6[%dma_wait3A_364, %dma_wait3A_365, %dma_wait3A_371] : memref<3x16x64xi32, #tpu.memory_space<vmem>> -> memref<1x1x64xi32, #tpu.memory_space<vmem>>
        %dma_wait3A_373 = tpu.memref_squeeze %dma_wait3A_372 : memref<1x1x64xi32, #tpu.memory_space<vmem>> -> memref<64xi32, #tpu.memory_space<vmem>>
        %dma_wait3A_374 = arith.constant 0 : i32
        %dma_wait3A_375 = arith.constant 0 : i32
        %dma_wait3A_376 = tpu.memref_slice %arg9[%dma_wait3A_374, %dma_wait3A_375] : memref<10112x64xf32, #tpu.memory_space<vmem_shared>> -> memref<10112x64xf32, #tpu.memory_space<vmem_shared>>
        tpu.wait_indirect_dma semaphore(%arg14 : memref<!tpu.dma_semaphore, #tpu.memory_space<semaphore_mem>>) src(%dma_wait3A_376 : memref<10112x64xf32, #tpu.memory_space<vmem_shared>>) dst(%dma_wait3A_370 : memref<64x64xf32, #tpu.memory_space<vmem>>)
        %jit3A_377 = arith.constant 3 : i32
        %eq3A_378 = arith.constant 0 : i32
        %eq3A_379 = arith.cmpi eq, %jit3A_377, %eq3A_378 : i32
        %jit3A_380 = arith.constant 1 : i32
        %select_n3A_381 = arith.select %eq3A_379, %jit3A_380, %jit3A_377 : i32
        %rem3A_382 = arith.remsi %scan3A_160, %select_n3A_381 : i32
        %ne3A_383 = arith.constant 0 : i32
        %ne3A_384 = arith.cmpi ne, %rem3A_382, %ne3A_383 : i32
        %lt3A_385 = arith.constant 0 : i32
        %lt3A_386 = arith.cmpi slt, %rem3A_382, %lt3A_385 : i32
        %lt3A_387 = arith.constant 0 : i32
        %lt3A_388 = arith.cmpi slt, %select_n3A_381, %lt3A_387 : i32
        %ne3A_389 = arith.xori %lt3A_386, %lt3A_388 : i1
        %and3A_390 = arith.andi %ne3A_389, %ne3A_384 : i1
        %add3A_391 = arith.addi %rem3A_382, %select_n3A_381 : i32
        %select_n3A_392 = arith.select %and3A_390, %add3A_391, %rem3A_382 : i32
        %dma_start3A_393 = arith.constant 3 : i32
        %dma_start3A_394 = arith.constant 0 : i32
        %dma_start3A_395 = arith.constant 0 : i32
        %dma_start3A_396 = tpu.memref_slice %arg8[%dma_start3A_393, %dma_start3A_394, %dma_start3A_395] : memref<8x64x64xf32, #tpu.memory_space<vmem>> -> memref<1x64x64xf32, #tpu.memory_space<vmem>>
        %dma_start3A_397 = tpu.memref_squeeze %dma_start3A_396 : memref<1x64x64xf32, #tpu.memory_space<vmem>> -> memref<64x64xf32, #tpu.memory_space<vmem>>
        %dma_start3A_398 = arith.constant 0 : i32
        %dma_start3A_399 = tpu.memref_slice %arg7[%select_n3A_392, %add3A_360, %dma_start3A_398] : memref<3x16x64xi32, #tpu.memory_space<vmem>> -> memref<1x1x64xi32, #tpu.memory_space<vmem>>
        %dma_start3A_400 = tpu.memref_squeeze %dma_start3A_399 : memref<1x1x64xi32, #tpu.memory_space<vmem>> -> memref<64xi32, #tpu.memory_space<vmem>>
        %dma_start3A_401 = arith.constant 0 : i32
        %dma_start3A_402 = arith.constant 0 : i32
        %dma_start3A_403 = tpu.memref_slice %arg10[%dma_start3A_401, %dma_start3A_402] : memref<10112x64xf32, #tpu.memory_space<vmem_shared>> -> memref<10112x64xf32, #tpu.memory_space<vmem_shared>>
        tpu.enqueue_indirect_dma source(%dma_start3A_397 : memref<64x64xf32, #tpu.memory_space<vmem>>) target(%dma_start3A_403 : memref<10112x64xf32, #tpu.memory_space<vmem_shared>>) offsets(%dma_start3A_400 : memref<64xi32, #tpu.memory_space<vmem>>) semaphore(%arg22 : memref<!tpu.dma_semaphore, #tpu.memory_space<semaphore_mem>>) {add = true}
        %sub3A_404 = arith.constant 4 : i32
        %sub3A_405 = arith.subi %add3A_363, %sub3A_404 : i32
        %ge3A_406 = arith.constant 0 : i32
        %ge3A_407 = arith.cmpi sge, %sub3A_405, %ge3A_406 : i32
        %convert_element_type3A_408 = arith.extui %ge3A_407 : i1 to i32
        %cond3A_409 = arith.constant 0 : i32
        %cond3A_410 = arith.cmpi ne, %convert_element_type3A_408, %cond3A_409 : i32
        scf.if %cond3A_410 {
          %dma_wait3A_662 = arith.constant 7 : i32
          %dma_wait3A_663 = arith.constant 0 : i32
          %dma_wait3A_664 = arith.constant 0 : i32
          %dma_wait3A_665 = arith.constant 0 : i32
          %dma_wait3A_666 = arith.constant 0 : i32
          %dma_wait3A_667 = tpu.memref_slice %arg8[%dma_wait3A_662, %dma_wait3A_665, %dma_wait3A_666] : memref<8x64x64xf32, #tpu.memory_space<vmem>> -> memref<1x64x64xf32, #tpu.memory_space<vmem>>
          %dma_wait3A_668 = tpu.memref_squeeze %dma_wait3A_667 : memref<1x64x64xf32, #tpu.memory_space<vmem>> -> memref<64x64xf32, #tpu.memory_space<vmem>>
          %dma_wait3A_669 = arith.constant 0 : i32
          %dma_wait3A_670 = tpu.memref_slice %arg7[%dma_wait3A_663, %dma_wait3A_664, %dma_wait3A_669] : memref<3x16x64xi32, #tpu.memory_space<vmem>> -> memref<1x1x64xi32, #tpu.memory_space<vmem>>
          %dma_wait3A_671 = tpu.memref_squeeze %dma_wait3A_670 : memref<1x1x64xi32, #tpu.memory_space<vmem>> -> memref<64xi32, #tpu.memory_space<vmem>>
          %dma_wait3A_672 = arith.constant 0 : i32
          %dma_wait3A_673 = arith.constant 0 : i32
          %dma_wait3A_674 = tpu.memref_slice %arg10[%dma_wait3A_672, %dma_wait3A_673] : memref<10112x64xf32, #tpu.memory_space<vmem_shared>> -> memref<10112x64xf32, #tpu.memory_space<vmem_shared>>
          tpu.wait_indirect_dma semaphore(%arg26 : memref<!tpu.dma_semaphore, #tpu.memory_space<semaphore_mem>>) src(%dma_wait3A_668 : memref<64x64xf32, #tpu.memory_space<vmem>>) dst(%dma_wait3A_674 : memref<10112x64xf32, #tpu.memory_space<vmem_shared>>)
        } else {
        }
        %add3A_411 = arith.constant 4 : i32
        %add3A_412 = arith.addi %add3A_363, %add3A_411 : i32
        %lt3A_413 = arith.constant 320 : i32
        %lt3A_414 = arith.cmpi slt, %add3A_412, %lt3A_413 : i32
        %convert_element_type3A_415 = arith.extui %lt3A_414 : i1 to i32
        %cond3A_416 = arith.constant 0 : i32
        %cond3A_417 = arith.cmpi ne, %convert_element_type3A_415, %cond3A_416 : i32
        scf.if %cond3A_417 {
          %jit3A_662 = arith.constant 16 : i32
          %div3A = arith.divsi %add3A_412, %jit3A_662 : i32
          %sign3A = arith.constant 0 : i32
          %sign3A_663 = arith.cmpi sgt, %add3A_412, %sign3A : i32
          %sign3A_664 = arith.extui %sign3A_663 : i1 to i32
          %sign3A_665 = arith.constant 0 : i32
          %sign3A_666 = arith.cmpi slt, %add3A_412, %sign3A_665 : i32
          %sign3A_667 = arith.extui %sign3A_666 : i1 to i32
          %sign3A_668 = arith.subi %sign3A_664, %sign3A_667 : i32
          %sign3A_669 = arith.constant 0 : i32
          %sign3A_670 = arith.cmpi sgt, %jit3A_662, %sign3A_669 : i32
          %sign3A_671 = arith.extui %sign3A_670 : i1 to i32
          %sign3A_672 = arith.constant 0 : i32
          %sign3A_673 = arith.cmpi slt, %jit3A_662, %sign3A_672 : i32
          %sign3A_674 = arith.extui %sign3A_673 : i1 to i32
          %sign3A_675 = arith.subi %sign3A_671, %sign3A_674 : i32
          %ne3A_676 = arith.cmpi ne, %sign3A_668, %sign3A_675 : i32
          %rem3A_677 = arith.remsi %add3A_412, %jit3A_662 : i32
          %ne3A_678 = arith.constant 0 : i32
          %ne3A_679 = arith.cmpi ne, %rem3A_677, %ne3A_678 : i32
          %and3A_680 = arith.andi %ne3A_676, %ne3A_679 : i1
          %sub3A_681 = arith.constant 1 : i32
          %sub3A_682 = arith.subi %div3A, %sub3A_681 : i32
          %select_n3A_683 = arith.select %and3A_680, %sub3A_682, %div3A : i32
          %jit3A_684 = arith.constant 3 : i32
          %eq3A_685 = arith.constant 0 : i32
          %eq3A_686 = arith.cmpi eq, %jit3A_684, %eq3A_685 : i32
          %jit3A_687 = arith.constant 1 : i32
          %select_n3A_688 = arith.select %eq3A_686, %jit3A_687, %jit3A_684 : i32
          %rem3A_689 = arith.remsi %select_n3A_683, %select_n3A_688 : i32
          %ne3A_690 = arith.constant 0 : i32
          %ne3A_691 = arith.cmpi ne, %rem3A_689, %ne3A_690 : i32
          %lt3A_692 = arith.constant 0 : i32
          %lt3A_693 = arith.cmpi slt, %rem3A_689, %lt3A_692 : i32
          %lt3A_694 = arith.constant 0 : i32
          %lt3A_695 = arith.cmpi slt, %select_n3A_688, %lt3A_694 : i32
          %ne3A_696 = arith.xori %lt3A_693, %lt3A_695 : i1
          %and3A_697 = arith.andi %ne3A_696, %ne3A_691 : i1
          %add3A_698 = arith.addi %rem3A_689, %select_n3A_688 : i32
          %select_n3A_699 = arith.select %and3A_697, %add3A_698, %rem3A_689 : i32
          %jit3A_700 = arith.constant 16 : i32
          %eq3A_701 = arith.constant 0 : i32
          %eq3A_702 = arith.cmpi eq, %jit3A_700, %eq3A_701 : i32
          %jit3A_703 = arith.constant 1 : i32
          %select_n3A_704 = arith.select %eq3A_702, %jit3A_703, %jit3A_700 : i32
          %rem3A_705 = arith.remsi %add3A_412, %select_n3A_704 : i32
          %ne3A_706 = arith.constant 0 : i32
          %ne3A_707 = arith.cmpi ne, %rem3A_705, %ne3A_706 : i32
          %lt3A_708 = arith.constant 0 : i32
          %lt3A_709 = arith.cmpi slt, %rem3A_705, %lt3A_708 : i32
          %lt3A_710 = arith.constant 0 : i32
          %lt3A_711 = arith.cmpi slt, %select_n3A_704, %lt3A_710 : i32
          %ne3A_712 = arith.xori %lt3A_709, %lt3A_711 : i1
          %and3A_713 = arith.andi %ne3A_712, %ne3A_707 : i1
          %add3A_714 = arith.addi %rem3A_705, %select_n3A_704 : i32
          %select_n3A_715 = arith.select %and3A_713, %add3A_714, %rem3A_705 : i32
          %dma_start3A_716 = arith.constant 7 : i32
          %dma_start3A_717 = arith.constant 0 : i32
          %dma_start3A_718 = arith.constant 0 : i32
          %dma_start3A_719 = tpu.memref_slice %arg8[%dma_start3A_716, %dma_start3A_717, %dma_start3A_718] : memref<8x64x64xf32, #tpu.memory_space<vmem>> -> memref<1x64x64xf32, #tpu.memory_space<vmem>>
          %dma_start3A_720 = tpu.memref_squeeze %dma_start3A_719 : memref<1x64x64xf32, #tpu.memory_space<vmem>> -> memref<64x64xf32, #tpu.memory_space<vmem>>
          %dma_start3A_721 = arith.constant 0 : i32
          %dma_start3A_722 = tpu.memref_slice %arg6[%select_n3A_699, %select_n3A_715, %dma_start3A_721] : memref<3x16x64xi32, #tpu.memory_space<vmem>> -> memref<1x1x64xi32, #tpu.memory_space<vmem>>
          %dma_start3A_723 = tpu.memref_squeeze %dma_start3A_722 : memref<1x1x64xi32, #tpu.memory_space<vmem>> -> memref<64xi32, #tpu.memory_space<vmem>>
          %dma_start3A_724 = arith.constant 0 : i32
          %dma_start3A_725 = arith.constant 0 : i32
          %dma_start3A_726 = tpu.memref_slice %arg9[%dma_start3A_724, %dma_start3A_725] : memref<10112x64xf32, #tpu.memory_space<vmem_shared>> -> memref<10112x64xf32, #tpu.memory_space<vmem_shared>>
          tpu.enqueue_indirect_dma source(%dma_start3A_726 : memref<10112x64xf32, #tpu.memory_space<vmem_shared>>) target(%dma_start3A_720 : memref<64x64xf32, #tpu.memory_space<vmem>>) offsets(%dma_start3A_723 : memref<64xi32, #tpu.memory_space<vmem>>) semaphore(%arg18 : memref<!tpu.dma_semaphore, #tpu.memory_space<semaphore_mem>>)
        } else {
        }
        %mul3A_418 = arith.constant 8 : i32
        %mul3A_419 = arith.muli %mul3A_418, %scan3A_180 : i32
        %add3A_420 = arith.constant 4 : i32
        %add3A_421 = arith.addi %mul3A_419, %add3A_420 : i32
        %mul3A_422 = arith.constant 16 : i32
        %mul3A_423 = arith.muli %scan3A_160, %mul3A_422 : i32
        %add3A_424 = arith.addi %mul3A_423, %add3A_421 : i32
        %dma_wait3A_425 = arith.constant 0 : i32
        %dma_wait3A_426 = arith.constant 0 : i32
        %dma_wait3A_427 = arith.constant 4 : i32
        %dma_wait3A_428 = arith.constant 0 : i32
        %dma_wait3A_429 = arith.constant 0 : i32
        %dma_wait3A_430 = tpu.memref_slice %arg8[%dma_wait3A_427, %dma_wait3A_428, %dma_wait3A_429] : memref<8x64x64xf32, #tpu.memory_space<vmem>> -> memref<1x64x64xf32, #tpu.memory_space<vmem>>
        %dma_wait3A_431 = tpu.memref_squeeze %dma_wait3A_430 : memref<1x64x64xf32, #tpu.memory_space<vmem>> -> memref<64x64xf32, #tpu.memory_space<vmem>>
        %dma_wait3A_432 = arith.constant 0 : i32
        %dma_wait3A_433 = tpu.memref_slice %arg6[%dma_wait3A_425, %dma_wait3A_426, %dma_wait3A_432] : memref<3x16x64xi32, #tpu.memory_space<vmem>> -> memref<1x1x64xi32, #tpu.memory_space<vmem>>
        %dma_wait3A_434 = tpu.memref_squeeze %dma_wait3A_433 : memref<1x1x64xi32, #tpu.memory_space<vmem>> -> memref<64xi32, #tpu.memory_space<vmem>>
        %dma_wait3A_435 = arith.constant 0 : i32
        %dma_wait3A_436 = arith.constant 0 : i32
        %dma_wait3A_437 = tpu.memref_slice %arg9[%dma_wait3A_435, %dma_wait3A_436] : memref<10112x64xf32, #tpu.memory_space<vmem_shared>> -> memref<10112x64xf32, #tpu.memory_space<vmem_shared>>
        tpu.wait_indirect_dma semaphore(%arg15 : memref<!tpu.dma_semaphore, #tpu.memory_space<semaphore_mem>>) src(%dma_wait3A_437 : memref<10112x64xf32, #tpu.memory_space<vmem_shared>>) dst(%dma_wait3A_431 : memref<64x64xf32, #tpu.memory_space<vmem>>)
        %jit3A_438 = arith.constant 3 : i32
        %eq3A_439 = arith.constant 0 : i32
        %eq3A_440 = arith.cmpi eq, %jit3A_438, %eq3A_439 : i32
        %jit3A_441 = arith.constant 1 : i32
        %select_n3A_442 = arith.select %eq3A_440, %jit3A_441, %jit3A_438 : i32
        %rem3A_443 = arith.remsi %scan3A_160, %select_n3A_442 : i32
        %ne3A_444 = arith.constant 0 : i32
        %ne3A_445 = arith.cmpi ne, %rem3A_443, %ne3A_444 : i32
        %lt3A_446 = arith.constant 0 : i32
        %lt3A_447 = arith.cmpi slt, %rem3A_443, %lt3A_446 : i32
        %lt3A_448 = arith.constant 0 : i32
        %lt3A_449 = arith.cmpi slt, %select_n3A_442, %lt3A_448 : i32
        %ne3A_450 = arith.xori %lt3A_447, %lt3A_449 : i1
        %and3A_451 = arith.andi %ne3A_450, %ne3A_445 : i1
        %add3A_452 = arith.addi %rem3A_443, %select_n3A_442 : i32
        %select_n3A_453 = arith.select %and3A_451, %add3A_452, %rem3A_443 : i32
        %dma_start3A_454 = arith.constant 4 : i32
        %dma_start3A_455 = arith.constant 0 : i32
        %dma_start3A_456 = arith.constant 0 : i32
        %dma_start3A_457 = tpu.memref_slice %arg8[%dma_start3A_454, %dma_start3A_455, %dma_start3A_456] : memref<8x64x64xf32, #tpu.memory_space<vmem>> -> memref<1x64x64xf32, #tpu.memory_space<vmem>>
        %dma_start3A_458 = tpu.memref_squeeze %dma_start3A_457 : memref<1x64x64xf32, #tpu.memory_space<vmem>> -> memref<64x64xf32, #tpu.memory_space<vmem>>
        %dma_start3A_459 = arith.constant 0 : i32
        %dma_start3A_460 = tpu.memref_slice %arg7[%select_n3A_453, %add3A_421, %dma_start3A_459] : memref<3x16x64xi32, #tpu.memory_space<vmem>> -> memref<1x1x64xi32, #tpu.memory_space<vmem>>
        %dma_start3A_461 = tpu.memref_squeeze %dma_start3A_460 : memref<1x1x64xi32, #tpu.memory_space<vmem>> -> memref<64xi32, #tpu.memory_space<vmem>>
        %dma_start3A_462 = arith.constant 0 : i32
        %dma_start3A_463 = arith.constant 0 : i32
        %dma_start3A_464 = tpu.memref_slice %arg10[%dma_start3A_462, %dma_start3A_463] : memref<10112x64xf32, #tpu.memory_space<vmem_shared>> -> memref<10112x64xf32, #tpu.memory_space<vmem_shared>>
        tpu.enqueue_indirect_dma source(%dma_start3A_458 : memref<64x64xf32, #tpu.memory_space<vmem>>) target(%dma_start3A_464 : memref<10112x64xf32, #tpu.memory_space<vmem_shared>>) offsets(%dma_start3A_461 : memref<64xi32, #tpu.memory_space<vmem>>) semaphore(%arg23 : memref<!tpu.dma_semaphore, #tpu.memory_space<semaphore_mem>>) {add = true}
        %sub3A_465 = arith.constant 4 : i32
        %sub3A_466 = arith.subi %add3A_424, %sub3A_465 : i32
        %ge3A_467 = arith.constant 0 : i32
        %ge3A_468 = arith.cmpi sge, %sub3A_466, %ge3A_467 : i32
        %convert_element_type3A_469 = arith.extui %ge3A_468 : i1 to i32
        %cond3A_470 = arith.constant 0 : i32
        %cond3A_471 = arith.cmpi ne, %convert_element_type3A_469, %cond3A_470 : i32
        scf.if %cond3A_471 {
          %dma_wait3A_662 = arith.constant 0 : i32
          %dma_wait3A_663 = arith.constant 0 : i32
          %dma_wait3A_664 = arith.constant 0 : i32
          %dma_wait3A_665 = arith.constant 0 : i32
          %dma_wait3A_666 = arith.constant 0 : i32
          %dma_wait3A_667 = tpu.memref_slice %arg8[%dma_wait3A_662, %dma_wait3A_665, %dma_wait3A_666] : memref<8x64x64xf32, #tpu.memory_space<vmem>> -> memref<1x64x64xf32, #tpu.memory_space<vmem>>
          %dma_wait3A_668 = tpu.memref_squeeze %dma_wait3A_667 : memref<1x64x64xf32, #tpu.memory_space<vmem>> -> memref<64x64xf32, #tpu.memory_space<vmem>>
          %dma_wait3A_669 = arith.constant 0 : i32
          %dma_wait3A_670 = tpu.memref_slice %arg7[%dma_wait3A_663, %dma_wait3A_664, %dma_wait3A_669] : memref<3x16x64xi32, #tpu.memory_space<vmem>> -> memref<1x1x64xi32, #tpu.memory_space<vmem>>
          %dma_wait3A_671 = tpu.memref_squeeze %dma_wait3A_670 : memref<1x1x64xi32, #tpu.memory_space<vmem>> -> memref<64xi32, #tpu.memory_space<vmem>>
          %dma_wait3A_672 = arith.constant 0 : i32
          %dma_wait3A_673 = arith.constant 0 : i32
          %dma_wait3A_674 = tpu.memref_slice %arg10[%dma_wait3A_672, %dma_wait3A_673] : memref<10112x64xf32, #tpu.memory_space<vmem_shared>> -> memref<10112x64xf32, #tpu.memory_space<vmem_shared>>
          tpu.wait_indirect_dma semaphore(%arg19 : memref<!tpu.dma_semaphore, #tpu.memory_space<semaphore_mem>>) src(%dma_wait3A_668 : memref<64x64xf32, #tpu.memory_space<vmem>>) dst(%dma_wait3A_674 : memref<10112x64xf32, #tpu.memory_space<vmem_shared>>)
        } else {
        }
        %add3A_472 = arith.constant 4 : i32
        %add3A_473 = arith.addi %add3A_424, %add3A_472 : i32
        %lt3A_474 = arith.constant 320 : i32
        %lt3A_475 = arith.cmpi slt, %add3A_473, %lt3A_474 : i32
        %convert_element_type3A_476 = arith.extui %lt3A_475 : i1 to i32
        %cond3A_477 = arith.constant 0 : i32
        %cond3A_478 = arith.cmpi ne, %convert_element_type3A_476, %cond3A_477 : i32
        scf.if %cond3A_478 {
          %jit3A_662 = arith.constant 16 : i32
          %div3A = arith.divsi %add3A_473, %jit3A_662 : i32
          %sign3A = arith.constant 0 : i32
          %sign3A_663 = arith.cmpi sgt, %add3A_473, %sign3A : i32
          %sign3A_664 = arith.extui %sign3A_663 : i1 to i32
          %sign3A_665 = arith.constant 0 : i32
          %sign3A_666 = arith.cmpi slt, %add3A_473, %sign3A_665 : i32
          %sign3A_667 = arith.extui %sign3A_666 : i1 to i32
          %sign3A_668 = arith.subi %sign3A_664, %sign3A_667 : i32
          %sign3A_669 = arith.constant 0 : i32
          %sign3A_670 = arith.cmpi sgt, %jit3A_662, %sign3A_669 : i32
          %sign3A_671 = arith.extui %sign3A_670 : i1 to i32
          %sign3A_672 = arith.constant 0 : i32
          %sign3A_673 = arith.cmpi slt, %jit3A_662, %sign3A_672 : i32
          %sign3A_674 = arith.extui %sign3A_673 : i1 to i32
          %sign3A_675 = arith.subi %sign3A_671, %sign3A_674 : i32
          %ne3A_676 = arith.cmpi ne, %sign3A_668, %sign3A_675 : i32
          %rem3A_677 = arith.remsi %add3A_473, %jit3A_662 : i32
          %ne3A_678 = arith.constant 0 : i32
          %ne3A_679 = arith.cmpi ne, %rem3A_677, %ne3A_678 : i32
          %and3A_680 = arith.andi %ne3A_676, %ne3A_679 : i1
          %sub3A_681 = arith.constant 1 : i32
          %sub3A_682 = arith.subi %div3A, %sub3A_681 : i32
          %select_n3A_683 = arith.select %and3A_680, %sub3A_682, %div3A : i32
          %jit3A_684 = arith.constant 3 : i32
          %eq3A_685 = arith.constant 0 : i32
          %eq3A_686 = arith.cmpi eq, %jit3A_684, %eq3A_685 : i32
          %jit3A_687 = arith.constant 1 : i32
          %select_n3A_688 = arith.select %eq3A_686, %jit3A_687, %jit3A_684 : i32
          %rem3A_689 = arith.remsi %select_n3A_683, %select_n3A_688 : i32
          %ne3A_690 = arith.constant 0 : i32
          %ne3A_691 = arith.cmpi ne, %rem3A_689, %ne3A_690 : i32
          %lt3A_692 = arith.constant 0 : i32
          %lt3A_693 = arith.cmpi slt, %rem3A_689, %lt3A_692 : i32
          %lt3A_694 = arith.constant 0 : i32
          %lt3A_695 = arith.cmpi slt, %select_n3A_688, %lt3A_694 : i32
          %ne3A_696 = arith.xori %lt3A_693, %lt3A_695 : i1
          %and3A_697 = arith.andi %ne3A_696, %ne3A_691 : i1
          %add3A_698 = arith.addi %rem3A_689, %select_n3A_688 : i32
          %select_n3A_699 = arith.select %and3A_697, %add3A_698, %rem3A_689 : i32
          %jit3A_700 = arith.constant 16 : i32
          %eq3A_701 = arith.constant 0 : i32
          %eq3A_702 = arith.cmpi eq, %jit3A_700, %eq3A_701 : i32
          %jit3A_703 = arith.constant 1 : i32
          %select_n3A_704 = arith.select %eq3A_702, %jit3A_703, %jit3A_700 : i32
          %rem3A_705 = arith.remsi %add3A_473, %select_n3A_704 : i32
          %ne3A_706 = arith.constant 0 : i32
          %ne3A_707 = arith.cmpi ne, %rem3A_705, %ne3A_706 : i32
          %lt3A_708 = arith.constant 0 : i32
          %lt3A_709 = arith.cmpi slt, %rem3A_705, %lt3A_708 : i32
          %lt3A_710 = arith.constant 0 : i32
          %lt3A_711 = arith.cmpi slt, %select_n3A_704, %lt3A_710 : i32
          %ne3A_712 = arith.xori %lt3A_709, %lt3A_711 : i1
          %and3A_713 = arith.andi %ne3A_712, %ne3A_707 : i1
          %add3A_714 = arith.addi %rem3A_705, %select_n3A_704 : i32
          %select_n3A_715 = arith.select %and3A_713, %add3A_714, %rem3A_705 : i32
          %dma_start3A_716 = arith.constant 0 : i32
          %dma_start3A_717 = arith.constant 0 : i32
          %dma_start3A_718 = arith.constant 0 : i32
          %dma_start3A_719 = tpu.memref_slice %arg8[%dma_start3A_716, %dma_start3A_717, %dma_start3A_718] : memref<8x64x64xf32, #tpu.memory_space<vmem>> -> memref<1x64x64xf32, #tpu.memory_space<vmem>>
          %dma_start3A_720 = tpu.memref_squeeze %dma_start3A_719 : memref<1x64x64xf32, #tpu.memory_space<vmem>> -> memref<64x64xf32, #tpu.memory_space<vmem>>
          %dma_start3A_721 = arith.constant 0 : i32
          %dma_start3A_722 = tpu.memref_slice %arg6[%select_n3A_699, %select_n3A_715, %dma_start3A_721] : memref<3x16x64xi32, #tpu.memory_space<vmem>> -> memref<1x1x64xi32, #tpu.memory_space<vmem>>
          %dma_start3A_723 = tpu.memref_squeeze %dma_start3A_722 : memref<1x1x64xi32, #tpu.memory_space<vmem>> -> memref<64xi32, #tpu.memory_space<vmem>>
          %dma_start3A_724 = arith.constant 0 : i32
          %dma_start3A_725 = arith.constant 0 : i32
          %dma_start3A_726 = tpu.memref_slice %arg9[%dma_start3A_724, %dma_start3A_725] : memref<10112x64xf32, #tpu.memory_space<vmem_shared>> -> memref<10112x64xf32, #tpu.memory_space<vmem_shared>>
          tpu.enqueue_indirect_dma source(%dma_start3A_726 : memref<10112x64xf32, #tpu.memory_space<vmem_shared>>) target(%dma_start3A_720 : memref<64x64xf32, #tpu.memory_space<vmem>>) offsets(%dma_start3A_723 : memref<64xi32, #tpu.memory_space<vmem>>) semaphore(%arg11 : memref<!tpu.dma_semaphore, #tpu.memory_space<semaphore_mem>>)
        } else {
        }
        %mul3A_479 = arith.constant 8 : i32
        %mul3A_480 = arith.muli %mul3A_479, %scan3A_180 : i32
        %add3A_481 = arith.constant 5 : i32
        %add3A_482 = arith.addi %mul3A_480, %add3A_481 : i32
        %mul3A_483 = arith.constant 16 : i32
        %mul3A_484 = arith.muli %scan3A_160, %mul3A_483 : i32
        %add3A_485 = arith.addi %mul3A_484, %add3A_482 : i32
        %dma_wait3A_486 = arith.constant 0 : i32
        %dma_wait3A_487 = arith.constant 0 : i32
        %dma_wait3A_488 = arith.constant 5 : i32
        %dma_wait3A_489 = arith.constant 0 : i32
        %dma_wait3A_490 = arith.constant 0 : i32
        %dma_wait3A_491 = tpu.memref_slice %arg8[%dma_wait3A_488, %dma_wait3A_489, %dma_wait3A_490] : memref<8x64x64xf32, #tpu.memory_space<vmem>> -> memref<1x64x64xf32, #tpu.memory_space<vmem>>
        %dma_wait3A_492 = tpu.memref_squeeze %dma_wait3A_491 : memref<1x64x64xf32, #tpu.memory_space<vmem>> -> memref<64x64xf32, #tpu.memory_space<vmem>>
        %dma_wait3A_493 = arith.constant 0 : i32
        %dma_wait3A_494 = tpu.memref_slice %arg6[%dma_wait3A_486, %dma_wait3A_487, %dma_wait3A_493] : memref<3x16x64xi32, #tpu.memory_space<vmem>> -> memref<1x1x64xi32, #tpu.memory_space<vmem>>
        %dma_wait3A_495 = tpu.memref_squeeze %dma_wait3A_494 : memref<1x1x64xi32, #tpu.memory_space<vmem>> -> memref<64xi32, #tpu.memory_space<vmem>>
        %dma_wait3A_496 = arith.constant 0 : i32
        %dma_wait3A_497 = arith.constant 0 : i32
        %dma_wait3A_498 = tpu.memref_slice %arg9[%dma_wait3A_496, %dma_wait3A_497] : memref<10112x64xf32, #tpu.memory_space<vmem_shared>> -> memref<10112x64xf32, #tpu.memory_space<vmem_shared>>
        tpu.wait_indirect_dma semaphore(%arg16 : memref<!tpu.dma_semaphore, #tpu.memory_space<semaphore_mem>>) src(%dma_wait3A_498 : memref<10112x64xf32, #tpu.memory_space<vmem_shared>>) dst(%dma_wait3A_492 : memref<64x64xf32, #tpu.memory_space<vmem>>)
        %jit3A_499 = arith.constant 3 : i32
        %eq3A_500 = arith.constant 0 : i32
        %eq3A_501 = arith.cmpi eq, %jit3A_499, %eq3A_500 : i32
        %jit3A_502 = arith.constant 1 : i32
        %select_n3A_503 = arith.select %eq3A_501, %jit3A_502, %jit3A_499 : i32
        %rem3A_504 = arith.remsi %scan3A_160, %select_n3A_503 : i32
        %ne3A_505 = arith.constant 0 : i32
        %ne3A_506 = arith.cmpi ne, %rem3A_504, %ne3A_505 : i32
        %lt3A_507 = arith.constant 0 : i32
        %lt3A_508 = arith.cmpi slt, %rem3A_504, %lt3A_507 : i32
        %lt3A_509 = arith.constant 0 : i32
        %lt3A_510 = arith.cmpi slt, %select_n3A_503, %lt3A_509 : i32
        %ne3A_511 = arith.xori %lt3A_508, %lt3A_510 : i1
        %and3A_512 = arith.andi %ne3A_511, %ne3A_506 : i1
        %add3A_513 = arith.addi %rem3A_504, %select_n3A_503 : i32
        %select_n3A_514 = arith.select %and3A_512, %add3A_513, %rem3A_504 : i32
        %dma_start3A_515 = arith.constant 5 : i32
        %dma_start3A_516 = arith.constant 0 : i32
        %dma_start3A_517 = arith.constant 0 : i32
        %dma_start3A_518 = tpu.memref_slice %arg8[%dma_start3A_515, %dma_start3A_516, %dma_start3A_517] : memref<8x64x64xf32, #tpu.memory_space<vmem>> -> memref<1x64x64xf32, #tpu.memory_space<vmem>>
        %dma_start3A_519 = tpu.memref_squeeze %dma_start3A_518 : memref<1x64x64xf32, #tpu.memory_space<vmem>> -> memref<64x64xf32, #tpu.memory_space<vmem>>
        %dma_start3A_520 = arith.constant 0 : i32
        %dma_start3A_521 = tpu.memref_slice %arg7[%select_n3A_514, %add3A_482, %dma_start3A_520] : memref<3x16x64xi32, #tpu.memory_space<vmem>> -> memref<1x1x64xi32, #tpu.memory_space<vmem>>
        %dma_start3A_522 = tpu.memref_squeeze %dma_start3A_521 : memref<1x1x64xi32, #tpu.memory_space<vmem>> -> memref<64xi32, #tpu.memory_space<vmem>>
        %dma_start3A_523 = arith.constant 0 : i32
        %dma_start3A_524 = arith.constant 0 : i32
        %dma_start3A_525 = tpu.memref_slice %arg10[%dma_start3A_523, %dma_start3A_524] : memref<10112x64xf32, #tpu.memory_space<vmem_shared>> -> memref<10112x64xf32, #tpu.memory_space<vmem_shared>>
        tpu.enqueue_indirect_dma source(%dma_start3A_519 : memref<64x64xf32, #tpu.memory_space<vmem>>) target(%dma_start3A_525 : memref<10112x64xf32, #tpu.memory_space<vmem_shared>>) offsets(%dma_start3A_522 : memref<64xi32, #tpu.memory_space<vmem>>) semaphore(%arg24 : memref<!tpu.dma_semaphore, #tpu.memory_space<semaphore_mem>>) {add = true}
        %sub3A_526 = arith.constant 4 : i32
        %sub3A_527 = arith.subi %add3A_485, %sub3A_526 : i32
        %ge3A_528 = arith.constant 0 : i32
        %ge3A_529 = arith.cmpi sge, %sub3A_527, %ge3A_528 : i32
        %convert_element_type3A_530 = arith.extui %ge3A_529 : i1 to i32
        %cond3A_531 = arith.constant 0 : i32
        %cond3A_532 = arith.cmpi ne, %convert_element_type3A_530, %cond3A_531 : i32
        scf.if %cond3A_532 {
          %dma_wait3A_662 = arith.constant 1 : i32
          %dma_wait3A_663 = arith.constant 0 : i32
          %dma_wait3A_664 = arith.constant 0 : i32
          %dma_wait3A_665 = arith.constant 0 : i32
          %dma_wait3A_666 = arith.constant 0 : i32
          %dma_wait3A_667 = tpu.memref_slice %arg8[%dma_wait3A_662, %dma_wait3A_665, %dma_wait3A_666] : memref<8x64x64xf32, #tpu.memory_space<vmem>> -> memref<1x64x64xf32, #tpu.memory_space<vmem>>
          %dma_wait3A_668 = tpu.memref_squeeze %dma_wait3A_667 : memref<1x64x64xf32, #tpu.memory_space<vmem>> -> memref<64x64xf32, #tpu.memory_space<vmem>>
          %dma_wait3A_669 = arith.constant 0 : i32
          %dma_wait3A_670 = tpu.memref_slice %arg7[%dma_wait3A_663, %dma_wait3A_664, %dma_wait3A_669] : memref<3x16x64xi32, #tpu.memory_space<vmem>> -> memref<1x1x64xi32, #tpu.memory_space<vmem>>
          %dma_wait3A_671 = tpu.memref_squeeze %dma_wait3A_670 : memref<1x1x64xi32, #tpu.memory_space<vmem>> -> memref<64xi32, #tpu.memory_space<vmem>>
          %dma_wait3A_672 = arith.constant 0 : i32
          %dma_wait3A_673 = arith.constant 0 : i32
          %dma_wait3A_674 = tpu.memref_slice %arg10[%dma_wait3A_672, %dma_wait3A_673] : memref<10112x64xf32, #tpu.memory_space<vmem_shared>> -> memref<10112x64xf32, #tpu.memory_space<vmem_shared>>
          tpu.wait_indirect_dma semaphore(%arg20 : memref<!tpu.dma_semaphore, #tpu.memory_space<semaphore_mem>>) src(%dma_wait3A_668 : memref<64x64xf32, #tpu.memory_space<vmem>>) dst(%dma_wait3A_674 : memref<10112x64xf32, #tpu.memory_space<vmem_shared>>)
        } else {
        }
        %add3A_533 = arith.constant 4 : i32
        %add3A_534 = arith.addi %add3A_485, %add3A_533 : i32
        %lt3A_535 = arith.constant 320 : i32
        %lt3A_536 = arith.cmpi slt, %add3A_534, %lt3A_535 : i32
        %convert_element_type3A_537 = arith.extui %lt3A_536 : i1 to i32
        %cond3A_538 = arith.constant 0 : i32
        %cond3A_539 = arith.cmpi ne, %convert_element_type3A_537, %cond3A_538 : i32
        scf.if %cond3A_539 {
          %jit3A_662 = arith.constant 16 : i32
          %div3A = arith.divsi %add3A_534, %jit3A_662 : i32
          %sign3A = arith.constant 0 : i32
          %sign3A_663 = arith.cmpi sgt, %add3A_534, %sign3A : i32
          %sign3A_664 = arith.extui %sign3A_663 : i1 to i32
          %sign3A_665 = arith.constant 0 : i32
          %sign3A_666 = arith.cmpi slt, %add3A_534, %sign3A_665 : i32
          %sign3A_667 = arith.extui %sign3A_666 : i1 to i32
          %sign3A_668 = arith.subi %sign3A_664, %sign3A_667 : i32
          %sign3A_669 = arith.constant 0 : i32
          %sign3A_670 = arith.cmpi sgt, %jit3A_662, %sign3A_669 : i32
          %sign3A_671 = arith.extui %sign3A_670 : i1 to i32
          %sign3A_672 = arith.constant 0 : i32
          %sign3A_673 = arith.cmpi slt, %jit3A_662, %sign3A_672 : i32
          %sign3A_674 = arith.extui %sign3A_673 : i1 to i32
          %sign3A_675 = arith.subi %sign3A_671, %sign3A_674 : i32
          %ne3A_676 = arith.cmpi ne, %sign3A_668, %sign3A_675 : i32
          %rem3A_677 = arith.remsi %add3A_534, %jit3A_662 : i32
          %ne3A_678 = arith.constant 0 : i32
          %ne3A_679 = arith.cmpi ne, %rem3A_677, %ne3A_678 : i32
          %and3A_680 = arith.andi %ne3A_676, %ne3A_679 : i1
          %sub3A_681 = arith.constant 1 : i32
          %sub3A_682 = arith.subi %div3A, %sub3A_681 : i32
          %select_n3A_683 = arith.select %and3A_680, %sub3A_682, %div3A : i32
          %jit3A_684 = arith.constant 3 : i32
          %eq3A_685 = arith.constant 0 : i32
          %eq3A_686 = arith.cmpi eq, %jit3A_684, %eq3A_685 : i32
          %jit3A_687 = arith.constant 1 : i32
          %select_n3A_688 = arith.select %eq3A_686, %jit3A_687, %jit3A_684 : i32
          %rem3A_689 = arith.remsi %select_n3A_683, %select_n3A_688 : i32
          %ne3A_690 = arith.constant 0 : i32
          %ne3A_691 = arith.cmpi ne, %rem3A_689, %ne3A_690 : i32
          %lt3A_692 = arith.constant 0 : i32
          %lt3A_693 = arith.cmpi slt, %rem3A_689, %lt3A_692 : i32
          %lt3A_694 = arith.constant 0 : i32
          %lt3A_695 = arith.cmpi slt, %select_n3A_688, %lt3A_694 : i32
          %ne3A_696 = arith.xori %lt3A_693, %lt3A_695 : i1
          %and3A_697 = arith.andi %ne3A_696, %ne3A_691 : i1
          %add3A_698 = arith.addi %rem3A_689, %select_n3A_688 : i32
          %select_n3A_699 = arith.select %and3A_697, %add3A_698, %rem3A_689 : i32
          %jit3A_700 = arith.constant 16 : i32
          %eq3A_701 = arith.constant 0 : i32
          %eq3A_702 = arith.cmpi eq, %jit3A_700, %eq3A_701 : i32
          %jit3A_703 = arith.constant 1 : i32
          %select_n3A_704 = arith.select %eq3A_702, %jit3A_703, %jit3A_700 : i32
          %rem3A_705 = arith.remsi %add3A_534, %select_n3A_704 : i32
          %ne3A_706 = arith.constant 0 : i32
          %ne3A_707 = arith.cmpi ne, %rem3A_705, %ne3A_706 : i32
          %lt3A_708 = arith.constant 0 : i32
          %lt3A_709 = arith.cmpi slt, %rem3A_705, %lt3A_708 : i32
          %lt3A_710 = arith.constant 0 : i32
          %lt3A_711 = arith.cmpi slt, %select_n3A_704, %lt3A_710 : i32
          %ne3A_712 = arith.xori %lt3A_709, %lt3A_711 : i1
          %and3A_713 = arith.andi %ne3A_712, %ne3A_707 : i1
          %add3A_714 = arith.addi %rem3A_705, %select_n3A_704 : i32
          %select_n3A_715 = arith.select %and3A_713, %add3A_714, %rem3A_705 : i32
          %dma_start3A_716 = arith.constant 1 : i32
          %dma_start3A_717 = arith.constant 0 : i32
          %dma_start3A_718 = arith.constant 0 : i32
          %dma_start3A_719 = tpu.memref_slice %arg8[%dma_start3A_716, %dma_start3A_717, %dma_start3A_718] : memref<8x64x64xf32, #tpu.memory_space<vmem>> -> memref<1x64x64xf32, #tpu.memory_space<vmem>>
          %dma_start3A_720 = tpu.memref_squeeze %dma_start3A_719 : memref<1x64x64xf32, #tpu.memory_space<vmem>> -> memref<64x64xf32, #tpu.memory_space<vmem>>
          %dma_start3A_721 = arith.constant 0 : i32
          %dma_start3A_722 = tpu.memref_slice %arg6[%select_n3A_699, %select_n3A_715, %dma_start3A_721] : memref<3x16x64xi32, #tpu.memory_space<vmem>> -> memref<1x1x64xi32, #tpu.memory_space<vmem>>
          %dma_start3A_723 = tpu.memref_squeeze %dma_start3A_722 : memref<1x1x64xi32, #tpu.memory_space<vmem>> -> memref<64xi32, #tpu.memory_space<vmem>>
          %dma_start3A_724 = arith.constant 0 : i32
          %dma_start3A_725 = arith.constant 0 : i32
          %dma_start3A_726 = tpu.memref_slice %arg9[%dma_start3A_724, %dma_start3A_725] : memref<10112x64xf32, #tpu.memory_space<vmem_shared>> -> memref<10112x64xf32, #tpu.memory_space<vmem_shared>>
          tpu.enqueue_indirect_dma source(%dma_start3A_726 : memref<10112x64xf32, #tpu.memory_space<vmem_shared>>) target(%dma_start3A_720 : memref<64x64xf32, #tpu.memory_space<vmem>>) offsets(%dma_start3A_723 : memref<64xi32, #tpu.memory_space<vmem>>) semaphore(%arg12 : memref<!tpu.dma_semaphore, #tpu.memory_space<semaphore_mem>>)
        } else {
        }
        %mul3A_540 = arith.constant 8 : i32
        %mul3A_541 = arith.muli %mul3A_540, %scan3A_180 : i32
        %add3A_542 = arith.constant 6 : i32
        %add3A_543 = arith.addi %mul3A_541, %add3A_542 : i32
        %mul3A_544 = arith.constant 16 : i32
        %mul3A_545 = arith.muli %scan3A_160, %mul3A_544 : i32
        %add3A_546 = arith.addi %mul3A_545, %add3A_543 : i32
        %dma_wait3A_547 = arith.constant 0 : i32
        %dma_wait3A_548 = arith.constant 0 : i32
        %dma_wait3A_549 = arith.constant 6 : i32
        %dma_wait3A_550 = arith.constant 0 : i32
        %dma_wait3A_551 = arith.constant 0 : i32
        %dma_wait3A_552 = tpu.memref_slice %arg8[%dma_wait3A_549, %dma_wait3A_550, %dma_wait3A_551] : memref<8x64x64xf32, #tpu.memory_space<vmem>> -> memref<1x64x64xf32, #tpu.memory_space<vmem>>
        %dma_wait3A_553 = tpu.memref_squeeze %dma_wait3A_552 : memref<1x64x64xf32, #tpu.memory_space<vmem>> -> memref<64x64xf32, #tpu.memory_space<vmem>>
        %dma_wait3A_554 = arith.constant 0 : i32
        %dma_wait3A_555 = tpu.memref_slice %arg6[%dma_wait3A_547, %dma_wait3A_548, %dma_wait3A_554] : memref<3x16x64xi32, #tpu.memory_space<vmem>> -> memref<1x1x64xi32, #tpu.memory_space<vmem>>
        %dma_wait3A_556 = tpu.memref_squeeze %dma_wait3A_555 : memref<1x1x64xi32, #tpu.memory_space<vmem>> -> memref<64xi32, #tpu.memory_space<vmem>>
        %dma_wait3A_557 = arith.constant 0 : i32
        %dma_wait3A_558 = arith.constant 0 : i32
        %dma_wait3A_559 = tpu.memref_slice %arg9[%dma_wait3A_557, %dma_wait3A_558] : memref<10112x64xf32, #tpu.memory_space<vmem_shared>> -> memref<10112x64xf32, #tpu.memory_space<vmem_shared>>
        tpu.wait_indirect_dma semaphore(%arg17 : memref<!tpu.dma_semaphore, #tpu.memory_space<semaphore_mem>>) src(%dma_wait3A_559 : memref<10112x64xf32, #tpu.memory_space<vmem_shared>>) dst(%dma_wait3A_553 : memref<64x64xf32, #tpu.memory_space<vmem>>)
        %jit3A_560 = arith.constant 3 : i32
        %eq3A_561 = arith.constant 0 : i32
        %eq3A_562 = arith.cmpi eq, %jit3A_560, %eq3A_561 : i32
        %jit3A_563 = arith.constant 1 : i32
        %select_n3A_564 = arith.select %eq3A_562, %jit3A_563, %jit3A_560 : i32
        %rem3A_565 = arith.remsi %scan3A_160, %select_n3A_564 : i32
        %ne3A_566 = arith.constant 0 : i32
        %ne3A_567 = arith.cmpi ne, %rem3A_565, %ne3A_566 : i32
        %lt3A_568 = arith.constant 0 : i32
        %lt3A_569 = arith.cmpi slt, %rem3A_565, %lt3A_568 : i32
        %lt3A_570 = arith.constant 0 : i32
        %lt3A_571 = arith.cmpi slt, %select_n3A_564, %lt3A_570 : i32
        %ne3A_572 = arith.xori %lt3A_569, %lt3A_571 : i1
        %and3A_573 = arith.andi %ne3A_572, %ne3A_567 : i1
        %add3A_574 = arith.addi %rem3A_565, %select_n3A_564 : i32
        %select_n3A_575 = arith.select %and3A_573, %add3A_574, %rem3A_565 : i32
        %dma_start3A_576 = arith.constant 6 : i32
        %dma_start3A_577 = arith.constant 0 : i32
        %dma_start3A_578 = arith.constant 0 : i32
        %dma_start3A_579 = tpu.memref_slice %arg8[%dma_start3A_576, %dma_start3A_577, %dma_start3A_578] : memref<8x64x64xf32, #tpu.memory_space<vmem>> -> memref<1x64x64xf32, #tpu.memory_space<vmem>>
        %dma_start3A_580 = tpu.memref_squeeze %dma_start3A_579 : memref<1x64x64xf32, #tpu.memory_space<vmem>> -> memref<64x64xf32, #tpu.memory_space<vmem>>
        %dma_start3A_581 = arith.constant 0 : i32
        %dma_start3A_582 = tpu.memref_slice %arg7[%select_n3A_575, %add3A_543, %dma_start3A_581] : memref<3x16x64xi32, #tpu.memory_space<vmem>> -> memref<1x1x64xi32, #tpu.memory_space<vmem>>
        %dma_start3A_583 = tpu.memref_squeeze %dma_start3A_582 : memref<1x1x64xi32, #tpu.memory_space<vmem>> -> memref<64xi32, #tpu.memory_space<vmem>>
        %dma_start3A_584 = arith.constant 0 : i32
        %dma_start3A_585 = arith.constant 0 : i32
        %dma_start3A_586 = tpu.memref_slice %arg10[%dma_start3A_584, %dma_start3A_585] : memref<10112x64xf32, #tpu.memory_space<vmem_shared>> -> memref<10112x64xf32, #tpu.memory_space<vmem_shared>>
        tpu.enqueue_indirect_dma source(%dma_start3A_580 : memref<64x64xf32, #tpu.memory_space<vmem>>) target(%dma_start3A_586 : memref<10112x64xf32, #tpu.memory_space<vmem_shared>>) offsets(%dma_start3A_583 : memref<64xi32, #tpu.memory_space<vmem>>) semaphore(%arg25 : memref<!tpu.dma_semaphore, #tpu.memory_space<semaphore_mem>>) {add = true}
        %sub3A_587 = arith.constant 4 : i32
        %sub3A_588 = arith.subi %add3A_546, %sub3A_587 : i32
        %ge3A_589 = arith.constant 0 : i32
        %ge3A_590 = arith.cmpi sge, %sub3A_588, %ge3A_589 : i32
        %convert_element_type3A_591 = arith.extui %ge3A_590 : i1 to i32
        %cond3A_592 = arith.constant 0 : i32
        %cond3A_593 = arith.cmpi ne, %convert_element_type3A_591, %cond3A_592 : i32
        scf.if %cond3A_593 {
          %dma_wait3A_662 = arith.constant 2 : i32
          %dma_wait3A_663 = arith.constant 0 : i32
          %dma_wait3A_664 = arith.constant 0 : i32
          %dma_wait3A_665 = arith.constant 0 : i32
          %dma_wait3A_666 = arith.constant 0 : i32
          %dma_wait3A_667 = tpu.memref_slice %arg8[%dma_wait3A_662, %dma_wait3A_665, %dma_wait3A_666] : memref<8x64x64xf32, #tpu.memory_space<vmem>> -> memref<1x64x64xf32, #tpu.memory_space<vmem>>
          %dma_wait3A_668 = tpu.memref_squeeze %dma_wait3A_667 : memref<1x64x64xf32, #tpu.memory_space<vmem>> -> memref<64x64xf32, #tpu.memory_space<vmem>>
          %dma_wait3A_669 = arith.constant 0 : i32
          %dma_wait3A_670 = tpu.memref_slice %arg7[%dma_wait3A_663, %dma_wait3A_664, %dma_wait3A_669] : memref<3x16x64xi32, #tpu.memory_space<vmem>> -> memref<1x1x64xi32, #tpu.memory_space<vmem>>
          %dma_wait3A_671 = tpu.memref_squeeze %dma_wait3A_670 : memref<1x1x64xi32, #tpu.memory_space<vmem>> -> memref<64xi32, #tpu.memory_space<vmem>>
          %dma_wait3A_672 = arith.constant 0 : i32
          %dma_wait3A_673 = arith.constant 0 : i32
          %dma_wait3A_674 = tpu.memref_slice %arg10[%dma_wait3A_672, %dma_wait3A_673] : memref<10112x64xf32, #tpu.memory_space<vmem_shared>> -> memref<10112x64xf32, #tpu.memory_space<vmem_shared>>
          tpu.wait_indirect_dma semaphore(%arg21 : memref<!tpu.dma_semaphore, #tpu.memory_space<semaphore_mem>>) src(%dma_wait3A_668 : memref<64x64xf32, #tpu.memory_space<vmem>>) dst(%dma_wait3A_674 : memref<10112x64xf32, #tpu.memory_space<vmem_shared>>)
        } else {
        }
        %add3A_594 = arith.constant 4 : i32
        %add3A_595 = arith.addi %add3A_546, %add3A_594 : i32
        %lt3A_596 = arith.constant 320 : i32
        %lt3A_597 = arith.cmpi slt, %add3A_595, %lt3A_596 : i32
        %convert_element_type3A_598 = arith.extui %lt3A_597 : i1 to i32
        %cond3A_599 = arith.constant 0 : i32
        %cond3A_600 = arith.cmpi ne, %convert_element_type3A_598, %cond3A_599 : i32
        scf.if %cond3A_600 {
          %jit3A_662 = arith.constant 16 : i32
          %div3A = arith.divsi %add3A_595, %jit3A_662 : i32
          %sign3A = arith.constant 0 : i32
          %sign3A_663 = arith.cmpi sgt, %add3A_595, %sign3A : i32
          %sign3A_664 = arith.extui %sign3A_663 : i1 to i32
          %sign3A_665 = arith.constant 0 : i32
          %sign3A_666 = arith.cmpi slt, %add3A_595, %sign3A_665 : i32
          %sign3A_667 = arith.extui %sign3A_666 : i1 to i32
          %sign3A_668 = arith.subi %sign3A_664, %sign3A_667 : i32
          %sign3A_669 = arith.constant 0 : i32
          %sign3A_670 = arith.cmpi sgt, %jit3A_662, %sign3A_669 : i32
          %sign3A_671 = arith.extui %sign3A_670 : i1 to i32
          %sign3A_672 = arith.constant 0 : i32
          %sign3A_673 = arith.cmpi slt, %jit3A_662, %sign3A_672 : i32
          %sign3A_674 = arith.extui %sign3A_673 : i1 to i32
          %sign3A_675 = arith.subi %sign3A_671, %sign3A_674 : i32
          %ne3A_676 = arith.cmpi ne, %sign3A_668, %sign3A_675 : i32
          %rem3A_677 = arith.remsi %add3A_595, %jit3A_662 : i32
          %ne3A_678 = arith.constant 0 : i32
          %ne3A_679 = arith.cmpi ne, %rem3A_677, %ne3A_678 : i32
          %and3A_680 = arith.andi %ne3A_676, %ne3A_679 : i1
          %sub3A_681 = arith.constant 1 : i32
          %sub3A_682 = arith.subi %div3A, %sub3A_681 : i32
          %select_n3A_683 = arith.select %and3A_680, %sub3A_682, %div3A : i32
          %jit3A_684 = arith.constant 3 : i32
          %eq3A_685 = arith.constant 0 : i32
          %eq3A_686 = arith.cmpi eq, %jit3A_684, %eq3A_685 : i32
          %jit3A_687 = arith.constant 1 : i32
          %select_n3A_688 = arith.select %eq3A_686, %jit3A_687, %jit3A_684 : i32
          %rem3A_689 = arith.remsi %select_n3A_683, %select_n3A_688 : i32
          %ne3A_690 = arith.constant 0 : i32
          %ne3A_691 = arith.cmpi ne, %rem3A_689, %ne3A_690 : i32
          %lt3A_692 = arith.constant 0 : i32
          %lt3A_693 = arith.cmpi slt, %rem3A_689, %lt3A_692 : i32
          %lt3A_694 = arith.constant 0 : i32
          %lt3A_695 = arith.cmpi slt, %select_n3A_688, %lt3A_694 : i32
          %ne3A_696 = arith.xori %lt3A_693, %lt3A_695 : i1
          %and3A_697 = arith.andi %ne3A_696, %ne3A_691 : i1
          %add3A_698 = arith.addi %rem3A_689, %select_n3A_688 : i32
          %select_n3A_699 = arith.select %and3A_697, %add3A_698, %rem3A_689 : i32
          %jit3A_700 = arith.constant 16 : i32
          %eq3A_701 = arith.constant 0 : i32
          %eq3A_702 = arith.cmpi eq, %jit3A_700, %eq3A_701 : i32
          %jit3A_703 = arith.constant 1 : i32
          %select_n3A_704 = arith.select %eq3A_702, %jit3A_703, %jit3A_700 : i32
          %rem3A_705 = arith.remsi %add3A_595, %select_n3A_704 : i32
          %ne3A_706 = arith.constant 0 : i32
          %ne3A_707 = arith.cmpi ne, %rem3A_705, %ne3A_706 : i32
          %lt3A_708 = arith.constant 0 : i32
          %lt3A_709 = arith.cmpi slt, %rem3A_705, %lt3A_708 : i32
          %lt3A_710 = arith.constant 0 : i32
          %lt3A_711 = arith.cmpi slt, %select_n3A_704, %lt3A_710 : i32
          %ne3A_712 = arith.xori %lt3A_709, %lt3A_711 : i1
          %and3A_713 = arith.andi %ne3A_712, %ne3A_707 : i1
          %add3A_714 = arith.addi %rem3A_705, %select_n3A_704 : i32
          %select_n3A_715 = arith.select %and3A_713, %add3A_714, %rem3A_705 : i32
          %dma_start3A_716 = arith.constant 2 : i32
          %dma_start3A_717 = arith.constant 0 : i32
          %dma_start3A_718 = arith.constant 0 : i32
          %dma_start3A_719 = tpu.memref_slice %arg8[%dma_start3A_716, %dma_start3A_717, %dma_start3A_718] : memref<8x64x64xf32, #tpu.memory_space<vmem>> -> memref<1x64x64xf32, #tpu.memory_space<vmem>>
          %dma_start3A_720 = tpu.memref_squeeze %dma_start3A_719 : memref<1x64x64xf32, #tpu.memory_space<vmem>> -> memref<64x64xf32, #tpu.memory_space<vmem>>
          %dma_start3A_721 = arith.constant 0 : i32
          %dma_start3A_722 = tpu.memref_slice %arg6[%select_n3A_699, %select_n3A_715, %dma_start3A_721] : memref<3x16x64xi32, #tpu.memory_space<vmem>> -> memref<1x1x64xi32, #tpu.memory_space<vmem>>
          %dma_start3A_723 = tpu.memref_squeeze %dma_start3A_722 : memref<1x1x64xi32, #tpu.memory_space<vmem>> -> memref<64xi32, #tpu.memory_space<vmem>>
          %dma_start3A_724 = arith.constant 0 : i32
          %dma_start3A_725 = arith.constant 0 : i32
          %dma_start3A_726 = tpu.memref_slice %arg9[%dma_start3A_724, %dma_start3A_725] : memref<10112x64xf32, #tpu.memory_space<vmem_shared>> -> memref<10112x64xf32, #tpu.memory_space<vmem_shared>>
          tpu.enqueue_indirect_dma source(%dma_start3A_726 : memref<10112x64xf32, #tpu.memory_space<vmem_shared>>) target(%dma_start3A_720 : memref<64x64xf32, #tpu.memory_space<vmem>>) offsets(%dma_start3A_723 : memref<64xi32, #tpu.memory_space<vmem>>) semaphore(%arg13 : memref<!tpu.dma_semaphore, #tpu.memory_space<semaphore_mem>>)
        } else {
        }
        %mul3A_601 = arith.constant 8 : i32
        %mul3A_602 = arith.muli %mul3A_601, %scan3A_180 : i32
        %add3A_603 = arith.constant 7 : i32
        %add3A_604 = arith.addi %mul3A_602, %add3A_603 : i32
        %mul3A_605 = arith.constant 16 : i32
        %mul3A_606 = arith.muli %scan3A_160, %mul3A_605 : i32
        %add3A_607 = arith.addi %mul3A_606, %add3A_604 : i32
        %dma_wait3A_608 = arith.constant 0 : i32
        %dma_wait3A_609 = arith.constant 0 : i32
        %dma_wait3A_610 = arith.constant 7 : i32
        %dma_wait3A_611 = arith.constant 0 : i32
        %dma_wait3A_612 = arith.constant 0 : i32
        %dma_wait3A_613 = tpu.memref_slice %arg8[%dma_wait3A_610, %dma_wait3A_611, %dma_wait3A_612] : memref<8x64x64xf32, #tpu.memory_space<vmem>> -> memref<1x64x64xf32, #tpu.memory_space<vmem>>
        %dma_wait3A_614 = tpu.memref_squeeze %dma_wait3A_613 : memref<1x64x64xf32, #tpu.memory_space<vmem>> -> memref<64x64xf32, #tpu.memory_space<vmem>>
        %dma_wait3A_615 = arith.constant 0 : i32
        %dma_wait3A_616 = tpu.memref_slice %arg6[%dma_wait3A_608, %dma_wait3A_609, %dma_wait3A_615] : memref<3x16x64xi32, #tpu.memory_space<vmem>> -> memref<1x1x64xi32, #tpu.memory_space<vmem>>
        %dma_wait3A_617 = tpu.memref_squeeze %dma_wait3A_616 : memref<1x1x64xi32, #tpu.memory_space<vmem>> -> memref<64xi32, #tpu.memory_space<vmem>>
        %dma_wait3A_618 = arith.constant 0 : i32
        %dma_wait3A_619 = arith.constant 0 : i32
        %dma_wait3A_620 = tpu.memref_slice %arg9[%dma_wait3A_618, %dma_wait3A_619] : memref<10112x64xf32, #tpu.memory_space<vmem_shared>> -> memref<10112x64xf32, #tpu.memory_space<vmem_shared>>
        tpu.wait_indirect_dma semaphore(%arg18 : memref<!tpu.dma_semaphore, #tpu.memory_space<semaphore_mem>>) src(%dma_wait3A_620 : memref<10112x64xf32, #tpu.memory_space<vmem_shared>>) dst(%dma_wait3A_614 : memref<64x64xf32, #tpu.memory_space<vmem>>)
        %jit3A_621 = arith.constant 3 : i32
        %eq3A_622 = arith.constant 0 : i32
        %eq3A_623 = arith.cmpi eq, %jit3A_621, %eq3A_622 : i32
        %jit3A_624 = arith.constant 1 : i32
        %select_n3A_625 = arith.select %eq3A_623, %jit3A_624, %jit3A_621 : i32
        %rem3A_626 = arith.remsi %scan3A_160, %select_n3A_625 : i32
        %ne3A_627 = arith.constant 0 : i32
        %ne3A_628 = arith.cmpi ne, %rem3A_626, %ne3A_627 : i32
        %lt3A_629 = arith.constant 0 : i32
        %lt3A_630 = arith.cmpi slt, %rem3A_626, %lt3A_629 : i32
        %lt3A_631 = arith.constant 0 : i32
        %lt3A_632 = arith.cmpi slt, %select_n3A_625, %lt3A_631 : i32
        %ne3A_633 = arith.xori %lt3A_630, %lt3A_632 : i1
        %and3A_634 = arith.andi %ne3A_633, %ne3A_628 : i1
        %add3A_635 = arith.addi %rem3A_626, %select_n3A_625 : i32
        %select_n3A_636 = arith.select %and3A_634, %add3A_635, %rem3A_626 : i32
        %dma_start3A_637 = arith.constant 7 : i32
        %dma_start3A_638 = arith.constant 0 : i32
        %dma_start3A_639 = arith.constant 0 : i32
        %dma_start3A_640 = tpu.memref_slice %arg8[%dma_start3A_637, %dma_start3A_638, %dma_start3A_639] : memref<8x64x64xf32, #tpu.memory_space<vmem>> -> memref<1x64x64xf32, #tpu.memory_space<vmem>>
        %dma_start3A_641 = tpu.memref_squeeze %dma_start3A_640 : memref<1x64x64xf32, #tpu.memory_space<vmem>> -> memref<64x64xf32, #tpu.memory_space<vmem>>
        %dma_start3A_642 = arith.constant 0 : i32
        %dma_start3A_643 = tpu.memref_slice %arg7[%select_n3A_636, %add3A_604, %dma_start3A_642] : memref<3x16x64xi32, #tpu.memory_space<vmem>> -> memref<1x1x64xi32, #tpu.memory_space<vmem>>
        %dma_start3A_644 = tpu.memref_squeeze %dma_start3A_643 : memref<1x1x64xi32, #tpu.memory_space<vmem>> -> memref<64xi32, #tpu.memory_space<vmem>>
        %dma_start3A_645 = arith.constant 0 : i32
        %dma_start3A_646 = arith.constant 0 : i32
        %dma_start3A_647 = tpu.memref_slice %arg10[%dma_start3A_645, %dma_start3A_646] : memref<10112x64xf32, #tpu.memory_space<vmem_shared>> -> memref<10112x64xf32, #tpu.memory_space<vmem_shared>>
        tpu.enqueue_indirect_dma source(%dma_start3A_641 : memref<64x64xf32, #tpu.memory_space<vmem>>) target(%dma_start3A_647 : memref<10112x64xf32, #tpu.memory_space<vmem_shared>>) offsets(%dma_start3A_644 : memref<64xi32, #tpu.memory_space<vmem>>) semaphore(%arg26 : memref<!tpu.dma_semaphore, #tpu.memory_space<semaphore_mem>>) {add = true}
        %sub3A_648 = arith.constant 4 : i32
        %sub3A_649 = arith.subi %add3A_607, %sub3A_648 : i32
        %ge3A_650 = arith.constant 0 : i32
        %ge3A_651 = arith.cmpi sge, %sub3A_649, %ge3A_650 : i32
        %convert_element_type3A_652 = arith.extui %ge3A_651 : i1 to i32
        %cond3A_653 = arith.constant 0 : i32
        %cond3A_654 = arith.cmpi ne, %convert_element_type3A_652, %cond3A_653 : i32
        scf.if %cond3A_654 {
          %dma_wait3A_662 = arith.constant 3 : i32
          %dma_wait3A_663 = arith.constant 0 : i32
          %dma_wait3A_664 = arith.constant 0 : i32
          %dma_wait3A_665 = arith.constant 0 : i32
          %dma_wait3A_666 = arith.constant 0 : i32
          %dma_wait3A_667 = tpu.memref_slice %arg8[%dma_wait3A_662, %dma_wait3A_665, %dma_wait3A_666] : memref<8x64x64xf32, #tpu.memory_space<vmem>> -> memref<1x64x64xf32, #tpu.memory_space<vmem>>
          %dma_wait3A_668 = tpu.memref_squeeze %dma_wait3A_667 : memref<1x64x64xf32, #tpu.memory_space<vmem>> -> memref<64x64xf32, #tpu.memory_space<vmem>>
          %dma_wait3A_669 = arith.constant 0 : i32
          %dma_wait3A_670 = tpu.memref_slice %arg7[%dma_wait3A_663, %dma_wait3A_664, %dma_wait3A_669] : memref<3x16x64xi32, #tpu.memory_space<vmem>> -> memref<1x1x64xi32, #tpu.memory_space<vmem>>
          %dma_wait3A_671 = tpu.memref_squeeze %dma_wait3A_670 : memref<1x1x64xi32, #tpu.memory_space<vmem>> -> memref<64xi32, #tpu.memory_space<vmem>>
          %dma_wait3A_672 = arith.constant 0 : i32
          %dma_wait3A_673 = arith.constant 0 : i32
          %dma_wait3A_674 = tpu.memref_slice %arg10[%dma_wait3A_672, %dma_wait3A_673] : memref<10112x64xf32, #tpu.memory_space<vmem_shared>> -> memref<10112x64xf32, #tpu.memory_space<vmem_shared>>
          tpu.wait_indirect_dma semaphore(%arg22 : memref<!tpu.dma_semaphore, #tpu.memory_space<semaphore_mem>>) src(%dma_wait3A_668 : memref<64x64xf32, #tpu.memory_space<vmem>>) dst(%dma_wait3A_674 : memref<10112x64xf32, #tpu.memory_space<vmem_shared>>)
        } else {
        }
        %add3A_655 = arith.constant 4 : i32
        %add3A_656 = arith.addi %add3A_607, %add3A_655 : i32
        %lt3A_657 = arith.constant 320 : i32
        %lt3A_658 = arith.cmpi slt, %add3A_656, %lt3A_657 : i32
        %convert_element_type3A_659 = arith.extui %lt3A_658 : i1 to i32
        %cond3A_660 = arith.constant 0 : i32
        %cond3A_661 = arith.cmpi ne, %convert_element_type3A_659, %cond3A_660 : i32
        scf.if %cond3A_661 {
          %jit3A_662 = arith.constant 16 : i32
          %div3A = arith.divsi %add3A_656, %jit3A_662 : i32
          %sign3A = arith.constant 0 : i32
          %sign3A_663 = arith.cmpi sgt, %add3A_656, %sign3A : i32
          %sign3A_664 = arith.extui %sign3A_663 : i1 to i32
          %sign3A_665 = arith.constant 0 : i32
          %sign3A_666 = arith.cmpi slt, %add3A_656, %sign3A_665 : i32
          %sign3A_667 = arith.extui %sign3A_666 : i1 to i32
          %sign3A_668 = arith.subi %sign3A_664, %sign3A_667 : i32
          %sign3A_669 = arith.constant 0 : i32
          %sign3A_670 = arith.cmpi sgt, %jit3A_662, %sign3A_669 : i32
          %sign3A_671 = arith.extui %sign3A_670 : i1 to i32
          %sign3A_672 = arith.constant 0 : i32
          %sign3A_673 = arith.cmpi slt, %jit3A_662, %sign3A_672 : i32
          %sign3A_674 = arith.extui %sign3A_673 : i1 to i32
          %sign3A_675 = arith.subi %sign3A_671, %sign3A_674 : i32
          %ne3A_676 = arith.cmpi ne, %sign3A_668, %sign3A_675 : i32
          %rem3A_677 = arith.remsi %add3A_656, %jit3A_662 : i32
          %ne3A_678 = arith.constant 0 : i32
          %ne3A_679 = arith.cmpi ne, %rem3A_677, %ne3A_678 : i32
          %and3A_680 = arith.andi %ne3A_676, %ne3A_679 : i1
          %sub3A_681 = arith.constant 1 : i32
          %sub3A_682 = arith.subi %div3A, %sub3A_681 : i32
          %select_n3A_683 = arith.select %and3A_680, %sub3A_682, %div3A : i32
          %jit3A_684 = arith.constant 3 : i32
          %eq3A_685 = arith.constant 0 : i32
          %eq3A_686 = arith.cmpi eq, %jit3A_684, %eq3A_685 : i32
          %jit3A_687 = arith.constant 1 : i32
          %select_n3A_688 = arith.select %eq3A_686, %jit3A_687, %jit3A_684 : i32
          %rem3A_689 = arith.remsi %select_n3A_683, %select_n3A_688 : i32
          %ne3A_690 = arith.constant 0 : i32
          %ne3A_691 = arith.cmpi ne, %rem3A_689, %ne3A_690 : i32
          %lt3A_692 = arith.constant 0 : i32
          %lt3A_693 = arith.cmpi slt, %rem3A_689, %lt3A_692 : i32
          %lt3A_694 = arith.constant 0 : i32
          %lt3A_695 = arith.cmpi slt, %select_n3A_688, %lt3A_694 : i32
          %ne3A_696 = arith.xori %lt3A_693, %lt3A_695 : i1
          %and3A_697 = arith.andi %ne3A_696, %ne3A_691 : i1
          %add3A_698 = arith.addi %rem3A_689, %select_n3A_688 : i32
          %select_n3A_699 = arith.select %and3A_697, %add3A_698, %rem3A_689 : i32
          %jit3A_700 = arith.constant 16 : i32
          %eq3A_701 = arith.constant 0 : i32
          %eq3A_702 = arith.cmpi eq, %jit3A_700, %eq3A_701 : i32
          %jit3A_703 = arith.constant 1 : i32
          %select_n3A_704 = arith.select %eq3A_702, %jit3A_703, %jit3A_700 : i32
          %rem3A_705 = arith.remsi %add3A_656, %select_n3A_704 : i32
          %ne3A_706 = arith.constant 0 : i32
          %ne3A_707 = arith.cmpi ne, %rem3A_705, %ne3A_706 : i32
          %lt3A_708 = arith.constant 0 : i32
          %lt3A_709 = arith.cmpi slt, %rem3A_705, %lt3A_708 : i32
          %lt3A_710 = arith.constant 0 : i32
          %lt3A_711 = arith.cmpi slt, %select_n3A_704, %lt3A_710 : i32
          %ne3A_712 = arith.xori %lt3A_709, %lt3A_711 : i1
          %and3A_713 = arith.andi %ne3A_712, %ne3A_707 : i1
          %add3A_714 = arith.addi %rem3A_705, %select_n3A_704 : i32
          %select_n3A_715 = arith.select %and3A_713, %add3A_714, %rem3A_705 : i32
          %dma_start3A_716 = arith.constant 3 : i32
          %dma_start3A_717 = arith.constant 0 : i32
          %dma_start3A_718 = arith.constant 0 : i32
          %dma_start3A_719 = tpu.memref_slice %arg8[%dma_start3A_716, %dma_start3A_717, %dma_start3A_718] : memref<8x64x64xf32, #tpu.memory_space<vmem>> -> memref<1x64x64xf32, #tpu.memory_space<vmem>>
          %dma_start3A_720 = tpu.memref_squeeze %dma_start3A_719 : memref<1x64x64xf32, #tpu.memory_space<vmem>> -> memref<64x64xf32, #tpu.memory_space<vmem>>
          %dma_start3A_721 = arith.constant 0 : i32
          %dma_start3A_722 = tpu.memref_slice %arg6[%select_n3A_699, %select_n3A_715, %dma_start3A_721] : memref<3x16x64xi32, #tpu.memory_space<vmem>> -> memref<1x1x64xi32, #tpu.memory_space<vmem>>
          %dma_start3A_723 = tpu.memref_squeeze %dma_start3A_722 : memref<1x1x64xi32, #tpu.memory_space<vmem>> -> memref<64xi32, #tpu.memory_space<vmem>>
          %dma_start3A_724 = arith.constant 0 : i32
          %dma_start3A_725 = arith.constant 0 : i32
          %dma_start3A_726 = tpu.memref_slice %arg9[%dma_start3A_724, %dma_start3A_725] : memref<10112x64xf32, #tpu.memory_space<vmem_shared>> -> memref<10112x64xf32, #tpu.memory_space<vmem_shared>>
          tpu.enqueue_indirect_dma source(%dma_start3A_726 : memref<10112x64xf32, #tpu.memory_space<vmem_shared>>) target(%dma_start3A_720 : memref<64x64xf32, #tpu.memory_space<vmem>>) offsets(%dma_start3A_723 : memref<64xi32, #tpu.memory_space<vmem>>) semaphore(%arg14 : memref<!tpu.dma_semaphore, #tpu.memory_space<semaphore_mem>>)
        } else {
        }
      }
      %scan3A_172 = arith.constant 2 : i32
      %add3A_173 = arith.constant 2 : i32
      %add3A_174 = arith.addi %scan3A_160, %add3A_173 : i32
      %lt3A_175 = arith.constant 20 : i32
      %lt3A_176 = arith.cmpi slt, %add3A_174, %lt3A_175 : i32
      %convert_element_type3A_177 = arith.extui %lt3A_176 : i1 to i32
      %cond3A_178 = arith.constant 0 : i32
      %cond3A_179 = arith.cmpi ne, %convert_element_type3A_177, %cond3A_178 : i32
      scf.if %cond3A_179 {
        %add3A_180 = arith.constant 2 : i32
        %add3A_181 = arith.addi %scan3A_160, %add3A_180 : i32
        %add3A_182 = arith.constant 2 : i32
        %add3A_183 = arith.addi %scan3A_160, %add3A_182 : i32
        %jit3A = arith.constant 3 : i32
        %eq3A_184 = arith.constant 0 : i32
        %eq3A_185 = arith.cmpi eq, %jit3A, %eq3A_184 : i32
        %jit3A_186 = arith.constant 1 : i32
        %select_n3A = arith.select %eq3A_185, %jit3A_186, %jit3A : i32
        %rem3A = arith.remsi %add3A_183, %select_n3A : i32
        %ne3A = arith.constant 0 : i32
        %ne3A_187 = arith.cmpi ne, %rem3A, %ne3A : i32
        %lt3A_188 = arith.constant 0 : i32
        %lt3A_189 = arith.cmpi slt, %rem3A, %lt3A_188 : i32
        %lt3A_190 = arith.constant 0 : i32
        %lt3A_191 = arith.cmpi slt, %select_n3A, %lt3A_190 : i32
        %ne3A_192 = arith.xori %lt3A_189, %lt3A_191 : i1
        %and3A = arith.andi %ne3A_192, %ne3A_187 : i1
        %add3A_193 = arith.addi %rem3A, %select_n3A : i32
        %select_n3A_194 = arith.select %and3A, %add3A_193, %rem3A : i32
        %dma_start3A_195 = arith.constant 0 : i32
        %dma_start3A_196 = arith.constant 0 : i32
        %dma_start3A_197 = tpu.memref_slice %arg6[%select_n3A_194, %dma_start3A_195, %dma_start3A_196] : memref<3x16x64xi32, #tpu.memory_space<vmem>> -> memref<1x16x64xi32, #tpu.memory_space<vmem>>
        %dma_start3A_198 = tpu.memref_squeeze %dma_start3A_197 : memref<1x16x64xi32, #tpu.memory_space<vmem>> -> memref<16x64xi32, #tpu.memory_space<vmem>>
        %dma_start3A_199 = arith.constant 0 : i32
        %dma_start3A_200 = arith.constant 0 : i32
        %dma_start3A_201 = tpu.memref_slice %arg3[%arg1, %add3A_181, %dma_start3A_199, %dma_start3A_200] : memref<16x20x16x64xi32, #tpu.memory_space<hbm>> -> memref<1x1x16x64xi32, #tpu.memory_space<hbm>>
        %dma_start3A_202 = tpu.memref_squeeze %dma_start3A_201 : memref<1x1x16x64xi32, #tpu.memory_space<hbm>> -> memref<16x64xi32, #tpu.memory_space<hbm>>
        %dma_start3A_203 = arith.constant 0 : i32
        %dma_start3A_204 = arith.constant 0 : i32
        %dma_start3A_205 = tpu.memref_slice %arg6[%select_n3A_194, %dma_start3A_203, %dma_start3A_204] : memref<3x16x64xi32, #tpu.memory_space<vmem>> -> memref<1x16x64xi32, #tpu.memory_space<vmem>>
        %dma_start3A_206 = tpu.memref_squeeze %dma_start3A_205 : memref<1x16x64xi32, #tpu.memory_space<vmem>> -> memref<16x64xi32, #tpu.memory_space<vmem>>
        %dma_start3A_207 = arith.constant 0 : i32
        %dma_start3A_208 = arith.constant 0 : i32
        %dma_start3A_209 = tpu.memref_slice %arg3[%arg1, %add3A_181, %dma_start3A_207, %dma_start3A_208] : memref<16x20x16x64xi32, #tpu.memory_space<hbm>> -> memref<1x1x16x64xi32, #tpu.memory_space<hbm>>
        %dma_start3A_210 = tpu.memref_squeeze %dma_start3A_209 : memref<1x1x16x64xi32, #tpu.memory_space<hbm>> -> memref<16x64xi32, #tpu.memory_space<hbm>>
        tpu.enqueue_dma source(%dma_start3A_210 : memref<16x64xi32, #tpu.memory_space<hbm>>) target(%dma_start3A_206 : memref<16x64xi32, #tpu.memory_space<vmem>>) target_semaphore(%arg27 : memref<!tpu.dma_semaphore, #tpu.memory_space<semaphore_mem>>)
        %add3A_211 = arith.constant 2 : i32
        %add3A_212 = arith.addi %scan3A_160, %add3A_211 : i32
        %add3A_213 = arith.constant 2 : i32
        %add3A_214 = arith.addi %scan3A_160, %add3A_213 : i32
        %jit3A_215 = arith.constant 3 : i32
        %eq3A_216 = arith.constant 0 : i32
        %eq3A_217 = arith.cmpi eq, %jit3A_215, %eq3A_216 : i32
        %jit3A_218 = arith.constant 1 : i32
        %select_n3A_219 = arith.select %eq3A_217, %jit3A_218, %jit3A_215 : i32
        %rem3A_220 = arith.remsi %add3A_214, %select_n3A_219 : i32
        %ne3A_221 = arith.constant 0 : i32
        %ne3A_222 = arith.cmpi ne, %rem3A_220, %ne3A_221 : i32
        %lt3A_223 = arith.constant 0 : i32
        %lt3A_224 = arith.cmpi slt, %rem3A_220, %lt3A_223 : i32
        %lt3A_225 = arith.constant 0 : i32
        %lt3A_226 = arith.cmpi slt, %select_n3A_219, %lt3A_225 : i32
        %ne3A_227 = arith.xori %lt3A_224, %lt3A_226 : i1
        %and3A_228 = arith.andi %ne3A_227, %ne3A_222 : i1
        %add3A_229 = arith.addi %rem3A_220, %select_n3A_219 : i32
        %select_n3A_230 = arith.select %and3A_228, %add3A_229, %rem3A_220 : i32
        %dma_start3A_231 = arith.constant 0 : i32
        %dma_start3A_232 = arith.constant 0 : i32
        %dma_start3A_233 = tpu.memref_slice %arg7[%select_n3A_230, %dma_start3A_231, %dma_start3A_232] : memref<3x16x64xi32, #tpu.memory_space<vmem>> -> memref<1x16x64xi32, #tpu.memory_space<vmem>>
        %dma_start3A_234 = tpu.memref_squeeze %dma_start3A_233 : memref<1x16x64xi32, #tpu.memory_space<vmem>> -> memref<16x64xi32, #tpu.memory_space<vmem>>
        %dma_start3A_235 = arith.constant 0 : i32
        %dma_start3A_236 = arith.constant 0 : i32
        %dma_start3A_237 = tpu.memref_slice %arg4[%arg1, %add3A_212, %dma_start3A_235, %dma_start3A_236] : memref<16x20x16x64xi32, #tpu.memory_space<hbm>> -> memref<1x1x16x64xi32, #tpu.memory_space<hbm>>
        %dma_start3A_238 = tpu.memref_squeeze %dma_start3A_237 : memref<1x1x16x64xi32, #tpu.memory_space<hbm>> -> memref<16x64xi32, #tpu.memory_space<hbm>>
        %dma_start3A_239 = arith.constant 0 : i32
        %dma_start3A_240 = arith.constant 0 : i32
        %dma_start3A_241 = tpu.memref_slice %arg7[%select_n3A_230, %dma_start3A_239, %dma_start3A_240] : memref<3x16x64xi32, #tpu.memory_space<vmem>> -> memref<1x16x64xi32, #tpu.memory_space<vmem>>
        %dma_start3A_242 = tpu.memref_squeeze %dma_start3A_241 : memref<1x16x64xi32, #tpu.memory_space<vmem>> -> memref<16x64xi32, #tpu.memory_space<vmem>>
        %dma_start3A_243 = arith.constant 0 : i32
        %dma_start3A_244 = arith.constant 0 : i32
        %dma_start3A_245 = tpu.memref_slice %arg4[%arg1, %add3A_212, %dma_start3A_243, %dma_start3A_244] : memref<16x20x16x64xi32, #tpu.memory_space<hbm>> -> memref<1x1x16x64xi32, #tpu.memory_space<hbm>>
        %dma_start3A_246 = tpu.memref_squeeze %dma_start3A_245 : memref<1x1x16x64xi32, #tpu.memory_space<hbm>> -> memref<16x64xi32, #tpu.memory_space<hbm>>
        tpu.enqueue_dma source(%dma_start3A_246 : memref<16x64xi32, #tpu.memory_space<hbm>>) target(%dma_start3A_242 : memref<16x64xi32, #tpu.memory_space<vmem>>) target_semaphore(%arg27 : memref<!tpu.dma_semaphore, #tpu.memory_space<semaphore_mem>>)
      } else {
      }
    }
    %scan3A_101 = arith.constant 20 : i32
    %dma_wait3A = arith.constant 4 : i32
    %dma_wait3A_102 = arith.constant 0 : i32
    %dma_wait3A_103 = arith.constant 0 : i32
    %dma_wait3A_104 = arith.constant 0 : i32
    %dma_wait3A_105 = arith.constant 0 : i32
    %dma_wait3A_106 = tpu.memref_slice %arg8[%dma_wait3A, %dma_wait3A_104, %dma_wait3A_105] : memref<8x64x64xf32, #tpu.memory_space<vmem>> -> memref<1x64x64xf32, #tpu.memory_space<vmem>>
    %dma_wait3A_107 = tpu.memref_squeeze %dma_wait3A_106 : memref<1x64x64xf32, #tpu.memory_space<vmem>> -> memref<64x64xf32, #tpu.memory_space<vmem>>
    %dma_wait3A_108 = arith.constant 0 : i32
    %dma_wait3A_109 = tpu.memref_slice %arg7[%dma_wait3A_102, %dma_wait3A_103, %dma_wait3A_108] : memref<3x16x64xi32, #tpu.memory_space<vmem>> -> memref<1x1x64xi32, #tpu.memory_space<vmem>>
    %dma_wait3A_110 = tpu.memref_squeeze %dma_wait3A_109 : memref<1x1x64xi32, #tpu.memory_space<vmem>> -> memref<64xi32, #tpu.memory_space<vmem>>
    %dma_wait3A_111 = arith.constant 0 : i32
    %dma_wait3A_112 = arith.constant 0 : i32
    %dma_wait3A_113 = tpu.memref_slice %arg10[%dma_wait3A_111, %dma_wait3A_112] : memref<10112x64xf32, #tpu.memory_space<vmem_shared>> -> memref<10112x64xf32, #tpu.memory_space<vmem_shared>>
    tpu.wait_indirect_dma semaphore(%arg23 : memref<!tpu.dma_semaphore, #tpu.memory_space<semaphore_mem>>) src(%dma_wait3A_107 : memref<64x64xf32, #tpu.memory_space<vmem>>) dst(%dma_wait3A_113 : memref<10112x64xf32, #tpu.memory_space<vmem_shared>>)
    %dma_wait3A_114 = arith.constant 5 : i32
    %dma_wait3A_115 = arith.constant 0 : i32
    %dma_wait3A_116 = arith.constant 0 : i32
    %dma_wait3A_117 = arith.constant 0 : i32
    %dma_wait3A_118 = arith.constant 0 : i32
    %dma_wait3A_119 = tpu.memref_slice %arg8[%dma_wait3A_114, %dma_wait3A_117, %dma_wait3A_118] : memref<8x64x64xf32, #tpu.memory_space<vmem>> -> memref<1x64x64xf32, #tpu.memory_space<vmem>>
    %dma_wait3A_120 = tpu.memref_squeeze %dma_wait3A_119 : memref<1x64x64xf32, #tpu.memory_space<vmem>> -> memref<64x64xf32, #tpu.memory_space<vmem>>
    %dma_wait3A_121 = arith.constant 0 : i32
    %dma_wait3A_122 = tpu.memref_slice %arg7[%dma_wait3A_115, %dma_wait3A_116, %dma_wait3A_121] : memref<3x16x64xi32, #tpu.memory_space<vmem>> -> memref<1x1x64xi32, #tpu.memory_space<vmem>>
    %dma_wait3A_123 = tpu.memref_squeeze %dma_wait3A_122 : memref<1x1x64xi32, #tpu.memory_space<vmem>> -> memref<64xi32, #tpu.memory_space<vmem>>
    %dma_wait3A_124 = arith.constant 0 : i32
    %dma_wait3A_125 = arith.constant 0 : i32
    %dma_wait3A_126 = tpu.memref_slice %arg10[%dma_wait3A_124, %dma_wait3A_125] : memref<10112x64xf32, #tpu.memory_space<vmem_shared>> -> memref<10112x64xf32, #tpu.memory_space<vmem_shared>>
    tpu.wait_indirect_dma semaphore(%arg24 : memref<!tpu.dma_semaphore, #tpu.memory_space<semaphore_mem>>) src(%dma_wait3A_120 : memref<64x64xf32, #tpu.memory_space<vmem>>) dst(%dma_wait3A_126 : memref<10112x64xf32, #tpu.memory_space<vmem_shared>>)
    %dma_wait3A_127 = arith.constant 6 : i32
    %dma_wait3A_128 = arith.constant 0 : i32
    %dma_wait3A_129 = arith.constant 0 : i32
    %dma_wait3A_130 = arith.constant 0 : i32
    %dma_wait3A_131 = arith.constant 0 : i32
    %dma_wait3A_132 = tpu.memref_slice %arg8[%dma_wait3A_127, %dma_wait3A_130, %dma_wait3A_131] : memref<8x64x64xf32, #tpu.memory_space<vmem>> -> memref<1x64x64xf32, #tpu.memory_space<vmem>>
    %dma_wait3A_133 = tpu.memref_squeeze %dma_wait3A_132 : memref<1x64x64xf32, #tpu.memory_space<vmem>> -> memref<64x64xf32, #tpu.memory_space<vmem>>
    %dma_wait3A_134 = arith.constant 0 : i32
    %dma_wait3A_135 = tpu.memref_slice %arg7[%dma_wait3A_128, %dma_wait3A_129, %dma_wait3A_134] : memref<3x16x64xi32, #tpu.memory_space<vmem>> -> memref<1x1x64xi32, #tpu.memory_space<vmem>>
    %dma_wait3A_136 = tpu.memref_squeeze %dma_wait3A_135 : memref<1x1x64xi32, #tpu.memory_space<vmem>> -> memref<64xi32, #tpu.memory_space<vmem>>
    %dma_wait3A_137 = arith.constant 0 : i32
    %dma_wait3A_138 = arith.constant 0 : i32
    %dma_wait3A_139 = tpu.memref_slice %arg10[%dma_wait3A_137, %dma_wait3A_138] : memref<10112x64xf32, #tpu.memory_space<vmem_shared>> -> memref<10112x64xf32, #tpu.memory_space<vmem_shared>>
    tpu.wait_indirect_dma semaphore(%arg25 : memref<!tpu.dma_semaphore, #tpu.memory_space<semaphore_mem>>) src(%dma_wait3A_133 : memref<64x64xf32, #tpu.memory_space<vmem>>) dst(%dma_wait3A_139 : memref<10112x64xf32, #tpu.memory_space<vmem_shared>>)
    %dma_wait3A_140 = arith.constant 7 : i32
    %dma_wait3A_141 = arith.constant 0 : i32
    %dma_wait3A_142 = arith.constant 0 : i32
    %dma_wait3A_143 = arith.constant 0 : i32
    %dma_wait3A_144 = arith.constant 0 : i32
    %dma_wait3A_145 = tpu.memref_slice %arg8[%dma_wait3A_140, %dma_wait3A_143, %dma_wait3A_144] : memref<8x64x64xf32, #tpu.memory_space<vmem>> -> memref<1x64x64xf32, #tpu.memory_space<vmem>>
    %dma_wait3A_146 = tpu.memref_squeeze %dma_wait3A_145 : memref<1x64x64xf32, #tpu.memory_space<vmem>> -> memref<64x64xf32, #tpu.memory_space<vmem>>
    %dma_wait3A_147 = arith.constant 0 : i32
    %dma_wait3A_148 = tpu.memref_slice %arg7[%dma_wait3A_141, %dma_wait3A_142, %dma_wait3A_147] : memref<3x16x64xi32, #tpu.memory_space<vmem>> -> memref<1x1x64xi32, #tpu.memory_space<vmem>>
    %dma_wait3A_149 = tpu.memref_squeeze %dma_wait3A_148 : memref<1x1x64xi32, #tpu.memory_space<vmem>> -> memref<64xi32, #tpu.memory_space<vmem>>
    %dma_wait3A_150 = arith.constant 0 : i32
    %dma_wait3A_151 = arith.constant 0 : i32
    %dma_wait3A_152 = tpu.memref_slice %arg10[%dma_wait3A_150, %dma_wait3A_151] : memref<10112x64xf32, #tpu.memory_space<vmem_shared>> -> memref<10112x64xf32, #tpu.memory_space<vmem_shared>>
    tpu.wait_indirect_dma semaphore(%arg26 : memref<!tpu.dma_semaphore, #tpu.memory_space<semaphore_mem>>) src(%dma_wait3A_146 : memref<64x64xf32, #tpu.memory_space<vmem>>) dst(%dma_wait3A_152 : memref<10112x64xf32, #tpu.memory_space<vmem_shared>>)
    %barrier3A_153 = arith.constant 0 : index
    tpu.barrier barrier_id(%barrier3A_153)
    %lt3A = arith.constant 15 : i32
    %lt3A_154 = arith.cmpi slt, %arg1, %lt3A : i32
    %convert_element_type3A = arith.extui %lt3A_154 : i1 to i32
    %cond3A = arith.constant 0 : i32
    %cond3A_155 = arith.cmpi ne, %convert_element_type3A, %cond3A : i32
    scf.if %cond3A_155 {
      %mul3A_160 = arith.constant 632 : i32
      %mul3A_161 = arith.muli %arg1, %mul3A_160 : i32
      %mul3A_162 = arith.constant 632 : i32
      %mul3A_163 = arith.muli %arg1, %mul3A_162 : i32
      "tpu.region"() ({
        %run_scoped3A_164 = tpu.sem_alloc : memref<!tpu.dma_semaphore, #tpu.memory_space<semaphore_mem>>
        %dma_start3A_165 = arith.constant 0 : i32
        %dma_start3A_166 = tpu.memref_slice %arg5[%arg0, %mul3A_163, %dma_start3A_165] : memref<2x10000x64xf32, #tpu.memory_space<hbm>> -> memref<1x632x64xf32, #tpu.memory_space<hbm>>
        %dma_start3A_167 = tpu.memref_squeeze %dma_start3A_166 : memref<1x632x64xf32, #tpu.memory_space<hbm>> -> memref<632x64xf32, #tpu.memory_space<hbm>>
        %dma_start3A_168 = arith.constant 0 : i32
        %dma_start3A_169 = tpu.memref_slice %arg10[%mul3A_161, %dma_start3A_168] : memref<10112x64xf32, #tpu.memory_space<vmem_shared>> -> memref<632x64xf32, #tpu.memory_space<vmem_shared>>
        tpu.enqueue_dma source(%dma_start3A_169 : memref<632x64xf32, #tpu.memory_space<vmem_shared>>) target(%dma_start3A_167 : memref<632x64xf32, #tpu.memory_space<hbm>>) target_semaphore(%run_scoped3A_164 : memref<!tpu.dma_semaphore, #tpu.memory_space<semaphore_mem>>)
        %dma_wait3A_170 = arith.constant 0 : i32
        %dma_wait3A_171 = tpu.memref_slice %arg5[%arg0, %mul3A_163, %dma_wait3A_170] : memref<2x10000x64xf32, #tpu.memory_space<hbm>> -> memref<1x632x64xf32, #tpu.memory_space<hbm>>
        %dma_wait3A_172 = tpu.memref_squeeze %dma_wait3A_171 : memref<1x632x64xf32, #tpu.memory_space<hbm>> -> memref<632x64xf32, #tpu.memory_space<hbm>>
        %dma_wait3A_173 = arith.constant 0 : i32
        %dma_wait3A_174 = tpu.memref_slice %arg10[%mul3A_161, %dma_wait3A_173] : memref<10112x64xf32, #tpu.memory_space<vmem_shared>> -> memref<632x64xf32, #tpu.memory_space<vmem_shared>>
        tpu.wait_dma2 semaphore(%run_scoped3A_164 : memref<!tpu.dma_semaphore, #tpu.memory_space<semaphore_mem>>) src(%dma_wait3A_174 : memref<632x64xf32, #tpu.memory_space<vmem_shared>>) dst(%dma_wait3A_172 : memref<632x64xf32, #tpu.memory_space<hbm>>)
        tpu.yield
      }) : () -> ()
    } else {
    }
    %eq3A = arith.constant 15 : i32
    %eq3A_156 = arith.cmpi eq, %arg1, %eq3A : i32
    %convert_element_type3A_157 = arith.extui %eq3A_156 : i1 to i32
    %cond3A_158 = arith.constant 0 : i32
    %cond3A_159 = arith.cmpi ne, %convert_element_type3A_157, %cond3A_158 : i32
    scf.if %cond3A_159 {
      "tpu.region"() ({
        %run_scoped3A_160 = tpu.sem_alloc : memref<!tpu.dma_semaphore, #tpu.memory_space<semaphore_mem>>
        %dma_start3A_161 = arith.constant 9480 : i32
        %dma_start3A_162 = arith.constant 0 : i32
        %dma_start3A_163 = tpu.memref_slice %arg5[%arg0, %dma_start3A_161, %dma_start3A_162] : memref<2x10000x64xf32, #tpu.memory_space<hbm>> -> memref<1x520x64xf32, #tpu.memory_space<hbm>>
        %dma_start3A_164 = tpu.memref_squeeze %dma_start3A_163 : memref<1x520x64xf32, #tpu.memory_space<hbm>> -> memref<520x64xf32, #tpu.memory_space<hbm>>
        %dma_start3A_165 = arith.constant 9480 : i32
        %dma_start3A_166 = arith.constant 0 : i32
        %dma_start3A_167 = tpu.memref_slice %arg10[%dma_start3A_165, %dma_start3A_166] : memref<10112x64xf32, #tpu.memory_space<vmem_shared>> -> memref<520x64xf32, #tpu.memory_space<vmem_shared>>
        tpu.enqueue_dma source(%dma_start3A_167 : memref<520x64xf32, #tpu.memory_space<vmem_shared>>) target(%dma_start3A_164 : memref<520x64xf32, #tpu.memory_space<hbm>>) target_semaphore(%run_scoped3A_160 : memref<!tpu.dma_semaphore, #tpu.memory_space<semaphore_mem>>)
        %dma_wait3A_168 = arith.constant 9480 : i32
        %dma_wait3A_169 = arith.constant 0 : i32
        %dma_wait3A_170 = tpu.memref_slice %arg5[%arg0, %dma_wait3A_168, %dma_wait3A_169] : memref<2x10000x64xf32, #tpu.memory_space<hbm>> -> memref<1x520x64xf32, #tpu.memory_space<hbm>>
        %dma_wait3A_171 = tpu.memref_squeeze %dma_wait3A_170 : memref<1x520x64xf32, #tpu.memory_space<hbm>> -> memref<520x64xf32, #tpu.memory_space<hbm>>
        %dma_wait3A_172 = arith.constant 9480 : i32
        %dma_wait3A_173 = arith.constant 0 : i32
        %dma_wait3A_174 = tpu.memref_slice %arg10[%dma_wait3A_172, %dma_wait3A_173] : memref<10112x64xf32, #tpu.memory_space<vmem_shared>> -> memref<520x64xf32, #tpu.memory_space<vmem_shared>>
        tpu.wait_dma2 semaphore(%run_scoped3A_160 : memref<!tpu.dma_semaphore, #tpu.memory_space<semaphore_mem>>) src(%dma_wait3A_174 : memref<520x64xf32, #tpu.memory_space<vmem_shared>>) dst(%dma_wait3A_171 : memref<520x64xf32, #tpu.memory_space<hbm>>)
        tpu.yield
      }) : () -> ()
    } else {
    }
    return
  }
}

#map = affine_map<(d0, d1) -> (0, 0, 0)>
#map1 = affine_map<(d0, d1) -> (0, 0, 0, 0)>
module attributes {stable_mosaic.version = 14 : i64} {
  func.func @k(%arg0: i32, %arg1: i32, %arg2: memref<2x10112x64xf32, #tpu.memory_space<hbm>>, %arg3: memref<16x20x16x64xi32, #tpu.memory_space<hbm>>, %arg4: memref<16x20x16x64xi32, #tpu.memory_space<hbm>>, %arg5: memref<2x10000x64xf32, #tpu.memory_space<hbm>>, %arg6: memref<3x16x64xi32, #tpu.memory_space<vmem>>, %arg7: memref<3x16x64xi32, #tpu.memory_space<vmem>>, %arg8: memref<8x64x64xf32, #tpu.memory_space<vmem>>, %arg9: memref<10112x64xf32, #tpu.memory_space<vmem_shared>>, %arg10: memref<10112x64xf32, #tpu.memory_space<vmem_shared>>, %arg11: memref<!tpu.dma_semaphore, #tpu.memory_space<semaphore_mem>>, %arg12: memref<!tpu.dma_semaphore, #tpu.memory_space<semaphore_mem>>, %arg13: memref<!tpu.dma_semaphore, #tpu.memory_space<semaphore_mem>>, %arg14: memref<!tpu.dma_semaphore, #tpu.memory_space<semaphore_mem>>, %arg15: memref<!tpu.dma_semaphore, #tpu.memory_space<semaphore_mem>>, %arg16: memref<!tpu.dma_semaphore, #tpu.memory_space<semaphore_mem>>, %arg17: memref<!tpu.dma_semaphore, #tpu.memory_space<semaphore_mem>>, %arg18: memref<!tpu.dma_semaphore, #tpu.memory_space<semaphore_mem>>, %arg19: memref<!tpu.dma_semaphore, #tpu.memory_space<semaphore_mem>>, %arg20: memref<!tpu.dma_semaphore, #tpu.memory_space<semaphore_mem>>, %arg21: memref<!tpu.dma_semaphore, #tpu.memory_space<semaphore_mem>>, %arg22: memref<!tpu.dma_semaphore, #tpu.memory_space<semaphore_mem>>, %arg23: memref<!tpu.dma_semaphore, #tpu.memory_space<semaphore_mem>>, %arg24: memref<!tpu.dma_semaphore, #tpu.memory_space<semaphore_mem>>, %arg25: memref<!tpu.dma_semaphore, #tpu.memory_space<semaphore_mem>>, %arg26: memref<!tpu.dma_semaphore, #tpu.memory_space<semaphore_mem>>, %arg27: memref<!tpu.dma_semaphore, #tpu.memory_space<semaphore_mem>>) attributes {dimension_semantics = [#tpu.dimension_semantics<core_parallel>, #tpu.dimension_semantics<subcore_parallel>], iteration_bounds = array<i64: 2, 16>, scalar_prefetch = 0 : i64, scratch_operands = 22 : i64, tpu.core_type = #tpu.core_type<sc_vector_subcore>, window_params = [{transform_indices = #map}, {transform_indices = #map1}, {transform_indices = #map1}, {transform_indices = #map}]} {
    %mul3A = arith.constant 632 : i32
    %mul3A_0 = arith.muli %arg1, %mul3A : i32
    %mul3A_1 = arith.constant 632 : i32
    %mul3A_2 = arith.muli %arg1, %mul3A_1 : i32
    "tpu.region"() ({
      %run_scoped3A_160 = tpu.sem_alloc : memref<!tpu.dma_semaphore, #tpu.memory_space<semaphore_mem>>
      %dma_start3A_161 = arith.constant 0 : i32
      %dma_start3A_162 = tpu.memref_slice %arg9[%mul3A_2, %dma_start3A_161] : memref<10112x64xf32, #tpu.memory_space<vmem_shared>> -> memref<632x64xf32, #tpu.memory_space<vmem_shared>>
      %dma_start3A_163 = arith.constant 0 : i32
      %dma_start3A_164 = tpu.memref_slice %arg2[%arg0, %mul3A_0, %dma_start3A_163] : memref<2x10112x64xf32, #tpu.memory_space<hbm>> -> memref<1x632x64xf32, #tpu.memory_space<hbm>>
      %dma_start3A_165 = tpu.memref_squeeze %dma_start3A_164 : memref<1x632x64xf32, #tpu.memory_space<hbm>> -> memref<632x64xf32, #tpu.memory_space<hbm>>
      tpu.enqueue_dma source(%dma_start3A_165 : memref<632x64xf32, #tpu.memory_space<hbm>>) target(%dma_start3A_162 : memref<632x64xf32, #tpu.memory_space<vmem_shared>>) target_semaphore(%run_scoped3A_160 : memref<!tpu.dma_semaphore, #tpu.memory_space<semaphore_mem>>)
      %dma_wait3A_166 = arith.constant 0 : i32
      %dma_wait3A_167 = tpu.memref_slice %arg9[%mul3A_2, %dma_wait3A_166] : memref<10112x64xf32, #tpu.memory_space<vmem_shared>> -> memref<632x64xf32, #tpu.memory_space<vmem_shared>>
      %dma_wait3A_168 = arith.constant 0 : i32
      %dma_wait3A_169 = tpu.memref_slice %arg2[%arg0, %mul3A_0, %dma_wait3A_168] : memref<2x10112x64xf32, #tpu.memory_space<hbm>> -> memref<1x632x64xf32, #tpu.memory_space<hbm>>
      %dma_wait3A_170 = tpu.memref_squeeze %dma_wait3A_169 : memref<1x632x64xf32, #tpu.memory_space<hbm>> -> memref<632x64xf32, #tpu.memory_space<hbm>>
      tpu.wait_dma2 semaphore(%run_scoped3A_160 : memref<!tpu.dma_semaphore, #tpu.memory_space<semaphore_mem>>) src(%dma_wait3A_170 : memref<632x64xf32, #tpu.memory_space<hbm>>) dst(%dma_wait3A_167 : memref<632x64xf32, #tpu.memory_space<vmem_shared>>)
      tpu.yield
    }) : () -> ()
    %mul3A_3 = arith.constant 632 : i32
    %mul3A_4 = arith.muli %arg1, %mul3A_3 : i32
    %mul3A_5 = arith.constant 632 : i32
    %mul3A_6 = arith.muli %arg1, %mul3A_5 : i32
    "tpu.region"() ({
      %run_scoped3A_160 = tpu.sem_alloc : memref<!tpu.dma_semaphore, #tpu.memory_space<semaphore_mem>>
      %dma_start3A_161 = arith.constant 0 : i32
      %dma_start3A_162 = tpu.memref_slice %arg10[%mul3A_6, %dma_start3A_161] : memref<10112x64xf32, #tpu.memory_space<vmem_shared>> -> memref<632x64xf32, #tpu.memory_space<vmem_shared>>
      %dma_start3A_163 = arith.constant 0 : i32
      %dma_start3A_164 = tpu.memref_slice %arg2[%arg0, %mul3A_4, %dma_start3A_163] : memref<2x10112x64xf32, #tpu.memory_space<hbm>> -> memref<1x632x64xf32, #tpu.memory_space<hbm>>
      %dma_start3A_165 = tpu.memref_squeeze %dma_start3A_164 : memref<1x632x64xf32, #tpu.memory_space<hbm>> -> memref<632x64xf32, #tpu.memory_space<hbm>>
      tpu.enqueue_dma source(%dma_start3A_165 : memref<632x64xf32, #tpu.memory_space<hbm>>) target(%dma_start3A_162 : memref<632x64xf32, #tpu.memory_space<vmem_shared>>) target_semaphore(%run_scoped3A_160 : memref<!tpu.dma_semaphore, #tpu.memory_space<semaphore_mem>>)
      %dma_wait3A_166 = arith.constant 0 : i32
      %dma_wait3A_167 = tpu.memref_slice %arg10[%mul3A_6, %dma_wait3A_166] : memref<10112x64xf32, #tpu.memory_space<vmem_shared>> -> memref<632x64xf32, #tpu.memory_space<vmem_shared>>
      %dma_wait3A_168 = arith.constant 0 : i32
      %dma_wait3A_169 = tpu.memref_slice %arg2[%arg0, %mul3A_4, %dma_wait3A_168] : memref<2x10112x64xf32, #tpu.memory_space<hbm>> -> memref<1x632x64xf32, #tpu.memory_space<hbm>>
      %dma_wait3A_170 = tpu.memref_squeeze %dma_wait3A_169 : memref<1x632x64xf32, #tpu.memory_space<hbm>> -> memref<632x64xf32, #tpu.memory_space<hbm>>
      tpu.wait_dma2 semaphore(%run_scoped3A_160 : memref<!tpu.dma_semaphore, #tpu.memory_space<semaphore_mem>>) src(%dma_wait3A_170 : memref<632x64xf32, #tpu.memory_space<hbm>>) dst(%dma_wait3A_167 : memref<632x64xf32, #tpu.memory_space<vmem_shared>>)
      tpu.yield
    }) : () -> ()
    %run_scoped3A = arith.constant 0 : i32
    %run_scoped3A_7 = arith.constant 0 : i32
    "tpu.region"() ({
      %run_scoped3A_160 = tpu.sem_alloc : memref<!tpu.dma_semaphore, #tpu.memory_space<semaphore_mem>>
      %dma_start3A_161 = arith.constant 0 : i32
      %dma_start3A_162 = arith.constant 0 : i32
      %dma_start3A_163 = tpu.memref_slice %arg6[%run_scoped3A_7, %dma_start3A_161, %dma_start3A_162] : memref<3x16x64xi32, #tpu.memory_space<vmem>> -> memref<1x16x64xi32, #tpu.memory_space<vmem>>
      %dma_start3A_164 = tpu.memref_squeeze %dma_start3A_163 : memref<1x16x64xi32, #tpu.memory_space<vmem>> -> memref<16x64xi32, #tpu.memory_space<vmem>>
      %dma_start3A_165 = arith.constant 0 : i32
      %dma_start3A_166 = arith.constant 0 : i32
      %dma_start3A_167 = tpu.memref_slice %arg3[%arg1, %run_scoped3A, %dma_start3A_165, %dma_start3A_166] : memref<16x20x16x64xi32, #tpu.memory_space<hbm>> -> memref<1x1x16x64xi32, #tpu.memory_space<hbm>>
      %dma_start3A_168 = tpu.memref_squeeze %dma_start3A_167 : memref<1x1x16x64xi32, #tpu.memory_space<hbm>> -> memref<16x64xi32, #tpu.memory_space<hbm>>
      %dma_start3A_169 = arith.constant 0 : i32
      %dma_start3A_170 = arith.constant 0 : i32
      %dma_start3A_171 = tpu.memref_slice %arg6[%run_scoped3A_7, %dma_start3A_169, %dma_start3A_170] : memref<3x16x64xi32, #tpu.memory_space<vmem>> -> memref<1x16x64xi32, #tpu.memory_space<vmem>>
      %dma_start3A_172 = tpu.memref_squeeze %dma_start3A_171 : memref<1x16x64xi32, #tpu.memory_space<vmem>> -> memref<16x64xi32, #tpu.memory_space<vmem>>
      %dma_start3A_173 = arith.constant 0 : i32
      %dma_start3A_174 = arith.constant 0 : i32
      %dma_start3A_175 = tpu.memref_slice %arg3[%arg1, %run_scoped3A, %dma_start3A_173, %dma_start3A_174] : memref<16x20x16x64xi32, #tpu.memory_space<hbm>> -> memref<1x1x16x64xi32, #tpu.memory_space<hbm>>
      %dma_start3A_176 = tpu.memref_squeeze %dma_start3A_175 : memref<1x1x16x64xi32, #tpu.memory_space<hbm>> -> memref<16x64xi32, #tpu.memory_space<hbm>>
      tpu.enqueue_dma source(%dma_start3A_176 : memref<16x64xi32, #tpu.memory_space<hbm>>) target(%dma_start3A_172 : memref<16x64xi32, #tpu.memory_space<vmem>>) target_semaphore(%run_scoped3A_160 : memref<!tpu.dma_semaphore, #tpu.memory_space<semaphore_mem>>)
      %dma_wait3A_177 = arith.constant 0 : i32
      %dma_wait3A_178 = arith.constant 0 : i32
      %dma_wait3A_179 = tpu.memref_slice %arg6[%run_scoped3A_7, %dma_wait3A_177, %dma_wait3A_178] : memref<3x16x64xi32, #tpu.memory_space<vmem>> -> memref<1x16x64xi32, #tpu.memory_space<vmem>>
      %dma_wait3A_180 = tpu.memref_squeeze %dma_wait3A_179 : memref<1x16x64xi32, #tpu.memory_space<vmem>> -> memref<16x64xi32, #tpu.memory_space<vmem>>
      %dma_wait3A_181 = arith.constant 0 : i32
      %dma_wait3A_182 = arith.constant 0 : i32
      %dma_wait3A_183 = tpu.memref_slice %arg3[%arg1, %run_scoped3A, %dma_wait3A_181, %dma_wait3A_182] : memref<16x20x16x64xi32, #tpu.memory_space<hbm>> -> memref<1x1x16x64xi32, #tpu.memory_space<hbm>>
      %dma_wait3A_184 = tpu.memref_squeeze %dma_wait3A_183 : memref<1x1x16x64xi32, #tpu.memory_space<hbm>> -> memref<16x64xi32, #tpu.memory_space<hbm>>
      %dma_wait3A_185 = arith.constant 0 : i32
      %dma_wait3A_186 = arith.constant 0 : i32
      %dma_wait3A_187 = tpu.memref_slice %arg6[%run_scoped3A_7, %dma_wait3A_185, %dma_wait3A_186] : memref<3x16x64xi32, #tpu.memory_space<vmem>> -> memref<1x16x64xi32, #tpu.memory_space<vmem>>
      %dma_wait3A_188 = tpu.memref_squeeze %dma_wait3A_187 : memref<1x16x64xi32, #tpu.memory_space<vmem>> -> memref<16x64xi32, #tpu.memory_space<vmem>>
      %dma_wait3A_189 = arith.constant 0 : i32
      %dma_wait3A_190 = arith.constant 0 : i32
      %dma_wait3A_191 = tpu.memref_slice %arg3[%arg1, %run_scoped3A, %dma_wait3A_189, %dma_wait3A_190] : memref<16x20x16x64xi32, #tpu.memory_space<hbm>> -> memref<1x1x16x64xi32, #tpu.memory_space<hbm>>
      %dma_wait3A_192 = tpu.memref_squeeze %dma_wait3A_191 : memref<1x1x16x64xi32, #tpu.memory_space<hbm>> -> memref<16x64xi32, #tpu.memory_space<hbm>>
      tpu.wait_dma2 semaphore(%run_scoped3A_160 : memref<!tpu.dma_semaphore, #tpu.memory_space<semaphore_mem>>) src(%dma_wait3A_192 : memref<16x64xi32, #tpu.memory_space<hbm>>) dst(%dma_wait3A_188 : memref<16x64xi32, #tpu.memory_space<vmem>>)
      tpu.yield
    }) : () -> ()
    %run_scoped3A_8 = arith.constant 0 : i32
    %run_scoped3A_9 = arith.constant 0 : i32
    "tpu.region"() ({
      %run_scoped3A_160 = tpu.sem_alloc : memref<!tpu.dma_semaphore, #tpu.memory_space<semaphore_mem>>
      %dma_start3A_161 = arith.constant 0 : i32
      %dma_start3A_162 = arith.constant 0 : i32
      %dma_start3A_163 = tpu.memref_slice %arg7[%run_scoped3A_9, %dma_start3A_161, %dma_start3A_162] : memref<3x16x64xi32, #tpu.memory_space<vmem>> -> memref<1x16x64xi32, #tpu.memory_space<vmem>>
      %dma_start3A_164 = tpu.memref_squeeze %dma_start3A_163 : memref<1x16x64xi32, #tpu.memory_space<vmem>> -> memref<16x64xi32, #tpu.memory_space<vmem>>
      %dma_start3A_165 = arith.constant 0 : i32
      %dma_start3A_166 = arith.constant 0 : i32
      %dma_start3A_167 = tpu.memref_slice %arg4[%arg1, %run_scoped3A_8, %dma_start3A_165, %dma_start3A_166] : memref<16x20x16x64xi32, #tpu.memory_space<hbm>> -> memref<1x1x16x64xi32, #tpu.memory_space<hbm>>
      %dma_start3A_168 = tpu.memref_squeeze %dma_start3A_167 : memref<1x1x16x64xi32, #tpu.memory_space<hbm>> -> memref<16x64xi32, #tpu.memory_space<hbm>>
      %dma_start3A_169 = arith.constant 0 : i32
      %dma_start3A_170 = arith.constant 0 : i32
      %dma_start3A_171 = tpu.memref_slice %arg7[%run_scoped3A_9, %dma_start3A_169, %dma_start3A_170] : memref<3x16x64xi32, #tpu.memory_space<vmem>> -> memref<1x16x64xi32, #tpu.memory_space<vmem>>
      %dma_start3A_172 = tpu.memref_squeeze %dma_start3A_171 : memref<1x16x64xi32, #tpu.memory_space<vmem>> -> memref<16x64xi32, #tpu.memory_space<vmem>>
      %dma_start3A_173 = arith.constant 0 : i32
      %dma_start3A_174 = arith.constant 0 : i32
      %dma_start3A_175 = tpu.memref_slice %arg4[%arg1, %run_scoped3A_8, %dma_start3A_173, %dma_start3A_174] : memref<16x20x16x64xi32, #tpu.memory_space<hbm>> -> memref<1x1x16x64xi32, #tpu.memory_space<hbm>>
      %dma_start3A_176 = tpu.memref_squeeze %dma_start3A_175 : memref<1x1x16x64xi32, #tpu.memory_space<hbm>> -> memref<16x64xi32, #tpu.memory_space<hbm>>
      tpu.enqueue_dma source(%dma_start3A_176 : memref<16x64xi32, #tpu.memory_space<hbm>>) target(%dma_start3A_172 : memref<16x64xi32, #tpu.memory_space<vmem>>) target_semaphore(%run_scoped3A_160 : memref<!tpu.dma_semaphore, #tpu.memory_space<semaphore_mem>>)
      %dma_wait3A_177 = arith.constant 0 : i32
      %dma_wait3A_178 = arith.constant 0 : i32
      %dma_wait3A_179 = tpu.memref_slice %arg7[%run_scoped3A_9, %dma_wait3A_177, %dma_wait3A_178] : memref<3x16x64xi32, #tpu.memory_space<vmem>> -> memref<1x16x64xi32, #tpu.memory_space<vmem>>
      %dma_wait3A_180 = tpu.memref_squeeze %dma_wait3A_179 : memref<1x16x64xi32, #tpu.memory_space<vmem>> -> memref<16x64xi32, #tpu.memory_space<vmem>>
      %dma_wait3A_181 = arith.constant 0 : i32
      %dma_wait3A_182 = arith.constant 0 : i32
      %dma_wait3A_183 = tpu.memref_slice %arg4[%arg1, %run_scoped3A_8, %dma_wait3A_181, %dma_wait3A_182] : memref<16x20x16x64xi32, #tpu.memory_space<hbm>> -> memref<1x1x16x64xi32, #tpu.memory_space<hbm>>
      %dma_wait3A_184 = tpu.memref_squeeze %dma_wait3A_183 : memref<1x1x16x64xi32, #tpu.memory_space<hbm>> -> memref<16x64xi32, #tpu.memory_space<hbm>>
      %dma_wait3A_185 = arith.constant 0 : i32
      %dma_wait3A_186 = arith.constant 0 : i32
      %dma_wait3A_187 = tpu.memref_slice %arg7[%run_scoped3A_9, %dma_wait3A_185, %dma_wait3A_186] : memref<3x16x64xi32, #tpu.memory_space<vmem>> -> memref<1x16x64xi32, #tpu.memory_space<vmem>>
      %dma_wait3A_188 = tpu.memref_squeeze %dma_wait3A_187 : memref<1x16x64xi32, #tpu.memory_space<vmem>> -> memref<16x64xi32, #tpu.memory_space<vmem>>
      %dma_wait3A_189 = arith.constant 0 : i32
      %dma_wait3A_190 = arith.constant 0 : i32
      %dma_wait3A_191 = tpu.memref_slice %arg4[%arg1, %run_scoped3A_8, %dma_wait3A_189, %dma_wait3A_190] : memref<16x20x16x64xi32, #tpu.memory_space<hbm>> -> memref<1x1x16x64xi32, #tpu.memory_space<hbm>>
      %dma_wait3A_192 = tpu.memref_squeeze %dma_wait3A_191 : memref<1x1x16x64xi32, #tpu.memory_space<hbm>> -> memref<16x64xi32, #tpu.memory_space<hbm>>
      tpu.wait_dma2 semaphore(%run_scoped3A_160 : memref<!tpu.dma_semaphore, #tpu.memory_space<semaphore_mem>>) src(%dma_wait3A_192 : memref<16x64xi32, #tpu.memory_space<hbm>>) dst(%dma_wait3A_188 : memref<16x64xi32, #tpu.memory_space<vmem>>)
      tpu.yield
    }) : () -> ()
    %dma_start3A = arith.constant 1 : i32
    %dma_start3A_10 = arith.constant 1 : i32
    %dma_start3A_11 = arith.constant 0 : i32
    %dma_start3A_12 = arith.constant 0 : i32
    %dma_start3A_13 = tpu.memref_slice %arg6[%dma_start3A_10, %dma_start3A_11, %dma_start3A_12] : memref<3x16x64xi32, #tpu.memory_space<vmem>> -> memref<1x16x64xi32, #tpu.memory_space<vmem>>
    %dma_start3A_14 = tpu.memref_squeeze %dma_start3A_13 : memref<1x16x64xi32, #tpu.memory_space<vmem>> -> memref<16x64xi32, #tpu.memory_space<vmem>>
    %dma_start3A_15 = arith.constant 0 : i32
    %dma_start3A_16 = arith.constant 0 : i32
    %dma_start3A_17 = tpu.memref_slice %arg3[%arg1, %dma_start3A, %dma_start3A_15, %dma_start3A_16] : memref<16x20x16x64xi32, #tpu.memory_space<hbm>> -> memref<1x1x16x64xi32, #tpu.memory_space<hbm>>
    %dma_start3A_18 = tpu.memref_squeeze %dma_start3A_17 : memref<1x1x16x64xi32, #tpu.memory_space<hbm>> -> memref<16x64xi32, #tpu.memory_space<hbm>>
    %dma_start3A_19 = arith.constant 0 : i32
    %dma_start3A_20 = arith.constant 0 : i32
    %dma_start3A_21 = tpu.memref_slice %arg6[%dma_start3A_10, %dma_start3A_19, %dma_start3A_20] : memref<3x16x64xi32, #tpu.memory_space<vmem>> -> memref<1x16x64xi32, #tpu.memory_space<vmem>>
    %dma_start3A_22 = tpu.memref_squeeze %dma_start3A_21 : memref<1x16x64xi32, #tpu.memory_space<vmem>> -> memref<16x64xi32, #tpu.memory_space<vmem>>
    %dma_start3A_23 = arith.constant 0 : i32
    %dma_start3A_24 = arith.constant 0 : i32
    %dma_start3A_25 = tpu.memref_slice %arg3[%arg1, %dma_start3A, %dma_start3A_23, %dma_start3A_24] : memref<16x20x16x64xi32, #tpu.memory_space<hbm>> -> memref<1x1x16x64xi32, #tpu.memory_space<hbm>>
    %dma_start3A_26 = tpu.memref_squeeze %dma_start3A_25 : memref<1x1x16x64xi32, #tpu.memory_space<hbm>> -> memref<16x64xi32, #tpu.memory_space<hbm>>
    tpu.enqueue_dma source(%dma_start3A_26 : memref<16x64xi32, #tpu.memory_space<hbm>>) target(%dma_start3A_22 : memref<16x64xi32, #tpu.memory_space<vmem>>) target_semaphore(%arg27 : memref<!tpu.dma_semaphore, #tpu.memory_space<semaphore_mem>>)
    %dma_start3A_27 = arith.constant 1 : i32
    %dma_start3A_28 = arith.constant 1 : i32
    %dma_start3A_29 = arith.constant 0 : i32
    %dma_start3A_30 = arith.constant 0 : i32
    %dma_start3A_31 = tpu.memref_slice %arg7[%dma_start3A_28, %dma_start3A_29, %dma_start3A_30] : memref<3x16x64xi32, #tpu.memory_space<vmem>> -> memref<1x16x64xi32, #tpu.memory_space<vmem>>
    %dma_start3A_32 = tpu.memref_squeeze %dma_start3A_31 : memref<1x16x64xi32, #tpu.memory_space<vmem>> -> memref<16x64xi32, #tpu.memory_space<vmem>>
    %dma_start3A_33 = arith.constant 0 : i32
    %dma_start3A_34 = arith.constant 0 : i32
    %dma_start3A_35 = tpu.memref_slice %arg4[%arg1, %dma_start3A_27, %dma_start3A_33, %dma_start3A_34] : memref<16x20x16x64xi32, #tpu.memory_space<hbm>> -> memref<1x1x16x64xi32, #tpu.memory_space<hbm>>
    %dma_start3A_36 = tpu.memref_squeeze %dma_start3A_35 : memref<1x1x16x64xi32, #tpu.memory_space<hbm>> -> memref<16x64xi32, #tpu.memory_space<hbm>>
    %dma_start3A_37 = arith.constant 0 : i32
    %dma_start3A_38 = arith.constant 0 : i32
    %dma_start3A_39 = tpu.memref_slice %arg7[%dma_start3A_28, %dma_start3A_37, %dma_start3A_38] : memref<3x16x64xi32, #tpu.memory_space<vmem>> -> memref<1x16x64xi32, #tpu.memory_space<vmem>>
    %dma_start3A_40 = tpu.memref_squeeze %dma_start3A_39 : memref<1x16x64xi32, #tpu.memory_space<vmem>> -> memref<16x64xi32, #tpu.memory_space<vmem>>
    %dma_start3A_41 = arith.constant 0 : i32
    %dma_start3A_42 = arith.constant 0 : i32
    %dma_start3A_43 = tpu.memref_slice %arg4[%arg1, %dma_start3A_27, %dma_start3A_41, %dma_start3A_42] : memref<16x20x16x64xi32, #tpu.memory_space<hbm>> -> memref<1x1x16x64xi32, #tpu.memory_space<hbm>>
    %dma_start3A_44 = tpu.memref_squeeze %dma_start3A_43 : memref<1x1x16x64xi32, #tpu.memory_space<hbm>> -> memref<16x64xi32, #tpu.memory_space<hbm>>
    tpu.enqueue_dma source(%dma_start3A_44 : memref<16x64xi32, #tpu.memory_space<hbm>>) target(%dma_start3A_40 : memref<16x64xi32, #tpu.memory_space<vmem>>) target_semaphore(%arg27 : memref<!tpu.dma_semaphore, #tpu.memory_space<semaphore_mem>>)
    %barrier3A = arith.constant 0 : index
    tpu.barrier barrier_id(%barrier3A)
    %dma_start3A_45 = arith.constant 0 : i32
    %dma_start3A_46 = arith.constant 0 : i32
    %dma_start3A_47 = arith.constant 0 : i32
    %dma_start3A_48 = arith.constant 0 : i32
    %dma_start3A_49 = arith.constant 0 : i32
    %dma_start3A_50 = tpu.memref_slice %arg8[%dma_start3A_47, %dma_start3A_48, %dma_start3A_49] : memref<8x64x64xf32, #tpu.memory_space<vmem>> -> memref<1x64x64xf32, #tpu.memory_space<vmem>>
    %dma_start3A_51 = tpu.memref_squeeze %dma_start3A_50 : memref<1x64x64xf32, #tpu.memory_space<vmem>> -> memref<64x64xf32, #tpu.memory_space<vmem>>
    %dma_start3A_52 = arith.constant 0 : i32
    %dma_start3A_53 = tpu.memref_slice %arg6[%dma_start3A_45, %dma_start3A_46, %dma_start3A_52] : memref<3x16x64xi32, #tpu.memory_space<vmem>> -> memref<1x1x64xi32, #tpu.memory_space<vmem>>
    %dma_start3A_54 = tpu.memref_squeeze %dma_start3A_53 : memref<1x1x64xi32, #tpu.memory_space<vmem>> -> memref<64xi32, #tpu.memory_space<vmem>>
    %dma_start3A_55 = arith.constant 0 : i32
    %dma_start3A_56 = arith.constant 0 : i32
    %dma_start3A_57 = tpu.memref_slice %arg9[%dma_start3A_55, %dma_start3A_56] : memref<10112x64xf32, #tpu.memory_space<vmem_shared>> -> memref<10112x64xf32, #tpu.memory_space<vmem_shared>>
    tpu.enqueue_indirect_dma source(%dma_start3A_57 : memref<10112x64xf32, #tpu.memory_space<vmem_shared>>) target(%dma_start3A_51 : memref<64x64xf32, #tpu.memory_space<vmem>>) offsets(%dma_start3A_54 : memref<64xi32, #tpu.memory_space<vmem>>) semaphore(%arg11 : memref<!tpu.dma_semaphore, #tpu.memory_space<semaphore_mem>>)
    %dma_start3A_58 = arith.constant 0 : i32
    %dma_start3A_59 = arith.constant 1 : i32
    %dma_start3A_60 = arith.constant 1 : i32
    %dma_start3A_61 = arith.constant 0 : i32
    %dma_start3A_62 = arith.constant 0 : i32
    %dma_start3A_63 = tpu.memref_slice %arg8[%dma_start3A_60, %dma_start3A_61, %dma_start3A_62] : memref<8x64x64xf32, #tpu.memory_space<vmem>> -> memref<1x64x64xf32, #tpu.memory_space<vmem>>
    %dma_start3A_64 = tpu.memref_squeeze %dma_start3A_63 : memref<1x64x64xf32, #tpu.memory_space<vmem>> -> memref<64x64xf32, #tpu.memory_space<vmem>>
    %dma_start3A_65 = arith.constant 0 : i32
    %dma_start3A_66 = tpu.memref_slice %arg6[%dma_start3A_58, %dma_start3A_59, %dma_start3A_65] : memref<3x16x64xi32, #tpu.memory_space<vmem>> -> memref<1x1x64xi32, #tpu.memory_space<vmem>>
    %dma_start3A_67 = tpu.memref_squeeze %dma_start3A_66 : memref<1x1x64xi32, #tpu.memory_space<vmem>> -> memref<64xi32, #tpu.memory_space<vmem>>
    %dma_start3A_68 = arith.constant 0 : i32
    %dma_start3A_69 = arith.constant 0 : i32
    %dma_start3A_70 = tpu.memref_slice %arg9[%dma_start3A_68, %dma_start3A_69] : memref<10112x64xf32, #tpu.memory_space<vmem_shared>> -> memref<10112x64xf32, #tpu.memory_space<vmem_shared>>
    tpu.enqueue_indirect_dma source(%dma_start3A_70 : memref<10112x64xf32, #tpu.memory_space<vmem_shared>>) target(%dma_start3A_64 : memref<64x64xf32, #tpu.memory_space<vmem>>) offsets(%dma_start3A_67 : memref<64xi32, #tpu.memory_space<vmem>>) semaphore(%arg12 : memref<!tpu.dma_semaphore, #tpu.memory_space<semaphore_mem>>)
    %dma_start3A_71 = arith.constant 0 : i32
    %dma_start3A_72 = arith.constant 2 : i32
    %dma_start3A_73 = arith.constant 2 : i32
    %dma_start3A_74 = arith.constant 0 : i32
    %dma_start3A_75 = arith.constant 0 : i32
    %dma_start3A_76 = tpu.memref_slice %arg8[%dma_start3A_73, %dma_start3A_74, %dma_start3A_75] : memref<8x64x64xf32, #tpu.memory_space<vmem>> -> memref<1x64x64xf32, #tpu.memory_space<vmem>>
    %dma_start3A_77 = tpu.memref_squeeze %dma_start3A_76 : memref<1x64x64xf32, #tpu.memory_space<vmem>> -> memref<64x64xf32, #tpu.memory_space<vmem>>
    %dma_start3A_78 = arith.constant 0 : i32
    %dma_start3A_79 = tpu.memref_slice %arg6[%dma_start3A_71, %dma_start3A_72, %dma_start3A_78] : memref<3x16x64xi32, #tpu.memory_space<vmem>> -> memref<1x1x64xi32, #tpu.memory_space<vmem>>
    %dma_start3A_80 = tpu.memref_squeeze %dma_start3A_79 : memref<1x1x64xi32, #tpu.memory_space<vmem>> -> memref<64xi32, #tpu.memory_space<vmem>>
    %dma_start3A_81 = arith.constant 0 : i32
    %dma_start3A_82 = arith.constant 0 : i32
    %dma_start3A_83 = tpu.memref_slice %arg9[%dma_start3A_81, %dma_start3A_82] : memref<10112x64xf32, #tpu.memory_space<vmem_shared>> -> memref<10112x64xf32, #tpu.memory_space<vmem_shared>>
    tpu.enqueue_indirect_dma source(%dma_start3A_83 : memref<10112x64xf32, #tpu.memory_space<vmem_shared>>) target(%dma_start3A_77 : memref<64x64xf32, #tpu.memory_space<vmem>>) offsets(%dma_start3A_80 : memref<64xi32, #tpu.memory_space<vmem>>) semaphore(%arg13 : memref<!tpu.dma_semaphore, #tpu.memory_space<semaphore_mem>>)
    %dma_start3A_84 = arith.constant 0 : i32
    %dma_start3A_85 = arith.constant 3 : i32
    %dma_start3A_86 = arith.constant 3 : i32
    %dma_start3A_87 = arith.constant 0 : i32
    %dma_start3A_88 = arith.constant 0 : i32
    %dma_start3A_89 = tpu.memref_slice %arg8[%dma_start3A_86, %dma_start3A_87, %dma_start3A_88] : memref<8x64x64xf32, #tpu.memory_space<vmem>> -> memref<1x64x64xf32, #tpu.memory_space<vmem>>
    %dma_start3A_90 = tpu.memref_squeeze %dma_start3A_89 : memref<1x64x64xf32, #tpu.memory_space<vmem>> -> memref<64x64xf32, #tpu.memory_space<vmem>>
    %dma_start3A_91 = arith.constant 0 : i32
    %dma_start3A_92 = tpu.memref_slice %arg6[%dma_start3A_84, %dma_start3A_85, %dma_start3A_91] : memref<3x16x64xi32, #tpu.memory_space<vmem>> -> memref<1x1x64xi32, #tpu.memory_space<vmem>>
    %dma_start3A_93 = tpu.memref_squeeze %dma_start3A_92 : memref<1x1x64xi32, #tpu.memory_space<vmem>> -> memref<64xi32, #tpu.memory_space<vmem>>
    %dma_start3A_94 = arith.constant 0 : i32
    %dma_start3A_95 = arith.constant 0 : i32
    %dma_start3A_96 = tpu.memref_slice %arg9[%dma_start3A_94, %dma_start3A_95] : memref<10112x64xf32, #tpu.memory_space<vmem_shared>> -> memref<10112x64xf32, #tpu.memory_space<vmem_shared>>
    tpu.enqueue_indirect_dma source(%dma_start3A_96 : memref<10112x64xf32, #tpu.memory_space<vmem_shared>>) target(%dma_start3A_90 : memref<64x64xf32, #tpu.memory_space<vmem>>) offsets(%dma_start3A_93 : memref<64xi32, #tpu.memory_space<vmem>>) semaphore(%arg14 : memref<!tpu.dma_semaphore, #tpu.memory_space<semaphore_mem>>)
    %scan3A = arith.constant 0 : i32
    %scan3A_97 = arith.constant 0 : i32
    %scan3A_98 = arith.constant 20 : i32
    %scan3A_99 = arith.addi %scan3A_97, %scan3A_98 : i32
    %scan3A_100 = arith.constant 1 : i32
    scf.for %scan3A_160 = %scan3A_97 to %scan3A_99 step %scan3A_100  : i32 {
      %add3A = arith.constant 1 : i32
      %add3A_161 = arith.addi %scan3A_160, %add3A : i32
      %lt3A_162 = arith.constant 20 : i32
      %lt3A_163 = arith.cmpi slt, %add3A_161, %lt3A_162 : i32
      %convert_element_type3A_164 = arith.extui %lt3A_163 : i1 to i32
      %cond3A_165 = arith.constant 0 : i32
      %cond3A_166 = arith.cmpi ne, %convert_element_type3A_164, %cond3A_165 : i32
      scf.if %cond3A_166 {
        %dma_wait3A_180 = arith.constant 0 : i32
        %dma_wait3A_181 = arith.constant 0 : i32
        %dma_wait3A_182 = arith.constant 0 : i32
        %dma_wait3A_183 = arith.constant 0 : i32
        %dma_wait3A_184 = tpu.memref_slice %arg6[%dma_wait3A_181, %dma_wait3A_182, %dma_wait3A_183] : memref<3x16x64xi32, #tpu.memory_space<vmem>> -> memref<1x16x64xi32, #tpu.memory_space<vmem>>
        %dma_wait3A_185 = tpu.memref_squeeze %dma_wait3A_184 : memref<1x16x64xi32, #tpu.memory_space<vmem>> -> memref<16x64xi32, #tpu.memory_space<vmem>>
        %dma_wait3A_186 = arith.constant 0 : i32
        %dma_wait3A_187 = arith.constant 0 : i32
        %dma_wait3A_188 = tpu.memref_slice %arg3[%arg1, %dma_wait3A_180, %dma_wait3A_186, %dma_wait3A_187] : memref<16x20x16x64xi32, #tpu.memory_space<hbm>> -> memref<1x1x16x64xi32, #tpu.memory_space<hbm>>
        %dma_wait3A_189 = tpu.memref_squeeze %dma_wait3A_188 : memref<1x1x16x64xi32, #tpu.memory_space<hbm>> -> memref<16x64xi32, #tpu.memory_space<hbm>>
        %dma_wait3A_190 = arith.constant 0 : i32
        %dma_wait3A_191 = arith.constant 0 : i32
        %dma_wait3A_192 = tpu.memref_slice %arg6[%dma_wait3A_181, %dma_wait3A_190, %dma_wait3A_191] : memref<3x16x64xi32, #tpu.memory_space<vmem>> -> memref<1x16x64xi32, #tpu.memory_space<vmem>>
        %dma_wait3A_193 = tpu.memref_squeeze %dma_wait3A_192 : memref<1x16x64xi32, #tpu.memory_space<vmem>> -> memref<16x64xi32, #tpu.memory_space<vmem>>
        %dma_wait3A_194 = arith.constant 0 : i32
        %dma_wait3A_195 = arith.constant 0 : i32
        %dma_wait3A_196 = tpu.memref_slice %arg3[%arg1, %dma_wait3A_180, %dma_wait3A_194, %dma_wait3A_195] : memref<16x20x16x64xi32, #tpu.memory_space<hbm>> -> memref<1x1x16x64xi32, #tpu.memory_space<hbm>>
        %dma_wait3A_197 = tpu.memref_squeeze %dma_wait3A_196 : memref<1x1x16x64xi32, #tpu.memory_space<hbm>> -> memref<16x64xi32, #tpu.memory_space<hbm>>
        tpu.wait_dma2 semaphore(%arg27 : memref<!tpu.dma_semaphore, #tpu.memory_space<semaphore_mem>>) src(%dma_wait3A_197 : memref<16x64xi32, #tpu.memory_space<hbm>>) dst(%dma_wait3A_193 : memref<16x64xi32, #tpu.memory_space<vmem>>)
        %dma_wait3A_198 = arith.constant 0 : i32
        %dma_wait3A_199 = arith.constant 0 : i32
        %dma_wait3A_200 = arith.constant 0 : i32
        %dma_wait3A_201 = arith.constant 0 : i32
        %dma_wait3A_202 = tpu.memref_slice %arg7[%dma_wait3A_199, %dma_wait3A_200, %dma_wait3A_201] : memref<3x16x64xi32, #tpu.memory_space<vmem>> -> memref<1x16x64xi32, #tpu.memory_space<vmem>>
        %dma_wait3A_203 = tpu.memref_squeeze %dma_wait3A_202 : memref<1x16x64xi32, #tpu.memory_space<vmem>> -> memref<16x64xi32, #tpu.memory_space<vmem>>
        %dma_wait3A_204 = arith.constant 0 : i32
        %dma_wait3A_205 = arith.constant 0 : i32
        %dma_wait3A_206 = tpu.memref_slice %arg4[%arg1, %dma_wait3A_198, %dma_wait3A_204, %dma_wait3A_205] : memref<16x20x16x64xi32, #tpu.memory_space<hbm>> -> memref<1x1x16x64xi32, #tpu.memory_space<hbm>>
        %dma_wait3A_207 = tpu.memref_squeeze %dma_wait3A_206 : memref<1x1x16x64xi32, #tpu.memory_space<hbm>> -> memref<16x64xi32, #tpu.memory_space<hbm>>
        %dma_wait3A_208 = arith.constant 0 : i32
        %dma_wait3A_209 = arith.constant 0 : i32
        %dma_wait3A_210 = tpu.memref_slice %arg7[%dma_wait3A_199, %dma_wait3A_208, %dma_wait3A_209] : memref<3x16x64xi32, #tpu.memory_space<vmem>> -> memref<1x16x64xi32, #tpu.memory_space<vmem>>
        %dma_wait3A_211 = tpu.memref_squeeze %dma_wait3A_210 : memref<1x16x64xi32, #tpu.memory_space<vmem>> -> memref<16x64xi32, #tpu.memory_space<vmem>>
        %dma_wait3A_212 = arith.constant 0 : i32
        %dma_wait3A_213 = arith.constant 0 : i32
        %dma_wait3A_214 = tpu.memref_slice %arg4[%arg1, %dma_wait3A_198, %dma_wait3A_212, %dma_wait3A_213] : memref<16x20x16x64xi32, #tpu.memory_space<hbm>> -> memref<1x1x16x64xi32, #tpu.memory_space<hbm>>
        %dma_wait3A_215 = tpu.memref_squeeze %dma_wait3A_214 : memref<1x1x16x64xi32, #tpu.memory_space<hbm>> -> memref<16x64xi32, #tpu.memory_space<hbm>>
        tpu.wait_dma2 semaphore(%arg27 : memref<!tpu.dma_semaphore, #tpu.memory_space<semaphore_mem>>) src(%dma_wait3A_215 : memref<16x64xi32, #tpu.memory_space<hbm>>) dst(%dma_wait3A_211 : memref<16x64xi32, #tpu.memory_space<vmem>>)
      } else {
      }
      %scan3A_167 = arith.constant 0 : i32
      %scan3A_168 = arith.constant 0 : i32
      %scan3A_169 = arith.constant 2 : i32
      %scan3A_170 = arith.addi %scan3A_168, %scan3A_169 : i32
      %scan3A_171 = arith.constant 1 : i32
      scf.for %scan3A_180 = %scan3A_168 to %scan3A_170 step %scan3A_171  : i32 {
        %mul3A_181 = arith.constant 8 : i32
        %mul3A_182 = arith.muli %mul3A_181, %scan3A_180 : i32
        %add3A_183 = arith.constant 0 : i32
        %add3A_184 = arith.addi %mul3A_182, %add3A_183 : i32
        %mul3A_185 = arith.constant 16 : i32
        %mul3A_186 = arith.muli %scan3A_160, %mul3A_185 : i32
        %add3A_187 = arith.addi %mul3A_186, %add3A_184 : i32
        %dma_wait3A_188 = arith.constant 0 : i32
        %dma_wait3A_189 = arith.constant 0 : i32
        %dma_wait3A_190 = arith.constant 0 : i32
        %dma_wait3A_191 = arith.constant 0 : i32
        %dma_wait3A_192 = arith.constant 0 : i32
        %dma_wait3A_193 = tpu.memref_slice %arg8[%dma_wait3A_190, %dma_wait3A_191, %dma_wait3A_192] : memref<8x64x64xf32, #tpu.memory_space<vmem>> -> memref<1x64x64xf32, #tpu.memory_space<vmem>>
        %dma_wait3A_194 = tpu.memref_squeeze %dma_wait3A_193 : memref<1x64x64xf32, #tpu.memory_space<vmem>> -> memref<64x64xf32, #tpu.memory_space<vmem>>
        %dma_wait3A_195 = arith.constant 0 : i32
        %dma_wait3A_196 = tpu.memref_slice %arg6[%dma_wait3A_188, %dma_wait3A_189, %dma_wait3A_195] : memref<3x16x64xi32, #tpu.memory_space<vmem>> -> memref<1x1x64xi32, #tpu.memory_space<vmem>>
        %dma_wait3A_197 = tpu.memref_squeeze %dma_wait3A_196 : memref<1x1x64xi32, #tpu.memory_space<vmem>> -> memref<64xi32, #tpu.memory_space<vmem>>
        %dma_wait3A_198 = arith.constant 0 : i32
        %dma_wait3A_199 = arith.constant 0 : i32
        %dma_wait3A_200 = tpu.memref_slice %arg9[%dma_wait3A_198, %dma_wait3A_199] : memref<10112x64xf32, #tpu.memory_space<vmem_shared>> -> memref<10112x64xf32, #tpu.memory_space<vmem_shared>>
        tpu.wait_indirect_dma semaphore(%arg11 : memref<!tpu.dma_semaphore, #tpu.memory_space<semaphore_mem>>) src(%dma_wait3A_200 : memref<10112x64xf32, #tpu.memory_space<vmem_shared>>) dst(%dma_wait3A_194 : memref<64x64xf32, #tpu.memory_space<vmem>>)
        %jit3A = arith.constant 3 : i32
        %eq3A_201 = arith.constant 0 : i32
        %eq3A_202 = arith.cmpi eq, %jit3A, %eq3A_201 : i32
        %jit3A_203 = arith.constant 1 : i32
        %select_n3A = arith.select %eq3A_202, %jit3A_203, %jit3A : i32
        %rem3A = arith.remsi %scan3A_160, %select_n3A : i32
        %ne3A = arith.constant 0 : i32
        %ne3A_204 = arith.cmpi ne, %rem3A, %ne3A : i32
        %lt3A_205 = arith.constant 0 : i32
        %lt3A_206 = arith.cmpi slt, %rem3A, %lt3A_205 : i32
        %lt3A_207 = arith.constant 0 : i32
        %lt3A_208 = arith.cmpi slt, %select_n3A, %lt3A_207 : i32
        %ne3A_209 = arith.xori %lt3A_206, %lt3A_208 : i1
        %and3A = arith.andi %ne3A_209, %ne3A_204 : i1
        %add3A_210 = arith.addi %rem3A, %select_n3A : i32
        %select_n3A_211 = arith.select %and3A, %add3A_210, %rem3A : i32
        %dma_start3A_212 = arith.constant 0 : i32
        %dma_start3A_213 = arith.constant 0 : i32
        %dma_start3A_214 = arith.constant 0 : i32
        %dma_start3A_215 = tpu.memref_slice %arg8[%dma_start3A_212, %dma_start3A_213, %dma_start3A_214] : memref<8x64x64xf32, #tpu.memory_space<vmem>> -> memref<1x64x64xf32, #tpu.memory_space<vmem>>
        %dma_start3A_216 = tpu.memref_squeeze %dma_start3A_215 : memref<1x64x64xf32, #tpu.memory_space<vmem>> -> memref<64x64xf32, #tpu.memory_space<vmem>>
        %dma_start3A_217 = arith.constant 0 : i32
        %dma_start3A_218 = tpu.memref_slice %arg7[%select_n3A_211, %add3A_184, %dma_start3A_217] : memref<3x16x64xi32, #tpu.memory_space<vmem>> -> memref<1x1x64xi32, #tpu.memory_space<vmem>>
        %dma_start3A_219 = tpu.memref_squeeze %dma_start3A_218 : memref<1x1x64xi32, #tpu.memory_space<vmem>> -> memref<64xi32, #tpu.memory_space<vmem>>
        %dma_start3A_220 = arith.constant 0 : i32
        %dma_start3A_221 = arith.constant 0 : i32
        %dma_start3A_222 = tpu.memref_slice %arg10[%dma_start3A_220, %dma_start3A_221] : memref<10112x64xf32, #tpu.memory_space<vmem_shared>> -> memref<10112x64xf32, #tpu.memory_space<vmem_shared>>
        tpu.enqueue_indirect_dma source(%dma_start3A_216 : memref<64x64xf32, #tpu.memory_space<vmem>>) target(%dma_start3A_222 : memref<10112x64xf32, #tpu.memory_space<vmem_shared>>) offsets(%dma_start3A_219 : memref<64xi32, #tpu.memory_space<vmem>>) semaphore(%arg19 : memref<!tpu.dma_semaphore, #tpu.memory_space<semaphore_mem>>) {add = true}
        %sub3A = arith.constant 4 : i32
        %sub3A_223 = arith.subi %add3A_187, %sub3A : i32
        %ge3A = arith.constant 0 : i32
        %ge3A_224 = arith.cmpi sge, %sub3A_223, %ge3A : i32
        %convert_element_type3A_225 = arith.extui %ge3A_224 : i1 to i32
        %cond3A_226 = arith.constant 0 : i32
        %cond3A_227 = arith.cmpi ne, %convert_element_type3A_225, %cond3A_226 : i32
        scf.if %cond3A_227 {
          %dma_wait3A_662 = arith.constant 4 : i32
          %dma_wait3A_663 = arith.constant 0 : i32
          %dma_wait3A_664 = arith.constant 0 : i32
          %dma_wait3A_665 = arith.constant 0 : i32
          %dma_wait3A_666 = arith.constant 0 : i32
          %dma_wait3A_667 = tpu.memref_slice %arg8[%dma_wait3A_662, %dma_wait3A_665, %dma_wait3A_666] : memref<8x64x64xf32, #tpu.memory_space<vmem>> -> memref<1x64x64xf32, #tpu.memory_space<vmem>>
          %dma_wait3A_668 = tpu.memref_squeeze %dma_wait3A_667 : memref<1x64x64xf32, #tpu.memory_space<vmem>> -> memref<64x64xf32, #tpu.memory_space<vmem>>
          %dma_wait3A_669 = arith.constant 0 : i32
          %dma_wait3A_670 = tpu.memref_slice %arg7[%dma_wait3A_663, %dma_wait3A_664, %dma_wait3A_669] : memref<3x16x64xi32, #tpu.memory_space<vmem>> -> memref<1x1x64xi32, #tpu.memory_space<vmem>>
          %dma_wait3A_671 = tpu.memref_squeeze %dma_wait3A_670 : memref<1x1x64xi32, #tpu.memory_space<vmem>> -> memref<64xi32, #tpu.memory_space<vmem>>
          %dma_wait3A_672 = arith.constant 0 : i32
          %dma_wait3A_673 = arith.constant 0 : i32
          %dma_wait3A_674 = tpu.memref_slice %arg10[%dma_wait3A_672, %dma_wait3A_673] : memref<10112x64xf32, #tpu.memory_space<vmem_shared>> -> memref<10112x64xf32, #tpu.memory_space<vmem_shared>>
          tpu.wait_indirect_dma semaphore(%arg23 : memref<!tpu.dma_semaphore, #tpu.memory_space<semaphore_mem>>) src(%dma_wait3A_668 : memref<64x64xf32, #tpu.memory_space<vmem>>) dst(%dma_wait3A_674 : memref<10112x64xf32, #tpu.memory_space<vmem_shared>>)
        } else {
        }
        %add3A_228 = arith.constant 4 : i32
        %add3A_229 = arith.addi %add3A_187, %add3A_228 : i32
        %lt3A_230 = arith.constant 320 : i32
        %lt3A_231 = arith.cmpi slt, %add3A_229, %lt3A_230 : i32
        %convert_element_type3A_232 = arith.extui %lt3A_231 : i1 to i32
        %cond3A_233 = arith.constant 0 : i32
        %cond3A_234 = arith.cmpi ne, %convert_element_type3A_232, %cond3A_233 : i32
        scf.if %cond3A_234 {
          %jit3A_662 = arith.constant 16 : i32
          %div3A = arith.divsi %add3A_229, %jit3A_662 : i32
          %sign3A = arith.constant 0 : i32
          %sign3A_663 = arith.cmpi sgt, %add3A_229, %sign3A : i32
          %sign3A_664 = arith.extui %sign3A_663 : i1 to i32
          %sign3A_665 = arith.constant 0 : i32
          %sign3A_666 = arith.cmpi slt, %add3A_229, %sign3A_665 : i32
          %sign3A_667 = arith.extui %sign3A_666 : i1 to i32
          %sign3A_668 = arith.subi %sign3A_664, %sign3A_667 : i32
          %sign3A_669 = arith.constant 0 : i32
          %sign3A_670 = arith.cmpi sgt, %jit3A_662, %sign3A_669 : i32
          %sign3A_671 = arith.extui %sign3A_670 : i1 to i32
          %sign3A_672 = arith.constant 0 : i32
          %sign3A_673 = arith.cmpi slt, %jit3A_662, %sign3A_672 : i32
          %sign3A_674 = arith.extui %sign3A_673 : i1 to i32
          %sign3A_675 = arith.subi %sign3A_671, %sign3A_674 : i32
          %ne3A_676 = arith.cmpi ne, %sign3A_668, %sign3A_675 : i32
          %rem3A_677 = arith.remsi %add3A_229, %jit3A_662 : i32
          %ne3A_678 = arith.constant 0 : i32
          %ne3A_679 = arith.cmpi ne, %rem3A_677, %ne3A_678 : i32
          %and3A_680 = arith.andi %ne3A_676, %ne3A_679 : i1
          %sub3A_681 = arith.constant 1 : i32
          %sub3A_682 = arith.subi %div3A, %sub3A_681 : i32
          %select_n3A_683 = arith.select %and3A_680, %sub3A_682, %div3A : i32
          %jit3A_684 = arith.constant 3 : i32
          %eq3A_685 = arith.constant 0 : i32
          %eq3A_686 = arith.cmpi eq, %jit3A_684, %eq3A_685 : i32
          %jit3A_687 = arith.constant 1 : i32
          %select_n3A_688 = arith.select %eq3A_686, %jit3A_687, %jit3A_684 : i32
          %rem3A_689 = arith.remsi %select_n3A_683, %select_n3A_688 : i32
          %ne3A_690 = arith.constant 0 : i32
          %ne3A_691 = arith.cmpi ne, %rem3A_689, %ne3A_690 : i32
          %lt3A_692 = arith.constant 0 : i32
          %lt3A_693 = arith.cmpi slt, %rem3A_689, %lt3A_692 : i32
          %lt3A_694 = arith.constant 0 : i32
          %lt3A_695 = arith.cmpi slt, %select_n3A_688, %lt3A_694 : i32
          %ne3A_696 = arith.xori %lt3A_693, %lt3A_695 : i1
          %and3A_697 = arith.andi %ne3A_696, %ne3A_691 : i1
          %add3A_698 = arith.addi %rem3A_689, %select_n3A_688 : i32
          %select_n3A_699 = arith.select %and3A_697, %add3A_698, %rem3A_689 : i32
          %jit3A_700 = arith.constant 16 : i32
          %eq3A_701 = arith.constant 0 : i32
          %eq3A_702 = arith.cmpi eq, %jit3A_700, %eq3A_701 : i32
          %jit3A_703 = arith.constant 1 : i32
          %select_n3A_704 = arith.select %eq3A_702, %jit3A_703, %jit3A_700 : i32
          %rem3A_705 = arith.remsi %add3A_229, %select_n3A_704 : i32
          %ne3A_706 = arith.constant 0 : i32
          %ne3A_707 = arith.cmpi ne, %rem3A_705, %ne3A_706 : i32
          %lt3A_708 = arith.constant 0 : i32
          %lt3A_709 = arith.cmpi slt, %rem3A_705, %lt3A_708 : i32
          %lt3A_710 = arith.constant 0 : i32
          %lt3A_711 = arith.cmpi slt, %select_n3A_704, %lt3A_710 : i32
          %ne3A_712 = arith.xori %lt3A_709, %lt3A_711 : i1
          %and3A_713 = arith.andi %ne3A_712, %ne3A_707 : i1
          %add3A_714 = arith.addi %rem3A_705, %select_n3A_704 : i32
          %select_n3A_715 = arith.select %and3A_713, %add3A_714, %rem3A_705 : i32
          %dma_start3A_716 = arith.constant 4 : i32
          %dma_start3A_717 = arith.constant 0 : i32
          %dma_start3A_718 = arith.constant 0 : i32
          %dma_start3A_719 = tpu.memref_slice %arg8[%dma_start3A_716, %dma_start3A_717, %dma_start3A_718] : memref<8x64x64xf32, #tpu.memory_space<vmem>> -> memref<1x64x64xf32, #tpu.memory_space<vmem>>
          %dma_start3A_720 = tpu.memref_squeeze %dma_start3A_719 : memref<1x64x64xf32, #tpu.memory_space<vmem>> -> memref<64x64xf32, #tpu.memory_space<vmem>>
          %dma_start3A_721 = arith.constant 0 : i32
          %dma_start3A_722 = tpu.memref_slice %arg6[%select_n3A_699, %select_n3A_715, %dma_start3A_721] : memref<3x16x64xi32, #tpu.memory_space<vmem>> -> memref<1x1x64xi32, #tpu.memory_space<vmem>>
          %dma_start3A_723 = tpu.memref_squeeze %dma_start3A_722 : memref<1x1x64xi32, #tpu.memory_space<vmem>> -> memref<64xi32, #tpu.memory_space<vmem>>
          %dma_start3A_724 = arith.constant 0 : i32
          %dma_start3A_725 = arith.constant 0 : i32
          %dma_start3A_726 = tpu.memref_slice %arg9[%dma_start3A_724, %dma_start3A_725] : memref<10112x64xf32, #tpu.memory_space<vmem_shared>> -> memref<10112x64xf32, #tpu.memory_space<vmem_shared>>
          tpu.enqueue_indirect_dma source(%dma_start3A_726 : memref<10112x64xf32, #tpu.memory_space<vmem_shared>>) target(%dma_start3A_720 : memref<64x64xf32, #tpu.memory_space<vmem>>) offsets(%dma_start3A_723 : memref<64xi32, #tpu.memory_space<vmem>>) semaphore(%arg15 : memref<!tpu.dma_semaphore, #tpu.memory_space<semaphore_mem>>)
        } else {
        }
        %mul3A_235 = arith.constant 8 : i32
        %mul3A_236 = arith.muli %mul3A_235, %scan3A_180 : i32
        %add3A_237 = arith.constant 1 : i32
        %add3A_238 = arith.addi %mul3A_236, %add3A_237 : i32
        %mul3A_239 = arith.constant 16 : i32
        %mul3A_240 = arith.muli %scan3A_160, %mul3A_239 : i32
        %add3A_241 = arith.addi %mul3A_240, %add3A_238 : i32
        %dma_wait3A_242 = arith.constant 0 : i32
        %dma_wait3A_243 = arith.constant 0 : i32
        %dma_wait3A_244 = arith.constant 1 : i32
        %dma_wait3A_245 = arith.constant 0 : i32
        %dma_wait3A_246 = arith.constant 0 : i32
        %dma_wait3A_247 = tpu.memref_slice %arg8[%dma_wait3A_244, %dma_wait3A_245, %dma_wait3A_246] : memref<8x64x64xf32, #tpu.memory_space<vmem>> -> memref<1x64x64xf32, #tpu.memory_space<vmem>>
        %dma_wait3A_248 = tpu.memref_squeeze %dma_wait3A_247 : memref<1x64x64xf32, #tpu.memory_space<vmem>> -> memref<64x64xf32, #tpu.memory_space<vmem>>
        %dma_wait3A_249 = arith.constant 0 : i32
        %dma_wait3A_250 = tpu.memref_slice %arg6[%dma_wait3A_242, %dma_wait3A_243, %dma_wait3A_249] : memref<3x16x64xi32, #tpu.memory_space<vmem>> -> memref<1x1x64xi32, #tpu.memory_space<vmem>>
        %dma_wait3A_251 = tpu.memref_squeeze %dma_wait3A_250 : memref<1x1x64xi32, #tpu.memory_space<vmem>> -> memref<64xi32, #tpu.memory_space<vmem>>
        %dma_wait3A_252 = arith.constant 0 : i32
        %dma_wait3A_253 = arith.constant 0 : i32
        %dma_wait3A_254 = tpu.memref_slice %arg9[%dma_wait3A_252, %dma_wait3A_253] : memref<10112x64xf32, #tpu.memory_space<vmem_shared>> -> memref<10112x64xf32, #tpu.memory_space<vmem_shared>>
        tpu.wait_indirect_dma semaphore(%arg12 : memref<!tpu.dma_semaphore, #tpu.memory_space<semaphore_mem>>) src(%dma_wait3A_254 : memref<10112x64xf32, #tpu.memory_space<vmem_shared>>) dst(%dma_wait3A_248 : memref<64x64xf32, #tpu.memory_space<vmem>>)
        %jit3A_255 = arith.constant 3 : i32
        %eq3A_256 = arith.constant 0 : i32
        %eq3A_257 = arith.cmpi eq, %jit3A_255, %eq3A_256 : i32
        %jit3A_258 = arith.constant 1 : i32
        %select_n3A_259 = arith.select %eq3A_257, %jit3A_258, %jit3A_255 : i32
        %rem3A_260 = arith.remsi %scan3A_160, %select_n3A_259 : i32
        %ne3A_261 = arith.constant 0 : i32
        %ne3A_262 = arith.cmpi ne, %rem3A_260, %ne3A_261 : i32
        %lt3A_263 = arith.constant 0 : i32
        %lt3A_264 = arith.cmpi slt, %rem3A_260, %lt3A_263 : i32
        %lt3A_265 = arith.constant 0 : i32
        %lt3A_266 = arith.cmpi slt, %select_n3A_259, %lt3A_265 : i32
        %ne3A_267 = arith.xori %lt3A_264, %lt3A_266 : i1
        %and3A_268 = arith.andi %ne3A_267, %ne3A_262 : i1
        %add3A_269 = arith.addi %rem3A_260, %select_n3A_259 : i32
        %select_n3A_270 = arith.select %and3A_268, %add3A_269, %rem3A_260 : i32
        %dma_start3A_271 = arith.constant 1 : i32
        %dma_start3A_272 = arith.constant 0 : i32
        %dma_start3A_273 = arith.constant 0 : i32
        %dma_start3A_274 = tpu.memref_slice %arg8[%dma_start3A_271, %dma_start3A_272, %dma_start3A_273] : memref<8x64x64xf32, #tpu.memory_space<vmem>> -> memref<1x64x64xf32, #tpu.memory_space<vmem>>
        %dma_start3A_275 = tpu.memref_squeeze %dma_start3A_274 : memref<1x64x64xf32, #tpu.memory_space<vmem>> -> memref<64x64xf32, #tpu.memory_space<vmem>>
        %dma_start3A_276 = arith.constant 0 : i32
        %dma_start3A_277 = tpu.memref_slice %arg7[%select_n3A_270, %add3A_238, %dma_start3A_276] : memref<3x16x64xi32, #tpu.memory_space<vmem>> -> memref<1x1x64xi32, #tpu.memory_space<vmem>>
        %dma_start3A_278 = tpu.memref_squeeze %dma_start3A_277 : memref<1x1x64xi32, #tpu.memory_space<vmem>> -> memref<64xi32, #tpu.memory_space<vmem>>
        %dma_start3A_279 = arith.constant 0 : i32
        %dma_start3A_280 = arith.constant 0 : i32
        %dma_start3A_281 = tpu.memref_slice %arg10[%dma_start3A_279, %dma_start3A_280] : memref<10112x64xf32, #tpu.memory_space<vmem_shared>> -> memref<10112x64xf32, #tpu.memory_space<vmem_shared>>
        tpu.enqueue_indirect_dma source(%dma_start3A_275 : memref<64x64xf32, #tpu.memory_space<vmem>>) target(%dma_start3A_281 : memref<10112x64xf32, #tpu.memory_space<vmem_shared>>) offsets(%dma_start3A_278 : memref<64xi32, #tpu.memory_space<vmem>>) semaphore(%arg20 : memref<!tpu.dma_semaphore, #tpu.memory_space<semaphore_mem>>) {add = true}
        %sub3A_282 = arith.constant 4 : i32
        %sub3A_283 = arith.subi %add3A_241, %sub3A_282 : i32
        %ge3A_284 = arith.constant 0 : i32
        %ge3A_285 = arith.cmpi sge, %sub3A_283, %ge3A_284 : i32
        %convert_element_type3A_286 = arith.extui %ge3A_285 : i1 to i32
        %cond3A_287 = arith.constant 0 : i32
        %cond3A_288 = arith.cmpi ne, %convert_element_type3A_286, %cond3A_287 : i32
        scf.if %cond3A_288 {
          %dma_wait3A_662 = arith.constant 5 : i32
          %dma_wait3A_663 = arith.constant 0 : i32
          %dma_wait3A_664 = arith.constant 0 : i32
          %dma_wait3A_665 = arith.constant 0 : i32
          %dma_wait3A_666 = arith.constant 0 : i32
          %dma_wait3A_667 = tpu.memref_slice %arg8[%dma_wait3A_662, %dma_wait3A_665, %dma_wait3A_666] : memref<8x64x64xf32, #tpu.memory_space<vmem>> -> memref<1x64x64xf32, #tpu.memory_space<vmem>>
          %dma_wait3A_668 = tpu.memref_squeeze %dma_wait3A_667 : memref<1x64x64xf32, #tpu.memory_space<vmem>> -> memref<64x64xf32, #tpu.memory_space<vmem>>
          %dma_wait3A_669 = arith.constant 0 : i32
          %dma_wait3A_670 = tpu.memref_slice %arg7[%dma_wait3A_663, %dma_wait3A_664, %dma_wait3A_669] : memref<3x16x64xi32, #tpu.memory_space<vmem>> -> memref<1x1x64xi32, #tpu.memory_space<vmem>>
          %dma_wait3A_671 = tpu.memref_squeeze %dma_wait3A_670 : memref<1x1x64xi32, #tpu.memory_space<vmem>> -> memref<64xi32, #tpu.memory_space<vmem>>
          %dma_wait3A_672 = arith.constant 0 : i32
          %dma_wait3A_673 = arith.constant 0 : i32
          %dma_wait3A_674 = tpu.memref_slice %arg10[%dma_wait3A_672, %dma_wait3A_673] : memref<10112x64xf32, #tpu.memory_space<vmem_shared>> -> memref<10112x64xf32, #tpu.memory_space<vmem_shared>>
          tpu.wait_indirect_dma semaphore(%arg24 : memref<!tpu.dma_semaphore, #tpu.memory_space<semaphore_mem>>) src(%dma_wait3A_668 : memref<64x64xf32, #tpu.memory_space<vmem>>) dst(%dma_wait3A_674 : memref<10112x64xf32, #tpu.memory_space<vmem_shared>>)
        } else {
        }
        %add3A_289 = arith.constant 4 : i32
        %add3A_290 = arith.addi %add3A_241, %add3A_289 : i32
        %lt3A_291 = arith.constant 320 : i32
        %lt3A_292 = arith.cmpi slt, %add3A_290, %lt3A_291 : i32
        %convert_element_type3A_293 = arith.extui %lt3A_292 : i1 to i32
        %cond3A_294 = arith.constant 0 : i32
        %cond3A_295 = arith.cmpi ne, %convert_element_type3A_293, %cond3A_294 : i32
        scf.if %cond3A_295 {
          %jit3A_662 = arith.constant 16 : i32
          %div3A = arith.divsi %add3A_290, %jit3A_662 : i32
          %sign3A = arith.constant 0 : i32
          %sign3A_663 = arith.cmpi sgt, %add3A_290, %sign3A : i32
          %sign3A_664 = arith.extui %sign3A_663 : i1 to i32
          %sign3A_665 = arith.constant 0 : i32
          %sign3A_666 = arith.cmpi slt, %add3A_290, %sign3A_665 : i32
          %sign3A_667 = arith.extui %sign3A_666 : i1 to i32
          %sign3A_668 = arith.subi %sign3A_664, %sign3A_667 : i32
          %sign3A_669 = arith.constant 0 : i32
          %sign3A_670 = arith.cmpi sgt, %jit3A_662, %sign3A_669 : i32
          %sign3A_671 = arith.extui %sign3A_670 : i1 to i32
          %sign3A_672 = arith.constant 0 : i32
          %sign3A_673 = arith.cmpi slt, %jit3A_662, %sign3A_672 : i32
          %sign3A_674 = arith.extui %sign3A_673 : i1 to i32
          %sign3A_675 = arith.subi %sign3A_671, %sign3A_674 : i32
          %ne3A_676 = arith.cmpi ne, %sign3A_668, %sign3A_675 : i32
          %rem3A_677 = arith.remsi %add3A_290, %jit3A_662 : i32
          %ne3A_678 = arith.constant 0 : i32
          %ne3A_679 = arith.cmpi ne, %rem3A_677, %ne3A_678 : i32
          %and3A_680 = arith.andi %ne3A_676, %ne3A_679 : i1
          %sub3A_681 = arith.constant 1 : i32
          %sub3A_682 = arith.subi %div3A, %sub3A_681 : i32
          %select_n3A_683 = arith.select %and3A_680, %sub3A_682, %div3A : i32
          %jit3A_684 = arith.constant 3 : i32
          %eq3A_685 = arith.constant 0 : i32
          %eq3A_686 = arith.cmpi eq, %jit3A_684, %eq3A_685 : i32
          %jit3A_687 = arith.constant 1 : i32
          %select_n3A_688 = arith.select %eq3A_686, %jit3A_687, %jit3A_684 : i32
          %rem3A_689 = arith.remsi %select_n3A_683, %select_n3A_688 : i32
          %ne3A_690 = arith.constant 0 : i32
          %ne3A_691 = arith.cmpi ne, %rem3A_689, %ne3A_690 : i32
          %lt3A_692 = arith.constant 0 : i32
          %lt3A_693 = arith.cmpi slt, %rem3A_689, %lt3A_692 : i32
          %lt3A_694 = arith.constant 0 : i32
          %lt3A_695 = arith.cmpi slt, %select_n3A_688, %lt3A_694 : i32
          %ne3A_696 = arith.xori %lt3A_693, %lt3A_695 : i1
          %and3A_697 = arith.andi %ne3A_696, %ne3A_691 : i1
          %add3A_698 = arith.addi %rem3A_689, %select_n3A_688 : i32
          %select_n3A_699 = arith.select %and3A_697, %add3A_698, %rem3A_689 : i32
          %jit3A_700 = arith.constant 16 : i32
          %eq3A_701 = arith.constant 0 : i32
          %eq3A_702 = arith.cmpi eq, %jit3A_700, %eq3A_701 : i32
          %jit3A_703 = arith.constant 1 : i32
          %select_n3A_704 = arith.select %eq3A_702, %jit3A_703, %jit3A_700 : i32
          %rem3A_705 = arith.remsi %add3A_290, %select_n3A_704 : i32
          %ne3A_706 = arith.constant 0 : i32
          %ne3A_707 = arith.cmpi ne, %rem3A_705, %ne3A_706 : i32
          %lt3A_708 = arith.constant 0 : i32
          %lt3A_709 = arith.cmpi slt, %rem3A_705, %lt3A_708 : i32
          %lt3A_710 = arith.constant 0 : i32
          %lt3A_711 = arith.cmpi slt, %select_n3A_704, %lt3A_710 : i32
          %ne3A_712 = arith.xori %lt3A_709, %lt3A_711 : i1
          %and3A_713 = arith.andi %ne3A_712, %ne3A_707 : i1
          %add3A_714 = arith.addi %rem3A_705, %select_n3A_704 : i32
          %select_n3A_715 = arith.select %and3A_713, %add3A_714, %rem3A_705 : i32
          %dma_start3A_716 = arith.constant 5 : i32
          %dma_start3A_717 = arith.constant 0 : i32
          %dma_start3A_718 = arith.constant 0 : i32
          %dma_start3A_719 = tpu.memref_slice %arg8[%dma_start3A_716, %dma_start3A_717, %dma_start3A_718] : memref<8x64x64xf32, #tpu.memory_space<vmem>> -> memref<1x64x64xf32, #tpu.memory_space<vmem>>
          %dma_start3A_720 = tpu.memref_squeeze %dma_start3A_719 : memref<1x64x64xf32, #tpu.memory_space<vmem>> -> memref<64x64xf32, #tpu.memory_space<vmem>>
          %dma_start3A_721 = arith.constant 0 : i32
          %dma_start3A_722 = tpu.memref_slice %arg6[%select_n3A_699, %select_n3A_715, %dma_start3A_721] : memref<3x16x64xi32, #tpu.memory_space<vmem>> -> memref<1x1x64xi32, #tpu.memory_space<vmem>>
          %dma_start3A_723 = tpu.memref_squeeze %dma_start3A_722 : memref<1x1x64xi32, #tpu.memory_space<vmem>> -> memref<64xi32, #tpu.memory_space<vmem>>
          %dma_start3A_724 = arith.constant 0 : i32
          %dma_start3A_725 = arith.constant 0 : i32
          %dma_start3A_726 = tpu.memref_slice %arg9[%dma_start3A_724, %dma_start3A_725] : memref<10112x64xf32, #tpu.memory_space<vmem_shared>> -> memref<10112x64xf32, #tpu.memory_space<vmem_shared>>
          tpu.enqueue_indirect_dma source(%dma_start3A_726 : memref<10112x64xf32, #tpu.memory_space<vmem_shared>>) target(%dma_start3A_720 : memref<64x64xf32, #tpu.memory_space<vmem>>) offsets(%dma_start3A_723 : memref<64xi32, #tpu.memory_space<vmem>>) semaphore(%arg16 : memref<!tpu.dma_semaphore, #tpu.memory_space<semaphore_mem>>)
        } else {
        }
        %mul3A_296 = arith.constant 8 : i32
        %mul3A_297 = arith.muli %mul3A_296, %scan3A_180 : i32
        %add3A_298 = arith.constant 2 : i32
        %add3A_299 = arith.addi %mul3A_297, %add3A_298 : i32
        %mul3A_300 = arith.constant 16 : i32
        %mul3A_301 = arith.muli %scan3A_160, %mul3A_300 : i32
        %add3A_302 = arith.addi %mul3A_301, %add3A_299 : i32
        %dma_wait3A_303 = arith.constant 0 : i32
        %dma_wait3A_304 = arith.constant 0 : i32
        %dma_wait3A_305 = arith.constant 2 : i32
        %dma_wait3A_306 = arith.constant 0 : i32
        %dma_wait3A_307 = arith.constant 0 : i32
        %dma_wait3A_308 = tpu.memref_slice %arg8[%dma_wait3A_305, %dma_wait3A_306, %dma_wait3A_307] : memref<8x64x64xf32, #tpu.memory_space<vmem>> -> memref<1x64x64xf32, #tpu.memory_space<vmem>>
        %dma_wait3A_309 = tpu.memref_squeeze %dma_wait3A_308 : memref<1x64x64xf32, #tpu.memory_space<vmem>> -> memref<64x64xf32, #tpu.memory_space<vmem>>
        %dma_wait3A_310 = arith.constant 0 : i32
        %dma_wait3A_311 = tpu.memref_slice %arg6[%dma_wait3A_303, %dma_wait3A_304, %dma_wait3A_310] : memref<3x16x64xi32, #tpu.memory_space<vmem>> -> memref<1x1x64xi32, #tpu.memory_space<vmem>>
        %dma_wait3A_312 = tpu.memref_squeeze %dma_wait3A_311 : memref<1x1x64xi32, #tpu.memory_space<vmem>> -> memref<64xi32, #tpu.memory_space<vmem>>
        %dma_wait3A_313 = arith.constant 0 : i32
        %dma_wait3A_314 = arith.constant 0 : i32
        %dma_wait3A_315 = tpu.memref_slice %arg9[%dma_wait3A_313, %dma_wait3A_314] : memref<10112x64xf32, #tpu.memory_space<vmem_shared>> -> memref<10112x64xf32, #tpu.memory_space<vmem_shared>>
        tpu.wait_indirect_dma semaphore(%arg13 : memref<!tpu.dma_semaphore, #tpu.memory_space<semaphore_mem>>) src(%dma_wait3A_315 : memref<10112x64xf32, #tpu.memory_space<vmem_shared>>) dst(%dma_wait3A_309 : memref<64x64xf32, #tpu.memory_space<vmem>>)
        %jit3A_316 = arith.constant 3 : i32
        %eq3A_317 = arith.constant 0 : i32
        %eq3A_318 = arith.cmpi eq, %jit3A_316, %eq3A_317 : i32
        %jit3A_319 = arith.constant 1 : i32
        %select_n3A_320 = arith.select %eq3A_318, %jit3A_319, %jit3A_316 : i32
        %rem3A_321 = arith.remsi %scan3A_160, %select_n3A_320 : i32
        %ne3A_322 = arith.constant 0 : i32
        %ne3A_323 = arith.cmpi ne, %rem3A_321, %ne3A_322 : i32
        %lt3A_324 = arith.constant 0 : i32
        %lt3A_325 = arith.cmpi slt, %rem3A_321, %lt3A_324 : i32
        %lt3A_326 = arith.constant 0 : i32
        %lt3A_327 = arith.cmpi slt, %select_n3A_320, %lt3A_326 : i32
        %ne3A_328 = arith.xori %lt3A_325, %lt3A_327 : i1
        %and3A_329 = arith.andi %ne3A_328, %ne3A_323 : i1
        %add3A_330 = arith.addi %rem3A_321, %select_n3A_320 : i32
        %select_n3A_331 = arith.select %and3A_329, %add3A_330, %rem3A_321 : i32
        %dma_start3A_332 = arith.constant 2 : i32
        %dma_start3A_333 = arith.constant 0 : i32
        %dma_start3A_334 = arith.constant 0 : i32
        %dma_start3A_335 = tpu.memref_slice %arg8[%dma_start3A_332, %dma_start3A_333, %dma_start3A_334] : memref<8x64x64xf32, #tpu.memory_space<vmem>> -> memref<1x64x64xf32, #tpu.memory_space<vmem>>
        %dma_start3A_336 = tpu.memref_squeeze %dma_start3A_335 : memref<1x64x64xf32, #tpu.memory_space<vmem>> -> memref<64x64xf32, #tpu.memory_space<vmem>>
        %dma_start3A_337 = arith.constant 0 : i32
        %dma_start3A_338 = tpu.memref_slice %arg7[%select_n3A_331, %add3A_299, %dma_start3A_337] : memref<3x16x64xi32, #tpu.memory_space<vmem>> -> memref<1x1x64xi32, #tpu.memory_space<vmem>>
        %dma_start3A_339 = tpu.memref_squeeze %dma_start3A_338 : memref<1x1x64xi32, #tpu.memory_space<vmem>> -> memref<64xi32, #tpu.memory_space<vmem>>
        %dma_start3A_340 = arith.constant 0 : i32
        %dma_start3A_341 = arith.constant 0 : i32
        %dma_start3A_342 = tpu.memref_slice %arg10[%dma_start3A_340, %dma_start3A_341] : memref<10112x64xf32, #tpu.memory_space<vmem_shared>> -> memref<10112x64xf32, #tpu.memory_space<vmem_shared>>
        tpu.enqueue_indirect_dma source(%dma_start3A_336 : memref<64x64xf32, #tpu.memory_space<vmem>>) target(%dma_start3A_342 : memref<10112x64xf32, #tpu.memory_space<vmem_shared>>) offsets(%dma_start3A_339 : memref<64xi32, #tpu.memory_space<vmem>>) semaphore(%arg21 : memref<!tpu.dma_semaphore, #tpu.memory_space<semaphore_mem>>) {add = true}
        %sub3A_343 = arith.constant 4 : i32
        %sub3A_344 = arith.subi %add3A_302, %sub3A_343 : i32
        %ge3A_345 = arith.constant 0 : i32
        %ge3A_346 = arith.cmpi sge, %sub3A_344, %ge3A_345 : i32
        %convert_element_type3A_347 = arith.extui %ge3A_346 : i1 to i32
        %cond3A_348 = arith.constant 0 : i32
        %cond3A_349 = arith.cmpi ne, %convert_element_type3A_347, %cond3A_348 : i32
        scf.if %cond3A_349 {
          %dma_wait3A_662 = arith.constant 6 : i32
          %dma_wait3A_663 = arith.constant 0 : i32
          %dma_wait3A_664 = arith.constant 0 : i32
          %dma_wait3A_665 = arith.constant 0 : i32
          %dma_wait3A_666 = arith.constant 0 : i32
          %dma_wait3A_667 = tpu.memref_slice %arg8[%dma_wait3A_662, %dma_wait3A_665, %dma_wait3A_666] : memref<8x64x64xf32, #tpu.memory_space<vmem>> -> memref<1x64x64xf32, #tpu.memory_space<vmem>>
          %dma_wait3A_668 = tpu.memref_squeeze %dma_wait3A_667 : memref<1x64x64xf32, #tpu.memory_space<vmem>> -> memref<64x64xf32, #tpu.memory_space<vmem>>
          %dma_wait3A_669 = arith.constant 0 : i32
          %dma_wait3A_670 = tpu.memref_slice %arg7[%dma_wait3A_663, %dma_wait3A_664, %dma_wait3A_669] : memref<3x16x64xi32, #tpu.memory_space<vmem>> -> memref<1x1x64xi32, #tpu.memory_space<vmem>>
          %dma_wait3A_671 = tpu.memref_squeeze %dma_wait3A_670 : memref<1x1x64xi32, #tpu.memory_space<vmem>> -> memref<64xi32, #tpu.memory_space<vmem>>
          %dma_wait3A_672 = arith.constant 0 : i32
          %dma_wait3A_673 = arith.constant 0 : i32
          %dma_wait3A_674 = tpu.memref_slice %arg10[%dma_wait3A_672, %dma_wait3A_673] : memref<10112x64xf32, #tpu.memory_space<vmem_shared>> -> memref<10112x64xf32, #tpu.memory_space<vmem_shared>>
          tpu.wait_indirect_dma semaphore(%arg25 : memref<!tpu.dma_semaphore, #tpu.memory_space<semaphore_mem>>) src(%dma_wait3A_668 : memref<64x64xf32, #tpu.memory_space<vmem>>) dst(%dma_wait3A_674 : memref<10112x64xf32, #tpu.memory_space<vmem_shared>>)
        } else {
        }
        %add3A_350 = arith.constant 4 : i32
        %add3A_351 = arith.addi %add3A_302, %add3A_350 : i32
        %lt3A_352 = arith.constant 320 : i32
        %lt3A_353 = arith.cmpi slt, %add3A_351, %lt3A_352 : i32
        %convert_element_type3A_354 = arith.extui %lt3A_353 : i1 to i32
        %cond3A_355 = arith.constant 0 : i32
        %cond3A_356 = arith.cmpi ne, %convert_element_type3A_354, %cond3A_355 : i32
        scf.if %cond3A_356 {
          %jit3A_662 = arith.constant 16 : i32
          %div3A = arith.divsi %add3A_351, %jit3A_662 : i32
          %sign3A = arith.constant 0 : i32
          %sign3A_663 = arith.cmpi sgt, %add3A_351, %sign3A : i32
          %sign3A_664 = arith.extui %sign3A_663 : i1 to i32
          %sign3A_665 = arith.constant 0 : i32
          %sign3A_666 = arith.cmpi slt, %add3A_351, %sign3A_665 : i32
          %sign3A_667 = arith.extui %sign3A_666 : i1 to i32
          %sign3A_668 = arith.subi %sign3A_664, %sign3A_667 : i32
          %sign3A_669 = arith.constant 0 : i32
          %sign3A_670 = arith.cmpi sgt, %jit3A_662, %sign3A_669 : i32
          %sign3A_671 = arith.extui %sign3A_670 : i1 to i32
          %sign3A_672 = arith.constant 0 : i32
          %sign3A_673 = arith.cmpi slt, %jit3A_662, %sign3A_672 : i32
          %sign3A_674 = arith.extui %sign3A_673 : i1 to i32
          %sign3A_675 = arith.subi %sign3A_671, %sign3A_674 : i32
          %ne3A_676 = arith.cmpi ne, %sign3A_668, %sign3A_675 : i32
          %rem3A_677 = arith.remsi %add3A_351, %jit3A_662 : i32
          %ne3A_678 = arith.constant 0 : i32
          %ne3A_679 = arith.cmpi ne, %rem3A_677, %ne3A_678 : i32
          %and3A_680 = arith.andi %ne3A_676, %ne3A_679 : i1
          %sub3A_681 = arith.constant 1 : i32
          %sub3A_682 = arith.subi %div3A, %sub3A_681 : i32
          %select_n3A_683 = arith.select %and3A_680, %sub3A_682, %div3A : i32
          %jit3A_684 = arith.constant 3 : i32
          %eq3A_685 = arith.constant 0 : i32
          %eq3A_686 = arith.cmpi eq, %jit3A_684, %eq3A_685 : i32
          %jit3A_687 = arith.constant 1 : i32
          %select_n3A_688 = arith.select %eq3A_686, %jit3A_687, %jit3A_684 : i32
          %rem3A_689 = arith.remsi %select_n3A_683, %select_n3A_688 : i32
          %ne3A_690 = arith.constant 0 : i32
          %ne3A_691 = arith.cmpi ne, %rem3A_689, %ne3A_690 : i32
          %lt3A_692 = arith.constant 0 : i32
          %lt3A_693 = arith.cmpi slt, %rem3A_689, %lt3A_692 : i32
          %lt3A_694 = arith.constant 0 : i32
          %lt3A_695 = arith.cmpi slt, %select_n3A_688, %lt3A_694 : i32
          %ne3A_696 = arith.xori %lt3A_693, %lt3A_695 : i1
          %and3A_697 = arith.andi %ne3A_696, %ne3A_691 : i1
          %add3A_698 = arith.addi %rem3A_689, %select_n3A_688 : i32
          %select_n3A_699 = arith.select %and3A_697, %add3A_698, %rem3A_689 : i32
          %jit3A_700 = arith.constant 16 : i32
          %eq3A_701 = arith.constant 0 : i32
          %eq3A_702 = arith.cmpi eq, %jit3A_700, %eq3A_701 : i32
          %jit3A_703 = arith.constant 1 : i32
          %select_n3A_704 = arith.select %eq3A_702, %jit3A_703, %jit3A_700 : i32
          %rem3A_705 = arith.remsi %add3A_351, %select_n3A_704 : i32
          %ne3A_706 = arith.constant 0 : i32
          %ne3A_707 = arith.cmpi ne, %rem3A_705, %ne3A_706 : i32
          %lt3A_708 = arith.constant 0 : i32
          %lt3A_709 = arith.cmpi slt, %rem3A_705, %lt3A_708 : i32
          %lt3A_710 = arith.constant 0 : i32
          %lt3A_711 = arith.cmpi slt, %select_n3A_704, %lt3A_710 : i32
          %ne3A_712 = arith.xori %lt3A_709, %lt3A_711 : i1
          %and3A_713 = arith.andi %ne3A_712, %ne3A_707 : i1
          %add3A_714 = arith.addi %rem3A_705, %select_n3A_704 : i32
          %select_n3A_715 = arith.select %and3A_713, %add3A_714, %rem3A_705 : i32
          %dma_start3A_716 = arith.constant 6 : i32
          %dma_start3A_717 = arith.constant 0 : i32
          %dma_start3A_718 = arith.constant 0 : i32
          %dma_start3A_719 = tpu.memref_slice %arg8[%dma_start3A_716, %dma_start3A_717, %dma_start3A_718] : memref<8x64x64xf32, #tpu.memory_space<vmem>> -> memref<1x64x64xf32, #tpu.memory_space<vmem>>
          %dma_start3A_720 = tpu.memref_squeeze %dma_start3A_719 : memref<1x64x64xf32, #tpu.memory_space<vmem>> -> memref<64x64xf32, #tpu.memory_space<vmem>>
          %dma_start3A_721 = arith.constant 0 : i32
          %dma_start3A_722 = tpu.memref_slice %arg6[%select_n3A_699, %select_n3A_715, %dma_start3A_721] : memref<3x16x64xi32, #tpu.memory_space<vmem>> -> memref<1x1x64xi32, #tpu.memory_space<vmem>>
          %dma_start3A_723 = tpu.memref_squeeze %dma_start3A_722 : memref<1x1x64xi32, #tpu.memory_space<vmem>> -> memref<64xi32, #tpu.memory_space<vmem>>
          %dma_start3A_724 = arith.constant 0 : i32
          %dma_start3A_725 = arith.constant 0 : i32
          %dma_start3A_726 = tpu.memref_slice %arg9[%dma_start3A_724, %dma_start3A_725] : memref<10112x64xf32, #tpu.memory_space<vmem_shared>> -> memref<10112x64xf32, #tpu.memory_space<vmem_shared>>
          tpu.enqueue_indirect_dma source(%dma_start3A_726 : memref<10112x64xf32, #tpu.memory_space<vmem_shared>>) target(%dma_start3A_720 : memref<64x64xf32, #tpu.memory_space<vmem>>) offsets(%dma_start3A_723 : memref<64xi32, #tpu.memory_space<vmem>>) semaphore(%arg17 : memref<!tpu.dma_semaphore, #tpu.memory_space<semaphore_mem>>)
        } else {
        }
        %mul3A_357 = arith.constant 8 : i32
        %mul3A_358 = arith.muli %mul3A_357, %scan3A_180 : i32
        %add3A_359 = arith.constant 3 : i32
        %add3A_360 = arith.addi %mul3A_358, %add3A_359 : i32
        %mul3A_361 = arith.constant 16 : i32
        %mul3A_362 = arith.muli %scan3A_160, %mul3A_361 : i32
        %add3A_363 = arith.addi %mul3A_362, %add3A_360 : i32
        %dma_wait3A_364 = arith.constant 0 : i32
        %dma_wait3A_365 = arith.constant 0 : i32
        %dma_wait3A_366 = arith.constant 3 : i32
        %dma_wait3A_367 = arith.constant 0 : i32
        %dma_wait3A_368 = arith.constant 0 : i32
        %dma_wait3A_369 = tpu.memref_slice %arg8[%dma_wait3A_366, %dma_wait3A_367, %dma_wait3A_368] : memref<8x64x64xf32, #tpu.memory_space<vmem>> -> memref<1x64x64xf32, #tpu.memory_space<vmem>>
        %dma_wait3A_370 = tpu.memref_squeeze %dma_wait3A_369 : memref<1x64x64xf32, #tpu.memory_space<vmem>> -> memref<64x64xf32, #tpu.memory_space<vmem>>
        %dma_wait3A_371 = arith.constant 0 : i32
        %dma_wait3A_372 = tpu.memref_slice %arg6[%dma_wait3A_364, %dma_wait3A_365, %dma_wait3A_371] : memref<3x16x64xi32, #tpu.memory_space<vmem>> -> memref<1x1x64xi32, #tpu.memory_space<vmem>>
        %dma_wait3A_373 = tpu.memref_squeeze %dma_wait3A_372 : memref<1x1x64xi32, #tpu.memory_space<vmem>> -> memref<64xi32, #tpu.memory_space<vmem>>
        %dma_wait3A_374 = arith.constant 0 : i32
        %dma_wait3A_375 = arith.constant 0 : i32
        %dma_wait3A_376 = tpu.memref_slice %arg9[%dma_wait3A_374, %dma_wait3A_375] : memref<10112x64xf32, #tpu.memory_space<vmem_shared>> -> memref<10112x64xf32, #tpu.memory_space<vmem_shared>>
        tpu.wait_indirect_dma semaphore(%arg14 : memref<!tpu.dma_semaphore, #tpu.memory_space<semaphore_mem>>) src(%dma_wait3A_376 : memref<10112x64xf32, #tpu.memory_space<vmem_shared>>) dst(%dma_wait3A_370 : memref<64x64xf32, #tpu.memory_space<vmem>>)
        %jit3A_377 = arith.constant 3 : i32
        %eq3A_378 = arith.constant 0 : i32
        %eq3A_379 = arith.cmpi eq, %jit3A_377, %eq3A_378 : i32
        %jit3A_380 = arith.constant 1 : i32
        %select_n3A_381 = arith.select %eq3A_379, %jit3A_380, %jit3A_377 : i32
        %rem3A_382 = arith.remsi %scan3A_160, %select_n3A_381 : i32
        %ne3A_383 = arith.constant 0 : i32
        %ne3A_384 = arith.cmpi ne, %rem3A_382, %ne3A_383 : i32
        %lt3A_385 = arith.constant 0 : i32
        %lt3A_386 = arith.cmpi slt, %rem3A_382, %lt3A_385 : i32
        %lt3A_387 = arith.constant 0 : i32
        %lt3A_388 = arith.cmpi slt, %select_n3A_381, %lt3A_387 : i32
        %ne3A_389 = arith.xori %lt3A_386, %lt3A_388 : i1
        %and3A_390 = arith.andi %ne3A_389, %ne3A_384 : i1
        %add3A_391 = arith.addi %rem3A_382, %select_n3A_381 : i32
        %select_n3A_392 = arith.select %and3A_390, %add3A_391, %rem3A_382 : i32
        %dma_start3A_393 = arith.constant 3 : i32
        %dma_start3A_394 = arith.constant 0 : i32
        %dma_start3A_395 = arith.constant 0 : i32
        %dma_start3A_396 = tpu.memref_slice %arg8[%dma_start3A_393, %dma_start3A_394, %dma_start3A_395] : memref<8x64x64xf32, #tpu.memory_space<vmem>> -> memref<1x64x64xf32, #tpu.memory_space<vmem>>
        %dma_start3A_397 = tpu.memref_squeeze %dma_start3A_396 : memref<1x64x64xf32, #tpu.memory_space<vmem>> -> memref<64x64xf32, #tpu.memory_space<vmem>>
        %dma_start3A_398 = arith.constant 0 : i32
        %dma_start3A_399 = tpu.memref_slice %arg7[%select_n3A_392, %add3A_360, %dma_start3A_398] : memref<3x16x64xi32, #tpu.memory_space<vmem>> -> memref<1x1x64xi32, #tpu.memory_space<vmem>>
        %dma_start3A_400 = tpu.memref_squeeze %dma_start3A_399 : memref<1x1x64xi32, #tpu.memory_space<vmem>> -> memref<64xi32, #tpu.memory_space<vmem>>
        %dma_start3A_401 = arith.constant 0 : i32
        %dma_start3A_402 = arith.constant 0 : i32
        %dma_start3A_403 = tpu.memref_slice %arg10[%dma_start3A_401, %dma_start3A_402] : memref<10112x64xf32, #tpu.memory_space<vmem_shared>> -> memref<10112x64xf32, #tpu.memory_space<vmem_shared>>
        tpu.enqueue_indirect_dma source(%dma_start3A_397 : memref<64x64xf32, #tpu.memory_space<vmem>>) target(%dma_start3A_403 : memref<10112x64xf32, #tpu.memory_space<vmem_shared>>) offsets(%dma_start3A_400 : memref<64xi32, #tpu.memory_space<vmem>>) semaphore(%arg22 : memref<!tpu.dma_semaphore, #tpu.memory_space<semaphore_mem>>) {add = true}
        %sub3A_404 = arith.constant 4 : i32
        %sub3A_405 = arith.subi %add3A_363, %sub3A_404 : i32
        %ge3A_406 = arith.constant 0 : i32
        %ge3A_407 = arith.cmpi sge, %sub3A_405, %ge3A_406 : i32
        %convert_element_type3A_408 = arith.extui %ge3A_407 : i1 to i32
        %cond3A_409 = arith.constant 0 : i32
        %cond3A_410 = arith.cmpi ne, %convert_element_type3A_408, %cond3A_409 : i32
        scf.if %cond3A_410 {
          %dma_wait3A_662 = arith.constant 7 : i32
          %dma_wait3A_663 = arith.constant 0 : i32
          %dma_wait3A_664 = arith.constant 0 : i32
          %dma_wait3A_665 = arith.constant 0 : i32
          %dma_wait3A_666 = arith.constant 0 : i32
          %dma_wait3A_667 = tpu.memref_slice %arg8[%dma_wait3A_662, %dma_wait3A_665, %dma_wait3A_666] : memref<8x64x64xf32, #tpu.memory_space<vmem>> -> memref<1x64x64xf32, #tpu.memory_space<vmem>>
          %dma_wait3A_668 = tpu.memref_squeeze %dma_wait3A_667 : memref<1x64x64xf32, #tpu.memory_space<vmem>> -> memref<64x64xf32, #tpu.memory_space<vmem>>
          %dma_wait3A_669 = arith.constant 0 : i32
          %dma_wait3A_670 = tpu.memref_slice %arg7[%dma_wait3A_663, %dma_wait3A_664, %dma_wait3A_669] : memref<3x16x64xi32, #tpu.memory_space<vmem>> -> memref<1x1x64xi32, #tpu.memory_space<vmem>>
          %dma_wait3A_671 = tpu.memref_squeeze %dma_wait3A_670 : memref<1x1x64xi32, #tpu.memory_space<vmem>> -> memref<64xi32, #tpu.memory_space<vmem>>
          %dma_wait3A_672 = arith.constant 0 : i32
          %dma_wait3A_673 = arith.constant 0 : i32
          %dma_wait3A_674 = tpu.memref_slice %arg10[%dma_wait3A_672, %dma_wait3A_673] : memref<10112x64xf32, #tpu.memory_space<vmem_shared>> -> memref<10112x64xf32, #tpu.memory_space<vmem_shared>>
          tpu.wait_indirect_dma semaphore(%arg26 : memref<!tpu.dma_semaphore, #tpu.memory_space<semaphore_mem>>) src(%dma_wait3A_668 : memref<64x64xf32, #tpu.memory_space<vmem>>) dst(%dma_wait3A_674 : memref<10112x64xf32, #tpu.memory_space<vmem_shared>>)
        } else {
        }
        %add3A_411 = arith.constant 4 : i32
        %add3A_412 = arith.addi %add3A_363, %add3A_411 : i32
        %lt3A_413 = arith.constant 320 : i32
        %lt3A_414 = arith.cmpi slt, %add3A_412, %lt3A_413 : i32
        %convert_element_type3A_415 = arith.extui %lt3A_414 : i1 to i32
        %cond3A_416 = arith.constant 0 : i32
        %cond3A_417 = arith.cmpi ne, %convert_element_type3A_415, %cond3A_416 : i32
        scf.if %cond3A_417 {
          %jit3A_662 = arith.constant 16 : i32
          %div3A = arith.divsi %add3A_412, %jit3A_662 : i32
          %sign3A = arith.constant 0 : i32
          %sign3A_663 = arith.cmpi sgt, %add3A_412, %sign3A : i32
          %sign3A_664 = arith.extui %sign3A_663 : i1 to i32
          %sign3A_665 = arith.constant 0 : i32
          %sign3A_666 = arith.cmpi slt, %add3A_412, %sign3A_665 : i32
          %sign3A_667 = arith.extui %sign3A_666 : i1 to i32
          %sign3A_668 = arith.subi %sign3A_664, %sign3A_667 : i32
          %sign3A_669 = arith.constant 0 : i32
          %sign3A_670 = arith.cmpi sgt, %jit3A_662, %sign3A_669 : i32
          %sign3A_671 = arith.extui %sign3A_670 : i1 to i32
          %sign3A_672 = arith.constant 0 : i32
          %sign3A_673 = arith.cmpi slt, %jit3A_662, %sign3A_672 : i32
          %sign3A_674 = arith.extui %sign3A_673 : i1 to i32
          %sign3A_675 = arith.subi %sign3A_671, %sign3A_674 : i32
          %ne3A_676 = arith.cmpi ne, %sign3A_668, %sign3A_675 : i32
          %rem3A_677 = arith.remsi %add3A_412, %jit3A_662 : i32
          %ne3A_678 = arith.constant 0 : i32
          %ne3A_679 = arith.cmpi ne, %rem3A_677, %ne3A_678 : i32
          %and3A_680 = arith.andi %ne3A_676, %ne3A_679 : i1
          %sub3A_681 = arith.constant 1 : i32
          %sub3A_682 = arith.subi %div3A, %sub3A_681 : i32
          %select_n3A_683 = arith.select %and3A_680, %sub3A_682, %div3A : i32
          %jit3A_684 = arith.constant 3 : i32
          %eq3A_685 = arith.constant 0 : i32
          %eq3A_686 = arith.cmpi eq, %jit3A_684, %eq3A_685 : i32
          %jit3A_687 = arith.constant 1 : i32
          %select_n3A_688 = arith.select %eq3A_686, %jit3A_687, %jit3A_684 : i32
          %rem3A_689 = arith.remsi %select_n3A_683, %select_n3A_688 : i32
          %ne3A_690 = arith.constant 0 : i32
          %ne3A_691 = arith.cmpi ne, %rem3A_689, %ne3A_690 : i32
          %lt3A_692 = arith.constant 0 : i32
          %lt3A_693 = arith.cmpi slt, %rem3A_689, %lt3A_692 : i32
          %lt3A_694 = arith.constant 0 : i32
          %lt3A_695 = arith.cmpi slt, %select_n3A_688, %lt3A_694 : i32
          %ne3A_696 = arith.xori %lt3A_693, %lt3A_695 : i1
          %and3A_697 = arith.andi %ne3A_696, %ne3A_691 : i1
          %add3A_698 = arith.addi %rem3A_689, %select_n3A_688 : i32
          %select_n3A_699 = arith.select %and3A_697, %add3A_698, %rem3A_689 : i32
          %jit3A_700 = arith.constant 16 : i32
          %eq3A_701 = arith.constant 0 : i32
          %eq3A_702 = arith.cmpi eq, %jit3A_700, %eq3A_701 : i32
          %jit3A_703 = arith.constant 1 : i32
          %select_n3A_704 = arith.select %eq3A_702, %jit3A_703, %jit3A_700 : i32
          %rem3A_705 = arith.remsi %add3A_412, %select_n3A_704 : i32
          %ne3A_706 = arith.constant 0 : i32
          %ne3A_707 = arith.cmpi ne, %rem3A_705, %ne3A_706 : i32
          %lt3A_708 = arith.constant 0 : i32
          %lt3A_709 = arith.cmpi slt, %rem3A_705, %lt3A_708 : i32
          %lt3A_710 = arith.constant 0 : i32
          %lt3A_711 = arith.cmpi slt, %select_n3A_704, %lt3A_710 : i32
          %ne3A_712 = arith.xori %lt3A_709, %lt3A_711 : i1
          %and3A_713 = arith.andi %ne3A_712, %ne3A_707 : i1
          %add3A_714 = arith.addi %rem3A_705, %select_n3A_704 : i32
          %select_n3A_715 = arith.select %and3A_713, %add3A_714, %rem3A_705 : i32
          %dma_start3A_716 = arith.constant 7 : i32
          %dma_start3A_717 = arith.constant 0 : i32
          %dma_start3A_718 = arith.constant 0 : i32
          %dma_start3A_719 = tpu.memref_slice %arg8[%dma_start3A_716, %dma_start3A_717, %dma_start3A_718] : memref<8x64x64xf32, #tpu.memory_space<vmem>> -> memref<1x64x64xf32, #tpu.memory_space<vmem>>
          %dma_start3A_720 = tpu.memref_squeeze %dma_start3A_719 : memref<1x64x64xf32, #tpu.memory_space<vmem>> -> memref<64x64xf32, #tpu.memory_space<vmem>>
          %dma_start3A_721 = arith.constant 0 : i32
          %dma_start3A_722 = tpu.memref_slice %arg6[%select_n3A_699, %select_n3A_715, %dma_start3A_721] : memref<3x16x64xi32, #tpu.memory_space<vmem>> -> memref<1x1x64xi32, #tpu.memory_space<vmem>>
          %dma_start3A_723 = tpu.memref_squeeze %dma_start3A_722 : memref<1x1x64xi32, #tpu.memory_space<vmem>> -> memref<64xi32, #tpu.memory_space<vmem>>
          %dma_start3A_724 = arith.constant 0 : i32
          %dma_start3A_725 = arith.constant 0 : i32
          %dma_start3A_726 = tpu.memref_slice %arg9[%dma_start3A_724, %dma_start3A_725] : memref<10112x64xf32, #tpu.memory_space<vmem_shared>> -> memref<10112x64xf32, #tpu.memory_space<vmem_shared>>
          tpu.enqueue_indirect_dma source(%dma_start3A_726 : memref<10112x64xf32, #tpu.memory_space<vmem_shared>>) target(%dma_start3A_720 : memref<64x64xf32, #tpu.memory_space<vmem>>) offsets(%dma_start3A_723 : memref<64xi32, #tpu.memory_space<vmem>>) semaphore(%arg18 : memref<!tpu.dma_semaphore, #tpu.memory_space<semaphore_mem>>)
        } else {
        }
        %mul3A_418 = arith.constant 8 : i32
        %mul3A_419 = arith.muli %mul3A_418, %scan3A_180 : i32
        %add3A_420 = arith.constant 4 : i32
        %add3A_421 = arith.addi %mul3A_419, %add3A_420 : i32
        %mul3A_422 = arith.constant 16 : i32
        %mul3A_423 = arith.muli %scan3A_160, %mul3A_422 : i32
        %add3A_424 = arith.addi %mul3A_423, %add3A_421 : i32
        %dma_wait3A_425 = arith.constant 0 : i32
        %dma_wait3A_426 = arith.constant 0 : i32
        %dma_wait3A_427 = arith.constant 4 : i32
        %dma_wait3A_428 = arith.constant 0 : i32
        %dma_wait3A_429 = arith.constant 0 : i32
        %dma_wait3A_430 = tpu.memref_slice %arg8[%dma_wait3A_427, %dma_wait3A_428, %dma_wait3A_429] : memref<8x64x64xf32, #tpu.memory_space<vmem>> -> memref<1x64x64xf32, #tpu.memory_space<vmem>>
        %dma_wait3A_431 = tpu.memref_squeeze %dma_wait3A_430 : memref<1x64x64xf32, #tpu.memory_space<vmem>> -> memref<64x64xf32, #tpu.memory_space<vmem>>
        %dma_wait3A_432 = arith.constant 0 : i32
        %dma_wait3A_433 = tpu.memref_slice %arg6[%dma_wait3A_425, %dma_wait3A_426, %dma_wait3A_432] : memref<3x16x64xi32, #tpu.memory_space<vmem>> -> memref<1x1x64xi32, #tpu.memory_space<vmem>>
        %dma_wait3A_434 = tpu.memref_squeeze %dma_wait3A_433 : memref<1x1x64xi32, #tpu.memory_space<vmem>> -> memref<64xi32, #tpu.memory_space<vmem>>
        %dma_wait3A_435 = arith.constant 0 : i32
        %dma_wait3A_436 = arith.constant 0 : i32
        %dma_wait3A_437 = tpu.memref_slice %arg9[%dma_wait3A_435, %dma_wait3A_436] : memref<10112x64xf32, #tpu.memory_space<vmem_shared>> -> memref<10112x64xf32, #tpu.memory_space<vmem_shared>>
        tpu.wait_indirect_dma semaphore(%arg15 : memref<!tpu.dma_semaphore, #tpu.memory_space<semaphore_mem>>) src(%dma_wait3A_437 : memref<10112x64xf32, #tpu.memory_space<vmem_shared>>) dst(%dma_wait3A_431 : memref<64x64xf32, #tpu.memory_space<vmem>>)
        %jit3A_438 = arith.constant 3 : i32
        %eq3A_439 = arith.constant 0 : i32
        %eq3A_440 = arith.cmpi eq, %jit3A_438, %eq3A_439 : i32
        %jit3A_441 = arith.constant 1 : i32
        %select_n3A_442 = arith.select %eq3A_440, %jit3A_441, %jit3A_438 : i32
        %rem3A_443 = arith.remsi %scan3A_160, %select_n3A_442 : i32
        %ne3A_444 = arith.constant 0 : i32
        %ne3A_445 = arith.cmpi ne, %rem3A_443, %ne3A_444 : i32
        %lt3A_446 = arith.constant 0 : i32
        %lt3A_447 = arith.cmpi slt, %rem3A_443, %lt3A_446 : i32
        %lt3A_448 = arith.constant 0 : i32
        %lt3A_449 = arith.cmpi slt, %select_n3A_442, %lt3A_448 : i32
        %ne3A_450 = arith.xori %lt3A_447, %lt3A_449 : i1
        %and3A_451 = arith.andi %ne3A_450, %ne3A_445 : i1
        %add3A_452 = arith.addi %rem3A_443, %select_n3A_442 : i32
        %select_n3A_453 = arith.select %and3A_451, %add3A_452, %rem3A_443 : i32
        %dma_start3A_454 = arith.constant 4 : i32
        %dma_start3A_455 = arith.constant 0 : i32
        %dma_start3A_456 = arith.constant 0 : i32
        %dma_start3A_457 = tpu.memref_slice %arg8[%dma_start3A_454, %dma_start3A_455, %dma_start3A_456] : memref<8x64x64xf32, #tpu.memory_space<vmem>> -> memref<1x64x64xf32, #tpu.memory_space<vmem>>
        %dma_start3A_458 = tpu.memref_squeeze %dma_start3A_457 : memref<1x64x64xf32, #tpu.memory_space<vmem>> -> memref<64x64xf32, #tpu.memory_space<vmem>>
        %dma_start3A_459 = arith.constant 0 : i32
        %dma_start3A_460 = tpu.memref_slice %arg7[%select_n3A_453, %add3A_421, %dma_start3A_459] : memref<3x16x64xi32, #tpu.memory_space<vmem>> -> memref<1x1x64xi32, #tpu.memory_space<vmem>>
        %dma_start3A_461 = tpu.memref_squeeze %dma_start3A_460 : memref<1x1x64xi32, #tpu.memory_space<vmem>> -> memref<64xi32, #tpu.memory_space<vmem>>
        %dma_start3A_462 = arith.constant 0 : i32
        %dma_start3A_463 = arith.constant 0 : i32
        %dma_start3A_464 = tpu.memref_slice %arg10[%dma_start3A_462, %dma_start3A_463] : memref<10112x64xf32, #tpu.memory_space<vmem_shared>> -> memref<10112x64xf32, #tpu.memory_space<vmem_shared>>
        tpu.enqueue_indirect_dma source(%dma_start3A_458 : memref<64x64xf32, #tpu.memory_space<vmem>>) target(%dma_start3A_464 : memref<10112x64xf32, #tpu.memory_space<vmem_shared>>) offsets(%dma_start3A_461 : memref<64xi32, #tpu.memory_space<vmem>>) semaphore(%arg23 : memref<!tpu.dma_semaphore, #tpu.memory_space<semaphore_mem>>) {add = true}
        %sub3A_465 = arith.constant 4 : i32
        %sub3A_466 = arith.subi %add3A_424, %sub3A_465 : i32
        %ge3A_467 = arith.constant 0 : i32
        %ge3A_468 = arith.cmpi sge, %sub3A_466, %ge3A_467 : i32
        %convert_element_type3A_469 = arith.extui %ge3A_468 : i1 to i32
        %cond3A_470 = arith.constant 0 : i32
        %cond3A_471 = arith.cmpi ne, %convert_element_type3A_469, %cond3A_470 : i32
        scf.if %cond3A_471 {
          %dma_wait3A_662 = arith.constant 0 : i32
          %dma_wait3A_663 = arith.constant 0 : i32
          %dma_wait3A_664 = arith.constant 0 : i32
          %dma_wait3A_665 = arith.constant 0 : i32
          %dma_wait3A_666 = arith.constant 0 : i32
          %dma_wait3A_667 = tpu.memref_slice %arg8[%dma_wait3A_662, %dma_wait3A_665, %dma_wait3A_666] : memref<8x64x64xf32, #tpu.memory_space<vmem>> -> memref<1x64x64xf32, #tpu.memory_space<vmem>>
          %dma_wait3A_668 = tpu.memref_squeeze %dma_wait3A_667 : memref<1x64x64xf32, #tpu.memory_space<vmem>> -> memref<64x64xf32, #tpu.memory_space<vmem>>
          %dma_wait3A_669 = arith.constant 0 : i32
          %dma_wait3A_670 = tpu.memref_slice %arg7[%dma_wait3A_663, %dma_wait3A_664, %dma_wait3A_669] : memref<3x16x64xi32, #tpu.memory_space<vmem>> -> memref<1x1x64xi32, #tpu.memory_space<vmem>>
          %dma_wait3A_671 = tpu.memref_squeeze %dma_wait3A_670 : memref<1x1x64xi32, #tpu.memory_space<vmem>> -> memref<64xi32, #tpu.memory_space<vmem>>
          %dma_wait3A_672 = arith.constant 0 : i32
          %dma_wait3A_673 = arith.constant 0 : i32
          %dma_wait3A_674 = tpu.memref_slice %arg10[%dma_wait3A_672, %dma_wait3A_673] : memref<10112x64xf32, #tpu.memory_space<vmem_shared>> -> memref<10112x64xf32, #tpu.memory_space<vmem_shared>>
          tpu.wait_indirect_dma semaphore(%arg19 : memref<!tpu.dma_semaphore, #tpu.memory_space<semaphore_mem>>) src(%dma_wait3A_668 : memref<64x64xf32, #tpu.memory_space<vmem>>) dst(%dma_wait3A_674 : memref<10112x64xf32, #tpu.memory_space<vmem_shared>>)
        } else {
        }
        %add3A_472 = arith.constant 4 : i32
        %add3A_473 = arith.addi %add3A_424, %add3A_472 : i32
        %lt3A_474 = arith.constant 320 : i32
        %lt3A_475 = arith.cmpi slt, %add3A_473, %lt3A_474 : i32
        %convert_element_type3A_476 = arith.extui %lt3A_475 : i1 to i32
        %cond3A_477 = arith.constant 0 : i32
        %cond3A_478 = arith.cmpi ne, %convert_element_type3A_476, %cond3A_477 : i32
        scf.if %cond3A_478 {
          %jit3A_662 = arith.constant 16 : i32
          %div3A = arith.divsi %add3A_473, %jit3A_662 : i32
          %sign3A = arith.constant 0 : i32
          %sign3A_663 = arith.cmpi sgt, %add3A_473, %sign3A : i32
          %sign3A_664 = arith.extui %sign3A_663 : i1 to i32
          %sign3A_665 = arith.constant 0 : i32
          %sign3A_666 = arith.cmpi slt, %add3A_473, %sign3A_665 : i32
          %sign3A_667 = arith.extui %sign3A_666 : i1 to i32
          %sign3A_668 = arith.subi %sign3A_664, %sign3A_667 : i32
          %sign3A_669 = arith.constant 0 : i32
          %sign3A_670 = arith.cmpi sgt, %jit3A_662, %sign3A_669 : i32
          %sign3A_671 = arith.extui %sign3A_670 : i1 to i32
          %sign3A_672 = arith.constant 0 : i32
          %sign3A_673 = arith.cmpi slt, %jit3A_662, %sign3A_672 : i32
          %sign3A_674 = arith.extui %sign3A_673 : i1 to i32
          %sign3A_675 = arith.subi %sign3A_671, %sign3A_674 : i32
          %ne3A_676 = arith.cmpi ne, %sign3A_668, %sign3A_675 : i32
          %rem3A_677 = arith.remsi %add3A_473, %jit3A_662 : i32
          %ne3A_678 = arith.constant 0 : i32
          %ne3A_679 = arith.cmpi ne, %rem3A_677, %ne3A_678 : i32
          %and3A_680 = arith.andi %ne3A_676, %ne3A_679 : i1
          %sub3A_681 = arith.constant 1 : i32
          %sub3A_682 = arith.subi %div3A, %sub3A_681 : i32
          %select_n3A_683 = arith.select %and3A_680, %sub3A_682, %div3A : i32
          %jit3A_684 = arith.constant 3 : i32
          %eq3A_685 = arith.constant 0 : i32
          %eq3A_686 = arith.cmpi eq, %jit3A_684, %eq3A_685 : i32
          %jit3A_687 = arith.constant 1 : i32
          %select_n3A_688 = arith.select %eq3A_686, %jit3A_687, %jit3A_684 : i32
          %rem3A_689 = arith.remsi %select_n3A_683, %select_n3A_688 : i32
          %ne3A_690 = arith.constant 0 : i32
          %ne3A_691 = arith.cmpi ne, %rem3A_689, %ne3A_690 : i32
          %lt3A_692 = arith.constant 0 : i32
          %lt3A_693 = arith.cmpi slt, %rem3A_689, %lt3A_692 : i32
          %lt3A_694 = arith.constant 0 : i32
          %lt3A_695 = arith.cmpi slt, %select_n3A_688, %lt3A_694 : i32
          %ne3A_696 = arith.xori %lt3A_693, %lt3A_695 : i1
          %and3A_697 = arith.andi %ne3A_696, %ne3A_691 : i1
          %add3A_698 = arith.addi %rem3A_689, %select_n3A_688 : i32
          %select_n3A_699 = arith.select %and3A_697, %add3A_698, %rem3A_689 : i32
          %jit3A_700 = arith.constant 16 : i32
          %eq3A_701 = arith.constant 0 : i32
          %eq3A_702 = arith.cmpi eq, %jit3A_700, %eq3A_701 : i32
          %jit3A_703 = arith.constant 1 : i32
          %select_n3A_704 = arith.select %eq3A_702, %jit3A_703, %jit3A_700 : i32
          %rem3A_705 = arith.remsi %add3A_473, %select_n3A_704 : i32
          %ne3A_706 = arith.constant 0 : i32
          %ne3A_707 = arith.cmpi ne, %rem3A_705, %ne3A_706 : i32
          %lt3A_708 = arith.constant 0 : i32
          %lt3A_709 = arith.cmpi slt, %rem3A_705, %lt3A_708 : i32
          %lt3A_710 = arith.constant 0 : i32
          %lt3A_711 = arith.cmpi slt, %select_n3A_704, %lt3A_710 : i32
          %ne3A_712 = arith.xori %lt3A_709, %lt3A_711 : i1
          %and3A_713 = arith.andi %ne3A_712, %ne3A_707 : i1
          %add3A_714 = arith.addi %rem3A_705, %select_n3A_704 : i32
          %select_n3A_715 = arith.select %and3A_713, %add3A_714, %rem3A_705 : i32
          %dma_start3A_716 = arith.constant 0 : i32
          %dma_start3A_717 = arith.constant 0 : i32
          %dma_start3A_718 = arith.constant 0 : i32
          %dma_start3A_719 = tpu.memref_slice %arg8[%dma_start3A_716, %dma_start3A_717, %dma_start3A_718] : memref<8x64x64xf32, #tpu.memory_space<vmem>> -> memref<1x64x64xf32, #tpu.memory_space<vmem>>
          %dma_start3A_720 = tpu.memref_squeeze %dma_start3A_719 : memref<1x64x64xf32, #tpu.memory_space<vmem>> -> memref<64x64xf32, #tpu.memory_space<vmem>>
          %dma_start3A_721 = arith.constant 0 : i32
          %dma_start3A_722 = tpu.memref_slice %arg6[%select_n3A_699, %select_n3A_715, %dma_start3A_721] : memref<3x16x64xi32, #tpu.memory_space<vmem>> -> memref<1x1x64xi32, #tpu.memory_space<vmem>>
          %dma_start3A_723 = tpu.memref_squeeze %dma_start3A_722 : memref<1x1x64xi32, #tpu.memory_space<vmem>> -> memref<64xi32, #tpu.memory_space<vmem>>
          %dma_start3A_724 = arith.constant 0 : i32
          %dma_start3A_725 = arith.constant 0 : i32
          %dma_start3A_726 = tpu.memref_slice %arg9[%dma_start3A_724, %dma_start3A_725] : memref<10112x64xf32, #tpu.memory_space<vmem_shared>> -> memref<10112x64xf32, #tpu.memory_space<vmem_shared>>
          tpu.enqueue_indirect_dma source(%dma_start3A_726 : memref<10112x64xf32, #tpu.memory_space<vmem_shared>>) target(%dma_start3A_720 : memref<64x64xf32, #tpu.memory_space<vmem>>) offsets(%dma_start3A_723 : memref<64xi32, #tpu.memory_space<vmem>>) semaphore(%arg11 : memref<!tpu.dma_semaphore, #tpu.memory_space<semaphore_mem>>)
        } else {
        }
        %mul3A_479 = arith.constant 8 : i32
        %mul3A_480 = arith.muli %mul3A_479, %scan3A_180 : i32
        %add3A_481 = arith.constant 5 : i32
        %add3A_482 = arith.addi %mul3A_480, %add3A_481 : i32
        %mul3A_483 = arith.constant 16 : i32
        %mul3A_484 = arith.muli %scan3A_160, %mul3A_483 : i32
        %add3A_485 = arith.addi %mul3A_484, %add3A_482 : i32
        %dma_wait3A_486 = arith.constant 0 : i32
        %dma_wait3A_487 = arith.constant 0 : i32
        %dma_wait3A_488 = arith.constant 5 : i32
        %dma_wait3A_489 = arith.constant 0 : i32
        %dma_wait3A_490 = arith.constant 0 : i32
        %dma_wait3A_491 = tpu.memref_slice %arg8[%dma_wait3A_488, %dma_wait3A_489, %dma_wait3A_490] : memref<8x64x64xf32, #tpu.memory_space<vmem>> -> memref<1x64x64xf32, #tpu.memory_space<vmem>>
        %dma_wait3A_492 = tpu.memref_squeeze %dma_wait3A_491 : memref<1x64x64xf32, #tpu.memory_space<vmem>> -> memref<64x64xf32, #tpu.memory_space<vmem>>
        %dma_wait3A_493 = arith.constant 0 : i32
        %dma_wait3A_494 = tpu.memref_slice %arg6[%dma_wait3A_486, %dma_wait3A_487, %dma_wait3A_493] : memref<3x16x64xi32, #tpu.memory_space<vmem>> -> memref<1x1x64xi32, #tpu.memory_space<vmem>>
        %dma_wait3A_495 = tpu.memref_squeeze %dma_wait3A_494 : memref<1x1x64xi32, #tpu.memory_space<vmem>> -> memref<64xi32, #tpu.memory_space<vmem>>
        %dma_wait3A_496 = arith.constant 0 : i32
        %dma_wait3A_497 = arith.constant 0 : i32
        %dma_wait3A_498 = tpu.memref_slice %arg9[%dma_wait3A_496, %dma_wait3A_497] : memref<10112x64xf32, #tpu.memory_space<vmem_shared>> -> memref<10112x64xf32, #tpu.memory_space<vmem_shared>>
        tpu.wait_indirect_dma semaphore(%arg16 : memref<!tpu.dma_semaphore, #tpu.memory_space<semaphore_mem>>) src(%dma_wait3A_498 : memref<10112x64xf32, #tpu.memory_space<vmem_shared>>) dst(%dma_wait3A_492 : memref<64x64xf32, #tpu.memory_space<vmem>>)
        %jit3A_499 = arith.constant 3 : i32
        %eq3A_500 = arith.constant 0 : i32
        %eq3A_501 = arith.cmpi eq, %jit3A_499, %eq3A_500 : i32
        %jit3A_502 = arith.constant 1 : i32
        %select_n3A_503 = arith.select %eq3A_501, %jit3A_502, %jit3A_499 : i32
        %rem3A_504 = arith.remsi %scan3A_160, %select_n3A_503 : i32
        %ne3A_505 = arith.constant 0 : i32
        %ne3A_506 = arith.cmpi ne, %rem3A_504, %ne3A_505 : i32
        %lt3A_507 = arith.constant 0 : i32
        %lt3A_508 = arith.cmpi slt, %rem3A_504, %lt3A_507 : i32
        %lt3A_509 = arith.constant 0 : i32
        %lt3A_510 = arith.cmpi slt, %select_n3A_503, %lt3A_509 : i32
        %ne3A_511 = arith.xori %lt3A_508, %lt3A_510 : i1
        %and3A_512 = arith.andi %ne3A_511, %ne3A_506 : i1
        %add3A_513 = arith.addi %rem3A_504, %select_n3A_503 : i32
        %select_n3A_514 = arith.select %and3A_512, %add3A_513, %rem3A_504 : i32
        %dma_start3A_515 = arith.constant 5 : i32
        %dma_start3A_516 = arith.constant 0 : i32
        %dma_start3A_517 = arith.constant 0 : i32
        %dma_start3A_518 = tpu.memref_slice %arg8[%dma_start3A_515, %dma_start3A_516, %dma_start3A_517] : memref<8x64x64xf32, #tpu.memory_space<vmem>> -> memref<1x64x64xf32, #tpu.memory_space<vmem>>
        %dma_start3A_519 = tpu.memref_squeeze %dma_start3A_518 : memref<1x64x64xf32, #tpu.memory_space<vmem>> -> memref<64x64xf32, #tpu.memory_space<vmem>>
        %dma_start3A_520 = arith.constant 0 : i32
        %dma_start3A_521 = tpu.memref_slice %arg7[%select_n3A_514, %add3A_482, %dma_start3A_520] : memref<3x16x64xi32, #tpu.memory_space<vmem>> -> memref<1x1x64xi32, #tpu.memory_space<vmem>>
        %dma_start3A_522 = tpu.memref_squeeze %dma_start3A_521 : memref<1x1x64xi32, #tpu.memory_space<vmem>> -> memref<64xi32, #tpu.memory_space<vmem>>
        %dma_start3A_523 = arith.constant 0 : i32
        %dma_start3A_524 = arith.constant 0 : i32
        %dma_start3A_525 = tpu.memref_slice %arg10[%dma_start3A_523, %dma_start3A_524] : memref<10112x64xf32, #tpu.memory_space<vmem_shared>> -> memref<10112x64xf32, #tpu.memory_space<vmem_shared>>
        tpu.enqueue_indirect_dma source(%dma_start3A_519 : memref<64x64xf32, #tpu.memory_space<vmem>>) target(%dma_start3A_525 : memref<10112x64xf32, #tpu.memory_space<vmem_shared>>) offsets(%dma_start3A_522 : memref<64xi32, #tpu.memory_space<vmem>>) semaphore(%arg24 : memref<!tpu.dma_semaphore, #tpu.memory_space<semaphore_mem>>) {add = true}
        %sub3A_526 = arith.constant 4 : i32
        %sub3A_527 = arith.subi %add3A_485, %sub3A_526 : i32
        %ge3A_528 = arith.constant 0 : i32
        %ge3A_529 = arith.cmpi sge, %sub3A_527, %ge3A_528 : i32
        %convert_element_type3A_530 = arith.extui %ge3A_529 : i1 to i32
        %cond3A_531 = arith.constant 0 : i32
        %cond3A_532 = arith.cmpi ne, %convert_element_type3A_530, %cond3A_531 : i32
        scf.if %cond3A_532 {
          %dma_wait3A_662 = arith.constant 1 : i32
          %dma_wait3A_663 = arith.constant 0 : i32
          %dma_wait3A_664 = arith.constant 0 : i32
          %dma_wait3A_665 = arith.constant 0 : i32
          %dma_wait3A_666 = arith.constant 0 : i32
          %dma_wait3A_667 = tpu.memref_slice %arg8[%dma_wait3A_662, %dma_wait3A_665, %dma_wait3A_666] : memref<8x64x64xf32, #tpu.memory_space<vmem>> -> memref<1x64x64xf32, #tpu.memory_space<vmem>>
          %dma_wait3A_668 = tpu.memref_squeeze %dma_wait3A_667 : memref<1x64x64xf32, #tpu.memory_space<vmem>> -> memref<64x64xf32, #tpu.memory_space<vmem>>
          %dma_wait3A_669 = arith.constant 0 : i32
          %dma_wait3A_670 = tpu.memref_slice %arg7[%dma_wait3A_663, %dma_wait3A_664, %dma_wait3A_669] : memref<3x16x64xi32, #tpu.memory_space<vmem>> -> memref<1x1x64xi32, #tpu.memory_space<vmem>>
          %dma_wait3A_671 = tpu.memref_squeeze %dma_wait3A_670 : memref<1x1x64xi32, #tpu.memory_space<vmem>> -> memref<64xi32, #tpu.memory_space<vmem>>
          %dma_wait3A_672 = arith.constant 0 : i32
          %dma_wait3A_673 = arith.constant 0 : i32
          %dma_wait3A_674 = tpu.memref_slice %arg10[%dma_wait3A_672, %dma_wait3A_673] : memref<10112x64xf32, #tpu.memory_space<vmem_shared>> -> memref<10112x64xf32, #tpu.memory_space<vmem_shared>>
          tpu.wait_indirect_dma semaphore(%arg20 : memref<!tpu.dma_semaphore, #tpu.memory_space<semaphore_mem>>) src(%dma_wait3A_668 : memref<64x64xf32, #tpu.memory_space<vmem>>) dst(%dma_wait3A_674 : memref<10112x64xf32, #tpu.memory_space<vmem_shared>>)
        } else {
        }
        %add3A_533 = arith.constant 4 : i32
        %add3A_534 = arith.addi %add3A_485, %add3A_533 : i32
        %lt3A_535 = arith.constant 320 : i32
        %lt3A_536 = arith.cmpi slt, %add3A_534, %lt3A_535 : i32
        %convert_element_type3A_537 = arith.extui %lt3A_536 : i1 to i32
        %cond3A_538 = arith.constant 0 : i32
        %cond3A_539 = arith.cmpi ne, %convert_element_type3A_537, %cond3A_538 : i32
        scf.if %cond3A_539 {
          %jit3A_662 = arith.constant 16 : i32
          %div3A = arith.divsi %add3A_534, %jit3A_662 : i32
          %sign3A = arith.constant 0 : i32
          %sign3A_663 = arith.cmpi sgt, %add3A_534, %sign3A : i32
          %sign3A_664 = arith.extui %sign3A_663 : i1 to i32
          %sign3A_665 = arith.constant 0 : i32
          %sign3A_666 = arith.cmpi slt, %add3A_534, %sign3A_665 : i32
          %sign3A_667 = arith.extui %sign3A_666 : i1 to i32
          %sign3A_668 = arith.subi %sign3A_664, %sign3A_667 : i32
          %sign3A_669 = arith.constant 0 : i32
          %sign3A_670 = arith.cmpi sgt, %jit3A_662, %sign3A_669 : i32
          %sign3A_671 = arith.extui %sign3A_670 : i1 to i32
          %sign3A_672 = arith.constant 0 : i32
          %sign3A_673 = arith.cmpi slt, %jit3A_662, %sign3A_672 : i32
          %sign3A_674 = arith.extui %sign3A_673 : i1 to i32
          %sign3A_675 = arith.subi %sign3A_671, %sign3A_674 : i32
          %ne3A_676 = arith.cmpi ne, %sign3A_668, %sign3A_675 : i32
          %rem3A_677 = arith.remsi %add3A_534, %jit3A_662 : i32
          %ne3A_678 = arith.constant 0 : i32
          %ne3A_679 = arith.cmpi ne, %rem3A_677, %ne3A_678 : i32
          %and3A_680 = arith.andi %ne3A_676, %ne3A_679 : i1
          %sub3A_681 = arith.constant 1 : i32
          %sub3A_682 = arith.subi %div3A, %sub3A_681 : i32
          %select_n3A_683 = arith.select %and3A_680, %sub3A_682, %div3A : i32
          %jit3A_684 = arith.constant 3 : i32
          %eq3A_685 = arith.constant 0 : i32
          %eq3A_686 = arith.cmpi eq, %jit3A_684, %eq3A_685 : i32
          %jit3A_687 = arith.constant 1 : i32
          %select_n3A_688 = arith.select %eq3A_686, %jit3A_687, %jit3A_684 : i32
          %rem3A_689 = arith.remsi %select_n3A_683, %select_n3A_688 : i32
          %ne3A_690 = arith.constant 0 : i32
          %ne3A_691 = arith.cmpi ne, %rem3A_689, %ne3A_690 : i32
          %lt3A_692 = arith.constant 0 : i32
          %lt3A_693 = arith.cmpi slt, %rem3A_689, %lt3A_692 : i32
          %lt3A_694 = arith.constant 0 : i32
          %lt3A_695 = arith.cmpi slt, %select_n3A_688, %lt3A_694 : i32
          %ne3A_696 = arith.xori %lt3A_693, %lt3A_695 : i1
          %and3A_697 = arith.andi %ne3A_696, %ne3A_691 : i1
          %add3A_698 = arith.addi %rem3A_689, %select_n3A_688 : i32
          %select_n3A_699 = arith.select %and3A_697, %add3A_698, %rem3A_689 : i32
          %jit3A_700 = arith.constant 16 : i32
          %eq3A_701 = arith.constant 0 : i32
          %eq3A_702 = arith.cmpi eq, %jit3A_700, %eq3A_701 : i32
          %jit3A_703 = arith.constant 1 : i32
          %select_n3A_704 = arith.select %eq3A_702, %jit3A_703, %jit3A_700 : i32
          %rem3A_705 = arith.remsi %add3A_534, %select_n3A_704 : i32
          %ne3A_706 = arith.constant 0 : i32
          %ne3A_707 = arith.cmpi ne, %rem3A_705, %ne3A_706 : i32
          %lt3A_708 = arith.constant 0 : i32
          %lt3A_709 = arith.cmpi slt, %rem3A_705, %lt3A_708 : i32
          %lt3A_710 = arith.constant 0 : i32
          %lt3A_711 = arith.cmpi slt, %select_n3A_704, %lt3A_710 : i32
          %ne3A_712 = arith.xori %lt3A_709, %lt3A_711 : i1
          %and3A_713 = arith.andi %ne3A_712, %ne3A_707 : i1
          %add3A_714 = arith.addi %rem3A_705, %select_n3A_704 : i32
          %select_n3A_715 = arith.select %and3A_713, %add3A_714, %rem3A_705 : i32
          %dma_start3A_716 = arith.constant 1 : i32
          %dma_start3A_717 = arith.constant 0 : i32
          %dma_start3A_718 = arith.constant 0 : i32
          %dma_start3A_719 = tpu.memref_slice %arg8[%dma_start3A_716, %dma_start3A_717, %dma_start3A_718] : memref<8x64x64xf32, #tpu.memory_space<vmem>> -> memref<1x64x64xf32, #tpu.memory_space<vmem>>
          %dma_start3A_720 = tpu.memref_squeeze %dma_start3A_719 : memref<1x64x64xf32, #tpu.memory_space<vmem>> -> memref<64x64xf32, #tpu.memory_space<vmem>>
          %dma_start3A_721 = arith.constant 0 : i32
          %dma_start3A_722 = tpu.memref_slice %arg6[%select_n3A_699, %select_n3A_715, %dma_start3A_721] : memref<3x16x64xi32, #tpu.memory_space<vmem>> -> memref<1x1x64xi32, #tpu.memory_space<vmem>>
          %dma_start3A_723 = tpu.memref_squeeze %dma_start3A_722 : memref<1x1x64xi32, #tpu.memory_space<vmem>> -> memref<64xi32, #tpu.memory_space<vmem>>
          %dma_start3A_724 = arith.constant 0 : i32
          %dma_start3A_725 = arith.constant 0 : i32
          %dma_start3A_726 = tpu.memref_slice %arg9[%dma_start3A_724, %dma_start3A_725] : memref<10112x64xf32, #tpu.memory_space<vmem_shared>> -> memref<10112x64xf32, #tpu.memory_space<vmem_shared>>
          tpu.enqueue_indirect_dma source(%dma_start3A_726 : memref<10112x64xf32, #tpu.memory_space<vmem_shared>>) target(%dma_start3A_720 : memref<64x64xf32, #tpu.memory_space<vmem>>) offsets(%dma_start3A_723 : memref<64xi32, #tpu.memory_space<vmem>>) semaphore(%arg12 : memref<!tpu.dma_semaphore, #tpu.memory_space<semaphore_mem>>)
        } else {
        }
        %mul3A_540 = arith.constant 8 : i32
        %mul3A_541 = arith.muli %mul3A_540, %scan3A_180 : i32
        %add3A_542 = arith.constant 6 : i32
        %add3A_543 = arith.addi %mul3A_541, %add3A_542 : i32
        %mul3A_544 = arith.constant 16 : i32
        %mul3A_545 = arith.muli %scan3A_160, %mul3A_544 : i32
        %add3A_546 = arith.addi %mul3A_545, %add3A_543 : i32
        %dma_wait3A_547 = arith.constant 0 : i32
        %dma_wait3A_548 = arith.constant 0 : i32
        %dma_wait3A_549 = arith.constant 6 : i32
        %dma_wait3A_550 = arith.constant 0 : i32
        %dma_wait3A_551 = arith.constant 0 : i32
        %dma_wait3A_552 = tpu.memref_slice %arg8[%dma_wait3A_549, %dma_wait3A_550, %dma_wait3A_551] : memref<8x64x64xf32, #tpu.memory_space<vmem>> -> memref<1x64x64xf32, #tpu.memory_space<vmem>>
        %dma_wait3A_553 = tpu.memref_squeeze %dma_wait3A_552 : memref<1x64x64xf32, #tpu.memory_space<vmem>> -> memref<64x64xf32, #tpu.memory_space<vmem>>
        %dma_wait3A_554 = arith.constant 0 : i32
        %dma_wait3A_555 = tpu.memref_slice %arg6[%dma_wait3A_547, %dma_wait3A_548, %dma_wait3A_554] : memref<3x16x64xi32, #tpu.memory_space<vmem>> -> memref<1x1x64xi32, #tpu.memory_space<vmem>>
        %dma_wait3A_556 = tpu.memref_squeeze %dma_wait3A_555 : memref<1x1x64xi32, #tpu.memory_space<vmem>> -> memref<64xi32, #tpu.memory_space<vmem>>
        %dma_wait3A_557 = arith.constant 0 : i32
        %dma_wait3A_558 = arith.constant 0 : i32
        %dma_wait3A_559 = tpu.memref_slice %arg9[%dma_wait3A_557, %dma_wait3A_558] : memref<10112x64xf32, #tpu.memory_space<vmem_shared>> -> memref<10112x64xf32, #tpu.memory_space<vmem_shared>>
        tpu.wait_indirect_dma semaphore(%arg17 : memref<!tpu.dma_semaphore, #tpu.memory_space<semaphore_mem>>) src(%dma_wait3A_559 : memref<10112x64xf32, #tpu.memory_space<vmem_shared>>) dst(%dma_wait3A_553 : memref<64x64xf32, #tpu.memory_space<vmem>>)
        %jit3A_560 = arith.constant 3 : i32
        %eq3A_561 = arith.constant 0 : i32
        %eq3A_562 = arith.cmpi eq, %jit3A_560, %eq3A_561 : i32
        %jit3A_563 = arith.constant 1 : i32
        %select_n3A_564 = arith.select %eq3A_562, %jit3A_563, %jit3A_560 : i32
        %rem3A_565 = arith.remsi %scan3A_160, %select_n3A_564 : i32
        %ne3A_566 = arith.constant 0 : i32
        %ne3A_567 = arith.cmpi ne, %rem3A_565, %ne3A_566 : i32
        %lt3A_568 = arith.constant 0 : i32
        %lt3A_569 = arith.cmpi slt, %rem3A_565, %lt3A_568 : i32
        %lt3A_570 = arith.constant 0 : i32
        %lt3A_571 = arith.cmpi slt, %select_n3A_564, %lt3A_570 : i32
        %ne3A_572 = arith.xori %lt3A_569, %lt3A_571 : i1
        %and3A_573 = arith.andi %ne3A_572, %ne3A_567 : i1
        %add3A_574 = arith.addi %rem3A_565, %select_n3A_564 : i32
        %select_n3A_575 = arith.select %and3A_573, %add3A_574, %rem3A_565 : i32
        %dma_start3A_576 = arith.constant 6 : i32
        %dma_start3A_577 = arith.constant 0 : i32
        %dma_start3A_578 = arith.constant 0 : i32
        %dma_start3A_579 = tpu.memref_slice %arg8[%dma_start3A_576, %dma_start3A_577, %dma_start3A_578] : memref<8x64x64xf32, #tpu.memory_space<vmem>> -> memref<1x64x64xf32, #tpu.memory_space<vmem>>
        %dma_start3A_580 = tpu.memref_squeeze %dma_start3A_579 : memref<1x64x64xf32, #tpu.memory_space<vmem>> -> memref<64x64xf32, #tpu.memory_space<vmem>>
        %dma_start3A_581 = arith.constant 0 : i32
        %dma_start3A_582 = tpu.memref_slice %arg7[%select_n3A_575, %add3A_543, %dma_start3A_581] : memref<3x16x64xi32, #tpu.memory_space<vmem>> -> memref<1x1x64xi32, #tpu.memory_space<vmem>>
        %dma_start3A_583 = tpu.memref_squeeze %dma_start3A_582 : memref<1x1x64xi32, #tpu.memory_space<vmem>> -> memref<64xi32, #tpu.memory_space<vmem>>
        %dma_start3A_584 = arith.constant 0 : i32
        %dma_start3A_585 = arith.constant 0 : i32
        %dma_start3A_586 = tpu.memref_slice %arg10[%dma_start3A_584, %dma_start3A_585] : memref<10112x64xf32, #tpu.memory_space<vmem_shared>> -> memref<10112x64xf32, #tpu.memory_space<vmem_shared>>
        tpu.enqueue_indirect_dma source(%dma_start3A_580 : memref<64x64xf32, #tpu.memory_space<vmem>>) target(%dma_start3A_586 : memref<10112x64xf32, #tpu.memory_space<vmem_shared>>) offsets(%dma_start3A_583 : memref<64xi32, #tpu.memory_space<vmem>>) semaphore(%arg25 : memref<!tpu.dma_semaphore, #tpu.memory_space<semaphore_mem>>) {add = true}
        %sub3A_587 = arith.constant 4 : i32
        %sub3A_588 = arith.subi %add3A_546, %sub3A_587 : i32
        %ge3A_589 = arith.constant 0 : i32
        %ge3A_590 = arith.cmpi sge, %sub3A_588, %ge3A_589 : i32
        %convert_element_type3A_591 = arith.extui %ge3A_590 : i1 to i32
        %cond3A_592 = arith.constant 0 : i32
        %cond3A_593 = arith.cmpi ne, %convert_element_type3A_591, %cond3A_592 : i32
        scf.if %cond3A_593 {
          %dma_wait3A_662 = arith.constant 2 : i32
          %dma_wait3A_663 = arith.constant 0 : i32
          %dma_wait3A_664 = arith.constant 0 : i32
          %dma_wait3A_665 = arith.constant 0 : i32
          %dma_wait3A_666 = arith.constant 0 : i32
          %dma_wait3A_667 = tpu.memref_slice %arg8[%dma_wait3A_662, %dma_wait3A_665, %dma_wait3A_666] : memref<8x64x64xf32, #tpu.memory_space<vmem>> -> memref<1x64x64xf32, #tpu.memory_space<vmem>>
          %dma_wait3A_668 = tpu.memref_squeeze %dma_wait3A_667 : memref<1x64x64xf32, #tpu.memory_space<vmem>> -> memref<64x64xf32, #tpu.memory_space<vmem>>
          %dma_wait3A_669 = arith.constant 0 : i32
          %dma_wait3A_670 = tpu.memref_slice %arg7[%dma_wait3A_663, %dma_wait3A_664, %dma_wait3A_669] : memref<3x16x64xi32, #tpu.memory_space<vmem>> -> memref<1x1x64xi32, #tpu.memory_space<vmem>>
          %dma_wait3A_671 = tpu.memref_squeeze %dma_wait3A_670 : memref<1x1x64xi32, #tpu.memory_space<vmem>> -> memref<64xi32, #tpu.memory_space<vmem>>
          %dma_wait3A_672 = arith.constant 0 : i32
          %dma_wait3A_673 = arith.constant 0 : i32
          %dma_wait3A_674 = tpu.memref_slice %arg10[%dma_wait3A_672, %dma_wait3A_673] : memref<10112x64xf32, #tpu.memory_space<vmem_shared>> -> memref<10112x64xf32, #tpu.memory_space<vmem_shared>>
          tpu.wait_indirect_dma semaphore(%arg21 : memref<!tpu.dma_semaphore, #tpu.memory_space<semaphore_mem>>) src(%dma_wait3A_668 : memref<64x64xf32, #tpu.memory_space<vmem>>) dst(%dma_wait3A_674 : memref<10112x64xf32, #tpu.memory_space<vmem_shared>>)
        } else {
        }
        %add3A_594 = arith.constant 4 : i32
        %add3A_595 = arith.addi %add3A_546, %add3A_594 : i32
        %lt3A_596 = arith.constant 320 : i32
        %lt3A_597 = arith.cmpi slt, %add3A_595, %lt3A_596 : i32
        %convert_element_type3A_598 = arith.extui %lt3A_597 : i1 to i32
        %cond3A_599 = arith.constant 0 : i32
        %cond3A_600 = arith.cmpi ne, %convert_element_type3A_598, %cond3A_599 : i32
        scf.if %cond3A_600 {
          %jit3A_662 = arith.constant 16 : i32
          %div3A = arith.divsi %add3A_595, %jit3A_662 : i32
          %sign3A = arith.constant 0 : i32
          %sign3A_663 = arith.cmpi sgt, %add3A_595, %sign3A : i32
          %sign3A_664 = arith.extui %sign3A_663 : i1 to i32
          %sign3A_665 = arith.constant 0 : i32
          %sign3A_666 = arith.cmpi slt, %add3A_595, %sign3A_665 : i32
          %sign3A_667 = arith.extui %sign3A_666 : i1 to i32
          %sign3A_668 = arith.subi %sign3A_664, %sign3A_667 : i32
          %sign3A_669 = arith.constant 0 : i32
          %sign3A_670 = arith.cmpi sgt, %jit3A_662, %sign3A_669 : i32
          %sign3A_671 = arith.extui %sign3A_670 : i1 to i32
          %sign3A_672 = arith.constant 0 : i32
          %sign3A_673 = arith.cmpi slt, %jit3A_662, %sign3A_672 : i32
          %sign3A_674 = arith.extui %sign3A_673 : i1 to i32
          %sign3A_675 = arith.subi %sign3A_671, %sign3A_674 : i32
          %ne3A_676 = arith.cmpi ne, %sign3A_668, %sign3A_675 : i32
          %rem3A_677 = arith.remsi %add3A_595, %jit3A_662 : i32
          %ne3A_678 = arith.constant 0 : i32
          %ne3A_679 = arith.cmpi ne, %rem3A_677, %ne3A_678 : i32
          %and3A_680 = arith.andi %ne3A_676, %ne3A_679 : i1
          %sub3A_681 = arith.constant 1 : i32
          %sub3A_682 = arith.subi %div3A, %sub3A_681 : i32
          %select_n3A_683 = arith.select %and3A_680, %sub3A_682, %div3A : i32
          %jit3A_684 = arith.constant 3 : i32
          %eq3A_685 = arith.constant 0 : i32
          %eq3A_686 = arith.cmpi eq, %jit3A_684, %eq3A_685 : i32
          %jit3A_687 = arith.constant 1 : i32
          %select_n3A_688 = arith.select %eq3A_686, %jit3A_687, %jit3A_684 : i32
          %rem3A_689 = arith.remsi %select_n3A_683, %select_n3A_688 : i32
          %ne3A_690 = arith.constant 0 : i32
          %ne3A_691 = arith.cmpi ne, %rem3A_689, %ne3A_690 : i32
          %lt3A_692 = arith.constant 0 : i32
          %lt3A_693 = arith.cmpi slt, %rem3A_689, %lt3A_692 : i32
          %lt3A_694 = arith.constant 0 : i32
          %lt3A_695 = arith.cmpi slt, %select_n3A_688, %lt3A_694 : i32
          %ne3A_696 = arith.xori %lt3A_693, %lt3A_695 : i1
          %and3A_697 = arith.andi %ne3A_696, %ne3A_691 : i1
          %add3A_698 = arith.addi %rem3A_689, %select_n3A_688 : i32
          %select_n3A_699 = arith.select %and3A_697, %add3A_698, %rem3A_689 : i32
          %jit3A_700 = arith.constant 16 : i32
          %eq3A_701 = arith.constant 0 : i32
          %eq3A_702 = arith.cmpi eq, %jit3A_700, %eq3A_701 : i32
          %jit3A_703 = arith.constant 1 : i32
          %select_n3A_704 = arith.select %eq3A_702, %jit3A_703, %jit3A_700 : i32
          %rem3A_705 = arith.remsi %add3A_595, %select_n3A_704 : i32
          %ne3A_706 = arith.constant 0 : i32
          %ne3A_707 = arith.cmpi ne, %rem3A_705, %ne3A_706 : i32
          %lt3A_708 = arith.constant 0 : i32
          %lt3A_709 = arith.cmpi slt, %rem3A_705, %lt3A_708 : i32
          %lt3A_710 = arith.constant 0 : i32
          %lt3A_711 = arith.cmpi slt, %select_n3A_704, %lt3A_710 : i32
          %ne3A_712 = arith.xori %lt3A_709, %lt3A_711 : i1
          %and3A_713 = arith.andi %ne3A_712, %ne3A_707 : i1
          %add3A_714 = arith.addi %rem3A_705, %select_n3A_704 : i32
          %select_n3A_715 = arith.select %and3A_713, %add3A_714, %rem3A_705 : i32
          %dma_start3A_716 = arith.constant 2 : i32
          %dma_start3A_717 = arith.constant 0 : i32
          %dma_start3A_718 = arith.constant 0 : i32
          %dma_start3A_719 = tpu.memref_slice %arg8[%dma_start3A_716, %dma_start3A_717, %dma_start3A_718] : memref<8x64x64xf32, #tpu.memory_space<vmem>> -> memref<1x64x64xf32, #tpu.memory_space<vmem>>
          %dma_start3A_720 = tpu.memref_squeeze %dma_start3A_719 : memref<1x64x64xf32, #tpu.memory_space<vmem>> -> memref<64x64xf32, #tpu.memory_space<vmem>>
          %dma_start3A_721 = arith.constant 0 : i32
          %dma_start3A_722 = tpu.memref_slice %arg6[%select_n3A_699, %select_n3A_715, %dma_start3A_721] : memref<3x16x64xi32, #tpu.memory_space<vmem>> -> memref<1x1x64xi32, #tpu.memory_space<vmem>>
          %dma_start3A_723 = tpu.memref_squeeze %dma_start3A_722 : memref<1x1x64xi32, #tpu.memory_space<vmem>> -> memref<64xi32, #tpu.memory_space<vmem>>
          %dma_start3A_724 = arith.constant 0 : i32
          %dma_start3A_725 = arith.constant 0 : i32
          %dma_start3A_726 = tpu.memref_slice %arg9[%dma_start3A_724, %dma_start3A_725] : memref<10112x64xf32, #tpu.memory_space<vmem_shared>> -> memref<10112x64xf32, #tpu.memory_space<vmem_shared>>
          tpu.enqueue_indirect_dma source(%dma_start3A_726 : memref<10112x64xf32, #tpu.memory_space<vmem_shared>>) target(%dma_start3A_720 : memref<64x64xf32, #tpu.memory_space<vmem>>) offsets(%dma_start3A_723 : memref<64xi32, #tpu.memory_space<vmem>>) semaphore(%arg13 : memref<!tpu.dma_semaphore, #tpu.memory_space<semaphore_mem>>)
        } else {
        }
        %mul3A_601 = arith.constant 8 : i32
        %mul3A_602 = arith.muli %mul3A_601, %scan3A_180 : i32
        %add3A_603 = arith.constant 7 : i32
        %add3A_604 = arith.addi %mul3A_602, %add3A_603 : i32
        %mul3A_605 = arith.constant 16 : i32
        %mul3A_606 = arith.muli %scan3A_160, %mul3A_605 : i32
        %add3A_607 = arith.addi %mul3A_606, %add3A_604 : i32
        %dma_wait3A_608 = arith.constant 0 : i32
        %dma_wait3A_609 = arith.constant 0 : i32
        %dma_wait3A_610 = arith.constant 7 : i32
        %dma_wait3A_611 = arith.constant 0 : i32
        %dma_wait3A_612 = arith.constant 0 : i32
        %dma_wait3A_613 = tpu.memref_slice %arg8[%dma_wait3A_610, %dma_wait3A_611, %dma_wait3A_612] : memref<8x64x64xf32, #tpu.memory_space<vmem>> -> memref<1x64x64xf32, #tpu.memory_space<vmem>>
        %dma_wait3A_614 = tpu.memref_squeeze %dma_wait3A_613 : memref<1x64x64xf32, #tpu.memory_space<vmem>> -> memref<64x64xf32, #tpu.memory_space<vmem>>
        %dma_wait3A_615 = arith.constant 0 : i32
        %dma_wait3A_616 = tpu.memref_slice %arg6[%dma_wait3A_608, %dma_wait3A_609, %dma_wait3A_615] : memref<3x16x64xi32, #tpu.memory_space<vmem>> -> memref<1x1x64xi32, #tpu.memory_space<vmem>>
        %dma_wait3A_617 = tpu.memref_squeeze %dma_wait3A_616 : memref<1x1x64xi32, #tpu.memory_space<vmem>> -> memref<64xi32, #tpu.memory_space<vmem>>
        %dma_wait3A_618 = arith.constant 0 : i32
        %dma_wait3A_619 = arith.constant 0 : i32
        %dma_wait3A_620 = tpu.memref_slice %arg9[%dma_wait3A_618, %dma_wait3A_619] : memref<10112x64xf32, #tpu.memory_space<vmem_shared>> -> memref<10112x64xf32, #tpu.memory_space<vmem_shared>>
        tpu.wait_indirect_dma semaphore(%arg18 : memref<!tpu.dma_semaphore, #tpu.memory_space<semaphore_mem>>) src(%dma_wait3A_620 : memref<10112x64xf32, #tpu.memory_space<vmem_shared>>) dst(%dma_wait3A_614 : memref<64x64xf32, #tpu.memory_space<vmem>>)
        %jit3A_621 = arith.constant 3 : i32
        %eq3A_622 = arith.constant 0 : i32
        %eq3A_623 = arith.cmpi eq, %jit3A_621, %eq3A_622 : i32
        %jit3A_624 = arith.constant 1 : i32
        %select_n3A_625 = arith.select %eq3A_623, %jit3A_624, %jit3A_621 : i32
        %rem3A_626 = arith.remsi %scan3A_160, %select_n3A_625 : i32
        %ne3A_627 = arith.constant 0 : i32
        %ne3A_628 = arith.cmpi ne, %rem3A_626, %ne3A_627 : i32
        %lt3A_629 = arith.constant 0 : i32
        %lt3A_630 = arith.cmpi slt, %rem3A_626, %lt3A_629 : i32
        %lt3A_631 = arith.constant 0 : i32
        %lt3A_632 = arith.cmpi slt, %select_n3A_625, %lt3A_631 : i32
        %ne3A_633 = arith.xori %lt3A_630, %lt3A_632 : i1
        %and3A_634 = arith.andi %ne3A_633, %ne3A_628 : i1
        %add3A_635 = arith.addi %rem3A_626, %select_n3A_625 : i32
        %select_n3A_636 = arith.select %and3A_634, %add3A_635, %rem3A_626 : i32
        %dma_start3A_637 = arith.constant 7 : i32
        %dma_start3A_638 = arith.constant 0 : i32
        %dma_start3A_639 = arith.constant 0 : i32
        %dma_start3A_640 = tpu.memref_slice %arg8[%dma_start3A_637, %dma_start3A_638, %dma_start3A_639] : memref<8x64x64xf32, #tpu.memory_space<vmem>> -> memref<1x64x64xf32, #tpu.memory_space<vmem>>
        %dma_start3A_641 = tpu.memref_squeeze %dma_start3A_640 : memref<1x64x64xf32, #tpu.memory_space<vmem>> -> memref<64x64xf32, #tpu.memory_space<vmem>>
        %dma_start3A_642 = arith.constant 0 : i32
        %dma_start3A_643 = tpu.memref_slice %arg7[%select_n3A_636, %add3A_604, %dma_start3A_642] : memref<3x16x64xi32, #tpu.memory_space<vmem>> -> memref<1x1x64xi32, #tpu.memory_space<vmem>>
        %dma_start3A_644 = tpu.memref_squeeze %dma_start3A_643 : memref<1x1x64xi32, #tpu.memory_space<vmem>> -> memref<64xi32, #tpu.memory_space<vmem>>
        %dma_start3A_645 = arith.constant 0 : i32
        %dma_start3A_646 = arith.constant 0 : i32
        %dma_start3A_647 = tpu.memref_slice %arg10[%dma_start3A_645, %dma_start3A_646] : memref<10112x64xf32, #tpu.memory_space<vmem_shared>> -> memref<10112x64xf32, #tpu.memory_space<vmem_shared>>
        tpu.enqueue_indirect_dma source(%dma_start3A_641 : memref<64x64xf32, #tpu.memory_space<vmem>>) target(%dma_start3A_647 : memref<10112x64xf32, #tpu.memory_space<vmem_shared>>) offsets(%dma_start3A_644 : memref<64xi32, #tpu.memory_space<vmem>>) semaphore(%arg26 : memref<!tpu.dma_semaphore, #tpu.memory_space<semaphore_mem>>) {add = true}
        %sub3A_648 = arith.constant 4 : i32
        %sub3A_649 = arith.subi %add3A_607, %sub3A_648 : i32
        %ge3A_650 = arith.constant 0 : i32
        %ge3A_651 = arith.cmpi sge, %sub3A_649, %ge3A_650 : i32
        %convert_element_type3A_652 = arith.extui %ge3A_651 : i1 to i32
        %cond3A_653 = arith.constant 0 : i32
        %cond3A_654 = arith.cmpi ne, %convert_element_type3A_652, %cond3A_653 : i32
        scf.if %cond3A_654 {
          %dma_wait3A_662 = arith.constant 3 : i32
          %dma_wait3A_663 = arith.constant 0 : i32
          %dma_wait3A_664 = arith.constant 0 : i32
          %dma_wait3A_665 = arith.constant 0 : i32
          %dma_wait3A_666 = arith.constant 0 : i32
          %dma_wait3A_667 = tpu.memref_slice %arg8[%dma_wait3A_662, %dma_wait3A_665, %dma_wait3A_666] : memref<8x64x64xf32, #tpu.memory_space<vmem>> -> memref<1x64x64xf32, #tpu.memory_space<vmem>>
          %dma_wait3A_668 = tpu.memref_squeeze %dma_wait3A_667 : memref<1x64x64xf32, #tpu.memory_space<vmem>> -> memref<64x64xf32, #tpu.memory_space<vmem>>
          %dma_wait3A_669 = arith.constant 0 : i32
          %dma_wait3A_670 = tpu.memref_slice %arg7[%dma_wait3A_663, %dma_wait3A_664, %dma_wait3A_669] : memref<3x16x64xi32, #tpu.memory_space<vmem>> -> memref<1x1x64xi32, #tpu.memory_space<vmem>>
          %dma_wait3A_671 = tpu.memref_squeeze %dma_wait3A_670 : memref<1x1x64xi32, #tpu.memory_space<vmem>> -> memref<64xi32, #tpu.memory_space<vmem>>
          %dma_wait3A_672 = arith.constant 0 : i32
          %dma_wait3A_673 = arith.constant 0 : i32
          %dma_wait3A_674 = tpu.memref_slice %arg10[%dma_wait3A_672, %dma_wait3A_673] : memref<10112x64xf32, #tpu.memory_space<vmem_shared>> -> memref<10112x64xf32, #tpu.memory_space<vmem_shared>>
          tpu.wait_indirect_dma semaphore(%arg22 : memref<!tpu.dma_semaphore, #tpu.memory_space<semaphore_mem>>) src(%dma_wait3A_668 : memref<64x64xf32, #tpu.memory_space<vmem>>) dst(%dma_wait3A_674 : memref<10112x64xf32, #tpu.memory_space<vmem_shared>>)
        } else {
        }
        %add3A_655 = arith.constant 4 : i32
        %add3A_656 = arith.addi %add3A_607, %add3A_655 : i32
        %lt3A_657 = arith.constant 320 : i32
        %lt3A_658 = arith.cmpi slt, %add3A_656, %lt3A_657 : i32
        %convert_element_type3A_659 = arith.extui %lt3A_658 : i1 to i32
        %cond3A_660 = arith.constant 0 : i32
        %cond3A_661 = arith.cmpi ne, %convert_element_type3A_659, %cond3A_660 : i32
        scf.if %cond3A_661 {
          %jit3A_662 = arith.constant 16 : i32
          %div3A = arith.divsi %add3A_656, %jit3A_662 : i32
          %sign3A = arith.constant 0 : i32
          %sign3A_663 = arith.cmpi sgt, %add3A_656, %sign3A : i32
          %sign3A_664 = arith.extui %sign3A_663 : i1 to i32
          %sign3A_665 = arith.constant 0 : i32
          %sign3A_666 = arith.cmpi slt, %add3A_656, %sign3A_665 : i32
          %sign3A_667 = arith.extui %sign3A_666 : i1 to i32
          %sign3A_668 = arith.subi %sign3A_664, %sign3A_667 : i32
          %sign3A_669 = arith.constant 0 : i32
          %sign3A_670 = arith.cmpi sgt, %jit3A_662, %sign3A_669 : i32
          %sign3A_671 = arith.extui %sign3A_670 : i1 to i32
          %sign3A_672 = arith.constant 0 : i32
          %sign3A_673 = arith.cmpi slt, %jit3A_662, %sign3A_672 : i32
          %sign3A_674 = arith.extui %sign3A_673 : i1 to i32
          %sign3A_675 = arith.subi %sign3A_671, %sign3A_674 : i32
          %ne3A_676 = arith.cmpi ne, %sign3A_668, %sign3A_675 : i32
          %rem3A_677 = arith.remsi %add3A_656, %jit3A_662 : i32
          %ne3A_678 = arith.constant 0 : i32
          %ne3A_679 = arith.cmpi ne, %rem3A_677, %ne3A_678 : i32
          %and3A_680 = arith.andi %ne3A_676, %ne3A_679 : i1
          %sub3A_681 = arith.constant 1 : i32
          %sub3A_682 = arith.subi %div3A, %sub3A_681 : i32
          %select_n3A_683 = arith.select %and3A_680, %sub3A_682, %div3A : i32
          %jit3A_684 = arith.constant 3 : i32
          %eq3A_685 = arith.constant 0 : i32
          %eq3A_686 = arith.cmpi eq, %jit3A_684, %eq3A_685 : i32
          %jit3A_687 = arith.constant 1 : i32
          %select_n3A_688 = arith.select %eq3A_686, %jit3A_687, %jit3A_684 : i32
          %rem3A_689 = arith.remsi %select_n3A_683, %select_n3A_688 : i32
          %ne3A_690 = arith.constant 0 : i32
          %ne3A_691 = arith.cmpi ne, %rem3A_689, %ne3A_690 : i32
          %lt3A_692 = arith.constant 0 : i32
          %lt3A_693 = arith.cmpi slt, %rem3A_689, %lt3A_692 : i32
          %lt3A_694 = arith.constant 0 : i32
          %lt3A_695 = arith.cmpi slt, %select_n3A_688, %lt3A_694 : i32
          %ne3A_696 = arith.xori %lt3A_693, %lt3A_695 : i1
          %and3A_697 = arith.andi %ne3A_696, %ne3A_691 : i1
          %add3A_698 = arith.addi %rem3A_689, %select_n3A_688 : i32
          %select_n3A_699 = arith.select %and3A_697, %add3A_698, %rem3A_689 : i32
          %jit3A_700 = arith.constant 16 : i32
          %eq3A_701 = arith.constant 0 : i32
          %eq3A_702 = arith.cmpi eq, %jit3A_700, %eq3A_701 : i32
          %jit3A_703 = arith.constant 1 : i32
          %select_n3A_704 = arith.select %eq3A_702, %jit3A_703, %jit3A_700 : i32
          %rem3A_705 = arith.remsi %add3A_656, %select_n3A_704 : i32
          %ne3A_706 = arith.constant 0 : i32
          %ne3A_707 = arith.cmpi ne, %rem3A_705, %ne3A_706 : i32
          %lt3A_708 = arith.constant 0 : i32
          %lt3A_709 = arith.cmpi slt, %rem3A_705, %lt3A_708 : i32
          %lt3A_710 = arith.constant 0 : i32
          %lt3A_711 = arith.cmpi slt, %select_n3A_704, %lt3A_710 : i32
          %ne3A_712 = arith.xori %lt3A_709, %lt3A_711 : i1
          %and3A_713 = arith.andi %ne3A_712, %ne3A_707 : i1
          %add3A_714 = arith.addi %rem3A_705, %select_n3A_704 : i32
          %select_n3A_715 = arith.select %and3A_713, %add3A_714, %rem3A_705 : i32
          %dma_start3A_716 = arith.constant 3 : i32
          %dma_start3A_717 = arith.constant 0 : i32
          %dma_start3A_718 = arith.constant 0 : i32
          %dma_start3A_719 = tpu.memref_slice %arg8[%dma_start3A_716, %dma_start3A_717, %dma_start3A_718] : memref<8x64x64xf32, #tpu.memory_space<vmem>> -> memref<1x64x64xf32, #tpu.memory_space<vmem>>
          %dma_start3A_720 = tpu.memref_squeeze %dma_start3A_719 : memref<1x64x64xf32, #tpu.memory_space<vmem>> -> memref<64x64xf32, #tpu.memory_space<vmem>>
          %dma_start3A_721 = arith.constant 0 : i32
          %dma_start3A_722 = tpu.memref_slice %arg6[%select_n3A_699, %select_n3A_715, %dma_start3A_721] : memref<3x16x64xi32, #tpu.memory_space<vmem>> -> memref<1x1x64xi32, #tpu.memory_space<vmem>>
          %dma_start3A_723 = tpu.memref_squeeze %dma_start3A_722 : memref<1x1x64xi32, #tpu.memory_space<vmem>> -> memref<64xi32, #tpu.memory_space<vmem>>
          %dma_start3A_724 = arith.constant 0 : i32
          %dma_start3A_725 = arith.constant 0 : i32
          %dma_start3A_726 = tpu.memref_slice %arg9[%dma_start3A_724, %dma_start3A_725] : memref<10112x64xf32, #tpu.memory_space<vmem_shared>> -> memref<10112x64xf32, #tpu.memory_space<vmem_shared>>
          tpu.enqueue_indirect_dma source(%dma_start3A_726 : memref<10112x64xf32, #tpu.memory_space<vmem_shared>>) target(%dma_start3A_720 : memref<64x64xf32, #tpu.memory_space<vmem>>) offsets(%dma_start3A_723 : memref<64xi32, #tpu.memory_space<vmem>>) semaphore(%arg14 : memref<!tpu.dma_semaphore, #tpu.memory_space<semaphore_mem>>)
        } else {
        }
      }
      %scan3A_172 = arith.constant 2 : i32
      %add3A_173 = arith.constant 2 : i32
      %add3A_174 = arith.addi %scan3A_160, %add3A_173 : i32
      %lt3A_175 = arith.constant 20 : i32
      %lt3A_176 = arith.cmpi slt, %add3A_174, %lt3A_175 : i32
      %convert_element_type3A_177 = arith.extui %lt3A_176 : i1 to i32
      %cond3A_178 = arith.constant 0 : i32
      %cond3A_179 = arith.cmpi ne, %convert_element_type3A_177, %cond3A_178 : i32
      scf.if %cond3A_179 {
        %add3A_180 = arith.constant 2 : i32
        %add3A_181 = arith.addi %scan3A_160, %add3A_180 : i32
        %add3A_182 = arith.constant 2 : i32
        %add3A_183 = arith.addi %scan3A_160, %add3A_182 : i32
        %jit3A = arith.constant 3 : i32
        %eq3A_184 = arith.constant 0 : i32
        %eq3A_185 = arith.cmpi eq, %jit3A, %eq3A_184 : i32
        %jit3A_186 = arith.constant 1 : i32
        %select_n3A = arith.select %eq3A_185, %jit3A_186, %jit3A : i32
        %rem3A = arith.remsi %add3A_183, %select_n3A : i32
        %ne3A = arith.constant 0 : i32
        %ne3A_187 = arith.cmpi ne, %rem3A, %ne3A : i32
        %lt3A_188 = arith.constant 0 : i32
        %lt3A_189 = arith.cmpi slt, %rem3A, %lt3A_188 : i32
        %lt3A_190 = arith.constant 0 : i32
        %lt3A_191 = arith.cmpi slt, %select_n3A, %lt3A_190 : i32
        %ne3A_192 = arith.xori %lt3A_189, %lt3A_191 : i1
        %and3A = arith.andi %ne3A_192, %ne3A_187 : i1
        %add3A_193 = arith.addi %rem3A, %select_n3A : i32
        %select_n3A_194 = arith.select %and3A, %add3A_193, %rem3A : i32
        %dma_start3A_195 = arith.constant 0 : i32
        %dma_start3A_196 = arith.constant 0 : i32
        %dma_start3A_197 = tpu.memref_slice %arg6[%select_n3A_194, %dma_start3A_195, %dma_start3A_196] : memref<3x16x64xi32, #tpu.memory_space<vmem>> -> memref<1x16x64xi32, #tpu.memory_space<vmem>>
        %dma_start3A_198 = tpu.memref_squeeze %dma_start3A_197 : memref<1x16x64xi32, #tpu.memory_space<vmem>> -> memref<16x64xi32, #tpu.memory_space<vmem>>
        %dma_start3A_199 = arith.constant 0 : i32
        %dma_start3A_200 = arith.constant 0 : i32
        %dma_start3A_201 = tpu.memref_slice %arg3[%arg1, %add3A_181, %dma_start3A_199, %dma_start3A_200] : memref<16x20x16x64xi32, #tpu.memory_space<hbm>> -> memref<1x1x16x64xi32, #tpu.memory_space<hbm>>
        %dma_start3A_202 = tpu.memref_squeeze %dma_start3A_201 : memref<1x1x16x64xi32, #tpu.memory_space<hbm>> -> memref<16x64xi32, #tpu.memory_space<hbm>>
        %dma_start3A_203 = arith.constant 0 : i32
        %dma_start3A_204 = arith.constant 0 : i32
        %dma_start3A_205 = tpu.memref_slice %arg6[%select_n3A_194, %dma_start3A_203, %dma_start3A_204] : memref<3x16x64xi32, #tpu.memory_space<vmem>> -> memref<1x16x64xi32, #tpu.memory_space<vmem>>
        %dma_start3A_206 = tpu.memref_squeeze %dma_start3A_205 : memref<1x16x64xi32, #tpu.memory_space<vmem>> -> memref<16x64xi32, #tpu.memory_space<vmem>>
        %dma_start3A_207 = arith.constant 0 : i32
        %dma_start3A_208 = arith.constant 0 : i32
        %dma_start3A_209 = tpu.memref_slice %arg3[%arg1, %add3A_181, %dma_start3A_207, %dma_start3A_208] : memref<16x20x16x64xi32, #tpu.memory_space<hbm>> -> memref<1x1x16x64xi32, #tpu.memory_space<hbm>>
        %dma_start3A_210 = tpu.memref_squeeze %dma_start3A_209 : memref<1x1x16x64xi32, #tpu.memory_space<hbm>> -> memref<16x64xi32, #tpu.memory_space<hbm>>
        tpu.enqueue_dma source(%dma_start3A_210 : memref<16x64xi32, #tpu.memory_space<hbm>>) target(%dma_start3A_206 : memref<16x64xi32, #tpu.memory_space<vmem>>) target_semaphore(%arg27 : memref<!tpu.dma_semaphore, #tpu.memory_space<semaphore_mem>>)
        %add3A_211 = arith.constant 2 : i32
        %add3A_212 = arith.addi %scan3A_160, %add3A_211 : i32
        %add3A_213 = arith.constant 2 : i32
        %add3A_214 = arith.addi %scan3A_160, %add3A_213 : i32
        %jit3A_215 = arith.constant 3 : i32
        %eq3A_216 = arith.constant 0 : i32
        %eq3A_217 = arith.cmpi eq, %jit3A_215, %eq3A_216 : i32
        %jit3A_218 = arith.constant 1 : i32
        %select_n3A_219 = arith.select %eq3A_217, %jit3A_218, %jit3A_215 : i32
        %rem3A_220 = arith.remsi %add3A_214, %select_n3A_219 : i32
        %ne3A_221 = arith.constant 0 : i32
        %ne3A_222 = arith.cmpi ne, %rem3A_220, %ne3A_221 : i32
        %lt3A_223 = arith.constant 0 : i32
        %lt3A_224 = arith.cmpi slt, %rem3A_220, %lt3A_223 : i32
        %lt3A_225 = arith.constant 0 : i32
        %lt3A_226 = arith.cmpi slt, %select_n3A_219, %lt3A_225 : i32
        %ne3A_227 = arith.xori %lt3A_224, %lt3A_226 : i1
        %and3A_228 = arith.andi %ne3A_227, %ne3A_222 : i1
        %add3A_229 = arith.addi %rem3A_220, %select_n3A_219 : i32
        %select_n3A_230 = arith.select %and3A_228, %add3A_229, %rem3A_220 : i32
        %dma_start3A_231 = arith.constant 0 : i32
        %dma_start3A_232 = arith.constant 0 : i32
        %dma_start3A_233 = tpu.memref_slice %arg7[%select_n3A_230, %dma_start3A_231, %dma_start3A_232] : memref<3x16x64xi32, #tpu.memory_space<vmem>> -> memref<1x16x64xi32, #tpu.memory_space<vmem>>
        %dma_start3A_234 = tpu.memref_squeeze %dma_start3A_233 : memref<1x16x64xi32, #tpu.memory_space<vmem>> -> memref<16x64xi32, #tpu.memory_space<vmem>>
        %dma_start3A_235 = arith.constant 0 : i32
        %dma_start3A_236 = arith.constant 0 : i32
        %dma_start3A_237 = tpu.memref_slice %arg4[%arg1, %add3A_212, %dma_start3A_235, %dma_start3A_236] : memref<16x20x16x64xi32, #tpu.memory_space<hbm>> -> memref<1x1x16x64xi32, #tpu.memory_space<hbm>>
        %dma_start3A_238 = tpu.memref_squeeze %dma_start3A_237 : memref<1x1x16x64xi32, #tpu.memory_space<hbm>> -> memref<16x64xi32, #tpu.memory_space<hbm>>
        %dma_start3A_239 = arith.constant 0 : i32
        %dma_start3A_240 = arith.constant 0 : i32
        %dma_start3A_241 = tpu.memref_slice %arg7[%select_n3A_230, %dma_start3A_239, %dma_start3A_240] : memref<3x16x64xi32, #tpu.memory_space<vmem>> -> memref<1x16x64xi32, #tpu.memory_space<vmem>>
        %dma_start3A_242 = tpu.memref_squeeze %dma_start3A_241 : memref<1x16x64xi32, #tpu.memory_space<vmem>> -> memref<16x64xi32, #tpu.memory_space<vmem>>
        %dma_start3A_243 = arith.constant 0 : i32
        %dma_start3A_244 = arith.constant 0 : i32
        %dma_start3A_245 = tpu.memref_slice %arg4[%arg1, %add3A_212, %dma_start3A_243, %dma_start3A_244] : memref<16x20x16x64xi32, #tpu.memory_space<hbm>> -> memref<1x1x16x64xi32, #tpu.memory_space<hbm>>
        %dma_start3A_246 = tpu.memref_squeeze %dma_start3A_245 : memref<1x1x16x64xi32, #tpu.memory_space<hbm>> -> memref<16x64xi32, #tpu.memory_space<hbm>>
        tpu.enqueue_dma source(%dma_start3A_246 : memref<16x64xi32, #tpu.memory_space<hbm>>) target(%dma_start3A_242 : memref<16x64xi32, #tpu.memory_space<vmem>>) target_semaphore(%arg27 : memref<!tpu.dma_semaphore, #tpu.memory_space<semaphore_mem>>)
      } else {
      }
    }
    %scan3A_101 = arith.constant 20 : i32
    %dma_wait3A = arith.constant 4 : i32
    %dma_wait3A_102 = arith.constant 0 : i32
    %dma_wait3A_103 = arith.constant 0 : i32
    %dma_wait3A_104 = arith.constant 0 : i32
    %dma_wait3A_105 = arith.constant 0 : i32
    %dma_wait3A_106 = tpu.memref_slice %arg8[%dma_wait3A, %dma_wait3A_104, %dma_wait3A_105] : memref<8x64x64xf32, #tpu.memory_space<vmem>> -> memref<1x64x64xf32, #tpu.memory_space<vmem>>
    %dma_wait3A_107 = tpu.memref_squeeze %dma_wait3A_106 : memref<1x64x64xf32, #tpu.memory_space<vmem>> -> memref<64x64xf32, #tpu.memory_space<vmem>>
    %dma_wait3A_108 = arith.constant 0 : i32
    %dma_wait3A_109 = tpu.memref_slice %arg7[%dma_wait3A_102, %dma_wait3A_103, %dma_wait3A_108] : memref<3x16x64xi32, #tpu.memory_space<vmem>> -> memref<1x1x64xi32, #tpu.memory_space<vmem>>
    %dma_wait3A_110 = tpu.memref_squeeze %dma_wait3A_109 : memref<1x1x64xi32, #tpu.memory_space<vmem>> -> memref<64xi32, #tpu.memory_space<vmem>>
    %dma_wait3A_111 = arith.constant 0 : i32
    %dma_wait3A_112 = arith.constant 0 : i32
    %dma_wait3A_113 = tpu.memref_slice %arg10[%dma_wait3A_111, %dma_wait3A_112] : memref<10112x64xf32, #tpu.memory_space<vmem_shared>> -> memref<10112x64xf32, #tpu.memory_space<vmem_shared>>
    tpu.wait_indirect_dma semaphore(%arg23 : memref<!tpu.dma_semaphore, #tpu.memory_space<semaphore_mem>>) src(%dma_wait3A_107 : memref<64x64xf32, #tpu.memory_space<vmem>>) dst(%dma_wait3A_113 : memref<10112x64xf32, #tpu.memory_space<vmem_shared>>)
    %dma_wait3A_114 = arith.constant 5 : i32
    %dma_wait3A_115 = arith.constant 0 : i32
    %dma_wait3A_116 = arith.constant 0 : i32
    %dma_wait3A_117 = arith.constant 0 : i32
    %dma_wait3A_118 = arith.constant 0 : i32
    %dma_wait3A_119 = tpu.memref_slice %arg8[%dma_wait3A_114, %dma_wait3A_117, %dma_wait3A_118] : memref<8x64x64xf32, #tpu.memory_space<vmem>> -> memref<1x64x64xf32, #tpu.memory_space<vmem>>
    %dma_wait3A_120 = tpu.memref_squeeze %dma_wait3A_119 : memref<1x64x64xf32, #tpu.memory_space<vmem>> -> memref<64x64xf32, #tpu.memory_space<vmem>>
    %dma_wait3A_121 = arith.constant 0 : i32
    %dma_wait3A_122 = tpu.memref_slice %arg7[%dma_wait3A_115, %dma_wait3A_116, %dma_wait3A_121] : memref<3x16x64xi32, #tpu.memory_space<vmem>> -> memref<1x1x64xi32, #tpu.memory_space<vmem>>
    %dma_wait3A_123 = tpu.memref_squeeze %dma_wait3A_122 : memref<1x1x64xi32, #tpu.memory_space<vmem>> -> memref<64xi32, #tpu.memory_space<vmem>>
    %dma_wait3A_124 = arith.constant 0 : i32
    %dma_wait3A_125 = arith.constant 0 : i32
    %dma_wait3A_126 = tpu.memref_slice %arg10[%dma_wait3A_124, %dma_wait3A_125] : memref<10112x64xf32, #tpu.memory_space<vmem_shared>> -> memref<10112x64xf32, #tpu.memory_space<vmem_shared>>
    tpu.wait_indirect_dma semaphore(%arg24 : memref<!tpu.dma_semaphore, #tpu.memory_space<semaphore_mem>>) src(%dma_wait3A_120 : memref<64x64xf32, #tpu.memory_space<vmem>>) dst(%dma_wait3A_126 : memref<10112x64xf32, #tpu.memory_space<vmem_shared>>)
    %dma_wait3A_127 = arith.constant 6 : i32
    %dma_wait3A_128 = arith.constant 0 : i32
    %dma_wait3A_129 = arith.constant 0 : i32
    %dma_wait3A_130 = arith.constant 0 : i32
    %dma_wait3A_131 = arith.constant 0 : i32
    %dma_wait3A_132 = tpu.memref_slice %arg8[%dma_wait3A_127, %dma_wait3A_130, %dma_wait3A_131] : memref<8x64x64xf32, #tpu.memory_space<vmem>> -> memref<1x64x64xf32, #tpu.memory_space<vmem>>
    %dma_wait3A_133 = tpu.memref_squeeze %dma_wait3A_132 : memref<1x64x64xf32, #tpu.memory_space<vmem>> -> memref<64x64xf32, #tpu.memory_space<vmem>>
    %dma_wait3A_134 = arith.constant 0 : i32
    %dma_wait3A_135 = tpu.memref_slice %arg7[%dma_wait3A_128, %dma_wait3A_129, %dma_wait3A_134] : memref<3x16x64xi32, #tpu.memory_space<vmem>> -> memref<1x1x64xi32, #tpu.memory_space<vmem>>
    %dma_wait3A_136 = tpu.memref_squeeze %dma_wait3A_135 : memref<1x1x64xi32, #tpu.memory_space<vmem>> -> memref<64xi32, #tpu.memory_space<vmem>>
    %dma_wait3A_137 = arith.constant 0 : i32
    %dma_wait3A_138 = arith.constant 0 : i32
    %dma_wait3A_139 = tpu.memref_slice %arg10[%dma_wait3A_137, %dma_wait3A_138] : memref<10112x64xf32, #tpu.memory_space<vmem_shared>> -> memref<10112x64xf32, #tpu.memory_space<vmem_shared>>
    tpu.wait_indirect_dma semaphore(%arg25 : memref<!tpu.dma_semaphore, #tpu.memory_space<semaphore_mem>>) src(%dma_wait3A_133 : memref<64x64xf32, #tpu.memory_space<vmem>>) dst(%dma_wait3A_139 : memref<10112x64xf32, #tpu.memory_space<vmem_shared>>)
    %dma_wait3A_140 = arith.constant 7 : i32
    %dma_wait3A_141 = arith.constant 0 : i32
    %dma_wait3A_142 = arith.constant 0 : i32
    %dma_wait3A_143 = arith.constant 0 : i32
    %dma_wait3A_144 = arith.constant 0 : i32
    %dma_wait3A_145 = tpu.memref_slice %arg8[%dma_wait3A_140, %dma_wait3A_143, %dma_wait3A_144] : memref<8x64x64xf32, #tpu.memory_space<vmem>> -> memref<1x64x64xf32, #tpu.memory_space<vmem>>
    %dma_wait3A_146 = tpu.memref_squeeze %dma_wait3A_145 : memref<1x64x64xf32, #tpu.memory_space<vmem>> -> memref<64x64xf32, #tpu.memory_space<vmem>>
    %dma_wait3A_147 = arith.constant 0 : i32
    %dma_wait3A_148 = tpu.memref_slice %arg7[%dma_wait3A_141, %dma_wait3A_142, %dma_wait3A_147] : memref<3x16x64xi32, #tpu.memory_space<vmem>> -> memref<1x1x64xi32, #tpu.memory_space<vmem>>
    %dma_wait3A_149 = tpu.memref_squeeze %dma_wait3A_148 : memref<1x1x64xi32, #tpu.memory_space<vmem>> -> memref<64xi32, #tpu.memory_space<vmem>>
    %dma_wait3A_150 = arith.constant 0 : i32
    %dma_wait3A_151 = arith.constant 0 : i32
    %dma_wait3A_152 = tpu.memref_slice %arg10[%dma_wait3A_150, %dma_wait3A_151] : memref<10112x64xf32, #tpu.memory_space<vmem_shared>> -> memref<10112x64xf32, #tpu.memory_space<vmem_shared>>
    tpu.wait_indirect_dma semaphore(%arg26 : memref<!tpu.dma_semaphore, #tpu.memory_space<semaphore_mem>>) src(%dma_wait3A_146 : memref<64x64xf32, #tpu.memory_space<vmem>>) dst(%dma_wait3A_152 : memref<10112x64xf32, #tpu.memory_space<vmem_shared>>)
    %barrier3A_153 = arith.constant 0 : index
    tpu.barrier barrier_id(%barrier3A_153)
    %lt3A = arith.constant 15 : i32
    %lt3A_154 = arith.cmpi slt, %arg1, %lt3A : i32
    %convert_element_type3A = arith.extui %lt3A_154 : i1 to i32
    %cond3A = arith.constant 0 : i32
    %cond3A_155 = arith.cmpi ne, %convert_element_type3A, %cond3A : i32
    scf.if %cond3A_155 {
      %mul3A_160 = arith.constant 632 : i32
      %mul3A_161 = arith.muli %arg1, %mul3A_160 : i32
      %mul3A_162 = arith.constant 632 : i32
      %mul3A_163 = arith.muli %arg1, %mul3A_162 : i32
      "tpu.region"() ({
        %run_scoped3A_164 = tpu.sem_alloc : memref<!tpu.dma_semaphore, #tpu.memory_space<semaphore_mem>>
        %dma_start3A_165 = arith.constant 0 : i32
        %dma_start3A_166 = tpu.memref_slice %arg5[%arg0, %mul3A_163, %dma_start3A_165] : memref<2x10000x64xf32, #tpu.memory_space<hbm>> -> memref<1x632x64xf32, #tpu.memory_space<hbm>>
        %dma_start3A_167 = tpu.memref_squeeze %dma_start3A_166 : memref<1x632x64xf32, #tpu.memory_space<hbm>> -> memref<632x64xf32, #tpu.memory_space<hbm>>
        %dma_start3A_168 = arith.constant 0 : i32
        %dma_start3A_169 = tpu.memref_slice %arg10[%mul3A_161, %dma_start3A_168] : memref<10112x64xf32, #tpu.memory_space<vmem_shared>> -> memref<632x64xf32, #tpu.memory_space<vmem_shared>>
        tpu.enqueue_dma source(%dma_start3A_169 : memref<632x64xf32, #tpu.memory_space<vmem_shared>>) target(%dma_start3A_167 : memref<632x64xf32, #tpu.memory_space<hbm>>) target_semaphore(%run_scoped3A_164 : memref<!tpu.dma_semaphore, #tpu.memory_space<semaphore_mem>>)
        %dma_wait3A_170 = arith.constant 0 : i32
        %dma_wait3A_171 = tpu.memref_slice %arg5[%arg0, %mul3A_163, %dma_wait3A_170] : memref<2x10000x64xf32, #tpu.memory_space<hbm>> -> memref<1x632x64xf32, #tpu.memory_space<hbm>>
        %dma_wait3A_172 = tpu.memref_squeeze %dma_wait3A_171 : memref<1x632x64xf32, #tpu.memory_space<hbm>> -> memref<632x64xf32, #tpu.memory_space<hbm>>
        %dma_wait3A_173 = arith.constant 0 : i32
        %dma_wait3A_174 = tpu.memref_slice %arg10[%mul3A_161, %dma_wait3A_173] : memref<10112x64xf32, #tpu.memory_space<vmem_shared>> -> memref<632x64xf32, #tpu.memory_space<vmem_shared>>
        tpu.wait_dma2 semaphore(%run_scoped3A_164 : memref<!tpu.dma_semaphore, #tpu.memory_space<semaphore_mem>>) src(%dma_wait3A_174 : memref<632x64xf32, #tpu.memory_space<vmem_shared>>) dst(%dma_wait3A_172 : memref<632x64xf32, #tpu.memory_space<hbm>>)
        tpu.yield
      }) : () -> ()
    } else {
    }
    %eq3A = arith.constant 15 : i32
    %eq3A_156 = arith.cmpi eq, %arg1, %eq3A : i32
    %convert_element_type3A_157 = arith.extui %eq3A_156 : i1 to i32
    %cond3A_158 = arith.constant 0 : i32
    %cond3A_159 = arith.cmpi ne, %convert_element_type3A_157, %cond3A_158 : i32
    scf.if %cond3A_159 {
      "tpu.region"() ({
        %run_scoped3A_160 = tpu.sem_alloc : memref<!tpu.dma_semaphore, #tpu.memory_space<semaphore_mem>>
        %dma_start3A_161 = arith.constant 9480 : i32
        %dma_start3A_162 = arith.constant 0 : i32
        %dma_start3A_163 = tpu.memref_slice %arg5[%arg0, %dma_start3A_161, %dma_start3A_162] : memref<2x10000x64xf32, #tpu.memory_space<hbm>> -> memref<1x520x64xf32, #tpu.memory_space<hbm>>
        %dma_start3A_164 = tpu.memref_squeeze %dma_start3A_163 : memref<1x520x64xf32, #tpu.memory_space<hbm>> -> memref<520x64xf32, #tpu.memory_space<hbm>>
        %dma_start3A_165 = arith.constant 9480 : i32
        %dma_start3A_166 = arith.constant 0 : i32
        %dma_start3A_167 = tpu.memref_slice %arg10[%dma_start3A_165, %dma_start3A_166] : memref<10112x64xf32, #tpu.memory_space<vmem_shared>> -> memref<520x64xf32, #tpu.memory_space<vmem_shared>>
        tpu.enqueue_dma source(%dma_start3A_167 : memref<520x64xf32, #tpu.memory_space<vmem_shared>>) target(%dma_start3A_164 : memref<520x64xf32, #tpu.memory_space<hbm>>) target_semaphore(%run_scoped3A_160 : memref<!tpu.dma_semaphore, #tpu.memory_space<semaphore_mem>>)
        %dma_wait3A_168 = arith.constant 9480 : i32
        %dma_wait3A_169 = arith.constant 0 : i32
        %dma_wait3A_170 = tpu.memref_slice %arg5[%arg0, %dma_wait3A_168, %dma_wait3A_169] : memref<2x10000x64xf32, #tpu.memory_space<hbm>> -> memref<1x520x64xf32, #tpu.memory_space<hbm>>
        %dma_wait3A_171 = tpu.memref_squeeze %dma_wait3A_170 : memref<1x520x64xf32, #tpu.memory_space<hbm>> -> memref<520x64xf32, #tpu.memory_space<hbm>>
        %dma_wait3A_172 = arith.constant 9480 : i32
        %dma_wait3A_173 = arith.constant 0 : i32
        %dma_wait3A_174 = tpu.memref_slice %arg10[%dma_wait3A_172, %dma_wait3A_173] : memref<10112x64xf32, #tpu.memory_space<vmem_shared>> -> memref<520x64xf32, #tpu.memory_space<vmem_shared>>
        tpu.wait_dma2 semaphore(%run_scoped3A_160 : memref<!tpu.dma_semaphore, #tpu.memory_space<semaphore_mem>>) src(%dma_wait3A_174 : memref<520x64xf32, #tpu.memory_space<vmem_shared>>) dst(%dma_wait3A_171 : memref<520x64xf32, #tpu.memory_space<hbm>>)
        tpu.yield
      }) : () -> ()
    } else {
    }
    return
  }
}

module attributes {stable_mosaic.version = 14 : i64} {
  func.func @_mlp2_body(%arg0: i32, %arg1: memref<2x1000x64xf32, #tpu.memory_space<vmem>>, %arg2: memref<128x128xf32, #tpu.memory_space<vmem>>, %arg3: memref<1x128xf32, #tpu.memory_space<vmem>>, %arg4: memref<128x128xf32, #tpu.memory_space<vmem>>, %arg5: memref<1x128xf32, #tpu.memory_space<vmem>>, %arg6: memref<2x1000x64xf32, #tpu.memory_space<vmem>>) attributes {dimension_semantics = [#tpu.dimension_semantics<arbitrary>], iteration_bounds = array<i64: 10>, scalar_prefetch = 0 : i64, scratch_operands = 0 : i64, tpu.core_type = #tpu.core_type<tc>, window_params = [{transform_indices = @transform_0, window_bounds = array<i64: 2, 1000, 64>}, {pipeline_mode = #tpu.pipeline_mode<synchronous>, transform_indices = @transform_1, window_bounds = array<i64: 128, 128>}, {pipeline_mode = #tpu.pipeline_mode<synchronous>, transform_indices = @transform_2, window_bounds = array<i64: 1, 128>}, {pipeline_mode = #tpu.pipeline_mode<synchronous>, transform_indices = @transform_3, window_bounds = array<i64: 128, 128>}, {pipeline_mode = #tpu.pipeline_mode<synchronous>, transform_indices = @transform_4, window_bounds = array<i64: 1, 128>}, {transform_indices = @transform_5, window_bounds = array<i64: 2, 1000, 64>}]} {
    %get3A = arith.constant 0 : index
    %get3A_0 = arith.constant 0 : index
    %get3A_1 = arith.constant 0 : index
    %get3A_2 = vector.load %arg1[%get3A, %get3A_0, %get3A_1] : memref<2x1000x64xf32, #tpu.memory_space<vmem>>, vector<2x1000x64xf32>
    %slice3A = vector.extract_strided_slice %get3A_2 {offsets = [0, 0, 0], sizes = [1, 1000, 64], strides = [1, 1, 1]} : vector<2x1000x64xf32> to vector<1x1000x64xf32>
    %squeeze3A = vector.shape_cast %slice3A : vector<1x1000x64xf32> to vector<1000x64xf32>
    %slice3A_3 = vector.extract_strided_slice %get3A_2 {offsets = [1, 0, 0], sizes = [1, 1000, 64], strides = [1, 1, 1]} : vector<2x1000x64xf32> to vector<1x1000x64xf32>
    %squeeze3A_4 = vector.shape_cast %slice3A_3 : vector<1x1000x64xf32> to vector<1000x64xf32>
    %concatenate3A = tpu.concatenate %squeeze3A, %squeeze3A_4 in 1 : vector<1000x64xf32>, vector<1000x64xf32> -> vector<1000x128xf32>
    %get3A_5 = arith.constant 0 : index
    %get3A_6 = arith.constant 0 : index
    %get3A_7 = vector.load %arg2[%get3A_5, %get3A_6] : memref<128x128xf32, #tpu.memory_space<vmem>>, vector<128x128xf32>
    %dot_general3A = arith.constant dense<0.000000e+00> : vector<1000x128xf32>
    %dot_general3A_8 = tpu.matmul %concatenate3A, %get3A_7, %dot_general3A {dimension_numbers = #tpu.dot_dimension_numbers<[1], [0], [0], [1], [0, 0, 1, 1], [], []>, transpose_lhs_hint = false} : vector<1000x128xf32>, vector<128x128xf32>, vector<1000x128xf32> -> vector<1000x128xf32>
    %get3A_9 = arith.constant 0 : index
    %get3A_10 = arith.constant 0 : index
    %get3A_11 = vector.load %arg3[%get3A_9, %get3A_10] : memref<1x128xf32, #tpu.memory_space<vmem>>, vector<1x128xf32>
    %add3A = vector.broadcast %get3A_11 : vector<1x128xf32> to vector<1000x128xf32>
    %add3A_12 = arith.addf %dot_general3A_8, %add3A : vector<1000x128xf32>
    %max3A = arith.constant 0.000000e+00 : f32
    %max3A_13 = vector.broadcast %max3A : f32 to vector<1000x128xf32>
    %max3A_14 = arith.maximumf %add3A_12, %max3A_13 : vector<1000x128xf32>
    %get3A_15 = arith.constant 0 : index
    %get3A_16 = arith.constant 0 : index
    %get3A_17 = vector.load %arg4[%get3A_15, %get3A_16] : memref<128x128xf32, #tpu.memory_space<vmem>>, vector<128x128xf32>
    %dot_general3A_18 = arith.constant dense<0.000000e+00> : vector<1000x128xf32>
    %dot_general3A_19 = tpu.matmul %max3A_14, %get3A_17, %dot_general3A_18 {dimension_numbers = #tpu.dot_dimension_numbers<[1], [0], [0], [1], [0, 0, 1, 1], [], []>, transpose_lhs_hint = false} : vector<1000x128xf32>, vector<128x128xf32>, vector<1000x128xf32> -> vector<1000x128xf32>
    %get3A_20 = arith.constant 0 : index
    %get3A_21 = arith.constant 0 : index
    %get3A_22 = vector.load %arg5[%get3A_20, %get3A_21] : memref<1x128xf32, #tpu.memory_space<vmem>>, vector<1x128xf32>
    %add3A_23 = vector.broadcast %get3A_22 : vector<1x128xf32> to vector<1000x128xf32>
    %add3A_24 = arith.addf %dot_general3A_19, %add3A_23 : vector<1000x128xf32>
    %slice3A_25 = vector.extract_strided_slice %add3A_24 {offsets = [0, 0], sizes = [1000, 64], strides = [1, 1]} : vector<1000x128xf32> to vector<1000x64xf32>
    %swap3A = arith.constant 0 : index
    %swap3A_26 = arith.constant 0 : index
    %swap3A_27 = arith.constant 0 : index
    %swap3A_28 = vector.load %arg6[%swap3A, %swap3A_26, %swap3A_27] : memref<2x1000x64xf32, #tpu.memory_space<vmem>>, vector<1x1000x64xf32>
    %swap3A_29 = vector.shape_cast %swap3A_28 : vector<1x1000x64xf32> to vector<1000x64xf32>
    %swap3A_30 = vector.shape_cast %slice3A_25 : vector<1000x64xf32> to vector<1x1000x64xf32>
    tpu.vector_store %arg6[%swap3A, %swap3A_26, %swap3A_27], %swap3A_30 {strides = array<i32>} : memref<2x1000x64xf32, #tpu.memory_space<vmem>>, vector<1x1000x64xf32>,
    %slice3A_31 = vector.extract_strided_slice %add3A_24 {offsets = [0, 64], sizes = [1000, 64], strides = [1, 1]} : vector<1000x128xf32> to vector<1000x64xf32>
    %swap3A_32 = arith.constant 1 : index
    %swap3A_33 = arith.constant 0 : index
    %swap3A_34 = arith.constant 0 : index
    %swap3A_35 = vector.load %arg6[%swap3A_32, %swap3A_33, %swap3A_34] : memref<2x1000x64xf32, #tpu.memory_space<vmem>>, vector<1x1000x64xf32>
    %swap3A_36 = vector.shape_cast %swap3A_35 : vector<1x1000x64xf32> to vector<1000x64xf32>
    %swap3A_37 = vector.shape_cast %slice3A_31 : vector<1000x64xf32> to vector<1x1000x64xf32>
    tpu.vector_store %arg6[%swap3A_32, %swap3A_33, %swap3A_34], %swap3A_37 {strides = array<i32>} : memref<2x1000x64xf32, #tpu.memory_space<vmem>>, vector<1x1000x64xf32>,
    return
  }
  func.func @transform_0(%arg0: i32) -> (i32, i32, i32) {
    %c0_i32 = arith.constant 0 : i32
    %c0_i32_0 = arith.constant 0 : i32
    %c0_i32_1 = arith.constant 0 : i32
    return %c0_i32, %arg0, %c0_i32_0 : i32, i32, i32
  }
  func.func @transform_1(%arg0: i32) -> (i32, i32) {
    %c0_i32 = arith.constant 0 : i32
    %c0_i32_0 = arith.constant 0 : i32
    %c0_i32_1 = arith.constant 0 : i32
    return %c0_i32, %c0_i32_0 : i32, i32
  }
  func.func @transform_2(%arg0: i32) -> (i32, i32) {
    %c0_i32 = arith.constant 0 : i32
    %c0_i32_0 = arith.constant 0 : i32
    %c0_i32_1 = arith.constant 0 : i32
    return %c0_i32, %c0_i32_0 : i32, i32
  }
  func.func @transform_3(%arg0: i32) -> (i32, i32) {
    %c0_i32 = arith.constant 0 : i32
    %c0_i32_0 = arith.constant 0 : i32
    %c0_i32_1 = arith.constant 0 : i32
    return %c0_i32, %c0_i32_0 : i32, i32
  }
  func.func @transform_4(%arg0: i32) -> (i32, i32) {
    %c0_i32 = arith.constant 0 : i32
    %c0_i32_0 = arith.constant 0 : i32
    %c0_i32_1 = arith.constant 0 : i32
    return %c0_i32, %c0_i32_0 : i32, i32
  }
  func.func @transform_5(%arg0: i32) -> (i32, i32, i32) {
    %c0_i32 = arith.constant 0 : i32
    %c0_i32_0 = arith.constant 0 : i32
    %c0_i32_1 = arith.constant 0 : i32
    return %c0_i32, %arg0, %c0_i32_0 : i32, i32, i32
  }
}

module attributes {stable_mosaic.version = 14 : i64} {
  func.func @_mlp_body(%arg0: i32, %arg1: memref<2x1000x64xf32, #tpu.memory_space<vmem>>, %arg2: memref<128x128xf32, #tpu.memory_space<vmem>>, %arg3: memref<1x128xf32, #tpu.memory_space<vmem>>, %arg4: memref<128x128xf32, #tpu.memory_space<vmem>>, %arg5: memref<1x128xf32, #tpu.memory_space<vmem>>, %arg6: memref<1000x128xf32, #tpu.memory_space<vmem>>) attributes {dimension_semantics = [#tpu.dimension_semantics<arbitrary>], iteration_bounds = array<i64: 10>, scalar_prefetch = 0 : i64, scratch_operands = 0 : i64, tpu.core_type = #tpu.core_type<tc>, window_params = [{transform_indices = @transform_0, window_bounds = array<i64: 2, 1000, 64>}, {pipeline_mode = #tpu.pipeline_mode<synchronous>, transform_indices = @transform_1, window_bounds = array<i64: 128, 128>}, {pipeline_mode = #tpu.pipeline_mode<synchronous>, transform_indices = @transform_2, window_bounds = array<i64: 1, 128>}, {pipeline_mode = #tpu.pipeline_mode<synchronous>, transform_indices = @transform_3, window_bounds = array<i64: 128, 128>}, {pipeline_mode = #tpu.pipeline_mode<synchronous>, transform_indices = @transform_4, window_bounds = array<i64: 1, 128>}, {transform_indices = @transform_5, window_bounds = array<i64: 1000, 128>}]} {
    %get3A = arith.constant 0 : index
    %get3A_0 = arith.constant 0 : index
    %get3A_1 = arith.constant 0 : index
    %get3A_2 = vector.load %arg1[%get3A, %get3A_0, %get3A_1] : memref<2x1000x64xf32, #tpu.memory_space<vmem>>, vector<2x1000x64xf32>
    %slice3A = vector.extract_strided_slice %get3A_2 {offsets = [0, 0, 0], sizes = [1, 1000, 64], strides = [1, 1, 1]} : vector<2x1000x64xf32> to vector<1x1000x64xf32>
    %squeeze3A = vector.shape_cast %slice3A : vector<1x1000x64xf32> to vector<1000x64xf32>
    %slice3A_3 = vector.extract_strided_slice %get3A_2 {offsets = [1, 0, 0], sizes = [1, 1000, 64], strides = [1, 1, 1]} : vector<2x1000x64xf32> to vector<1x1000x64xf32>
    %squeeze3A_4 = vector.shape_cast %slice3A_3 : vector<1x1000x64xf32> to vector<1000x64xf32>
    %concatenate3A = tpu.concatenate %squeeze3A, %squeeze3A_4 in 1 : vector<1000x64xf32>, vector<1000x64xf32> -> vector<1000x128xf32>
    %get3A_5 = arith.constant 0 : index
    %get3A_6 = arith.constant 0 : index
    %get3A_7 = vector.load %arg2[%get3A_5, %get3A_6] : memref<128x128xf32, #tpu.memory_space<vmem>>, vector<128x128xf32>
    %dot_general3A = arith.constant dense<0.000000e+00> : vector<1000x128xf32>
    %dot_general3A_8 = tpu.matmul %concatenate3A, %get3A_7, %dot_general3A {dimension_numbers = #tpu.dot_dimension_numbers<[1], [0], [0], [1], [0, 0, 1, 1], [], []>, transpose_lhs_hint = false} : vector<1000x128xf32>, vector<128x128xf32>, vector<1000x128xf32> -> vector<1000x128xf32>
    %get3A_9 = arith.constant 0 : index
    %get3A_10 = arith.constant 0 : index
    %get3A_11 = vector.load %arg3[%get3A_9, %get3A_10] : memref<1x128xf32, #tpu.memory_space<vmem>>, vector<1x128xf32>
    %add3A = vector.broadcast %get3A_11 : vector<1x128xf32> to vector<1000x128xf32>
    %add3A_12 = arith.addf %dot_general3A_8, %add3A : vector<1000x128xf32>
    %max3A = arith.constant 0.000000e+00 : f32
    %max3A_13 = vector.broadcast %max3A : f32 to vector<1000x128xf32>
    %max3A_14 = arith.maximumf %add3A_12, %max3A_13 : vector<1000x128xf32>
    %get3A_15 = arith.constant 0 : index
    %get3A_16 = arith.constant 0 : index
    %get3A_17 = vector.load %arg4[%get3A_15, %get3A_16] : memref<128x128xf32, #tpu.memory_space<vmem>>, vector<128x128xf32>
    %dot_general3A_18 = arith.constant dense<0.000000e+00> : vector<1000x128xf32>
    %dot_general3A_19 = tpu.matmul %max3A_14, %get3A_17, %dot_general3A_18 {dimension_numbers = #tpu.dot_dimension_numbers<[1], [0], [0], [1], [0, 0, 1, 1], [], []>, transpose_lhs_hint = false} : vector<1000x128xf32>, vector<128x128xf32>, vector<1000x128xf32> -> vector<1000x128xf32>
    %get3A_20 = arith.constant 0 : index
    %get3A_21 = arith.constant 0 : index
    %get3A_22 = vector.load %arg5[%get3A_20, %get3A_21] : memref<1x128xf32, #tpu.memory_space<vmem>>, vector<1x128xf32>
    %add3A_23 = vector.broadcast %get3A_22 : vector<1x128xf32> to vector<1000x128xf32>
    %add3A_24 = arith.addf %dot_general3A_19, %add3A_23 : vector<1000x128xf32>
    %swap3A = arith.constant 0 : index
    %swap3A_25 = arith.constant 0 : index
    %swap3A_26 = vector.load %arg6[%swap3A, %swap3A_25] : memref<1000x128xf32, #tpu.memory_space<vmem>>, vector<1000x128xf32>
    tpu.vector_store %arg6[%swap3A, %swap3A_25], %add3A_24 {strides = array<i32>} : memref<1000x128xf32, #tpu.memory_space<vmem>>, vector<1000x128xf32>,
    return
  }
  func.func @transform_0(%arg0: i32) -> (i32, i32, i32) {
    %c0_i32 = arith.constant 0 : i32
    %c0_i32_0 = arith.constant 0 : i32
    %c0_i32_1 = arith.constant 0 : i32
    return %c0_i32, %arg0, %c0_i32_0 : i32, i32, i32
  }
  func.func @transform_1(%arg0: i32) -> (i32, i32) {
    %c0_i32 = arith.constant 0 : i32
    %c0_i32_0 = arith.constant 0 : i32
    %c0_i32_1 = arith.constant 0 : i32
    return %c0_i32, %c0_i32_0 : i32, i32
  }
  func.func @transform_2(%arg0: i32) -> (i32, i32) {
    %c0_i32 = arith.constant 0 : i32
    %c0_i32_0 = arith.constant 0 : i32
    %c0_i32_1 = arith.constant 0 : i32
    return %c0_i32, %c0_i32_0 : i32, i32
  }
  func.func @transform_3(%arg0: i32) -> (i32, i32) {
    %c0_i32 = arith.constant 0 : i32
    %c0_i32_0 = arith.constant 0 : i32
    %c0_i32_1 = arith.constant 0 : i32
    return %c0_i32, %c0_i32_0 : i32, i32
  }
  func.func @transform_4(%arg0: i32) -> (i32, i32) {
    %c0_i32 = arith.constant 0 : i32
    %c0_i32_0 = arith.constant 0 : i32
    %c0_i32_1 = arith.constant 0 : i32
    return %c0_i32, %c0_i32_0 : i32, i32
  }
  func.func @transform_5(%arg0: i32) -> (i32, i32) {
    %c0_i32 = arith.constant 0 : i32
    %c0_i32_0 = arith.constant 0 : i32
    return %arg0, %c0_i32 : i32, i32
  }
}

</mosaic_0001>

<sc_bundles>
// kernel: kernel.11.cloned.1.call-start
scs
__scs_entry_jumppad:
0x0: {  	(pc) =	sbr.rel $0x88, $3  }
0x1: {  	(tag) =	ssettag $0x0;
	lr =	simm.s32 $0x1  }
0x2: {  	[smem:$0x3F93] =	sst lr;
	_ =	strace $0xD0000000  }
0x3: {  	_ = 	snop  }
0x4: {  	_ = 	snop  }
0x5: {  	_ = 	snop  }
0x6: {  	_ = 	snop  }
0x7: {  	_ = 	snop  }
__scs_overlays_trampoline_lowered:
0x8: {  	[smem:$0x3FA2] =	sst s0  }
0x9: {  	[smem:$0x3FA3] =	sst s1  }
0xa: {  	[smem:$0x3FA4] =	sst s2  }
0xb: {  	[smem:$0x3FA5] =	sst s3  }
0xc: {  	[smem:$0x3FA6] =	sst s4  }
0xd: {  	[smem:$0x3FA7] =	sst s5  }
0xe: {  	[smem:$0x3FA8] =	sst s6  }
0xf: {  	[smem:$0x3FA9] =	sst s7  }
0x10: {  	[smem:$0x3FAA] =	sst s8  }
0x11: {  	[smem:$0x3FAB] =	sst s9;
	s0 =	simm.s32 @!p0 $0x0  }
0x12: {  	s1 =	sld [smem:$0x3F91];
	s0 =	simm.s32 @p0 $0x1  }
0x13: {  	[smem:$0x3FAC] =	sst s0;
	s0 =	simm.s32 @!p1 $0x0  }
0x14: {  	s2 =	sld [smem:$0x3F90];
	s0 =	simm.s32 @p1 $0x1  }
0x15: {  	[smem:$0x3FAD] =	sst s0;
	s0 =	simm.s32 @!p2 $0x0  }
0x16: {  	s3 =	sld [smem:$0x3FDB];
	s0 =	simm.s32 @p2 $0x1  }
0x17: {  	s4 =	simm.s32 $0x1BF5;
	[smem:$0x3FAF] =	sst s0  }
0x18: {  	s0 =	sld [smem:$0x3F92];
	_ =	swait.ge [sflag:s4], $0x0  }
0x19: {  	s7 =	sld [smem:$0x3F93]  }
0x1a: {  	s8 =	sadd.s32 $0xFFFFE003, lr  }
0x1b: {  	s9 =	sadd.s32 $0xFFFFFEF7, lr;
	s5 =	simm.s32 $0xFFFFFFFF;
	p2 =	slt.u32 s8, $0xFFFFF086  }
0x1c: {  	p1 =	slt.u32 s9, $0xF7A;
	s5 =	simm.s32 @!p2 $0x0  }
0x1d: {  	s5 =	simm.s32 @p1 $0x1;
	p0 =	seq.s32 s7, s2  }
0x1e: {  	s7 =	smul.u32 @!p0 $0xF7A, s2;
	p2 =	seq.s32 @!p0 s5, $0x0  }
0x1f: {  	s9 =	smul.u32 $0xF7A, s1;
	s8 =	simm.s32 @!p0 $0x1BF5;
	p2 =	por !p2, p0  }
0x20: {  	[sflag:s8] =	ssyncset.s32 @!p0 $0xFFFFF086;
	s6 =	sadd.s32 @!p0 s3, s7;
	s7 =	simm.s32 @!p0 $0x108  }
0x21: {  	s3 =	sadd.s32 s3, s9;
	s6 =	sadd.s32 @!p0 $0x88, s6;
	s7 =	simm.s32 @p2 $0x1082  }
0x22: {  	[simem:s7], [sflag:s8] =	dma.local @!p0 [hbm:s6], $0xF7A  }
0x23: {  	s9 =	sor.u32 $0xD0000000, s2;
	s6 =	simm.s32 $0x108;
	_ =	swait.ge @!p0 [sflag:s8], $0x0  }
0x24: {  	s3 =	sadd.s32 $0x88, s3;
	s6 =	simm.s32 @!p1 $0x1082;
	[sflag:s4] =	ssyncset.s32 $0xFFFFF086  }
0x25: {  	[simem:s6], [sflag:s4] =	dma.local [hbm:s3], $0xF7A  }
0x26: {  	[smem:$0x3F93] =	sst s1;
	(tag) =	ssettag s2;
	_ =	strace s9  }
0x27: {  	s1 =	sld [smem:$0x3FA3]  }
0x28: {  	s2 =	sld [smem:$0x3FA4]  }
0x29: {  	s4 =	sld [smem:$0x3FA6]  }
0x2a: {  	p0 =	seq.s32 s5, $0x0;
	s5 =	sld [smem:$0x3FA7]  }
0x2b: {  	s6 =	sld [smem:$0x3FA8]  }
0x2c: {  	s7 =	sld [smem:$0x3FA9]  }
0x2d: {  	s3 =	simm.s32 $0x108;
	s8 =	sld [smem:$0x3FAA]  }
0x2e: {  	s3 =	simm.s32 @!p0 $0x1082;
	s9 =	sld [smem:$0x3FAB]  }
0x2f: {  	lr =	sadd.s32 s0, s3;
	s0 =	sld [smem:$0x3FA2]  }
0x30: {  	s3 =	sld [smem:$0x3FA5]  }
0x31: {  	[smem:$0x3FAE] =	sst s10  }
0x32: {  	s10 =	sld [smem:$0x3FAC];
	_ =	sdelay $0x3  }
0x33: {  	p0 =	seq.s32 s10, $0x1;
	s10 =	sld [smem:$0x3FAE];
	_ =	sdelay $0x3  }
0x34: {  	[smem:$0x3FAE] =	sst s10  }
0x35: {  	s10 =	sld [smem:$0x3FAD];
	_ =	sdelay $0x3  }
0x36: {  	p1 =	seq.s32 s10, $0x1;
	s10 =	sld [smem:$0x3FAE];
	_ =	sdelay $0x3  }
0x37: {  	[smem:$0x3FAE] =	sst s10  }
0x38: {  	s10 =	sld [smem:$0x3FAF]  }
0x39: {  	_ = 	snop;
	(pc) =	sbr.ind lr, $3  }
0x3a: {  	_ = 	snop  }
0x3b: {  	_ = 	snop  }
0x3c: {  	p2 =	seq.s32 s10, $0x1;
	s10 =	sld [smem:$0x3FAE]  }
0x3d: {  	_ =	shalt  }
0x3e: {  	_ =	shalt  }
0x3f: {  	_ =	shalt  }
0x40: {  	_ =	shalt  }
0x41: {  	_ =	shalt  }
0x42: {  	_ =	shalt  }
0x43: {  	_ =	shalt  }
0x44: {  	_ =	shalt  }
0x45: {  	_ =	shalt  }
0x46: {  	_ =	shalt  }
0x47: {  	_ =	shalt  }
0x48: {  	_ =	shalt  }
0x49: {  	_ =	shalt  }
0x4a: {  	_ =	shalt  }
0x4b: {  	_ =	shalt  }
0x4c: {  	_ =	shalt  }
0x4d: {  	_ =	shalt  }
0x4e: {  	_ =	shalt  }
0x4f: {  	_ =	shalt  }
0x50: {  	_ =	shalt  }
0x51: {  	_ =	shalt  }
0x52: {  	_ =	shalt  }
0x53: {  	_ =	shalt  }
0x54: {  	_ =	shalt  }
0x55: {  	_ =	shalt  }
0x56: {  	_ =	shalt  }
0x57: {  	_ =	shalt  }
0x58: {  	_ =	shalt  }
0x59: {  	_ =	shalt  }
0x5a: {  	_ =	shalt  }
0x5b: {  	_ =	shalt  }
0x5c: {  	_ =	shalt  }
0x5d: {  	_ =	shalt  }
0x5e: {  	_ =	shalt  }
0x5f: {  	_ =	shalt  }
0x60: {  	_ =	shalt  }
0x61: {  	_ =	shalt  }
0x62: {  	_ =	shalt  }
0x63: {  	_ =	shalt  }
0x64: {  	_ =	shalt  }
0x65: {  	_ =	shalt  }
0x66: {  	_ =	shalt  }
0x67: {  	_ =	shalt  }
0x68: {  	_ =	shalt  }
0x69: {  	_ =	shalt  }
0x6a: {  	_ =	shalt  }
0x6b: {  	_ =	shalt  }
0x6c: {  	_ =	shalt  }
0x6d: {  	_ =	shalt  }
0x6e: {  	_ =	shalt  }
0x6f: {  	_ =	shalt  }
0x70: {  	_ =	shalt  }
0x71: {  	_ =	shalt  }
0x72: {  	_ =	shalt  }
0x73: {  	_ =	shalt  }
0x74: {  	_ =	shalt  }
0x75: {  	_ =	shalt  }
0x76: {  	_ =	shalt  }
0x77: {  	_ =	shalt  }
0x78: {  	_ =	shalt  }
0x79: {  	_ =	shalt  }
0x7a: {  	_ =	shalt  }
0x7b: {  	_ =	shalt  }
0x7c: {  	_ =	shalt  }
0x7d: {  	_ =	shalt  }
0x7e: {  	_ =	shalt  }
0x7f: {  	_ =	shalt  }
0x80: {  	_ =	shalt  }
0x81: {  	_ =	shalt  }
0x82: {  	_ =	shalt  }
0x83: {  	_ =	shalt  }
0x84: {  	_ =	shalt  }
0x85: {  	_ =	shalt  }
0x86: {  	_ =	shalt  }
0x87: {  	_ =	shalt  }
.Lfunc_end0:
.L_simem_size_0:
called_computation.1_lowered:
.L_overlay_start_0:
0x88: {  	s2 =	sld [smem:$0x3FD9]  }
0x89: {  	s3 =	sld [smem:$0x3FFE];
	_ =	sdelay $0x1  }
0x8a: {  	s1 =	srdreg.scid  }
0x8b: {  	s0 =	sand.u32 $0x1, s1  }
0x8c: {  	s17 =	sshll.u32 s0, $0xA;
	s2 =	sadd.s32 s3, s2  }
0x8d: {  	s2 =	sadd.s32 s2, s17  }
0x8e: {  	[smem:$0x3FBA] =	sst s2  }
0x8f: {  	_ = 	snop  }
0x90: {  	s2 =	sld [smem:$0x3FD0];
	(tm) =	ssettm $0x1  }
0x91: {  	s18 =	sld [smem:$0x3FFB];
	_ =	sdelay $0x3  }
0x92: {  	_ =	strace s18  }
0x93: {  	s3 =	sld [smem:$0x3FFC];
	_ =	sdelay $0x3  }
0x94: {  	_ =	strace s3  }
0x95: {  	s3 =	sld [smem:$0x3FFD];
	_ =	sdelay $0x3  }
0x96: {  	_ =	strace s3  }
0x97: {  	_ =	strace $0x8FFFFFFF  }
0x98: {  	s19 =	sld [smem:$0x3FDB];
	_ =	sdelay $0x1  }
0x99: {  	s4 =	simm.s32 $_scs_section_size  }
0x9a: {  	s5 =	simm.s32 $_size__tile_overlayer_lowered;
	s6 =	simm.s32 $_tile_overlayer_lowered  }
0x9b: {  	s22 =	simm.s32 $0x1BFF;
	s21 =	sshll.u32 s6, $0x1;
	s3 =	sadd.s32 s4, s19  }
0x9c: {  	s7 =	simm.s32 $0x0;
	s20 =	sshll.u32 s5, $0x1;
	s5 =	sadd.s32 s21, s3  }
0x9d: {  	[timem:s7], [sflag:s22] =	dma.local [hbm:s5], s20  }
0x9e: {  	_ =	swait.ge [sflag:s22], s20  }
0x9f: {  	s4 =	ssub.s32 $0x0, s20;
	[sflag:s22] =	ssyncset.done $0x0  }
0xa0: {  	[sflag:s22] =	ssyncadd.s32 s4;
	_ =	sdelay $0x1  }
0xa1: {  	s23 =	simm.s32 $0x1B8B  }
0xa2: {  	_ =	swait.ge [sflag:s23], $0x1  }
0xa3: {  	[sflag:s23] =	ssyncset.done $0x0  }
0xa4: {  	s25 =	simm.s32 $0x1B8E;
	s24 =	sld [smem:$0x3FFE];
	[sflag:s23] =	ssyncadd.s32 $0xFFFFFFFF  }
0xa5: {  	s26 =	simm.s32 $execute0_lowered;
	[smem:$0x3FD2] =	sst s25  }
0xa6: {  	s5 =	sshll.u32 s26, $0x1;
	_ =	strace $0x80000049;
	[dreg:$0x1] =	wrdreg $0xFFFFFFFF  }
0xa7: {  	s28 =	simm.s32 $_size_execute0_lowered;
	s3 =	sadd.s32 s3, s5;
	[dreg:$0x0] =	wrdreg $0x0  }
0xa8: {  	s5 =	sshll.u32 s28, $0x1;
	[dreg:$0x2] =	wrdreg s3  }
0xa9: {  	[dreg:$0x3] =	wrdreg s5  }
0xaa: {  	[dreg:$0x4] =	wrdreg $0xC0  }
0xab: {  	_ =	task [dreg:s7], $0x5FFFF  }
0xac: {  	[dreg:$0x1] =	wrdreg $0xFFFFFFFF  }
0xad: {  	[dreg:$0x0] =	wrdreg $0x60  }
0xae: {  	[dreg:$0x2] =	wrdreg s24  }
0xaf: {  	[dreg:$0x3] =	wrdreg s2  }
0xb0: {  	[dreg:$0x4] =	wrdreg $0x98000  }
0xb1: {  	[dreg:$0x5] =	wrdreg $0x136000  }
0xb2: {  	[dreg:$0x6] =	wrdreg $0x9  }
0xb3: {  	_ =	task.clear_ibuf [dreg:s7], $0x7FFFF;
	_ =	strace $0x90000049  }
0xb4: {  	s29 =	simm.s32 $0x9;
	_ =	strace $0x8000004B  }
0xb5: {  	_ =	swait.ge [sflag:s29], $0x1  }
0xb6: {  	[sflag:s29] =	ssyncadd.s32 $0xFFFFFFFF  }
0xb7: {  	_ =	strace $0x9000004B  }
0xb8: {  	_ =	sfence  }
0xb9: {  	s30 =	sld [smem:$0x0];
	_ =	sdelay $0x2  }
0xba: {  	s31 =	sshll.u32 s1, $0xD;
	s1 =	sshrl.u32 s1, $0x2  }
0xbb: {  	s3 =	sand.u32 $0x4000, s31;
	s1 =	sadd.s32 s1, s30  }
0xbc: {  	s0 =	sor.u32 s3, s0;
	s1 =	sshll.u32 s1, $0x11  }
0xbd: {  	s0 =	sor.u32 s1, s0  }
0xbe: {  	s0 =	sadd.s32 $0x8F2B, s0  }
0xbf: {  	[sflag:s0] =	ssyncadd.remote.s32 $0x1  }
0xc0: {  	_ =	sfence.sel $0xFFFF  }
0xc1: {  	[dreg:$0x0] =	wrdreg $0xFFFFFFFF;
	(pc) =	sbr.abs _section_cstart, $3  }
0xc2: {  	[dreg:$0x1] =	wrdreg $0xFFFFFFFF  }
0xc3: {  	_ =	task.clear_ibuf [dreg:s7], $0x2FFFF;
	_ =	strace $0x9FFFFFFF  }
0xc4: {  	(tm) =	ssettm $0x7FFFFFFF  }
0xc5: {  	_ =	shalt  }
tec
execute0_lowered:
.L_overlay_start_1:
0x0: {  	(tag) =	ssettag $0x1  }
0x1: {  	s0 =	rddreg [dreg:$0x0]  }
0x2: {  	s1 =	rddreg [dreg:$0x1];
	s3 =	srdreg.scid  }
0x3: {  	s7 =	stileid.u32;
	s2 =	rddreg [dreg:$0x2]  }
0x4: {  	s8 =	simm.s32 $0x0;
	s28 =	simm.s32 $0x2800;
	s30 =	simm.s32 $0x3800  }
0x5: {  	s29 =	simm.s32 $0x3;
	s31 =	simm.s32 $0x7800;
	s13 =	simm.s32 $0x5  }
0x6: {  	s14 =	simm.s32 $0x9;
	s4 =	sand.u32 $0x1, s3;
	s3 =	rddreg [dreg:$0x3]  }
0x7: {  	s5 =	smul.u32 $0x9E00, s7;
	[smem:$0x7FF] =	sst s8;
	s16 =	sadd.s32 $0x33600, s0  }
0x8: {  	s11 =	sadd.s32 $0x29600, s0;
	s10 =	smul.u32 $0x5000, s7;
	s20 =	sshll.u32 s7, $0x6  }
0x9: {  	p0 =	seq.s32 s7, $0xF;
	s6 =	smul.u32 $0x9E000, s4;
	_ =	strace $0x8000004A  }
0xa: {  	s9 =	ssub.s32 $0x2, s4;
	s4 =	smul.u32 $0x9C400, s4;
	[dreg:$0x5] =	wrdreg s16  }
0xb: {  	s19 =	sor.u32 $0x1C12, s20;
	[dreg:$0x6] =	wrdreg s11;
	s20 =	simm.s32 $0xC  }
0xc: {  	s17 =	sshrl.u32 s9, $0x1;
	s18 =	sadd.s32 s5, s2;
	[dreg:$0x7] =	wrdreg s10  }
0xd: {  	s10 =	sshrl.u32 s10, $0x3;
	s12 =	sadd.s32 s5, s3;
	[dreg:$0x9] =	wrdreg s19  }
0xe: {  	s6 =	sadd.s32 s5, s6;
	s21 =	sadd.s32 s16, s10;
	s22 =	sadd.s32 s11, s10  }
0xf: {  	s23 =	sor.u32 $0x80, s10;
	s5 =	sadd.s32 s5, s4;
	s4 =	sshrl.u32 s4, $0x3  }
0x10: {  	s25 =	sshrl.u32 s18, $0x3;
	[dreg:$0xa] =	wrdreg s12;
	s26 =	sshrl.u32 s12, $0x3  }
0x11: {  	s12 =	simm.s32 $0x8800;
	s10 =	simm.s32 $0xA;
	[dreg:$0xb] =	wrdreg s21  }
0x12: {  	s18 =	simm.s32 $0x8;
	s6 =	sshrl.u32 s6, $0x3;
	[dreg:$0xc] =	wrdreg s22  }
0x13: {  	s5 =	sshrl.u32 s5, $0x3;
	s24 =	sadd.s32 s11, s23;
	[dreg:$0x12] =	wrdreg s25  }
0x14: {  	[dreg:$0x13] =	wrdreg s26;
	s26 =	simm.s32 $0x1800;
	s21 =	simm.s32 $0x5800  }
0x15: {  	s22 =	simm.s32 $0x2;
	s11 =	simm.s32 $0x4;
	s15 =	sadd.s32 s6, s0  }
0x16: {  	s0 =	ssub.s32 s9, s17;
	s6 =	sadd.s32 s16, s23;
	[dreg:$0xe] =	wrdreg s24  }
0x17: {  	s5 =	sadd.s32 s1, s5;
	s1 =	sadd.s32 s1, s4;
	s24 =	simm.s32 $0x40  }
0x18: {  	s23 =	simm.s32 $0x6800;
	s16 =	simm.s32 $0x7;
	[dreg:$0xd] =	wrdreg s6  }
0x19: {  	s17 =	simm.s32 $0xB;
	s8 =	sadd.s32 $0x1E00, s15;
	[dreg:$0xf] =	wrdreg s5  }
0x1a: {  	s1 =	sadd.s32 $0x12840, s1;
	s0 =	smax.u32 s0, $0x1;
	[dreg:$0x8] =	wrdreg s8  }
0x1b: {  	s15 =	simm.s32 $0x6;
	[dreg:$0x10] =	wrdreg s1;
	s1 =	sadd.s32 $0x94200, s3  }
0x1c: {  	s6 =	simm.s32 $0x0;
	[dreg:$0x11] =	wrdreg s0;
	s0 =	sshrl.u32 @p0 s1, $0x3  }
0x1d: {  	s1 =	simm.s32 $0x4800;
	[dreg:$0x14] =	wrdreg s0;
	s0 =	simm.s32 $0x1  }
.LBB2_1:
0x1e: {  	[dreg:$0x15] =	wrdreg s6  }
0x1f: {  	s4 =	rddreg [dreg:$0x8]  }
0x20: {  	s5 =	rddreg [dreg:$0x12];
	s8 =	simm.s32 $0x12  }
0x21: {  	[spmem:s5], [sflag:s19] =	dma.local [hbm:s4], $0x13C0  }
0x22: {  	_ =	swait.ge [sflag:s8], $0x13C0  }
0x23: {  	[sflag:s8] =	ssyncset.done $0x0  }
0x24: {  	s9 =	rddreg [dreg:$0x13];
	[sflag:s8] =	ssyncadd.s32 $0xFFFFEC40  }
0x25: {  	[spmem:s9], [sflag:s19] =	dma.local [hbm:s4], $0x13C0  }
0x26: {  	_ =	swait.ge [sflag:s8], $0x13C0  }
0x27: {  	[sflag:s8] =	ssyncset.done $0x0  }
0x28: {  	s4 =	simm.s32 $0x0;
	s19 =	rddreg [dreg:$0xb];
	[sflag:s8] =	ssyncadd.s32 $0xFFFFEC40  }
0x29: {  	[tilespmem:s4], [sflag:$0x12] =	stream.linear.gather [hbm4b:s19+s4], $0x400, $0x38;
	[tilespmem:$0x1D400] =	vst v63  }
0x2a: {  	_ =	swait.ge [sflag:s8], $0x400  }
0x2b: {  	[sflag:s8] =	ssyncset.done $0x0  }
0x2c: {  	s7 =	simm.s32 $0xC00;
	s25 =	rddreg [dreg:$0xc];
	[sflag:s8] =	ssyncadd.s32 $0xFFFFFC00  }
0x2d: {  	[tilespmem:s7], [sflag:$0x12] =	stream.linear.gather [hbm4b:s25+s4], $0x400, $0x38;
	[tilespmem:$0x1D400] =	vst v63  }
0x2e: {  	_ =	swait.ge [sflag:s8], $0x400  }
0x2f: {  	[sflag:s8] =	ssyncset.done $0x0  }
0x30: {  	s7 =	simm.s32 $0x400;
	s6 =	rddreg [dreg:$0xd];
	[sflag:s8] =	ssyncadd.s32 $0xFFFFFC00  }
0x31: {  	[tilespmem:s7], [sflag:$0x11] =	stream.linear.gather [hbm4b:s6+s4], $0x400, $0x38;
	[tilespmem:$0x1D400] =	vst v63  }
0x32: {  	s9 =	simm.s32 $0x1000;
	s8 =	rddreg [dreg:$0xe]  }
0x33: {  	[tilespmem:s9], [sflag:$0x11] =	stream.linear.gather [hbm4b:s8+s4], $0x400, $0x38;
	[tilespmem:$0x1D400] =	vst v63  }
0x34: {  	[bflag:$0x0] =	sbarrier.arrive $0xFFFF  }
0x35: {  	[tilespmem:s26], [sflag:$0x1] =	stream.indirect.gather [spmem:s2], $0x40, s4, s24, $0xb8;
	[tilespmem:$0x1D400] =	vst v63  }
0x36: {  	_ = 	snop  }
0x37: {  	[tilespmem:s28], [sflag:$0x2] =	stream.indirect.gather [spmem:s2], $0x40, s24, s24, $0xb8;
	[tilespmem:$0x1D400] =	vst v63  }
0x38: {  	s19 =	simm.s32 $0x80  }
0x39: {  	[tilespmem:s30], [sflag:$0x3] =	stream.indirect.gather [spmem:s2], $0x40, s19, s24, $0xb8;
	[tilespmem:$0x1D400] =	vst v63  }
0x3a: {  	s25 =	simm.s32 $0xC0;
	s6 =	simm.s32 $0x0  }
0x3b: {  	[tilespmem:s1], [sflag:$0x4] =	stream.indirect.gather [spmem:s2], $0x40, s25, s24, $0xb8;
	[tilespmem:$0x1D400] =	vst v63  }
.LBB2_2:
0x3c: {  	p1 =	seq.s32 s6, $0x13  }
0x3d: {  	s4 =	smulhi.u32 $0xAAAAAAAB, s6;
	s5 =	simm.s32 @!p1 $0x11  }
0x3e: {  	_ =	swait.ge @!p1 [sflag:s5], $0x400  }
0x3f: {  	s4 =	sshrl.u32 s4, $0x1;
	[sflag:s5] =	ssyncset.done @!p1 $0x0  }
0x40: {  	s25 =	sadd.s32 $0x1, s6;
	s9 =	smul.u32 $0x3, s4;
	[sflag:s5] =	ssyncadd.s32 @!p1 $0xFFFFFC00  }
0x41: {  	_ =	swait.ge @!p1 [sflag:s5], $0x400;
	[dreg:$0x16] =	wrdreg s25  }
0x42: {  	s19 =	ssub.s32 s6, s9;
	[dreg:$0x17] =	wrdreg s6;
	[sflag:s5] =	ssyncset.done @!p1 $0x0  }
0x43: {  	s9 =	sshll.u32 s6, $0x4;
	s19 =	sshll.u32 s19, $0xA;
	[sflag:s5] =	ssyncadd.s32 @!p1 $0xFFFFFC00  }
0x44: {  	s25 =	sadd.s32 $0xC00, s19;
	s5 =	simm.s32 $0x0;
	p1 =	por $0x1, $0x1  }
.LBB2_3:
0x45: {  	_ =	swait.ge [sflag:s0], $0x1000;
	s6 =	sshll.u32 s5, $0xB;
	s5 =	sshll.u32 s5, $0x3  }
0x46: {  	[sflag:s0] =	ssyncset.done $0x0;
	s7 =	sshrl.u32 s6, $0x2;
	s4 =	sor.u32 s9, s5  }
0x47: {  	[sflag:s0] =	ssyncadd.s32 $0xFFFFF000;
	s8 =	sadd.s32 s7, s25;
	p2 =	seq.s32 s4, $0x0  }
0x48: {  	[spmem:s3] =	stream.indirect.scatter.add.f32 [tilespmem:s26], [sflag:$0x9], $0x40, s8, s24, $0xb8;
	[tilespmem:$0x1D400] =	vst v63  }
0x49: {  	s4 =	simm.s32 @!p2 $0xD  }
0x4a: {  	_ =	swait.ge @!p2 [sflag:s4], $0x1000  }
0x4b: {  	s7 =	sadd.s32 s7, s19;
	[sflag:s4] =	ssyncset.done @!p2 $0x0  }
0x4c: {  	s7 =	sadd.s32 $0x100, s7;
	[sflag:s4] =	ssyncadd.s32 @!p2 $0xFFFFF000  }
0x4d: {  	[tilespmem:s21], [sflag:$0x5] =	stream.indirect.gather [spmem:s2], $0x40, s7, s24, $0xb8;
	[tilespmem:$0x1D400] =	vst v63  }
0x4e: {  	s8 =	sor.u32 $0x100, s6;
	_ =	swait.ge [sflag:s22], $0x1000  }
0x4f: {  	s4 =	sshrl.u32 s8, $0x2;
	[sflag:s22] =	ssyncset.done $0x0  }
0x50: {  	s26 =	sadd.s32 s4, s25;
	s7 =	simm.s32 @!p2 $0xE;
	[sflag:s22] =	ssyncadd.s32 $0xFFFFF000  }
0x51: {  	[spmem:s3] =	stream.indirect.scatter.add.f32 [tilespmem:s28], [sflag:$0xA], $0x40, s26, s24, $0xb8;
	[tilespmem:$0x1D400] =	vst v63  }
0x52: {  	_ =	swait.ge @!p2 [sflag:s7], $0x1000  }
0x53: {  	s4 =	sadd.s32 s4, s19;
	[sflag:s7] =	ssyncset.done @!p2 $0x0  }
0x54: {  	s4 =	sadd.s32 $0x100, s4;
	[sflag:s7] =	ssyncadd.s32 @!p2 $0xFFFFF000  }
0x55: {  	[tilespmem:s23], [sflag:$0x6] =	stream.indirect.gather [spmem:s2], $0x40, s4, s24, $0xb8;
	[tilespmem:$0x1D400] =	vst v63  }
0x56: {  	s8 =	sor.u32 $0x200, s6;
	_ =	swait.ge [sflag:s29], $0x1000  }
0x57: {  	s4 =	sshrl.u32 s8, $0x2;
	[sflag:s29] =	ssyncset.done $0x0  }
0x58: {  	s6 =	simm.s32 @!p2 $0xF;
	s26 =	sadd.s32 s4, s25;
	[sflag:s29] =	ssyncadd.s32 $0xFFFFF000  }
0x59: {  	[spmem:s3] =	stream.indirect.scatter.add.f32 [tilespmem:s30], [sflag:$0xB], $0x40, s26, s24, $0xb8;
	[tilespmem:$0x1D400] =	vst v63  }
0x5a: {  	_ =	swait.ge @!p2 [sflag:s6], $0x1000  }
0x5b: {  	s4 =	sadd.s32 s4, s19;
	[sflag:s6] =	ssyncset.done @!p2 $0x0  }
0x5c: {  	s7 =	sor.u32 $0x3, s5;
	s4 =	sadd.s32 $0x100, s4;
	[sflag:s6] =	ssyncadd.s32 @!p2 $0xFFFFF000  }
0x5d: {  	[tilespmem:s31], [sflag:$0x7] =	stream.indirect.gather [spmem:s2], $0x40, s4, s24, $0xb8;
	[tilespmem:$0x1D400] =	vst v63  }
0x5e: {  	s8 =	sshll.u32 s7, $0x8;
	s4 =	sor.u32 s9, s7;
	_ =	swait.ge [sflag:s11], $0x1000  }
0x5f: {  	s6 =	sshrl.u32 s8, $0x2;
	p2 =	seq.s32 s4, $0x3;
	[sflag:s11] =	ssyncset.done $0x0  }
0x60: {  	s26 =	sadd.s32 s6, s25;
	s4 =	simm.s32 @!p2 $0x10;
	[sflag:s11] =	ssyncadd.s32 $0xFFFFF000  }
0x61: {  	[spmem:s3] =	stream.indirect.scatter.add.f32 [tilespmem:s1], [sflag:$0xC], $0x40, s26, s24, $0xb8;
	[tilespmem:$0x1D400] =	vst v63  }
0x62: {  	s8 =	sor.u32 $0x4, s5;
	s6 =	sadd.s32 s6, s19;
	_ =	swait.ge @!p2 [sflag:s4], $0x1000  }
0x63: {  	s7 =	sadd.s32 $0x100, s6;
	s6 =	sor.u32 s9, s8;
	[sflag:s4] =	ssyncset.done @!p2 $0x0  }
0x64: {  	p3 =	sgt.u32 s6, $0x13B;
	[sflag:s4] =	ssyncadd.s32 @!p2 $0xFFFFF000  }
0x65: {  	[tilespmem:s12], [sflag:$0x8] =	stream.indirect.gather [spmem:s2], $0x40, s7, s24, $0xb8;
	[tilespmem:$0x1D400] =	vst v63  }
0x66: {  	s6 =	sadd.s32 @!p3 $0x4, s6;
	s4 =	sshll.u32 s8, $0x6;
	_ =	swait.ge [sflag:s13], $0x1000  }
0x67: {  	s4 =	sand.u32 $0x3FFFFFC0, s4;
	s7 =	sshrl.u32 @!p3 s6, $0x4;
	[sflag:s13] =	ssyncset.done $0x0  }
0x68: {  	s4 =	sadd.s32 s4, s25;
	s8 =	smul.u32 @!p3 $0xAB, s7;
	[sflag:s13] =	ssyncadd.s32 $0xFFFFF000  }
0x69: {  	[spmem:s3] =	stream.indirect.scatter.add.f32 [tilespmem:s21], [sflag:$0xD], $0x40, s4, s24, $0xb8;
	[tilespmem:$0x1D400] =	vst v63  }
0x6a: {  	s4 =	sshrl.u32 @!p3 s8, $0x9  }
0x6b: {  	s4 =	sand.u32 @!p3 $0x7F, s4  }
0x6c: {  	s4 =	smul.u32 @!p3 $0x3, s4  }
0x6d: {  	s28 =	simm.s32 @!p3 $0x1800;
	s8 =	sor.u32 $0x5, s5  }
0x6e: {  	s6 =	sshll.u32 @!p3 s6, $0x6;
	s4 =	ssub.s32 @!p3 s7, s4;
	s7 =	sor.u32 s9, s8  }
0x6f: {  	s6 =	sand.u32 @!p3 $0x200, s6;
	s4 =	sand.u32 @!p3 $0xFF, s4;
	p2 =	sgt.u32 s7, $0x13B  }
0x70: {  	_ =	swait.ge [sflag:s14], $0x1000;
	s4 =	sshll.u32 @!p3 s4, $0xA;
	s7 =	sadd.s32 @!p2 $0x4, s7  }
0x71: {  	[sflag:s14] =	ssyncset.done $0x0;
	s4 =	sor.u32 @!p3 s6, s4;
	s6 =	sshrl.u32 @!p2 s7, $0x4  }
0x72: {  	s26 =	simm.s32 @!p3 $0x40;
	[sflag:s14] =	ssyncadd.s32 $0xFFFFF000;
	s30 =	smul.u32 @!p2 $0xAB, s6  }
0x73: {  	[tilespmem:s28], [sflag:$0x1] =	stream.indirect.gather @!p3 [spmem:s2], $0x40, s4, s26, $0xb8;
	[tilespmem:$0x1D400] =	vst v63  }
0x74: {  	s26 =	sshll.u32 s8, $0x6;
	_ =	swait.ge [sflag:s15], $0x1000;
	s8 =	sshrl.u32 @!p2 s30, $0x9  }
0x75: {  	s4 =	sand.u32 $0x3FFFFFC0, s26;
	[sflag:s15] =	ssyncset.done $0x0;
	s8 =	sand.u32 @!p2 $0x7F, s8  }
0x76: {  	s4 =	sadd.s32 s4, s25;
	[sflag:s15] =	ssyncadd.s32 $0xFFFFF000;
	s8 =	smul.u32 @!p2 $0x3, s8  }
0x77: {  	[spmem:s3] =	stream.indirect.scatter.add.f32 [tilespmem:s23], [sflag:$0xE], $0x40, s4, s24, $0xb8;
	[tilespmem:$0x1D400] =	vst v63  }
0x78: {  	_ =	swait.ge [sflag:s10], $0x1000;
	s4 =	ssub.s32 @!p2 s6, s8  }
0x79: {  	[sflag:s10] =	ssyncset.done $0x0;
	s6 =	sshll.u32 @!p2 s7, $0x6;
	s4 =	sand.u32 @!p2 $0xFF, s4  }
0x7a: {  	s7 =	simm.s32 @!p2 $0x2800;
	s6 =	sand.u32 @!p2 $0x240, s6;
	s4 =	sshll.u32 @!p2 s4, $0xA  }
0x7b: {  	[sflag:s10] =	ssyncadd.s32 $0xFFFFF000;
	s4 =	sor.u32 @!p2 s6, s4;
	s6 =	simm.s32 @!p2 $0x40  }
0x7c: {  	[tilespmem:s7], [sflag:$0x2] =	stream.indirect.gather @!p2 [spmem:s2], $0x40, s4, s6, $0xb8;
	[tilespmem:$0x1D400] =	vst v63  }
0x7d: {  	s7 =	sor.u32 $0x6, s5  }
0x7e: {  	s6 =	sor.u32 s9, s7  }
0x7f: {  	p3 =	sgt.u32 s6, $0x13B  }
0x80: {  	_ =	swait.ge [sflag:s16], $0x1000;
	s4 =	sshll.u32 s7, $0x6;
	s6 =	sadd.s32 @!p3 $0x4, s6  }
0x81: {  	[sflag:s16] =	ssyncset.done $0x0;
	s4 =	sand.u32 $0x3FFFFFC0, s4;
	s7 =	sshrl.u32 @!p3 s6, $0x4  }
0x82: {  	[sflag:s16] =	ssyncadd.s32 $0xFFFFF000;
	s4 =	sadd.s32 s4, s25;
	s8 =	smul.u32 @!p3 $0xAB, s7  }
0x83: {  	[spmem:s3] =	stream.indirect.scatter.add.f32 [tilespmem:s31], [sflag:$0xF], $0x40, s4, s24, $0xb8;
	[tilespmem:$0x1D400] =	vst v63  }
0x84: {  	s4 =	sshrl.u32 @!p3 s8, $0x9  }
0x85: {  	s4 =	sand.u32 @!p3 $0x7F, s4  }
0x86: {  	s4 =	smul.u32 @!p3 $0x3, s4  }
0x87: {  	s5 =	sor.u32 $0x7, s5;
	s26 =	simm.s32 @!p3 $0x3800  }
0x88: {  	s6 =	sshll.u32 @!p3 s6, $0x6;
	s4 =	ssub.s32 @!p3 s7, s4;
	s7 =	sor.u32 s9, s5  }
0x89: {  	_ =	swait.ge [sflag:s17], $0x1000;
	s4 =	sand.u32 @!p3 $0xFF, s4;
	p2 =	sgt.u32 s7, $0x13B  }
0x8a: {  	s6 =	sand.u32 @!p3 $0x280, s6;
	s4 =	sshll.u32 @!p3 s4, $0xA;
	s7 =	sadd.s32 @!p2 $0x4, s7  }
0x8b: {  	[sflag:s17] =	ssyncset.done $0x0;
	s4 =	sor.u32 @!p3 s6, s4;
	s6 =	sshrl.u32 @!p2 s7, $0x4  }
0x8c: {  	[sflag:s17] =	ssyncadd.s32 $0xFFFFF000;
	s8 =	simm.s32 @!p3 $0x40;
	s28 =	smul.u32 @!p2 $0xAB, s6  }
0x8d: {  	[tilespmem:s26], [sflag:$0x3] =	stream.indirect.gather @!p3 [spmem:s2], $0x40, s4, s8, $0xb8;
	[tilespmem:$0x1D400] =	vst v63  }
0x8e: {  	s8 =	sshll.u32 s5, $0x6;
	_ =	swait.ge [sflag:s18], $0x1000;
	s5 =	sshrl.u32 @!p2 s28, $0x9  }
0x8f: {  	s4 =	sand.u32 $0x3FFFFFC0, s8;
	[sflag:s18] =	ssyncset.done $0x0;
	s5 =	sand.u32 @!p2 $0x7F, s5  }
0x90: {  	s4 =	sadd.s32 s4, s25;
	[sflag:s18] =	ssyncadd.s32 $0xFFFFF000;
	s5 =	smul.u32 @!p2 $0x3, s5  }
0x91: {  	[spmem:s3] =	stream.indirect.scatter.add.f32 [tilespmem:s12], [sflag:$0x10], $0x40, s4, s24, $0xb8;
	[tilespmem:$0x1D400] =	vst v63  }
0x92: {  	_ =	swait.ge [sflag:s20], $0x1000;
	s4 =	ssub.s32 @!p2 s6, s5  }
0x93: {  	[sflag:s20] =	ssyncset.done $0x0;
	s5 =	sshll.u32 @!p2 s7, $0x6;
	s4 =	sand.u32 @!p2 $0xFF, s4  }
0x94: {  	s6 =	simm.s32 @!p2 $0x4800;
	s5 =	sand.u32 @!p2 $0x2C0, s5;
	s4 =	sshll.u32 @!p2 s4, $0xA  }
0x95: {  	[sflag:s20] =	ssyncadd.s32 $0xFFFFF000;
	s4 =	sor.u32 @!p2 s5, s4;
	s5 =	simm.s32 @!p2 $0x40  }
0x96: {  	[tilespmem:s6], [sflag:$0x4] =	stream.indirect.gather @!p2 [spmem:s2], $0x40, s4, s5, $0xb8;
	[tilespmem:$0x1D400] =	vst v63  }
0x97: {  	p2 =	por p1, p1  }
.Ltmp0:
0x98: {  	_ = 	snop;
	(pc) =	sbr.rel @p2 .LBB2_3-.Ltmp0, $3  }
0x99: {  	_ =	sdelay $0x1  }
0x9a: {  	s30 =	simm.s32 $0x3800;
	s26 =	simm.s32 $0x1800  }
0x9b: {  	s28 =	simm.s32 $0x2800;
	s5 =	simm.s32 $0x1;
	p1 =	por $0x0, $0x0  }
0x9c: {  	s4 =	rddreg [dreg:$0x17]  }
0x9d: {  	p1 =	sgt.u32 s4, $0x11  }
0x9e: {  	s4 =	sadd.s32 @!p1 $0x2, s4  }
0x9f: {  	s5 =	smul.u32 @!p1 $0xAB, s4;
	_ =	sdelay $0x1  }
0xa0: {  	s5 =	sshrl.u32 @!p1 s5, $0x9  }
0xa1: {  	s5 =	sand.u32 @!p1 $0x7F, s5  }
0xa2: {  	s5 =	smul.u32 @!p1 $0x3, s5  }
0xa3: {  	s7 =	rddreg [dreg:$0x7];
	s6 =	sshll.u32 @!p1 s4, $0xA  }
0xa4: {  	s6 =	sadd.s32 @!p1 s7, s6;
	s4 =	ssub.s32 @!p1 s4, s5  }
0xa5: {  	s5 =	sshrl.u32 @!p1 s6, $0x3;
	s6 =	rddreg [dreg:$0x5];
	s4 =	sand.u32 @!p1 $0xFF, s4  }
0xa6: {  	s7 =	simm.s32 @!p1 $0x0;
	s6 =	sadd.s32 @!p1 s6, s5;
	s4 =	sshll.u32 @!p1 s4, $0xA  }
0xa7: {  	[tilespmem:s4], [sflag:$0x11] =	stream.linear.gather @!p1 [hbm4b:s6+s7], $0x400, $0x38;
	[tilespmem:$0x1D400] =	vst v63  }
0xa8: {  	s6 =	rddreg [dreg:$0x6]  }
0xa9: {  	s25 =	rddreg [dreg:$0x16];
	s4 =	sadd.s32 @!p1 $0xC00, s4;
	s5 =	sadd.s32 @!p1 s6, s5  }
0xaa: {  	[tilespmem:s4], [sflag:$0x11] =	stream.linear.gather @!p1 [hbm4b:s5+s7], $0x400, $0x38;
	[tilespmem:$0x1D400] =	vst v63  }
0xab: {  	p1 =	sne.s32 s25, $0x14  }
.Ltmp1:
0xac: {  	_ = 	snop;
	(pc) =	sbr.rel @p1 .LBB2_2-.Ltmp1, $2  }
0xad: {  	_ =	sdelay $0x2  }
0xae: {  	s6 =	smov.u32 s25  }
0xaf: {  	s4 =	simm.s32 $0xD  }
0xb0: {  	_ =	swait.ge [sflag:s4], $0x1000  }
0xb1: {  	[sflag:s4] =	ssyncset.done $0x0  }
0xb2: {  	s8 =	simm.s32 $0xE;
	[sflag:s4] =	ssyncadd.s32 $0xFFFFF000  }
0xb3: {  	_ =	swait.ge [sflag:s8], $0x1000  }
0xb4: {  	[sflag:s8] =	ssyncset.done $0x0  }
0xb5: {  	s9 =	simm.s32 $0xF;
	[sflag:s8] =	ssyncadd.s32 $0xFFFFF000  }
0xb6: {  	_ =	swait.ge [sflag:s9], $0x1000  }
0xb7: {  	[sflag:s9] =	ssyncset.done $0x0  }
0xb8: {  	s19 =	simm.s32 $0x10;
	[sflag:s9] =	ssyncadd.s32 $0xFFFFF000  }
0xb9: {  	_ =	swait.ge [sflag:s19], $0x1000  }
0xba: {  	[sflag:s19] =	ssyncset.done $0x0  }
0xbb: {  	[sflag:s19] =	ssyncadd.s32 $0xFFFFF000  }
0xbc: {  	[bflag:$0x0] =	sbarrier.arrive $0xFFFF  }
0xbd: {  	s19 =	rddreg [dreg:$0x9]  }
0xbe: {  	s4 =	rddreg [dreg:$0x10]  }
0xbf: {  	s5 =	rddreg [dreg:$0x14]  }
0xc0: {  	[hbm:s4], [sflag:s19] =	dma.local @p0 [spmem:s5], $0x1040  }
0xc1: {  	s4 =	simm.s32 @p0 $0x12  }
0xc2: {  	_ =	swait.ge @p0 [sflag:s4], $0x1040  }
0xc3: {  	[sflag:s4] =	ssyncset.done @p0 $0x0  }
0xc4: {  	[sflag:s4] =	ssyncadd.s32 @p0 $0xFFFFEFC0;
	s4 =	rddreg [dreg:$0xa]  }
0xc5: {  	s5 =	rddreg [dreg:$0xf];
	s4 =	sshrl.u32 @!p0 s4, $0x3  }
0xc6: {  	[hbm:s5], [sflag:s19] =	dma.local @!p0 [spmem:s4], $0x13C0  }
0xc7: {  	s4 =	simm.s32 @!p0 $0x12  }
0xc8: {  	_ =	swait.ge @!p0 [sflag:s4], $0x13C0  }
0xc9: {  	s6 =	rddreg [dreg:$0x15]  }
0xca: {  	s25 =	rddreg [dreg:$0x11];
	s6 =	sadd.s32 $0x1, s6  }
0xcb: {  	p1 =	sne.s32 s6, s25  }
.Ltmp2:
0xcc: {  	_ = 	snop;
	(pc) =	sbr.rel @p1 .LBB2_1-.Ltmp2, $3  }
0xcd: {  	_ =	sdelay $0x1  }
0xce: {  	[sflag:s4] =	ssyncset.done @!p0 $0x0  }
0xcf: {  	[sflag:s4] =	ssyncadd.s32 @!p0 $0xFFFFEC40  }
0xd0: {  	_ =	sfence.sel $0x180000  }
0xd1: {  	[bflag:$0x0] =	sbarrier.arrive $0xFFFF  }
0xd2: {  	_ =	strace $0x9000004A  }
0xd3: {  	s0 =	stileid.u32;
	[bflag:$0x2] =	sbarrier.arrive $0xFFFF  }
0xd4: {  	p0 =	sne.s32 s0, $0x0;
	s0 =	rddreg [dreg:$0x4]  }
0xd5: {  	s0 =	sadd.s32 @!p0 $0x100000, s0  }
0xd6: {  	[sflag:s0] =	ssyncadd.tile.s32 @!p0 $0x1;
	_ =	shalt  }
.Lfunc_end2:
_tile_overlayer_lowered:
.L_overlay_start_2:
0xd7: {  	(tag) =	ssettag $0x2  }
0xd8: {  	s0 =	rddreg [dreg:$0x0];
	s2 =	stileid.u32  }
0xd9: {  	s1 =	rddreg [dreg:$0x1];
	p0 =	sne.s32 s2, $0x0  }
0xda: {  	s3 =	rddreg [dreg:$0x2];
	[bflag:$0x3] =	sbarrier.arrive $0xFFFF;
	s2 =	simm.s32 @!p0 $0x1C12  }
0xdb: {  	[timem:s3], [sflag:s2] =	dma.local @!p0 [hbm:s0], s1  }
0xdc: {  	s0 =	simm.s32 @!p0 $0x12  }
0xdd: {  	_ =	swait.ge @!p0 [sflag:s0], s1  }
0xde: {  	s1 =	ssub.s32 @!p0 $0x0, s1;
	[sflag:s0] =	ssyncset.done @!p0 $0x0  }
0xdf: {  	[sflag:s0] =	ssyncadd.s32 @!p0 s1  }
0xe0: {  	[bflag:$0x3] =	sbarrier.arrive $0xFFFF  }
0xe1: {  	_ =	shalt  }

// kernel: kernel.14.cloned.1.call-start
scs
__scs_entry_jumppad:
0x0: {  	(pc) =	sbr.rel $0x88, $3  }
0x1: {  	(tag) =	ssettag $0x0;
	lr =	simm.s32 $0x1  }
0x2: {  	[smem:$0x3F93] =	sst lr;
	_ =	strace $0xD0000000  }
0x3: {  	_ = 	snop  }
0x4: {  	_ = 	snop  }
0x5: {  	_ = 	snop  }
0x6: {  	_ = 	snop  }
0x7: {  	_ = 	snop  }
__scs_overlays_trampoline_lowered:
0x8: {  	[smem:$0x3FA2] =	sst s0  }
0x9: {  	[smem:$0x3FA3] =	sst s1  }
0xa: {  	[smem:$0x3FA4] =	sst s2  }
0xb: {  	[smem:$0x3FA5] =	sst s3  }
0xc: {  	[smem:$0x3FA6] =	sst s4  }
0xd: {  	[smem:$0x3FA7] =	sst s5  }
0xe: {  	[smem:$0x3FA8] =	sst s6  }
0xf: {  	[smem:$0x3FA9] =	sst s7  }
0x10: {  	[smem:$0x3FAA] =	sst s8  }
0x11: {  	[smem:$0x3FAB] =	sst s9;
	s0 =	simm.s32 @!p0 $0x0  }
0x12: {  	s1 =	sld [smem:$0x3F91];
	s0 =	simm.s32 @p0 $0x1  }
0x13: {  	[smem:$0x3FAC] =	sst s0;
	s0 =	simm.s32 @!p1 $0x0  }
0x14: {  	s2 =	sld [smem:$0x3F90];
	s0 =	simm.s32 @p1 $0x1  }
0x15: {  	[smem:$0x3FAD] =	sst s0;
	s0 =	simm.s32 @!p2 $0x0  }
0x16: {  	s3 =	sld [smem:$0x3FDB];
	s0 =	simm.s32 @p2 $0x1  }
0x17: {  	s4 =	simm.s32 $0x1BF5;
	[smem:$0x3FAF] =	sst s0  }
0x18: {  	s0 =	sld [smem:$0x3F92];
	_ =	swait.ge [sflag:s4], $0x0  }
0x19: {  	s7 =	sld [smem:$0x3F93]  }
0x1a: {  	s8 =	sadd.s32 $0xFFFFE003, lr  }
0x1b: {  	s9 =	sadd.s32 $0xFFFFFEF7, lr;
	s5 =	simm.s32 $0xFFFFFFFF;
	p2 =	slt.u32 s8, $0xFFFFF086  }
0x1c: {  	p1 =	slt.u32 s9, $0xF7A;
	s5 =	simm.s32 @!p2 $0x0  }
0x1d: {  	s5 =	simm.s32 @p1 $0x1;
	p0 =	seq.s32 s7, s2  }
0x1e: {  	s7 =	smul.u32 @!p0 $0xF7A, s2;
	p2 =	seq.s32 @!p0 s5, $0x0  }
0x1f: {  	s9 =	smul.u32 $0xF7A, s1;
	s8 =	simm.s32 @!p0 $0x1BF5;
	p2 =	por !p2, p0  }
0x20: {  	[sflag:s8] =	ssyncset.s32 @!p0 $0xFFFFF086;
	s6 =	sadd.s32 @!p0 s3, s7;
	s7 =	simm.s32 @!p0 $0x108  }
0x21: {  	s3 =	sadd.s32 s3, s9;
	s6 =	sadd.s32 @!p0 $0x88, s6;
	s7 =	simm.s32 @p2 $0x1082  }
0x22: {  	[simem:s7], [sflag:s8] =	dma.local @!p0 [hbm:s6], $0xF7A  }
0x23: {  	s9 =	sor.u32 $0xD0000000, s2;
	s6 =	simm.s32 $0x108;
	_ =	swait.ge @!p0 [sflag:s8], $0x0  }
0x24: {  	s3 =	sadd.s32 $0x88, s3;
	s6 =	simm.s32 @!p1 $0x1082;
	[sflag:s4] =	ssyncset.s32 $0xFFFFF086  }
0x25: {  	[simem:s6], [sflag:s4] =	dma.local [hbm:s3], $0xF7A  }
0x26: {  	[smem:$0x3F93] =	sst s1;
	(tag) =	ssettag s2;
	_ =	strace s9  }
0x27: {  	s1 =	sld [smem:$0x3FA3]  }
0x28: {  	s2 =	sld [smem:$0x3FA4]  }
0x29: {  	s4 =	sld [smem:$0x3FA6]  }
0x2a: {  	p0 =	seq.s32 s5, $0x0;
	s5 =	sld [smem:$0x3FA7]  }
0x2b: {  	s6 =	sld [smem:$0x3FA8]  }
0x2c: {  	s7 =	sld [smem:$0x3FA9]  }
0x2d: {  	s3 =	simm.s32 $0x108;
	s8 =	sld [smem:$0x3FAA]  }
0x2e: {  	s3 =	simm.s32 @!p0 $0x1082;
	s9 =	sld [smem:$0x3FAB]  }
0x2f: {  	lr =	sadd.s32 s0, s3;
	s0 =	sld [smem:$0x3FA2]  }
0x30: {  	s3 =	sld [smem:$0x3FA5]  }
0x31: {  	[smem:$0x3FAE] =	sst s10  }
0x32: {  	s10 =	sld [smem:$0x3FAC];
	_ =	sdelay $0x3  }
0x33: {  	p0 =	seq.s32 s10, $0x1;
	s10 =	sld [smem:$0x3FAE];
	_ =	sdelay $0x3  }
0x34: {  	[smem:$0x3FAE] =	sst s10  }
0x35: {  	s10 =	sld [smem:$0x3FAD];
	_ =	sdelay $0x3  }
0x36: {  	p1 =	seq.s32 s10, $0x1;
	s10 =	sld [smem:$0x3FAE];
	_ =	sdelay $0x3  }
0x37: {  	[smem:$0x3FAE] =	sst s10  }
0x38: {  	s10 =	sld [smem:$0x3FAF]  }
0x39: {  	_ = 	snop;
	(pc) =	sbr.ind lr, $3  }
0x3a: {  	_ = 	snop  }
0x3b: {  	_ = 	snop  }
0x3c: {  	p2 =	seq.s32 s10, $0x1;
	s10 =	sld [smem:$0x3FAE]  }
0x3d: {  	_ =	shalt  }
0x3e: {  	_ =	shalt  }
0x3f: {  	_ =	shalt  }
0x40: {  	_ =	shalt  }
0x41: {  	_ =	shalt  }
0x42: {  	_ =	shalt  }
0x43: {  	_ =	shalt  }
0x44: {  	_ =	shalt  }
0x45: {  	_ =	shalt  }
0x46: {  	_ =	shalt  }
0x47: {  	_ =	shalt  }
0x48: {  	_ =	shalt  }
0x49: {  	_ =	shalt  }
0x4a: {  	_ =	shalt  }
0x4b: {  	_ =	shalt  }
0x4c: {  	_ =	shalt  }
0x4d: {  	_ =	shalt  }
0x4e: {  	_ =	shalt  }
0x4f: {  	_ =	shalt  }
0x50: {  	_ =	shalt  }
0x51: {  	_ =	shalt  }
0x52: {  	_ =	shalt  }
0x53: {  	_ =	shalt  }
0x54: {  	_ =	shalt  }
0x55: {  	_ =	shalt  }
0x56: {  	_ =	shalt  }
0x57: {  	_ =	shalt  }
0x58: {  	_ =	shalt  }
0x59: {  	_ =	shalt  }
0x5a: {  	_ =	shalt  }
0x5b: {  	_ =	shalt  }
0x5c: {  	_ =	shalt  }
0x5d: {  	_ =	shalt  }
0x5e: {  	_ =	shalt  }
0x5f: {  	_ =	shalt  }
0x60: {  	_ =	shalt  }
0x61: {  	_ =	shalt  }
0x62: {  	_ =	shalt  }
0x63: {  	_ =	shalt  }
0x64: {  	_ =	shalt  }
0x65: {  	_ =	shalt  }
0x66: {  	_ =	shalt  }
0x67: {  	_ =	shalt  }
0x68: {  	_ =	shalt  }
0x69: {  	_ =	shalt  }
0x6a: {  	_ =	shalt  }
0x6b: {  	_ =	shalt  }
0x6c: {  	_ =	shalt  }
0x6d: {  	_ =	shalt  }
0x6e: {  	_ =	shalt  }
0x6f: {  	_ =	shalt  }
0x70: {  	_ =	shalt  }
0x71: {  	_ =	shalt  }
0x72: {  	_ =	shalt  }
0x73: {  	_ =	shalt  }
0x74: {  	_ =	shalt  }
0x75: {  	_ =	shalt  }
0x76: {  	_ =	shalt  }
0x77: {  	_ =	shalt  }
0x78: {  	_ =	shalt  }
0x79: {  	_ =	shalt  }
0x7a: {  	_ =	shalt  }
0x7b: {  	_ =	shalt  }
0x7c: {  	_ =	shalt  }
0x7d: {  	_ =	shalt  }
0x7e: {  	_ =	shalt  }
0x7f: {  	_ =	shalt  }
0x80: {  	_ =	shalt  }
0x81: {  	_ =	shalt  }
0x82: {  	_ =	shalt  }
0x83: {  	_ =	shalt  }
0x84: {  	_ =	shalt  }
0x85: {  	_ =	shalt  }
0x86: {  	_ =	shalt  }
0x87: {  	_ =	shalt  }
.Lfunc_end0:
.L_simem_size_0:
called_computation.2_lowered:
.L_overlay_start_0:
0x88: {  	s2 =	sld [smem:$0x3FD9]  }
0x89: {  	s3 =	sld [smem:$0x3FFE];
	_ =	sdelay $0x1  }
0x8a: {  	s1 =	srdreg.scid  }
0x8b: {  	s0 =	sand.u32 $0x1, s1  }
0x8c: {  	s17 =	sshll.u32 s0, $0xA;
	s2 =	sadd.s32 s3, s2  }
0x8d: {  	s2 =	sadd.s32 s2, s17  }
0x8e: {  	[smem:$0x3FBA] =	sst s2  }
0x8f: {  	_ = 	snop  }
0x90: {  	s2 =	sld [smem:$0x3FD0];
	(tm) =	ssettm $0x1  }
0x91: {  	s18 =	sld [smem:$0x3FFB];
	_ =	sdelay $0x3  }
0x92: {  	_ =	strace s18  }
0x93: {  	s3 =	sld [smem:$0x3FFC];
	_ =	sdelay $0x3  }
0x94: {  	_ =	strace s3  }
0x95: {  	s3 =	sld [smem:$0x3FFD];
	_ =	sdelay $0x3  }
0x96: {  	_ =	strace s3  }
0x97: {  	_ =	strace $0x8FFFFFFF  }
0x98: {  	s19 =	sld [smem:$0x3FDB];
	_ =	sdelay $0x1  }
0x99: {  	s4 =	simm.s32 $_scs_section_size  }
0x9a: {  	s5 =	simm.s32 $_size__tile_overlayer_lowered;
	s6 =	simm.s32 $_tile_overlayer_lowered  }
0x9b: {  	s22 =	simm.s32 $0x1BFF;
	s21 =	sshll.u32 s6, $0x1;
	s3 =	sadd.s32 s4, s19  }
0x9c: {  	s7 =	simm.s32 $0x0;
	s20 =	sshll.u32 s5, $0x1;
	s5 =	sadd.s32 s21, s3  }
0x9d: {  	[timem:s7], [sflag:s22] =	dma.local [hbm:s5], s20  }
0x9e: {  	_ =	swait.ge [sflag:s22], s20  }
0x9f: {  	s4 =	ssub.s32 $0x0, s20;
	[sflag:s22] =	ssyncset.done $0x0  }
0xa0: {  	[sflag:s22] =	ssyncadd.s32 s4;
	_ =	sdelay $0x1  }
0xa1: {  	s23 =	simm.s32 $0x1B8B  }
0xa2: {  	_ =	swait.ge [sflag:s23], $0x1  }
0xa3: {  	[sflag:s23] =	ssyncset.done $0x0  }
0xa4: {  	s25 =	simm.s32 $0x1B8E;
	s24 =	sld [smem:$0x3FFE];
	[sflag:s23] =	ssyncadd.s32 $0xFFFFFFFF  }
0xa5: {  	s26 =	simm.s32 $execute0_lowered;
	[smem:$0x3FD2] =	sst s25  }
0xa6: {  	s5 =	sshll.u32 s26, $0x1;
	_ =	strace $0x8000004C;
	[dreg:$0x1] =	wrdreg $0xFFFFFFFF  }
0xa7: {  	s28 =	simm.s32 $_size_execute0_lowered;
	s3 =	sadd.s32 s3, s5;
	[dreg:$0x0] =	wrdreg $0x0  }
0xa8: {  	s5 =	sshll.u32 s28, $0x1;
	[dreg:$0x2] =	wrdreg s3  }
0xa9: {  	[dreg:$0x3] =	wrdreg s5  }
0xaa: {  	[dreg:$0x4] =	wrdreg $0xC0  }
0xab: {  	_ =	task [dreg:s7], $0x5FFFF  }
0xac: {  	[dreg:$0x1] =	wrdreg $0xFFFFFFFF  }
0xad: {  	[dreg:$0x0] =	wrdreg $0x60  }
0xae: {  	[dreg:$0x2] =	wrdreg s24  }
0xaf: {  	[dreg:$0x3] =	wrdreg s2  }
0xb0: {  	[dreg:$0x4] =	wrdreg $0x98000  }
0xb1: {  	[dreg:$0x5] =	wrdreg $0x136000  }
0xb2: {  	[dreg:$0x6] =	wrdreg $0x9  }
0xb3: {  	_ =	task.clear_ibuf [dreg:s7], $0x7FFFF;
	_ =	strace $0x9000004C  }
0xb4: {  	s29 =	simm.s32 $0x9;
	_ =	strace $0x8000004E  }
0xb5: {  	_ =	swait.ge [sflag:s29], $0x1  }
0xb6: {  	[sflag:s29] =	ssyncadd.s32 $0xFFFFFFFF  }
0xb7: {  	_ =	strace $0x9000004E  }
0xb8: {  	_ =	sfence  }
0xb9: {  	s30 =	sld [smem:$0x0];
	_ =	sdelay $0x2  }
0xba: {  	s31 =	sshll.u32 s1, $0xD;
	s1 =	sshrl.u32 s1, $0x2  }
0xbb: {  	s3 =	sand.u32 $0x4000, s31;
	s1 =	sadd.s32 s1, s30  }
0xbc: {  	s0 =	sor.u32 s3, s0;
	s1 =	sshll.u32 s1, $0x11  }
0xbd: {  	s0 =	sor.u32 s1, s0  }
0xbe: {  	s0 =	sadd.s32 $0x8F2B, s0  }
0xbf: {  	[sflag:s0] =	ssyncadd.remote.s32 $0x1  }
0xc0: {  	_ =	sfence.sel $0xFFFF  }
0xc1: {  	[dreg:$0x0] =	wrdreg $0xFFFFFFFF;
	(pc) =	sbr.abs _section_cstart, $3  }
0xc2: {  	[dreg:$0x1] =	wrdreg $0xFFFFFFFF  }
0xc3: {  	_ =	task.clear_ibuf [dreg:s7], $0x2FFFF;
	_ =	strace $0x9FFFFFFF  }
0xc4: {  	(tm) =	ssettm $0x7FFFFFFF  }
0xc5: {  	_ =	shalt  }
tec
execute0_lowered:
.L_overlay_start_1:
0x0: {  	(tag) =	ssettag $0x1  }
0x1: {  	s0 =	rddreg [dreg:$0x0]  }
0x2: {  	s1 =	rddreg [dreg:$0x1];
	s3 =	srdreg.scid  }
0x3: {  	s7 =	stileid.u32;
	s2 =	rddreg [dreg:$0x2]  }
0x4: {  	s8 =	simm.s32 $0x0;
	s28 =	simm.s32 $0x2800;
	s30 =	simm.s32 $0x3800  }
0x5: {  	s29 =	simm.s32 $0x3;
	s31 =	simm.s32 $0x7800;
	s13 =	simm.s32 $0x5  }
0x6: {  	s14 =	simm.s32 $0x9;
	s4 =	sand.u32 $0x1, s3;
	s3 =	rddreg [dreg:$0x3]  }
0x7: {  	s5 =	smul.u32 $0x9E00, s7;
	[smem:$0x7FF] =	sst s8;
	s16 =	sadd.s32 $0x33600, s0  }
0x8: {  	s11 =	sadd.s32 $0x29600, s0;
	s10 =	smul.u32 $0x5000, s7;
	s20 =	sshll.u32 s7, $0x6  }
0x9: {  	p0 =	seq.s32 s7, $0xF;
	s6 =	smul.u32 $0x9E000, s4;
	_ =	strace $0x8000004D  }
0xa: {  	s9 =	ssub.s32 $0x2, s4;
	s4 =	smul.u32 $0x9C400, s4;
	[dreg:$0x5] =	wrdreg s16  }
0xb: {  	s19 =	sor.u32 $0x1C12, s20;
	[dreg:$0x6] =	wrdreg s11;
	s20 =	simm.s32 $0xC  }
0xc: {  	s17 =	sshrl.u32 s9, $0x1;
	s18 =	sadd.s32 s5, s2;
	[dreg:$0x7] =	wrdreg s10  }
0xd: {  	s10 =	sshrl.u32 s10, $0x3;
	s12 =	sadd.s32 s5, s3;
	[dreg:$0x9] =	wrdreg s19  }
0xe: {  	s6 =	sadd.s32 s5, s6;
	s21 =	sadd.s32 s16, s10;
	s22 =	sadd.s32 s11, s10  }
0xf: {  	s23 =	sor.u32 $0x80, s10;
	s5 =	sadd.s32 s5, s4;
	s4 =	sshrl.u32 s4, $0x3  }
0x10: {  	s25 =	sshrl.u32 s18, $0x3;
	[dreg:$0xa] =	wrdreg s12;
	s26 =	sshrl.u32 s12, $0x3  }
0x11: {  	s12 =	simm.s32 $0x8800;
	s10 =	simm.s32 $0xA;
	[dreg:$0xb] =	wrdreg s21  }
0x12: {  	s18 =	simm.s32 $0x8;
	s6 =	sshrl.u32 s6, $0x3;
	[dreg:$0xc] =	wrdreg s22  }
0x13: {  	s5 =	sshrl.u32 s5, $0x3;
	s24 =	sadd.s32 s11, s23;
	[dreg:$0x12] =	wrdreg s25  }
0x14: {  	[dreg:$0x13] =	wrdreg s26;
	s26 =	simm.s32 $0x1800;
	s21 =	simm.s32 $0x5800  }
0x15: {  	s22 =	simm.s32 $0x2;
	s11 =	simm.s32 $0x4;
	s15 =	sadd.s32 s6, s0  }
0x16: {  	s0 =	ssub.s32 s9, s17;
	s6 =	sadd.s32 s16, s23;
	[dreg:$0xe] =	wrdreg s24  }
0x17: {  	s5 =	sadd.s32 s1, s5;
	s1 =	sadd.s32 s1, s4;
	s24 =	simm.s32 $0x40  }
0x18: {  	s23 =	simm.s32 $0x6800;
	s16 =	simm.s32 $0x7;
	[dreg:$0xd] =	wrdreg s6  }
0x19: {  	s17 =	simm.s32 $0xB;
	s8 =	sadd.s32 $0x1E00, s15;
	[dreg:$0xf] =	wrdreg s5  }
0x1a: {  	s1 =	sadd.s32 $0x12840, s1;
	s0 =	smax.u32 s0, $0x1;
	[dreg:$0x8] =	wrdreg s8  }
0x1b: {  	s15 =	simm.s32 $0x6;
	[dreg:$0x10] =	wrdreg s1;
	s1 =	sadd.s32 $0x94200, s3  }
0x1c: {  	s6 =	simm.s32 $0x0;
	[dreg:$0x11] =	wrdreg s0;
	s0 =	sshrl.u32 @p0 s1, $0x3  }
0x1d: {  	s1 =	simm.s32 $0x4800;
	[dreg:$0x14] =	wrdreg s0;
	s0 =	simm.s32 $0x1  }
.LBB2_1:
0x1e: {  	[dreg:$0x15] =	wrdreg s6  }
0x1f: {  	s4 =	rddreg [dreg:$0x8]  }
0x20: {  	s5 =	rddreg [dreg:$0x12];
	s8 =	simm.s32 $0x12  }
0x21: {  	[spmem:s5], [sflag:s19] =	dma.local [hbm:s4], $0x13C0  }
0x22: {  	_ =	swait.ge [sflag:s8], $0x13C0  }
0x23: {  	[sflag:s8] =	ssyncset.done $0x0  }
0x24: {  	s9 =	rddreg [dreg:$0x13];
	[sflag:s8] =	ssyncadd.s32 $0xFFFFEC40  }
0x25: {  	[spmem:s9], [sflag:s19] =	dma.local [hbm:s4], $0x13C0  }
0x26: {  	_ =	swait.ge [sflag:s8], $0x13C0  }
0x27: {  	[sflag:s8] =	ssyncset.done $0x0  }
0x28: {  	s4 =	simm.s32 $0x0;
	s19 =	rddreg [dreg:$0xb];
	[sflag:s8] =	ssyncadd.s32 $0xFFFFEC40  }
0x29: {  	[tilespmem:s4], [sflag:$0x12] =	stream.linear.gather [hbm4b:s19+s4], $0x400, $0x38;
	[tilespmem:$0x1D400] =	vst v63  }
0x2a: {  	_ =	swait.ge [sflag:s8], $0x400  }
0x2b: {  	[sflag:s8] =	ssyncset.done $0x0  }
0x2c: {  	s7 =	simm.s32 $0xC00;
	s25 =	rddreg [dreg:$0xc];
	[sflag:s8] =	ssyncadd.s32 $0xFFFFFC00  }
0x2d: {  	[tilespmem:s7], [sflag:$0x12] =	stream.linear.gather [hbm4b:s25+s4], $0x400, $0x38;
	[tilespmem:$0x1D400] =	vst v63  }
0x2e: {  	_ =	swait.ge [sflag:s8], $0x400  }
0x2f: {  	[sflag:s8] =	ssyncset.done $0x0  }
0x30: {  	s7 =	simm.s32 $0x400;
	s6 =	rddreg [dreg:$0xd];
	[sflag:s8] =	ssyncadd.s32 $0xFFFFFC00  }
0x31: {  	[tilespmem:s7], [sflag:$0x11] =	stream.linear.gather [hbm4b:s6+s4], $0x400, $0x38;
	[tilespmem:$0x1D400] =	vst v63  }
0x32: {  	s9 =	simm.s32 $0x1000;
	s8 =	rddreg [dreg:$0xe]  }
0x33: {  	[tilespmem:s9], [sflag:$0x11] =	stream.linear.gather [hbm4b:s8+s4], $0x400, $0x38;
	[tilespmem:$0x1D400] =	vst v63  }
0x34: {  	[bflag:$0x0] =	sbarrier.arrive $0xFFFF  }
0x35: {  	[tilespmem:s26], [sflag:$0x1] =	stream.indirect.gather [spmem:s2], $0x40, s4, s24, $0xb8;
	[tilespmem:$0x1D400] =	vst v63  }
0x36: {  	_ = 	snop  }
0x37: {  	[tilespmem:s28], [sflag:$0x2] =	stream.indirect.gather [spmem:s2], $0x40, s24, s24, $0xb8;
	[tilespmem:$0x1D400] =	vst v63  }
0x38: {  	s19 =	simm.s32 $0x80  }
0x39: {  	[tilespmem:s30], [sflag:$0x3] =	stream.indirect.gather [spmem:s2], $0x40, s19, s24, $0xb8;
	[tilespmem:$0x1D400] =	vst v63  }
0x3a: {  	s25 =	simm.s32 $0xC0;
	s6 =	simm.s32 $0x0  }
0x3b: {  	[tilespmem:s1], [sflag:$0x4] =	stream.indirect.gather [spmem:s2], $0x40, s25, s24, $0xb8;
	[tilespmem:$0x1D400] =	vst v63  }
.LBB2_2:
0x3c: {  	p1 =	seq.s32 s6, $0x13  }
0x3d: {  	s4 =	smulhi.u32 $0xAAAAAAAB, s6;
	s5 =	simm.s32 @!p1 $0x11  }
0x3e: {  	_ =	swait.ge @!p1 [sflag:s5], $0x400  }
0x3f: {  	s4 =	sshrl.u32 s4, $0x1;
	[sflag:s5] =	ssyncset.done @!p1 $0x0  }
0x40: {  	s25 =	sadd.s32 $0x1, s6;
	s9 =	smul.u32 $0x3, s4;
	[sflag:s5] =	ssyncadd.s32 @!p1 $0xFFFFFC00  }
0x41: {  	_ =	swait.ge @!p1 [sflag:s5], $0x400;
	[dreg:$0x16] =	wrdreg s25  }
0x42: {  	s19 =	ssub.s32 s6, s9;
	[dreg:$0x17] =	wrdreg s6;
	[sflag:s5] =	ssyncset.done @!p1 $0x0  }
0x43: {  	s9 =	sshll.u32 s6, $0x4;
	s19 =	sshll.u32 s19, $0xA;
	[sflag:s5] =	ssyncadd.s32 @!p1 $0xFFFFFC00  }
0x44: {  	s25 =	sadd.s32 $0xC00, s19;
	s5 =	simm.s32 $0x0;
	p1 =	por $0x1, $0x1  }
.LBB2_3:
0x45: {  	_ =	swait.ge [sflag:s0], $0x1000;
	s6 =	sshll.u32 s5, $0xB;
	s5 =	sshll.u32 s5, $0x3  }
0x46: {  	[sflag:s0] =	ssyncset.done $0x0;
	s7 =	sshrl.u32 s6, $0x2;
	s4 =	sor.u32 s9, s5  }
0x47: {  	[sflag:s0] =	ssyncadd.s32 $0xFFFFF000;
	s8 =	sadd.s32 s7, s25;
	p2 =	seq.s32 s4, $0x0  }
0x48: {  	[spmem:s3] =	stream.indirect.scatter.add.f32 [tilespmem:s26], [sflag:$0x9], $0x40, s8, s24, $0xb8;
	[tilespmem:$0x1D400] =	vst v63  }
0x49: {  	s4 =	simm.s32 @!p2 $0xD  }
0x4a: {  	_ =	swait.ge @!p2 [sflag:s4], $0x1000  }
0x4b: {  	s7 =	sadd.s32 s7, s19;
	[sflag:s4] =	ssyncset.done @!p2 $0x0  }
0x4c: {  	s7 =	sadd.s32 $0x100, s7;
	[sflag:s4] =	ssyncadd.s32 @!p2 $0xFFFFF000  }
0x4d: {  	[tilespmem:s21], [sflag:$0x5] =	stream.indirect.gather [spmem:s2], $0x40, s7, s24, $0xb8;
	[tilespmem:$0x1D400] =	vst v63  }
0x4e: {  	s8 =	sor.u32 $0x100, s6;
	_ =	swait.ge [sflag:s22], $0x1000  }
0x4f: {  	s4 =	sshrl.u32 s8, $0x2;
	[sflag:s22] =	ssyncset.done $0x0  }
0x50: {  	s26 =	sadd.s32 s4, s25;
	s7 =	simm.s32 @!p2 $0xE;
	[sflag:s22] =	ssyncadd.s32 $0xFFFFF000  }
0x51: {  	[spmem:s3] =	stream.indirect.scatter.add.f32 [tilespmem:s28], [sflag:$0xA], $0x40, s26, s24, $0xb8;
	[tilespmem:$0x1D400] =	vst v63  }
0x52: {  	_ =	swait.ge @!p2 [sflag:s7], $0x1000  }
0x53: {  	s4 =	sadd.s32 s4, s19;
	[sflag:s7] =	ssyncset.done @!p2 $0x0  }
0x54: {  	s4 =	sadd.s32 $0x100, s4;
	[sflag:s7] =	ssyncadd.s32 @!p2 $0xFFFFF000  }
0x55: {  	[tilespmem:s23], [sflag:$0x6] =	stream.indirect.gather [spmem:s2], $0x40, s4, s24, $0xb8;
	[tilespmem:$0x1D400] =	vst v63  }
0x56: {  	s8 =	sor.u32 $0x200, s6;
	_ =	swait.ge [sflag:s29], $0x1000  }
0x57: {  	s4 =	sshrl.u32 s8, $0x2;
	[sflag:s29] =	ssyncset.done $0x0  }
0x58: {  	s6 =	simm.s32 @!p2 $0xF;
	s26 =	sadd.s32 s4, s25;
	[sflag:s29] =	ssyncadd.s32 $0xFFFFF000  }
0x59: {  	[spmem:s3] =	stream.indirect.scatter.add.f32 [tilespmem:s30], [sflag:$0xB], $0x40, s26, s24, $0xb8;
	[tilespmem:$0x1D400] =	vst v63  }
0x5a: {  	_ =	swait.ge @!p2 [sflag:s6], $0x1000  }
0x5b: {  	s4 =	sadd.s32 s4, s19;
	[sflag:s6] =	ssyncset.done @!p2 $0x0  }
0x5c: {  	s7 =	sor.u32 $0x3, s5;
	s4 =	sadd.s32 $0x100, s4;
	[sflag:s6] =	ssyncadd.s32 @!p2 $0xFFFFF000  }
0x5d: {  	[tilespmem:s31], [sflag:$0x7] =	stream.indirect.gather [spmem:s2], $0x40, s4, s24, $0xb8;
	[tilespmem:$0x1D400] =	vst v63  }
0x5e: {  	s8 =	sshll.u32 s7, $0x8;
	s4 =	sor.u32 s9, s7;
	_ =	swait.ge [sflag:s11], $0x1000  }
0x5f: {  	s6 =	sshrl.u32 s8, $0x2;
	p2 =	seq.s32 s4, $0x3;
	[sflag:s11] =	ssyncset.done $0x0  }
0x60: {  	s26 =	sadd.s32 s6, s25;
	s4 =	simm.s32 @!p2 $0x10;
	[sflag:s11] =	ssyncadd.s32 $0xFFFFF000  }
0x61: {  	[spmem:s3] =	stream.indirect.scatter.add.f32 [tilespmem:s1], [sflag:$0xC], $0x40, s26, s24, $0xb8;
	[tilespmem:$0x1D400] =	vst v63  }
0x62: {  	s8 =	sor.u32 $0x4, s5;
	s6 =	sadd.s32 s6, s19;
	_ =	swait.ge @!p2 [sflag:s4], $0x1000  }
0x63: {  	s7 =	sadd.s32 $0x100, s6;
	s6 =	sor.u32 s9, s8;
	[sflag:s4] =	ssyncset.done @!p2 $0x0  }
0x64: {  	p3 =	sgt.u32 s6, $0x13B;
	[sflag:s4] =	ssyncadd.s32 @!p2 $0xFFFFF000  }
0x65: {  	[tilespmem:s12], [sflag:$0x8] =	stream.indirect.gather [spmem:s2], $0x40, s7, s24, $0xb8;
	[tilespmem:$0x1D400] =	vst v63  }
0x66: {  	s6 =	sadd.s32 @!p3 $0x4, s6;
	s4 =	sshll.u32 s8, $0x6;
	_ =	swait.ge [sflag:s13], $0x1000  }
0x67: {  	s4 =	sand.u32 $0x3FFFFFC0, s4;
	s7 =	sshrl.u32 @!p3 s6, $0x4;
	[sflag:s13] =	ssyncset.done $0x0  }
0x68: {  	s4 =	sadd.s32 s4, s25;
	s8 =	smul.u32 @!p3 $0xAB, s7;
	[sflag:s13] =	ssyncadd.s32 $0xFFFFF000  }
0x69: {  	[spmem:s3] =	stream.indirect.scatter.add.f32 [tilespmem:s21], [sflag:$0xD], $0x40, s4, s24, $0xb8;
	[tilespmem:$0x1D400] =	vst v63  }
0x6a: {  	s4 =	sshrl.u32 @!p3 s8, $0x9  }
0x6b: {  	s4 =	sand.u32 @!p3 $0x7F, s4  }
0x6c: {  	s4 =	smul.u32 @!p3 $0x3, s4  }
0x6d: {  	s28 =	simm.s32 @!p3 $0x1800;
	s8 =	sor.u32 $0x5, s5  }
0x6e: {  	s6 =	sshll.u32 @!p3 s6, $0x6;
	s4 =	ssub.s32 @!p3 s7, s4;
	s7 =	sor.u32 s9, s8  }
0x6f: {  	s6 =	sand.u32 @!p3 $0x200, s6;
	s4 =	sand.u32 @!p3 $0xFF, s4;
	p2 =	sgt.u32 s7, $0x13B  }
0x70: {  	_ =	swait.ge [sflag:s14], $0x1000;
	s4 =	sshll.u32 @!p3 s4, $0xA;
	s7 =	sadd.s32 @!p2 $0x4, s7  }
0x71: {  	[sflag:s14] =	ssyncset.done $0x0;
	s4 =	sor.u32 @!p3 s6, s4;
	s6 =	sshrl.u32 @!p2 s7, $0x4  }
0x72: {  	s26 =	simm.s32 @!p3 $0x40;
	[sflag:s14] =	ssyncadd.s32 $0xFFFFF000;
	s30 =	smul.u32 @!p2 $0xAB, s6  }
0x73: {  	[tilespmem:s28], [sflag:$0x1] =	stream.indirect.gather @!p3 [spmem:s2], $0x40, s4, s26, $0xb8;
	[tilespmem:$0x1D400] =	vst v63  }
0x74: {  	s26 =	sshll.u32 s8, $0x6;
	_ =	swait.ge [sflag:s15], $0x1000;
	s8 =	sshrl.u32 @!p2 s30, $0x9  }
0x75: {  	s4 =	sand.u32 $0x3FFFFFC0, s26;
	[sflag:s15] =	ssyncset.done $0x0;
	s8 =	sand.u32 @!p2 $0x7F, s8  }
0x76: {  	s4 =	sadd.s32 s4, s25;
	[sflag:s15] =	ssyncadd.s32 $0xFFFFF000;
	s8 =	smul.u32 @!p2 $0x3, s8  }
0x77: {  	[spmem:s3] =	stream.indirect.scatter.add.f32 [tilespmem:s23], [sflag:$0xE], $0x40, s4, s24, $0xb8;
	[tilespmem:$0x1D400] =	vst v63  }
0x78: {  	_ =	swait.ge [sflag:s10], $0x1000;
	s4 =	ssub.s32 @!p2 s6, s8  }
0x79: {  	[sflag:s10] =	ssyncset.done $0x0;
	s6 =	sshll.u32 @!p2 s7, $0x6;
	s4 =	sand.u32 @!p2 $0xFF, s4  }
0x7a: {  	s7 =	simm.s32 @!p2 $0x2800;
	s6 =	sand.u32 @!p2 $0x240, s6;
	s4 =	sshll.u32 @!p2 s4, $0xA  }
0x7b: {  	[sflag:s10] =	ssyncadd.s32 $0xFFFFF000;
	s4 =	sor.u32 @!p2 s6, s4;
	s6 =	simm.s32 @!p2 $0x40  }
0x7c: {  	[tilespmem:s7], [sflag:$0x2] =	stream.indirect.gather @!p2 [spmem:s2], $0x40, s4, s6, $0xb8;
	[tilespmem:$0x1D400] =	vst v63  }
0x7d: {  	s7 =	sor.u32 $0x6, s5  }
0x7e: {  	s6 =	sor.u32 s9, s7  }
0x7f: {  	p3 =	sgt.u32 s6, $0x13B  }
0x80: {  	_ =	swait.ge [sflag:s16], $0x1000;
	s4 =	sshll.u32 s7, $0x6;
	s6 =	sadd.s32 @!p3 $0x4, s6  }
0x81: {  	[sflag:s16] =	ssyncset.done $0x0;
	s4 =	sand.u32 $0x3FFFFFC0, s4;
	s7 =	sshrl.u32 @!p3 s6, $0x4  }
0x82: {  	[sflag:s16] =	ssyncadd.s32 $0xFFFFF000;
	s4 =	sadd.s32 s4, s25;
	s8 =	smul.u32 @!p3 $0xAB, s7  }
0x83: {  	[spmem:s3] =	stream.indirect.scatter.add.f32 [tilespmem:s31], [sflag:$0xF], $0x40, s4, s24, $0xb8;
	[tilespmem:$0x1D400] =	vst v63  }
0x84: {  	s4 =	sshrl.u32 @!p3 s8, $0x9  }
0x85: {  	s4 =	sand.u32 @!p3 $0x7F, s4  }
0x86: {  	s4 =	smul.u32 @!p3 $0x3, s4  }
0x87: {  	s5 =	sor.u32 $0x7, s5;
	s26 =	simm.s32 @!p3 $0x3800  }
0x88: {  	s6 =	sshll.u32 @!p3 s6, $0x6;
	s4 =	ssub.s32 @!p3 s7, s4;
	s7 =	sor.u32 s9, s5  }
0x89: {  	_ =	swait.ge [sflag:s17], $0x1000;
	s4 =	sand.u32 @!p3 $0xFF, s4;
	p2 =	sgt.u32 s7, $0x13B  }
0x8a: {  	s6 =	sand.u32 @!p3 $0x280, s6;
	s4 =	sshll.u32 @!p3 s4, $0xA;
	s7 =	sadd.s32 @!p2 $0x4, s7  }
0x8b: {  	[sflag:s17] =	ssyncset.done $0x0;
	s4 =	sor.u32 @!p3 s6, s4;
	s6 =	sshrl.u32 @!p2 s7, $0x4  }
0x8c: {  	[sflag:s17] =	ssyncadd.s32 $0xFFFFF000;
	s8 =	simm.s32 @!p3 $0x40;
	s28 =	smul.u32 @!p2 $0xAB, s6  }
0x8d: {  	[tilespmem:s26], [sflag:$0x3] =	stream.indirect.gather @!p3 [spmem:s2], $0x40, s4, s8, $0xb8;
	[tilespmem:$0x1D400] =	vst v63  }
0x8e: {  	s8 =	sshll.u32 s5, $0x6;
	_ =	swait.ge [sflag:s18], $0x1000;
	s5 =	sshrl.u32 @!p2 s28, $0x9  }
0x8f: {  	s4 =	sand.u32 $0x3FFFFFC0, s8;
	[sflag:s18] =	ssyncset.done $0x0;
	s5 =	sand.u32 @!p2 $0x7F, s5  }
0x90: {  	s4 =	sadd.s32 s4, s25;
	[sflag:s18] =	ssyncadd.s32 $0xFFFFF000;
	s5 =	smul.u32 @!p2 $0x3, s5  }
0x91: {  	[spmem:s3] =	stream.indirect.scatter.add.f32 [tilespmem:s12], [sflag:$0x10], $0x40, s4, s24, $0xb8;
	[tilespmem:$0x1D400] =	vst v63  }
0x92: {  	_ =	swait.ge [sflag:s20], $0x1000;
	s4 =	ssub.s32 @!p2 s6, s5  }
0x93: {  	[sflag:s20] =	ssyncset.done $0x0;
	s5 =	sshll.u32 @!p2 s7, $0x6;
	s4 =	sand.u32 @!p2 $0xFF, s4  }
0x94: {  	s6 =	simm.s32 @!p2 $0x4800;
	s5 =	sand.u32 @!p2 $0x2C0, s5;
	s4 =	sshll.u32 @!p2 s4, $0xA  }
0x95: {  	[sflag:s20] =	ssyncadd.s32 $0xFFFFF000;
	s4 =	sor.u32 @!p2 s5, s4;
	s5 =	simm.s32 @!p2 $0x40  }
0x96: {  	[tilespmem:s6], [sflag:$0x4] =	stream.indirect.gather @!p2 [spmem:s2], $0x40, s4, s5, $0xb8;
	[tilespmem:$0x1D400] =	vst v63  }
0x97: {  	p2 =	por p1, p1  }
.Ltmp0:
0x98: {  	_ = 	snop;
	(pc) =	sbr.rel @p2 .LBB2_3-.Ltmp0, $3  }
0x99: {  	_ =	sdelay $0x1  }
0x9a: {  	s30 =	simm.s32 $0x3800;
	s26 =	simm.s32 $0x1800  }
0x9b: {  	s28 =	simm.s32 $0x2800;
	s5 =	simm.s32 $0x1;
	p1 =	por $0x0, $0x0  }
0x9c: {  	s4 =	rddreg [dreg:$0x17]  }
0x9d: {  	p1 =	sgt.u32 s4, $0x11  }
0x9e: {  	s4 =	sadd.s32 @!p1 $0x2, s4  }
0x9f: {  	s5 =	smul.u32 @!p1 $0xAB, s4;
	_ =	sdelay $0x1  }
0xa0: {  	s5 =	sshrl.u32 @!p1 s5, $0x9  }
0xa1: {  	s5 =	sand.u32 @!p1 $0x7F, s5  }
0xa2: {  	s5 =	smul.u32 @!p1 $0x3, s5  }
0xa3: {  	s7 =	rddreg [dreg:$0x7];
	s6 =	sshll.u32 @!p1 s4, $0xA  }
0xa4: {  	s6 =	sadd.s32 @!p1 s7, s6;
	s4 =	ssub.s32 @!p1 s4, s5  }
0xa5: {  	s5 =	sshrl.u32 @!p1 s6, $0x3;
	s6 =	rddreg [dreg:$0x5];
	s4 =	sand.u32 @!p1 $0xFF, s4  }
0xa6: {  	s7 =	simm.s32 @!p1 $0x0;
	s6 =	sadd.s32 @!p1 s6, s5;
	s4 =	sshll.u32 @!p1 s4, $0xA  }
0xa7: {  	[tilespmem:s4], [sflag:$0x11] =	stream.linear.gather @!p1 [hbm4b:s6+s7], $0x400, $0x38;
	[tilespmem:$0x1D400] =	vst v63  }
0xa8: {  	s6 =	rddreg [dreg:$0x6]  }
0xa9: {  	s25 =	rddreg [dreg:$0x16];
	s4 =	sadd.s32 @!p1 $0xC00, s4;
	s5 =	sadd.s32 @!p1 s6, s5  }
0xaa: {  	[tilespmem:s4], [sflag:$0x11] =	stream.linear.gather @!p1 [hbm4b:s5+s7], $0x400, $0x38;
	[tilespmem:$0x1D400] =	vst v63  }
0xab: {  	p1 =	sne.s32 s25, $0x14  }
.Ltmp1:
0xac: {  	_ = 	snop;
	(pc) =	sbr.rel @p1 .LBB2_2-.Ltmp1, $2  }
0xad: {  	_ =	sdelay $0x2  }
0xae: {  	s6 =	smov.u32 s25  }
0xaf: {  	s4 =	simm.s32 $0xD  }
0xb0: {  	_ =	swait.ge [sflag:s4], $0x1000  }
0xb1: {  	[sflag:s4] =	ssyncset.done $0x0  }
0xb2: {  	s8 =	simm.s32 $0xE;
	[sflag:s4] =	ssyncadd.s32 $0xFFFFF000  }
0xb3: {  	_ =	swait.ge [sflag:s8], $0x1000  }
0xb4: {  	[sflag:s8] =	ssyncset.done $0x0  }
0xb5: {  	s9 =	simm.s32 $0xF;
	[sflag:s8] =	ssyncadd.s32 $0xFFFFF000  }
0xb6: {  	_ =	swait.ge [sflag:s9], $0x1000  }
0xb7: {  	[sflag:s9] =	ssyncset.done $0x0  }
0xb8: {  	s19 =	simm.s32 $0x10;
	[sflag:s9] =	ssyncadd.s32 $0xFFFFF000  }
0xb9: {  	_ =	swait.ge [sflag:s19], $0x1000  }
0xba: {  	[sflag:s19] =	ssyncset.done $0x0  }
0xbb: {  	[sflag:s19] =	ssyncadd.s32 $0xFFFFF000  }
0xbc: {  	[bflag:$0x0] =	sbarrier.arrive $0xFFFF  }
0xbd: {  	s19 =	rddreg [dreg:$0x9]  }
0xbe: {  	s4 =	rddreg [dreg:$0x10]  }
0xbf: {  	s5 =	rddreg [dreg:$0x14]  }
0xc0: {  	[hbm:s4], [sflag:s19] =	dma.local @p0 [spmem:s5], $0x1040  }
0xc1: {  	s4 =	simm.s32 @p0 $0x12  }
0xc2: {  	_ =	swait.ge @p0 [sflag:s4], $0x1040  }
0xc3: {  	[sflag:s4] =	ssyncset.done @p0 $0x0  }
0xc4: {  	[sflag:s4] =	ssyncadd.s32 @p0 $0xFFFFEFC0;
	s4 =	rddreg [dreg:$0xa]  }
0xc5: {  	s5 =	rddreg [dreg:$0xf];
	s4 =	sshrl.u32 @!p0 s4, $0x3  }
0xc6: {  	[hbm:s5], [sflag:s19] =	dma.local @!p0 [spmem:s4], $0x13C0  }
0xc7: {  	s4 =	simm.s32 @!p0 $0x12  }
0xc8: {  	_ =	swait.ge @!p0 [sflag:s4], $0x13C0  }
0xc9: {  	s6 =	rddreg [dreg:$0x15]  }
0xca: {  	s25 =	rddreg [dreg:$0x11];
	s6 =	sadd.s32 $0x1, s6  }
0xcb: {  	p1 =	sne.s32 s6, s25  }
.Ltmp2:
0xcc: {  	_ = 	snop;
	(pc) =	sbr.rel @p1 .LBB2_1-.Ltmp2, $3  }
0xcd: {  	_ =	sdelay $0x1  }
0xce: {  	[sflag:s4] =	ssyncset.done @!p0 $0x0  }
0xcf: {  	[sflag:s4] =	ssyncadd.s32 @!p0 $0xFFFFEC40  }
0xd0: {  	_ =	sfence.sel $0x180000  }
0xd1: {  	[bflag:$0x0] =	sbarrier.arrive $0xFFFF  }
0xd2: {  	_ =	strace $0x9000004D  }
0xd3: {  	s0 =	stileid.u32;
	[bflag:$0x2] =	sbarrier.arrive $0xFFFF  }
0xd4: {  	p0 =	sne.s32 s0, $0x0;
	s0 =	rddreg [dreg:$0x4]  }
0xd5: {  	s0 =	sadd.s32 @!p0 $0x100000, s0  }
0xd6: {  	[sflag:s0] =	ssyncadd.tile.s32 @!p0 $0x1;
	_ =	shalt  }
.Lfunc_end2:
_tile_overlayer_lowered:
.L_overlay_start_2:
0xd7: {  	(tag) =	ssettag $0x2  }
0xd8: {  	s0 =	rddreg [dreg:$0x0];
	s2 =	stileid.u32  }
0xd9: {  	s1 =	rddreg [dreg:$0x1];
	p0 =	sne.s32 s2, $0x0  }
0xda: {  	s3 =	rddreg [dreg:$0x2];
	[bflag:$0x3] =	sbarrier.arrive $0xFFFF;
	s2 =	simm.s32 @!p0 $0x1C12  }
0xdb: {  	[timem:s3], [sflag:s2] =	dma.local @!p0 [hbm:s0], s1  }
0xdc: {  	s0 =	simm.s32 @!p0 $0x12  }
0xdd: {  	_ =	swait.ge @!p0 [sflag:s0], s1  }
0xde: {  	s1 =	ssub.s32 @!p0 $0x0, s1;
	[sflag:s0] =	ssyncset.done @!p0 $0x0  }
0xdf: {  	[sflag:s0] =	ssyncadd.s32 @!p0 s1  }
0xe0: {  	[bflag:$0x3] =	sbarrier.arrive $0xFFFF  }
0xe1: {  	_ =	shalt  }

// kernel: kernel.8.cloned.1.call-start
scs
__scs_entry_jumppad:
0x0: {  	(pc) =	sbr.rel $0x88, $3  }
0x1: {  	(tag) =	ssettag $0x0;
	lr =	simm.s32 $0x1  }
0x2: {  	[smem:$0x3F93] =	sst lr;
	_ =	strace $0xD0000000  }
0x3: {  	_ = 	snop  }
0x4: {  	_ = 	snop  }
0x5: {  	_ = 	snop  }
0x6: {  	_ = 	snop  }
0x7: {  	_ = 	snop  }
__scs_overlays_trampoline_lowered:
0x8: {  	[smem:$0x3FA2] =	sst s0  }
0x9: {  	[smem:$0x3FA3] =	sst s1  }
0xa: {  	[smem:$0x3FA4] =	sst s2  }
0xb: {  	[smem:$0x3FA5] =	sst s3  }
0xc: {  	[smem:$0x3FA6] =	sst s4  }
0xd: {  	[smem:$0x3FA7] =	sst s5  }
0xe: {  	[smem:$0x3FA8] =	sst s6  }
0xf: {  	[smem:$0x3FA9] =	sst s7  }
0x10: {  	[smem:$0x3FAA] =	sst s8  }
0x11: {  	[smem:$0x3FAB] =	sst s9;
	s0 =	simm.s32 @!p0 $0x0  }
0x12: {  	s1 =	sld [smem:$0x3F91];
	s0 =	simm.s32 @p0 $0x1  }
0x13: {  	[smem:$0x3FAC] =	sst s0;
	s0 =	simm.s32 @!p1 $0x0  }
0x14: {  	s2 =	sld [smem:$0x3F90];
	s0 =	simm.s32 @p1 $0x1  }
0x15: {  	[smem:$0x3FAD] =	sst s0;
	s0 =	simm.s32 @!p2 $0x0  }
0x16: {  	s3 =	sld [smem:$0x3FDB];
	s0 =	simm.s32 @p2 $0x1  }
0x17: {  	s4 =	simm.s32 $0x1BF5;
	[smem:$0x3FAF] =	sst s0  }
0x18: {  	s0 =	sld [smem:$0x3F92];
	_ =	swait.ge [sflag:s4], $0x0  }
0x19: {  	s7 =	sld [smem:$0x3F93]  }
0x1a: {  	s8 =	sadd.s32 $0xFFFFE003, lr  }
0x1b: {  	s9 =	sadd.s32 $0xFFFFFEF7, lr;
	s5 =	simm.s32 $0xFFFFFFFF;
	p2 =	slt.u32 s8, $0xFFFFF086  }
0x1c: {  	p1 =	slt.u32 s9, $0xF7A;
	s5 =	simm.s32 @!p2 $0x0  }
0x1d: {  	s5 =	simm.s32 @p1 $0x1;
	p0 =	seq.s32 s7, s2  }
0x1e: {  	s7 =	smul.u32 @!p0 $0xF7A, s2;
	p2 =	seq.s32 @!p0 s5, $0x0  }
0x1f: {  	s9 =	smul.u32 $0xF7A, s1;
	s8 =	simm.s32 @!p0 $0x1BF5;
	p2 =	por !p2, p0  }
0x20: {  	[sflag:s8] =	ssyncset.s32 @!p0 $0xFFFFF086;
	s6 =	sadd.s32 @!p0 s3, s7;
	s7 =	simm.s32 @!p0 $0x108  }
0x21: {  	s3 =	sadd.s32 s3, s9;
	s6 =	sadd.s32 @!p0 $0x88, s6;
	s7 =	simm.s32 @p2 $0x1082  }
0x22: {  	[simem:s7], [sflag:s8] =	dma.local @!p0 [hbm:s6], $0xF7A  }
0x23: {  	s9 =	sor.u32 $0xD0000000, s2;
	s6 =	simm.s32 $0x108;
	_ =	swait.ge @!p0 [sflag:s8], $0x0  }
0x24: {  	s3 =	sadd.s32 $0x88, s3;
	s6 =	simm.s32 @!p1 $0x1082;
	[sflag:s4] =	ssyncset.s32 $0xFFFFF086  }
0x25: {  	[simem:s6], [sflag:s4] =	dma.local [hbm:s3], $0xF7A  }
0x26: {  	[smem:$0x3F93] =	sst s1;
	(tag) =	ssettag s2;
	_ =	strace s9  }
0x27: {  	s1 =	sld [smem:$0x3FA3]  }
0x28: {  	s2 =	sld [smem:$0x3FA4]  }
0x29: {  	s4 =	sld [smem:$0x3FA6]  }
0x2a: {  	p0 =	seq.s32 s5, $0x0;
	s5 =	sld [smem:$0x3FA7]  }
0x2b: {  	s6 =	sld [smem:$0x3FA8]  }
0x2c: {  	s7 =	sld [smem:$0x3FA9]  }
0x2d: {  	s3 =	simm.s32 $0x108;
	s8 =	sld [smem:$0x3FAA]  }
0x2e: {  	s3 =	simm.s32 @!p0 $0x1082;
	s9 =	sld [smem:$0x3FAB]  }
0x2f: {  	lr =	sadd.s32 s0, s3;
	s0 =	sld [smem:$0x3FA2]  }
0x30: {  	s3 =	sld [smem:$0x3FA5]  }
0x31: {  	[smem:$0x3FAE] =	sst s10  }
0x32: {  	s10 =	sld [smem:$0x3FAC];
	_ =	sdelay $0x3  }
0x33: {  	p0 =	seq.s32 s10, $0x1;
	s10 =	sld [smem:$0x3FAE];
	_ =	sdelay $0x3  }
0x34: {  	[smem:$0x3FAE] =	sst s10  }
0x35: {  	s10 =	sld [smem:$0x3FAD];
	_ =	sdelay $0x3  }
0x36: {  	p1 =	seq.s32 s10, $0x1;
	s10 =	sld [smem:$0x3FAE];
	_ =	sdelay $0x3  }
0x37: {  	[smem:$0x3FAE] =	sst s10  }
0x38: {  	s10 =	sld [smem:$0x3FAF]  }
0x39: {  	_ = 	snop;
	(pc) =	sbr.ind lr, $3  }
0x3a: {  	_ = 	snop  }
0x3b: {  	_ = 	snop  }
0x3c: {  	p2 =	seq.s32 s10, $0x1;
	s10 =	sld [smem:$0x3FAE]  }
0x3d: {  	_ =	shalt  }
0x3e: {  	_ =	shalt  }
0x3f: {  	_ =	shalt  }
0x40: {  	_ =	shalt  }
0x41: {  	_ =	shalt  }
0x42: {  	_ =	shalt  }
0x43: {  	_ =	shalt  }
0x44: {  	_ =	shalt  }
0x45: {  	_ =	shalt  }
0x46: {  	_ =	shalt  }
0x47: {  	_ =	shalt  }
0x48: {  	_ =	shalt  }
0x49: {  	_ =	shalt  }
0x4a: {  	_ =	shalt  }
0x4b: {  	_ =	shalt  }
0x4c: {  	_ =	shalt  }
0x4d: {  	_ =	shalt  }
0x4e: {  	_ =	shalt  }
0x4f: {  	_ =	shalt  }
0x50: {  	_ =	shalt  }
0x51: {  	_ =	shalt  }
0x52: {  	_ =	shalt  }
0x53: {  	_ =	shalt  }
0x54: {  	_ =	shalt  }
0x55: {  	_ =	shalt  }
0x56: {  	_ =	shalt  }
0x57: {  	_ =	shalt  }
0x58: {  	_ =	shalt  }
0x59: {  	_ =	shalt  }
0x5a: {  	_ =	shalt  }
0x5b: {  	_ =	shalt  }
0x5c: {  	_ =	shalt  }
0x5d: {  	_ =	shalt  }
0x5e: {  	_ =	shalt  }
0x5f: {  	_ =	shalt  }
0x60: {  	_ =	shalt  }
0x61: {  	_ =	shalt  }
0x62: {  	_ =	shalt  }
0x63: {  	_ =	shalt  }
0x64: {  	_ =	shalt  }
0x65: {  	_ =	shalt  }
0x66: {  	_ =	shalt  }
0x67: {  	_ =	shalt  }
0x68: {  	_ =	shalt  }
0x69: {  	_ =	shalt  }
0x6a: {  	_ =	shalt  }
0x6b: {  	_ =	shalt  }
0x6c: {  	_ =	shalt  }
0x6d: {  	_ =	shalt  }
0x6e: {  	_ =	shalt  }
0x6f: {  	_ =	shalt  }
0x70: {  	_ =	shalt  }
0x71: {  	_ =	shalt  }
0x72: {  	_ =	shalt  }
0x73: {  	_ =	shalt  }
0x74: {  	_ =	shalt  }
0x75: {  	_ =	shalt  }
0x76: {  	_ =	shalt  }
0x77: {  	_ =	shalt  }
0x78: {  	_ =	shalt  }
0x79: {  	_ =	shalt  }
0x7a: {  	_ =	shalt  }
0x7b: {  	_ =	shalt  }
0x7c: {  	_ =	shalt  }
0x7d: {  	_ =	shalt  }
0x7e: {  	_ =	shalt  }
0x7f: {  	_ =	shalt  }
0x80: {  	_ =	shalt  }
0x81: {  	_ =	shalt  }
0x82: {  	_ =	shalt  }
0x83: {  	_ =	shalt  }
0x84: {  	_ =	shalt  }
0x85: {  	_ =	shalt  }
0x86: {  	_ =	shalt  }
0x87: {  	_ =	shalt  }
.Lfunc_end0:
.L_simem_size_0:
called_computation_lowered:
.L_overlay_start_0:
0x88: {  	s2 =	sld [smem:$0x3FD9]  }
0x89: {  	s3 =	sld [smem:$0x3FFE];
	_ =	sdelay $0x1  }
0x8a: {  	s1 =	srdreg.scid  }
0x8b: {  	s0 =	sand.u32 $0x1, s1  }
0x8c: {  	s17 =	sshll.u32 s0, $0xA;
	s2 =	sadd.s32 s3, s2  }
0x8d: {  	s2 =	sadd.s32 s2, s17  }
0x8e: {  	[smem:$0x3FBA] =	sst s2  }
0x8f: {  	_ = 	snop  }
0x90: {  	s2 =	sld [smem:$0x3FD0];
	(tm) =	ssettm $0x1  }
0x91: {  	s18 =	sld [smem:$0x3FFB];
	_ =	sdelay $0x3  }
0x92: {  	_ =	strace s18  }
0x93: {  	s3 =	sld [smem:$0x3FFC];
	_ =	sdelay $0x3  }
0x94: {  	_ =	strace s3  }
0x95: {  	s3 =	sld [smem:$0x3FFD];
	_ =	sdelay $0x3  }
0x96: {  	_ =	strace s3  }
0x97: {  	_ =	strace $0x8FFFFFFF  }
0x98: {  	s19 =	sld [smem:$0x3FDB];
	_ =	sdelay $0x1  }
0x99: {  	s4 =	simm.s32 $_scs_section_size  }
0x9a: {  	s5 =	simm.s32 $_size__tile_overlayer_lowered;
	s6 =	simm.s32 $_tile_overlayer_lowered  }
0x9b: {  	s22 =	simm.s32 $0x1BFF;
	s21 =	sshll.u32 s6, $0x1;
	s3 =	sadd.s32 s4, s19  }
0x9c: {  	s7 =	simm.s32 $0x0;
	s20 =	sshll.u32 s5, $0x1;
	s5 =	sadd.s32 s21, s3  }
0x9d: {  	[timem:s7], [sflag:s22] =	dma.local [hbm:s5], s20  }
0x9e: {  	_ =	swait.ge [sflag:s22], s20  }
0x9f: {  	s4 =	ssub.s32 $0x0, s20;
	[sflag:s22] =	ssyncset.done $0x0  }
0xa0: {  	[sflag:s22] =	ssyncadd.s32 s4;
	_ =	sdelay $0x1  }
0xa1: {  	s23 =	simm.s32 $0x1B8B  }
0xa2: {  	_ =	swait.ge [sflag:s23], $0x1  }
0xa3: {  	[sflag:s23] =	ssyncset.done $0x0  }
0xa4: {  	s25 =	simm.s32 $0x1B8E;
	s24 =	sld [smem:$0x3FFE];
	[sflag:s23] =	ssyncadd.s32 $0xFFFFFFFF  }
0xa5: {  	s26 =	simm.s32 $execute0_lowered;
	[smem:$0x3FD2] =	sst s25  }
0xa6: {  	s5 =	sshll.u32 s26, $0x1;
	_ =	strace $0x80000046;
	[dreg:$0x1] =	wrdreg $0xFFFFFFFF  }
0xa7: {  	s28 =	simm.s32 $_size_execute0_lowered;
	s3 =	sadd.s32 s3, s5;
	[dreg:$0x0] =	wrdreg $0x0  }
0xa8: {  	s5 =	sshll.u32 s28, $0x1;
	[dreg:$0x2] =	wrdreg s3  }
0xa9: {  	[dreg:$0x3] =	wrdreg s5  }
0xaa: {  	[dreg:$0x4] =	wrdreg $0xC0  }
0xab: {  	_ =	task [dreg:s7], $0x5FFFF  }
0xac: {  	[dreg:$0x1] =	wrdreg $0xFFFFFFFF  }
0xad: {  	[dreg:$0x0] =	wrdreg $0x60  }
0xae: {  	[dreg:$0x2] =	wrdreg s24  }
0xaf: {  	[dreg:$0x3] =	wrdreg s2  }
0xb0: {  	[dreg:$0x4] =	wrdreg $0x98000  }
0xb1: {  	[dreg:$0x5] =	wrdreg $0x136000  }
0xb2: {  	[dreg:$0x6] =	wrdreg $0x9  }
0xb3: {  	_ =	task.clear_ibuf [dreg:s7], $0x7FFFF;
	_ =	strace $0x90000046  }
0xb4: {  	s29 =	simm.s32 $0x9;
	_ =	strace $0x80000048  }
0xb5: {  	_ =	swait.ge [sflag:s29], $0x1  }
0xb6: {  	[sflag:s29] =	ssyncadd.s32 $0xFFFFFFFF  }
0xb7: {  	_ =	strace $0x90000048  }
0xb8: {  	_ =	sfence  }
0xb9: {  	s30 =	sld [smem:$0x0];
	_ =	sdelay $0x2  }
0xba: {  	s31 =	sshll.u32 s1, $0xD;
	s1 =	sshrl.u32 s1, $0x2  }
0xbb: {  	s3 =	sand.u32 $0x4000, s31;
	s1 =	sadd.s32 s1, s30  }
0xbc: {  	s0 =	sor.u32 s3, s0;
	s1 =	sshll.u32 s1, $0x11  }
0xbd: {  	s0 =	sor.u32 s1, s0  }
0xbe: {  	s0 =	sadd.s32 $0x8F2B, s0  }
0xbf: {  	[sflag:s0] =	ssyncadd.remote.s32 $0x1  }
0xc0: {  	_ =	sfence.sel $0xFFFF  }
0xc1: {  	[dreg:$0x0] =	wrdreg $0xFFFFFFFF;
	(pc) =	sbr.abs _section_cstart, $3  }
0xc2: {  	[dreg:$0x1] =	wrdreg $0xFFFFFFFF  }
0xc3: {  	_ =	task.clear_ibuf [dreg:s7], $0x2FFFF;
	_ =	strace $0x9FFFFFFF  }
0xc4: {  	(tm) =	ssettm $0x7FFFFFFF  }
0xc5: {  	_ =	shalt  }
tec
execute0_lowered:
.L_overlay_start_1:
0x0: {  	(tag) =	ssettag $0x1  }
0x1: {  	s0 =	rddreg [dreg:$0x0]  }
0x2: {  	s1 =	rddreg [dreg:$0x1];
	s3 =	srdreg.scid  }
0x3: {  	s7 =	stileid.u32;
	s2 =	rddreg [dreg:$0x2]  }
0x4: {  	s8 =	simm.s32 $0x0;
	s28 =	simm.s32 $0x2800;
	s30 =	simm.s32 $0x3800  }
0x5: {  	s29 =	simm.s32 $0x3;
	s31 =	simm.s32 $0x7800;
	s13 =	simm.s32 $0x5  }
0x6: {  	s14 =	simm.s32 $0x9;
	s4 =	sand.u32 $0x1, s3;
	s3 =	rddreg [dreg:$0x3]  }
0x7: {  	s5 =	smul.u32 $0x9E00, s7;
	[smem:$0x7FF] =	sst s8;
	s16 =	sadd.s32 $0x33600, s0  }
0x8: {  	s11 =	sadd.s32 $0x29600, s0;
	s10 =	smul.u32 $0x5000, s7;
	s20 =	sshll.u32 s7, $0x6  }
0x9: {  	p0 =	seq.s32 s7, $0xF;
	s6 =	smul.u32 $0x9E000, s4;
	_ =	strace $0x80000047  }
0xa: {  	s9 =	ssub.s32 $0x2, s4;
	s4 =	smul.u32 $0x9C400, s4;
	[dreg:$0x5] =	wrdreg s16  }
0xb: {  	s19 =	sor.u32 $0x1C12, s20;
	[dreg:$0x6] =	wrdreg s11;
	s20 =	simm.s32 $0xC  }
0xc: {  	s17 =	sshrl.u32 s9, $0x1;
	s18 =	sadd.s32 s5, s2;
	[dreg:$0x7] =	wrdreg s10  }
0xd: {  	s10 =	sshrl.u32 s10, $0x3;
	s12 =	sadd.s32 s5, s3;
	[dreg:$0x9] =	wrdreg s19  }
0xe: {  	s6 =	sadd.s32 s5, s6;
	s21 =	sadd.s32 s16, s10;
	s22 =	sadd.s32 s11, s10  }
0xf: {  	s23 =	sor.u32 $0x80, s10;
	s5 =	sadd.s32 s5, s4;
	s4 =	sshrl.u32 s4, $0x3  }
0x10: {  	s25 =	sshrl.u32 s18, $0x3;
	[dreg:$0xa] =	wrdreg s12;
	s26 =	sshrl.u32 s12, $0x3  }
0x11: {  	s12 =	simm.s32 $0x8800;
	s10 =	simm.s32 $0xA;
	[dreg:$0xb] =	wrdreg s21  }
0x12: {  	s18 =	simm.s32 $0x8;
	s6 =	sshrl.u32 s6, $0x3;
	[dreg:$0xc] =	wrdreg s22  }
0x13: {  	s5 =	sshrl.u32 s5, $0x3;
	s24 =	sadd.s32 s11, s23;
	[dreg:$0x12] =	wrdreg s25  }
0x14: {  	[dreg:$0x13] =	wrdreg s26;
	s26 =	simm.s32 $0x1800;
	s21 =	simm.s32 $0x5800  }
0x15: {  	s22 =	simm.s32 $0x2;
	s11 =	simm.s32 $0x4;
	s15 =	sadd.s32 s6, s0  }
0x16: {  	s0 =	ssub.s32 s9, s17;
	s6 =	sadd.s32 s16, s23;
	[dreg:$0xe] =	wrdreg s24  }
0x17: {  	s5 =	sadd.s32 s1, s5;
	s1 =	sadd.s32 s1, s4;
	s24 =	simm.s32 $0x40  }
0x18: {  	s23 =	simm.s32 $0x6800;
	s16 =	simm.s32 $0x7;
	[dreg:$0xd] =	wrdreg s6  }
0x19: {  	s17 =	simm.s32 $0xB;
	s8 =	sadd.s32 $0x1E00, s15;
	[dreg:$0xf] =	wrdreg s5  }
0x1a: {  	s1 =	sadd.s32 $0x12840, s1;
	s0 =	smax.u32 s0, $0x1;
	[dreg:$0x8] =	wrdreg s8  }
0x1b: {  	s15 =	simm.s32 $0x6;
	[dreg:$0x10] =	wrdreg s1;
	s1 =	sadd.s32 $0x94200, s3  }
0x1c: {  	s6 =	simm.s32 $0x0;
	[dreg:$0x11] =	wrdreg s0;
	s0 =	sshrl.u32 @p0 s1, $0x3  }
0x1d: {  	s1 =	simm.s32 $0x4800;
	[dreg:$0x14] =	wrdreg s0;
	s0 =	simm.s32 $0x1  }
.LBB2_1:
0x1e: {  	[dreg:$0x15] =	wrdreg s6  }
0x1f: {  	s4 =	rddreg [dreg:$0x8]  }
0x20: {  	s5 =	rddreg [dreg:$0x12];
	s8 =	simm.s32 $0x12  }
0x21: {  	[spmem:s5], [sflag:s19] =	dma.local [hbm:s4], $0x13C0  }
0x22: {  	_ =	swait.ge [sflag:s8], $0x13C0  }
0x23: {  	[sflag:s8] =	ssyncset.done $0x0  }
0x24: {  	s9 =	rddreg [dreg:$0x13];
	[sflag:s8] =	ssyncadd.s32 $0xFFFFEC40  }
0x25: {  	[spmem:s9], [sflag:s19] =	dma.local [hbm:s4], $0x13C0  }
0x26: {  	_ =	swait.ge [sflag:s8], $0x13C0  }
0x27: {  	[sflag:s8] =	ssyncset.done $0x0  }
0x28: {  	s4 =	simm.s32 $0x0;
	s19 =	rddreg [dreg:$0xb];
	[sflag:s8] =	ssyncadd.s32 $0xFFFFEC40  }
0x29: {  	[tilespmem:s4], [sflag:$0x12] =	stream.linear.gather [hbm4b:s19+s4], $0x400, $0x38;
	[tilespmem:$0x1D400] =	vst v63  }
0x2a: {  	_ =	swait.ge [sflag:s8], $0x400  }
0x2b: {  	[sflag:s8] =	ssyncset.done $0x0  }
0x2c: {  	s7 =	simm.s32 $0xC00;
	s25 =	rddreg [dreg:$0xc];
	[sflag:s8] =	ssyncadd.s32 $0xFFFFFC00  }
0x2d: {  	[tilespmem:s7], [sflag:$0x12] =	stream.linear.gather [hbm4b:s25+s4], $0x400, $0x38;
	[tilespmem:$0x1D400] =	vst v63  }
0x2e: {  	_ =	swait.ge [sflag:s8], $0x400  }
0x2f: {  	[sflag:s8] =	ssyncset.done $0x0  }
0x30: {  	s7 =	simm.s32 $0x400;
	s6 =	rddreg [dreg:$0xd];
	[sflag:s8] =	ssyncadd.s32 $0xFFFFFC00  }
0x31: {  	[tilespmem:s7], [sflag:$0x11] =	stream.linear.gather [hbm4b:s6+s4], $0x400, $0x38;
	[tilespmem:$0x1D400] =	vst v63  }
0x32: {  	s9 =	simm.s32 $0x1000;
	s8 =	rddreg [dreg:$0xe]  }
0x33: {  	[tilespmem:s9], [sflag:$0x11] =	stream.linear.gather [hbm4b:s8+s4], $0x400, $0x38;
	[tilespmem:$0x1D400] =	vst v63  }
0x34: {  	[bflag:$0x0] =	sbarrier.arrive $0xFFFF  }
0x35: {  	[tilespmem:s26], [sflag:$0x1] =	stream.indirect.gather [spmem:s2], $0x40, s4, s24, $0xb8;
	[tilespmem:$0x1D400] =	vst v63  }
0x36: {  	_ = 	snop  }
0x37: {  	[tilespmem:s28], [sflag:$0x2] =	stream.indirect.gather [spmem:s2], $0x40, s24, s24, $0xb8;
	[tilespmem:$0x1D400] =	vst v63  }
0x38: {  	s19 =	simm.s32 $0x80  }
0x39: {  	[tilespmem:s30], [sflag:$0x3] =	stream.indirect.gather [spmem:s2], $0x40, s19, s24, $0xb8;
	[tilespmem:$0x1D400] =	vst v63  }
0x3a: {  	s25 =	simm.s32 $0xC0;
	s6 =	simm.s32 $0x0  }
0x3b: {  	[tilespmem:s1], [sflag:$0x4] =	stream.indirect.gather [spmem:s2], $0x40, s25, s24, $0xb8;
	[tilespmem:$0x1D400] =	vst v63  }
.LBB2_2:
0x3c: {  	p1 =	seq.s32 s6, $0x13  }
0x3d: {  	s4 =	smulhi.u32 $0xAAAAAAAB, s6;
	s5 =	simm.s32 @!p1 $0x11  }
0x3e: {  	_ =	swait.ge @!p1 [sflag:s5], $0x400  }
0x3f: {  	s4 =	sshrl.u32 s4, $0x1;
	[sflag:s5] =	ssyncset.done @!p1 $0x0  }
0x40: {  	s25 =	sadd.s32 $0x1, s6;
	s9 =	smul.u32 $0x3, s4;
	[sflag:s5] =	ssyncadd.s32 @!p1 $0xFFFFFC00  }
0x41: {  	_ =	swait.ge @!p1 [sflag:s5], $0x400;
	[dreg:$0x16] =	wrdreg s25  }
0x42: {  	s19 =	ssub.s32 s6, s9;
	[dreg:$0x17] =	wrdreg s6;
	[sflag:s5] =	ssyncset.done @!p1 $0x0  }
0x43: {  	s9 =	sshll.u32 s6, $0x4;
	s19 =	sshll.u32 s19, $0xA;
	[sflag:s5] =	ssyncadd.s32 @!p1 $0xFFFFFC00  }
0x44: {  	s25 =	sadd.s32 $0xC00, s19;
	s5 =	simm.s32 $0x0;
	p1 =	por $0x1, $0x1  }
.LBB2_3:
0x45: {  	_ =	swait.ge [sflag:s0], $0x1000;
	s6 =	sshll.u32 s5, $0xB;
	s5 =	sshll.u32 s5, $0x3  }
0x46: {  	[sflag:s0] =	ssyncset.done $0x0;
	s7 =	sshrl.u32 s6, $0x2;
	s4 =	sor.u32 s9, s5  }
0x47: {  	[sflag:s0] =	ssyncadd.s32 $0xFFFFF000;
	s8 =	sadd.s32 s7, s25;
	p2 =	seq.s32 s4, $0x0  }
0x48: {  	[spmem:s3] =	stream.indirect.scatter.add.f32 [tilespmem:s26], [sflag:$0x9], $0x40, s8, s24, $0xb8;
	[tilespmem:$0x1D400] =	vst v63  }
0x49: {  	s4 =	simm.s32 @!p2 $0xD  }
0x4a: {  	_ =	swait.ge @!p2 [sflag:s4], $0x1000  }
0x4b: {  	s7 =	sadd.s32 s7, s19;
	[sflag:s4] =	ssyncset.done @!p2 $0x0  }
0x4c: {  	s7 =	sadd.s32 $0x100, s7;
	[sflag:s4] =	ssyncadd.s32 @!p2 $0xFFFFF000  }
0x4d: {  	[tilespmem:s21], [sflag:$0x5] =	stream.indirect.gather [spmem:s2], $0x40, s7, s24, $0xb8;
	[tilespmem:$0x1D400] =	vst v63  }
0x4e: {  	s8 =	sor.u32 $0x100, s6;
	_ =	swait.ge [sflag:s22], $0x1000  }
0x4f: {  	s4 =	sshrl.u32 s8, $0x2;
	[sflag:s22] =	ssyncset.done $0x0  }
0x50: {  	s26 =	sadd.s32 s4, s25;
	s7 =	simm.s32 @!p2 $0xE;
	[sflag:s22] =	ssyncadd.s32 $0xFFFFF000  }
0x51: {  	[spmem:s3] =	stream.indirect.scatter.add.f32 [tilespmem:s28], [sflag:$0xA], $0x40, s26, s24, $0xb8;
	[tilespmem:$0x1D400] =	vst v63  }
0x52: {  	_ =	swait.ge @!p2 [sflag:s7], $0x1000  }
0x53: {  	s4 =	sadd.s32 s4, s19;
	[sflag:s7] =	ssyncset.done @!p2 $0x0  }
0x54: {  	s4 =	sadd.s32 $0x100, s4;
	[sflag:s7] =	ssyncadd.s32 @!p2 $0xFFFFF000  }
0x55: {  	[tilespmem:s23], [sflag:$0x6] =	stream.indirect.gather [spmem:s2], $0x40, s4, s24, $0xb8;
	[tilespmem:$0x1D400] =	vst v63  }
0x56: {  	s8 =	sor.u32 $0x200, s6;
	_ =	swait.ge [sflag:s29], $0x1000  }
0x57: {  	s4 =	sshrl.u32 s8, $0x2;
	[sflag:s29] =	ssyncset.done $0x0  }
0x58: {  	s6 =	simm.s32 @!p2 $0xF;
	s26 =	sadd.s32 s4, s25;
	[sflag:s29] =	ssyncadd.s32 $0xFFFFF000  }
0x59: {  	[spmem:s3] =	stream.indirect.scatter.add.f32 [tilespmem:s30], [sflag:$0xB], $0x40, s26, s24, $0xb8;
	[tilespmem:$0x1D400] =	vst v63  }
0x5a: {  	_ =	swait.ge @!p2 [sflag:s6], $0x1000  }
0x5b: {  	s4 =	sadd.s32 s4, s19;
	[sflag:s6] =	ssyncset.done @!p2 $0x0  }
0x5c: {  	s7 =	sor.u32 $0x3, s5;
	s4 =	sadd.s32 $0x100, s4;
	[sflag:s6] =	ssyncadd.s32 @!p2 $0xFFFFF000  }
0x5d: {  	[tilespmem:s31], [sflag:$0x7] =	stream.indirect.gather [spmem:s2], $0x40, s4, s24, $0xb8;
	[tilespmem:$0x1D400] =	vst v63  }
0x5e: {  	s8 =	sshll.u32 s7, $0x8;
	s4 =	sor.u32 s9, s7;
	_ =	swait.ge [sflag:s11], $0x1000  }
0x5f: {  	s6 =	sshrl.u32 s8, $0x2;
	p2 =	seq.s32 s4, $0x3;
	[sflag:s11] =	ssyncset.done $0x0  }
0x60: {  	s26 =	sadd.s32 s6, s25;
	s4 =	simm.s32 @!p2 $0x10;
	[sflag:s11] =	ssyncadd.s32 $0xFFFFF000  }
0x61: {  	[spmem:s3] =	stream.indirect.scatter.add.f32 [tilespmem:s1], [sflag:$0xC], $0x40, s26, s24, $0xb8;
	[tilespmem:$0x1D400] =	vst v63  }
0x62: {  	s8 =	sor.u32 $0x4, s5;
	s6 =	sadd.s32 s6, s19;
	_ =	swait.ge @!p2 [sflag:s4], $0x1000  }
0x63: {  	s7 =	sadd.s32 $0x100, s6;
	s6 =	sor.u32 s9, s8;
	[sflag:s4] =	ssyncset.done @!p2 $0x0  }
0x64: {  	p3 =	sgt.u32 s6, $0x13B;
	[sflag:s4] =	ssyncadd.s32 @!p2 $0xFFFFF000  }
0x65: {  	[tilespmem:s12], [sflag:$0x8] =	stream.indirect.gather [spmem:s2], $0x40, s7, s24, $0xb8;
	[tilespmem:$0x1D400] =	vst v63  }
0x66: {  	s6 =	sadd.s32 @!p3 $0x4, s6;
	s4 =	sshll.u32 s8, $0x6;
	_ =	swait.ge [sflag:s13], $0x1000  }
0x67: {  	s4 =	sand.u32 $0x3FFFFFC0, s4;
	s7 =	sshrl.u32 @!p3 s6, $0x4;
	[sflag:s13] =	ssyncset.done $0x0  }
0x68: {  	s4 =	sadd.s32 s4, s25;
	s8 =	smul.u32 @!p3 $0xAB, s7;
	[sflag:s13] =	ssyncadd.s32 $0xFFFFF000  }
0x69: {  	[spmem:s3] =	stream.indirect.scatter.add.f32 [tilespmem:s21], [sflag:$0xD], $0x40, s4, s24, $0xb8;
	[tilespmem:$0x1D400] =	vst v63  }
0x6a: {  	s4 =	sshrl.u32 @!p3 s8, $0x9  }
0x6b: {  	s4 =	sand.u32 @!p3 $0x7F, s4  }
0x6c: {  	s4 =	smul.u32 @!p3 $0x3, s4  }
0x6d: {  	s28 =	simm.s32 @!p3 $0x1800;
	s8 =	sor.u32 $0x5, s5  }
0x6e: {  	s6 =	sshll.u32 @!p3 s6, $0x6;
	s4 =	ssub.s32 @!p3 s7, s4;
	s7 =	sor.u32 s9, s8  }
0x6f: {  	s6 =	sand.u32 @!p3 $0x200, s6;
	s4 =	sand.u32 @!p3 $0xFF, s4;
	p2 =	sgt.u32 s7, $0x13B  }
0x70: {  	_ =	swait.ge [sflag:s14], $0x1000;
	s4 =	sshll.u32 @!p3 s4, $0xA;
	s7 =	sadd.s32 @!p2 $0x4, s7  }
0x71: {  	[sflag:s14] =	ssyncset.done $0x0;
	s4 =	sor.u32 @!p3 s6, s4;
	s6 =	sshrl.u32 @!p2 s7, $0x4  }
0x72: {  	s26 =	simm.s32 @!p3 $0x40;
	[sflag:s14] =	ssyncadd.s32 $0xFFFFF000;
	s30 =	smul.u32 @!p2 $0xAB, s6  }
0x73: {  	[tilespmem:s28], [sflag:$0x1] =	stream.indirect.gather @!p3 [spmem:s2], $0x40, s4, s26, $0xb8;
	[tilespmem:$0x1D400] =	vst v63  }
0x74: {  	s26 =	sshll.u32 s8, $0x6;
	_ =	swait.ge [sflag:s15], $0x1000;
	s8 =	sshrl.u32 @!p2 s30, $0x9  }
0x75: {  	s4 =	sand.u32 $0x3FFFFFC0, s26;
	[sflag:s15] =	ssyncset.done $0x0;
	s8 =	sand.u32 @!p2 $0x7F, s8  }
0x76: {  	s4 =	sadd.s32 s4, s25;
	[sflag:s15] =	ssyncadd.s32 $0xFFFFF000;
	s8 =	smul.u32 @!p2 $0x3, s8  }
0x77: {  	[spmem:s3] =	stream.indirect.scatter.add.f32 [tilespmem:s23], [sflag:$0xE], $0x40, s4, s24, $0xb8;
	[tilespmem:$0x1D400] =	vst v63  }
0x78: {  	_ =	swait.ge [sflag:s10], $0x1000;
	s4 =	ssub.s32 @!p2 s6, s8  }
0x79: {  	[sflag:s10] =	ssyncset.done $0x0;
	s6 =	sshll.u32 @!p2 s7, $0x6;
	s4 =	sand.u32 @!p2 $0xFF, s4  }
0x7a: {  	s7 =	simm.s32 @!p2 $0x2800;
	s6 =	sand.u32 @!p2 $0x240, s6;
	s4 =	sshll.u32 @!p2 s4, $0xA  }
0x7b: {  	[sflag:s10] =	ssyncadd.s32 $0xFFFFF000;
	s4 =	sor.u32 @!p2 s6, s4;
	s6 =	simm.s32 @!p2 $0x40  }
0x7c: {  	[tilespmem:s7], [sflag:$0x2] =	stream.indirect.gather @!p2 [spmem:s2], $0x40, s4, s6, $0xb8;
	[tilespmem:$0x1D400] =	vst v63  }
0x7d: {  	s7 =	sor.u32 $0x6, s5  }
0x7e: {  	s6 =	sor.u32 s9, s7  }
0x7f: {  	p3 =	sgt.u32 s6, $0x13B  }
0x80: {  	_ =	swait.ge [sflag:s16], $0x1000;
	s4 =	sshll.u32 s7, $0x6;
	s6 =	sadd.s32 @!p3 $0x4, s6  }
0x81: {  	[sflag:s16] =	ssyncset.done $0x0;
	s4 =	sand.u32 $0x3FFFFFC0, s4;
	s7 =	sshrl.u32 @!p3 s6, $0x4  }
0x82: {  	[sflag:s16] =	ssyncadd.s32 $0xFFFFF000;
	s4 =	sadd.s32 s4, s25;
	s8 =	smul.u32 @!p3 $0xAB, s7  }
0x83: {  	[spmem:s3] =	stream.indirect.scatter.add.f32 [tilespmem:s31], [sflag:$0xF], $0x40, s4, s24, $0xb8;
	[tilespmem:$0x1D400] =	vst v63  }
0x84: {  	s4 =	sshrl.u32 @!p3 s8, $0x9  }
0x85: {  	s4 =	sand.u32 @!p3 $0x7F, s4  }
0x86: {  	s4 =	smul.u32 @!p3 $0x3, s4  }
0x87: {  	s5 =	sor.u32 $0x7, s5;
	s26 =	simm.s32 @!p3 $0x3800  }
0x88: {  	s6 =	sshll.u32 @!p3 s6, $0x6;
	s4 =	ssub.s32 @!p3 s7, s4;
	s7 =	sor.u32 s9, s5  }
0x89: {  	_ =	swait.ge [sflag:s17], $0x1000;
	s4 =	sand.u32 @!p3 $0xFF, s4;
	p2 =	sgt.u32 s7, $0x13B  }
0x8a: {  	s6 =	sand.u32 @!p3 $0x280, s6;
	s4 =	sshll.u32 @!p3 s4, $0xA;
	s7 =	sadd.s32 @!p2 $0x4, s7  }
0x8b: {  	[sflag:s17] =	ssyncset.done $0x0;
	s4 =	sor.u32 @!p3 s6, s4;
	s6 =	sshrl.u32 @!p2 s7, $0x4  }
0x8c: {  	[sflag:s17] =	ssyncadd.s32 $0xFFFFF000;
	s8 =	simm.s32 @!p3 $0x40;
	s28 =	smul.u32 @!p2 $0xAB, s6  }
0x8d: {  	[tilespmem:s26], [sflag:$0x3] =	stream.indirect.gather @!p3 [spmem:s2], $0x40, s4, s8, $0xb8;
	[tilespmem:$0x1D400] =	vst v63  }
0x8e: {  	s8 =	sshll.u32 s5, $0x6;
	_ =	swait.ge [sflag:s18], $0x1000;
	s5 =	sshrl.u32 @!p2 s28, $0x9  }
0x8f: {  	s4 =	sand.u32 $0x3FFFFFC0, s8;
	[sflag:s18] =	ssyncset.done $0x0;
	s5 =	sand.u32 @!p2 $0x7F, s5  }
0x90: {  	s4 =	sadd.s32 s4, s25;
	[sflag:s18] =	ssyncadd.s32 $0xFFFFF000;
	s5 =	smul.u32 @!p2 $0x3, s5  }
0x91: {  	[spmem:s3] =	stream.indirect.scatter.add.f32 [tilespmem:s12], [sflag:$0x10], $0x40, s4, s24, $0xb8;
	[tilespmem:$0x1D400] =	vst v63  }
0x92: {  	_ =	swait.ge [sflag:s20], $0x1000;
	s4 =	ssub.s32 @!p2 s6, s5  }
0x93: {  	[sflag:s20] =	ssyncset.done $0x0;
	s5 =	sshll.u32 @!p2 s7, $0x6;
	s4 =	sand.u32 @!p2 $0xFF, s4  }
0x94: {  	s6 =	simm.s32 @!p2 $0x4800;
	s5 =	sand.u32 @!p2 $0x2C0, s5;
	s4 =	sshll.u32 @!p2 s4, $0xA  }
0x95: {  	[sflag:s20] =	ssyncadd.s32 $0xFFFFF000;
	s4 =	sor.u32 @!p2 s5, s4;
	s5 =	simm.s32 @!p2 $0x40  }
0x96: {  	[tilespmem:s6], [sflag:$0x4] =	stream.indirect.gather @!p2 [spmem:s2], $0x40, s4, s5, $0xb8;
	[tilespmem:$0x1D400] =	vst v63  }
0x97: {  	p2 =	por p1, p1  }
.Ltmp0:
0x98: {  	_ = 	snop;
	(pc) =	sbr.rel @p2 .LBB2_3-.Ltmp0, $3  }
0x99: {  	_ =	sdelay $0x1  }
0x9a: {  	s30 =	simm.s32 $0x3800;
	s26 =	simm.s32 $0x1800  }
0x9b: {  	s28 =	simm.s32 $0x2800;
	s5 =	simm.s32 $0x1;
	p1 =	por $0x0, $0x0  }
0x9c: {  	s4 =	rddreg [dreg:$0x17]  }
0x9d: {  	p1 =	sgt.u32 s4, $0x11  }
0x9e: {  	s4 =	sadd.s32 @!p1 $0x2, s4  }
0x9f: {  	s5 =	smul.u32 @!p1 $0xAB, s4;
	_ =	sdelay $0x1  }
0xa0: {  	s5 =	sshrl.u32 @!p1 s5, $0x9  }
0xa1: {  	s5 =	sand.u32 @!p1 $0x7F, s5  }
0xa2: {  	s5 =	smul.u32 @!p1 $0x3, s5  }
0xa3: {  	s7 =	rddreg [dreg:$0x7];
	s6 =	sshll.u32 @!p1 s4, $0xA  }
0xa4: {  	s6 =	sadd.s32 @!p1 s7, s6;
	s4 =	ssub.s32 @!p1 s4, s5  }
0xa5: {  	s5 =	sshrl.u32 @!p1 s6, $0x3;
	s6 =	rddreg [dreg:$0x5];
	s4 =	sand.u32 @!p1 $0xFF, s4  }
0xa6: {  	s7 =	simm.s32 @!p1 $0x0;
	s6 =	sadd.s32 @!p1 s6, s5;
	s4 =	sshll.u32 @!p1 s4, $0xA  }
0xa7: {  	[tilespmem:s4], [sflag:$0x11] =	stream.linear.gather @!p1 [hbm4b:s6+s7], $0x400, $0x38;
	[tilespmem:$0x1D400] =	vst v63  }
0xa8: {  	s6 =	rddreg [dreg:$0x6]  }
0xa9: {  	s25 =	rddreg [dreg:$0x16];
	s4 =	sadd.s32 @!p1 $0xC00, s4;
	s5 =	sadd.s32 @!p1 s6, s5  }
0xaa: {  	[tilespmem:s4], [sflag:$0x11] =	stream.linear.gather @!p1 [hbm4b:s5+s7], $0x400, $0x38;
	[tilespmem:$0x1D400] =	vst v63  }
0xab: {  	p1 =	sne.s32 s25, $0x14  }
.Ltmp1:
0xac: {  	_ = 	snop;
	(pc) =	sbr.rel @p1 .LBB2_2-.Ltmp1, $2  }
0xad: {  	_ =	sdelay $0x2  }
0xae: {  	s6 =	smov.u32 s25  }
0xaf: {  	s4 =	simm.s32 $0xD  }
0xb0: {  	_ =	swait.ge [sflag:s4], $0x1000  }
0xb1: {  	[sflag:s4] =	ssyncset.done $0x0  }
0xb2: {  	s8 =	simm.s32 $0xE;
	[sflag:s4] =	ssyncadd.s32 $0xFFFFF000  }
0xb3: {  	_ =	swait.ge [sflag:s8], $0x1000  }
0xb4: {  	[sflag:s8] =	ssyncset.done $0x0  }
0xb5: {  	s9 =	simm.s32 $0xF;
	[sflag:s8] =	ssyncadd.s32 $0xFFFFF000  }
0xb6: {  	_ =	swait.ge [sflag:s9], $0x1000  }
0xb7: {  	[sflag:s9] =	ssyncset.done $0x0  }
0xb8: {  	s19 =	simm.s32 $0x10;
	[sflag:s9] =	ssyncadd.s32 $0xFFFFF000  }
0xb9: {  	_ =	swait.ge [sflag:s19], $0x1000  }
0xba: {  	[sflag:s19] =	ssyncset.done $0x0  }
0xbb: {  	[sflag:s19] =	ssyncadd.s32 $0xFFFFF000  }
0xbc: {  	[bflag:$0x0] =	sbarrier.arrive $0xFFFF  }
0xbd: {  	s19 =	rddreg [dreg:$0x9]  }
0xbe: {  	s4 =	rddreg [dreg:$0x10]  }
0xbf: {  	s5 =	rddreg [dreg:$0x14]  }
0xc0: {  	[hbm:s4], [sflag:s19] =	dma.local @p0 [spmem:s5], $0x1040  }
0xc1: {  	s4 =	simm.s32 @p0 $0x12  }
0xc2: {  	_ =	swait.ge @p0 [sflag:s4], $0x1040  }
0xc3: {  	[sflag:s4] =	ssyncset.done @p0 $0x0  }
0xc4: {  	[sflag:s4] =	ssyncadd.s32 @p0 $0xFFFFEFC0;
	s4 =	rddreg [dreg:$0xa]  }
0xc5: {  	s5 =	rddreg [dreg:$0xf];
	s4 =	sshrl.u32 @!p0 s4, $0x3  }
0xc6: {  	[hbm:s5], [sflag:s19] =	dma.local @!p0 [spmem:s4], $0x13C0  }
0xc7: {  	s4 =	simm.s32 @!p0 $0x12  }
0xc8: {  	_ =	swait.ge @!p0 [sflag:s4], $0x13C0  }
0xc9: {  	s6 =	rddreg [dreg:$0x15]  }
0xca: {  	s25 =	rddreg [dreg:$0x11];
	s6 =	sadd.s32 $0x1, s6  }
0xcb: {  	p1 =	sne.s32 s6, s25  }
.Ltmp2:
0xcc: {  	_ = 	snop;
	(pc) =	sbr.rel @p1 .LBB2_1-.Ltmp2, $3  }
0xcd: {  	_ =	sdelay $0x1  }
0xce: {  	[sflag:s4] =	ssyncset.done @!p0 $0x0  }
0xcf: {  	[sflag:s4] =	ssyncadd.s32 @!p0 $0xFFFFEC40  }
0xd0: {  	_ =	sfence.sel $0x180000  }
0xd1: {  	[bflag:$0x0] =	sbarrier.arrive $0xFFFF  }
0xd2: {  	_ =	strace $0x90000047  }
0xd3: {  	s0 =	stileid.u32;
	[bflag:$0x2] =	sbarrier.arrive $0xFFFF  }
0xd4: {  	p0 =	sne.s32 s0, $0x0;
	s0 =	rddreg [dreg:$0x4]  }
0xd5: {  	s0 =	sadd.s32 @!p0 $0x100000, s0  }
0xd6: {  	[sflag:s0] =	ssyncadd.tile.s32 @!p0 $0x1;
	_ =	shalt  }
.Lfunc_end2:
_tile_overlayer_lowered:
.L_overlay_start_2:
0xd7: {  	(tag) =	ssettag $0x2  }
0xd8: {  	s0 =	rddreg [dreg:$0x0];
	s2 =	stileid.u32  }
0xd9: {  	s1 =	rddreg [dreg:$0x1];
	p0 =	sne.s32 s2, $0x0  }
0xda: {  	s3 =	rddreg [dreg:$0x2];
	[bflag:$0x3] =	sbarrier.arrive $0xFFFF;
	s2 =	simm.s32 @!p0 $0x1C12  }
0xdb: {  	[timem:s3], [sflag:s2] =	dma.local @!p0 [hbm:s0], s1  }
0xdc: {  	s0 =	simm.s32 @!p0 $0x12  }
0xdd: {  	_ =	swait.ge @!p0 [sflag:s0], s1  }
0xde: {  	s1 =	ssub.s32 @!p0 $0x0, s1;
	[sflag:s0] =	ssyncset.done @!p0 $0x0  }
0xdf: {  	[sflag:s0] =	ssyncadd.s32 @!p0 s1  }
0xe0: {  	[bflag:$0x3] =	sbarrier.arrive $0xFFFF  }
0xe1: {  	_ =	shalt  }

</sc_bundles>
